<compile_context>
chip_gen: v7x
topology: tpu7x:2x2x1
jax: 0.10.2.dev20260603
libtpu: 0.0.44.dev20260713+nightly
codegen_flags: <defaults>
</compile_context>

<pallas_src>
import jax
import jax.numpy as jnp
from jax import lax
from jax.experimental import pallas as pl
from jax.experimental.pallas import tpu as pltpu
from jax.experimental.pallas import tpu_sc as plsc

NC = 2
NS = 16
NW = NC * NS
LANES = 16
EMBED = 64
BLK = 128
NBUF = 4
SCALE = 8.0


def _make_sc_kernel(b, t):
    mesh = plsc.VectorSubcoreMesh(core_axis_name="c", subcore_axis_name="s")
    n_blk = b // BLK
    assert n_blk == NW
    n_tr = t // 8
    n_units = t

    def body(idx_hbm, table_hbm, out_hbm, idx_v, *bufs):
        in_v = bufs[:NBUF]
        out_v = bufs[NBUF:2 * NBUF]
        gsems = bufs[2 * NBUF:3 * NBUF]
        ssems = bufs[3 * NBUF:4 * NBUF]
        wid = lax.axis_index("s") * NC + lax.axis_index("c")
        pltpu.sync_copy(idx_hbm.at[:, wid], idx_v)

        def gather(u, slot):
            i = u // 8
            s = u - i * 8
            pltpu.async_copy(table_hbm.at[idx_v.at[i, s]], in_v[slot],
                             gsems[slot])

        def gather_wait(slot):
            pltpu.make_async_copy(
                table_hbm.at[idx_v.at[0, 0]], in_v[slot], gsems[slot]).wait()

        def scatter(u, slot):
            for dk in range(EMBED // 8):
                pltpu.async_copy(out_v[slot].at[pl.ds(dk * 8, 8), pl.ds(0, BLK)],
                                 out_hbm.at[u, dk, wid], ssems[slot])

        def scatter_wait(u, slot):
            for dk in range(EMBED // 8):
                pltpu.make_async_copy(
                    out_v[slot].at[pl.ds(dk * 8, 8), pl.ds(0, BLK)],
                    out_hbm.at[u, dk, wid], ssems[slot]).wait()

        base = lax.iota(jnp.int32, 16)
        d_ids = [base + (k * LANES) for k in range(EMBED // LANES)]

        for slot in range(NBUF):
            gather(slot, slot)

        n_groups = n_units // NBUF

        def group_body(g, carry):
            for slot in range(NBUF):
                u = g * NBUF + slot
                gather_wait(slot)

                @pl.when(g >= 1)
                def _():
                    scatter_wait(u - NBUF, slot)

                @plsc.parallel_loop(0, BLK, 1, unroll=2)
                def _(l):
                    tok = jnp.broadcast_to(l, (16,)).astype(jnp.int32)
                    for k in range(EMBED // LANES):
                        v = in_v[slot][l, pl.ds(k * LANES, LANES)]
                        plsc.store_scatter(out_v[slot], [d_ids[k], tok],
                                           v * SCALE)

                @pl.when(g < n_groups - 1)
                def _():
                    gather(u + NBUF, slot)

                scatter(u, slot)
            return carry

        lax.fori_loop(0, n_groups, group_body, 0)

        for slot in range(NBUF):
            scatter_wait(n_units - NBUF + slot, slot)

    return pl.kernel(
        body,
        out_type=jax.ShapeDtypeStruct((t, EMBED // 8, NW, 8, BLK), jnp.float32),
        mesh=mesh,
        scratch_types=(
            [pltpu.VMEM((n_tr, 8, BLK), jnp.int32)]
            + [pltpu.VMEM((BLK, EMBED), jnp.float32)] * NBUF
            + [pltpu.VMEM((EMBED, BLK + 5), jnp.float32)] * NBUF
            + [pltpu.SemaphoreType.DMA] * (2 * NBUF)
        ),
        compiler_params=pltpu.CompilerParams(use_tc_tiling_on_sc=False,
                                             needs_layout_passes=False),
    )


def kernel(input, table):
    b, t = input.shape
    idx_view = (input.astype(jnp.int32).T
                .reshape(t // 8, 8, b // BLK, BLK)
                .transpose(0, 2, 1, 3))
    out5 = _make_sc_kernel(b, t)(idx_view, table)
    return out5.transpose(2, 4, 0, 1, 3).reshape(b, t, EMBED)

# --- scband reference (transcript-rebuilt; emitter-appended) ---
"""Pipeline reference for scband-token-embedding-18502719111174 (READ-ONLY COPY).

The authoritative reference and input builder live on the scoring server;
editing this copy changes nothing except your own understanding.
"""

import jax, jax.numpy as jnp
import numpy as np

VOCAB_SIZE = 1000000
EMBED_DIM = 64

def setup_inputs(seed: int = 0) -> dict:
    key = jax.random.key(seed)
    k1, k2 = jax.random.split(key)
    inp = jax.random.randint(k1, (4096, 200), 0, VOCAB_SIZE, dtype=jnp.int64 if jax.config.jax_enable_x64 else jnp.int32)
    # hk.Embed with TruncatedNormal(stddev=0.02) init; approximate with truncated normal
    table = jax.random.truncated_normal(k2, -2.0, 2.0, (VOCAB_SIZE, EMBED_DIM), dtype=jnp.float32) * 0.02
    return {"input": inp, "table": table}

def reference(input, table):
    # faithful translation of TokenEmbedding.__call__
    PAD_ID = jnp.array(0)
    sk = jnp.greater(input, PAD_ID)  # computed but unused in original forward
    embedding = jnp.take(table, input, axis=0)
    return embedding * (EMBED_DIM ** 0.5)

if __name__ == "__main__":
    import jax
    _d = setup_inputs()
    print(jax.jit(kernel)(*tuple(_d.values())))

</pallas_src>

<mosaic_0001>
#map = affine_map<(d0, d1) -> (0, 0, 0, 0)>
#map1 = affine_map<(d0, d1) -> (0, 0)>
#map2 = affine_map<(d0, d1) -> (0, 0, 0, 0, 0)>
module attributes {stable_mosaic.version = 14 : i64} {
  func.func @body(%arg0: i32, %arg1: i32, %arg2: memref<25x32x8x128xi32, #tpu.memory_space<hbm>>, %arg3: memref<1000000x64xf32, #tpu.memory_space<hbm>>, %arg4: memref<200x8x32x8x128xf32, #tpu.memory_space<hbm>>, %arg5: memref<25x8x128xi32, #tpu.memory_space<vmem>>, %arg6: memref<128x64xf32, #tpu.memory_space<vmem>>, %arg7: memref<128x64xf32, #tpu.memory_space<vmem>>, %arg8: memref<128x64xf32, #tpu.memory_space<vmem>>, %arg9: memref<128x64xf32, #tpu.memory_space<vmem>>, %arg10: memref<64x133xf32, #tpu.memory_space<vmem>>, %arg11: memref<64x133xf32, #tpu.memory_space<vmem>>, %arg12: memref<64x133xf32, #tpu.memory_space<vmem>>, %arg13: memref<64x133xf32, #tpu.memory_space<vmem>>, %arg14: memref<!tpu.dma_semaphore, #tpu.memory_space<semaphore_mem>>, %arg15: memref<!tpu.dma_semaphore, #tpu.memory_space<semaphore_mem>>, %arg16: memref<!tpu.dma_semaphore, #tpu.memory_space<semaphore_mem>>, %arg17: memref<!tpu.dma_semaphore, #tpu.memory_space<semaphore_mem>>, %arg18: memref<!tpu.dma_semaphore, #tpu.memory_space<semaphore_mem>>, %arg19: memref<!tpu.dma_semaphore, #tpu.memory_space<semaphore_mem>>, %arg20: memref<!tpu.dma_semaphore, #tpu.memory_space<semaphore_mem>>, %arg21: memref<!tpu.dma_semaphore, #tpu.memory_space<semaphore_mem>>) attributes {dimension_semantics = [#tpu.dimension_semantics<core_parallel>, #tpu.dimension_semantics<subcore_parallel>], iteration_bounds = array<i64: 2, 16>, scalar_prefetch = 0 : i64, scratch_operands = 17 : i64, tpu.core_type = #tpu.core_type<sc_vector_subcore>, window_params = [{transform_indices = #map}, {transform_indices = #map1}, {transform_indices = #map2}]} {
    %mul3A = arith.constant 2 : i32
    %mul3A_0 = arith.muli %arg1, %mul3A : i32
    %add3A = arith.addi %mul3A_0, %arg0 : i32
    "tpu.region"() ({
      %run_scoped3A = tpu.sem_alloc : memref<!tpu.dma_semaphore, #tpu.memory_space<semaphore_mem>>
      %dma_start3A_560 = arith.constant 0 : i32
      %dma_start3A_561 = arith.constant 0 : i32
      %dma_start3A_562 = arith.constant 0 : i32
      %dma_start3A_563 = tpu.memref_slice %arg2[%dma_start3A_560, %add3A, %dma_start3A_561, %dma_start3A_562] : memref<25x32x8x128xi32, #tpu.memory_space<hbm>> -> memref<25x1x8x128xi32, #tpu.memory_space<hbm>>
      %dma_start3A_564 = tpu.memref_squeeze %dma_start3A_563 : memref<25x1x8x128xi32, #tpu.memory_space<hbm>> -> memref<25x8x128xi32, #tpu.memory_space<hbm>>
      %dma_start3A_565 = arith.constant 0 : i32
      %dma_start3A_566 = arith.constant 0 : i32
      %dma_start3A_567 = arith.constant 0 : i32
      %dma_start3A_568 = tpu.memref_slice %arg2[%dma_start3A_565, %add3A, %dma_start3A_566, %dma_start3A_567] : memref<25x32x8x128xi32, #tpu.memory_space<hbm>> -> memref<25x1x8x128xi32, #tpu.memory_space<hbm>>
      %dma_start3A_569 = tpu.memref_squeeze %dma_start3A_568 : memref<25x1x8x128xi32, #tpu.memory_space<hbm>> -> memref<25x8x128xi32, #tpu.memory_space<hbm>>
      tpu.enqueue_dma source(%dma_start3A_569 : memref<25x8x128xi32, #tpu.memory_space<hbm>>) target(%arg5 : memref<25x8x128xi32, #tpu.memory_space<vmem>>) target_semaphore(%run_scoped3A : memref<!tpu.dma_semaphore, #tpu.memory_space<semaphore_mem>>)
      %dma_wait3A_570 = arith.constant 0 : i32
      %dma_wait3A_571 = arith.constant 0 : i32
      %dma_wait3A_572 = arith.constant 0 : i32
      %dma_wait3A_573 = tpu.memref_slice %arg2[%dma_wait3A_570, %add3A, %dma_wait3A_571, %dma_wait3A_572] : memref<25x32x8x128xi32, #tpu.memory_space<hbm>> -> memref<25x1x8x128xi32, #tpu.memory_space<hbm>>
      %dma_wait3A_574 = tpu.memref_squeeze %dma_wait3A_573 : memref<25x1x8x128xi32, #tpu.memory_space<hbm>> -> memref<25x8x128xi32, #tpu.memory_space<hbm>>
      %dma_wait3A_575 = arith.constant 0 : i32
      %dma_wait3A_576 = arith.constant 0 : i32
      %dma_wait3A_577 = arith.constant 0 : i32
      %dma_wait3A_578 = tpu.memref_slice %arg2[%dma_wait3A_575, %add3A, %dma_wait3A_576, %dma_wait3A_577] : memref<25x32x8x128xi32, #tpu.memory_space<hbm>> -> memref<25x1x8x128xi32, #tpu.memory_space<hbm>>
      %dma_wait3A_579 = tpu.memref_squeeze %dma_wait3A_578 : memref<25x1x8x128xi32, #tpu.memory_space<hbm>> -> memref<25x8x128xi32, #tpu.memory_space<hbm>>
      tpu.wait_dma2 semaphore(%run_scoped3A : memref<!tpu.dma_semaphore, #tpu.memory_space<semaphore_mem>>) src(%dma_wait3A_579 : memref<25x8x128xi32, #tpu.memory_space<hbm>>) dst(%arg5 : memref<25x8x128xi32, #tpu.memory_space<vmem>>)
      tpu.yield
    }) : () -> ()
    %iota3A = tpu.iota {dimensions = array<i32: 0>} : vector<16xi32>
    %add3A_1 = arith.constant 0 : i32
    %add3A_2 = vector.broadcast %add3A_1 : i32 to vector<16xi32>
    %add3A_3 = arith.addi %iota3A, %add3A_2 : vector<16xi32>
    %add3A_4 = arith.constant 16 : i32
    %add3A_5 = vector.broadcast %add3A_4 : i32 to vector<16xi32>
    %add3A_6 = arith.addi %iota3A, %add3A_5 : vector<16xi32>
    %add3A_7 = arith.constant 32 : i32
    %add3A_8 = vector.broadcast %add3A_7 : i32 to vector<16xi32>
    %add3A_9 = arith.addi %iota3A, %add3A_8 : vector<16xi32>
    %add3A_10 = arith.constant 48 : i32
    %add3A_11 = vector.broadcast %add3A_10 : i32 to vector<16xi32>
    %add3A_12 = arith.addi %iota3A, %add3A_11 : vector<16xi32>
    %dma_start3A = arith.constant 0 : i32
    %dma_start3A_13 = arith.constant 0 : i32
    %dma_start3A_14 = arith.constant 0 : i32
    %dma_start3A_15 = tpu.memref_slice %arg5[%dma_start3A, %dma_start3A_13, %dma_start3A_14] : memref<25x8x128xi32, #tpu.memory_space<vmem>> -> memref<1x1x128xi32, #tpu.memory_space<vmem>>
    %dma_start3A_16 = tpu.memref_squeeze %dma_start3A_15 : memref<1x1x128xi32, #tpu.memory_space<vmem>> -> memref<128xi32, #tpu.memory_space<vmem>>
    %dma_start3A_17 = arith.constant 0 : i32
    %dma_start3A_18 = arith.constant 0 : i32
    %dma_start3A_19 = tpu.memref_slice %arg3[%dma_start3A_17, %dma_start3A_18] : memref<1000000x64xf32, #tpu.memory_space<hbm>> -> memref<1000000x64xf32, #tpu.memory_space<hbm>>
    tpu.enqueue_indirect_dma source(%dma_start3A_19 : memref<1000000x64xf32, #tpu.memory_space<hbm>>) target(%arg6 : memref<128x64xf32, #tpu.memory_space<vmem>>) offsets(%dma_start3A_16 : memref<128xi32, #tpu.memory_space<vmem>>) semaphore(%arg14 : memref<!tpu.dma_semaphore, #tpu.memory_space<semaphore_mem>>)
    %dma_start3A_20 = arith.constant 0 : i32
    %dma_start3A_21 = arith.constant 1 : i32
    %dma_start3A_22 = arith.constant 0 : i32
    %dma_start3A_23 = tpu.memref_slice %arg5[%dma_start3A_20, %dma_start3A_21, %dma_start3A_22] : memref<25x8x128xi32, #tpu.memory_space<vmem>> -> memref<1x1x128xi32, #tpu.memory_space<vmem>>
    %dma_start3A_24 = tpu.memref_squeeze %dma_start3A_23 : memref<1x1x128xi32, #tpu.memory_space<vmem>> -> memref<128xi32, #tpu.memory_space<vmem>>
    %dma_start3A_25 = arith.constant 0 : i32
    %dma_start3A_26 = arith.constant 0 : i32
    %dma_start3A_27 = tpu.memref_slice %arg3[%dma_start3A_25, %dma_start3A_26] : memref<1000000x64xf32, #tpu.memory_space<hbm>> -> memref<1000000x64xf32, #tpu.memory_space<hbm>>
    tpu.enqueue_indirect_dma source(%dma_start3A_27 : memref<1000000x64xf32, #tpu.memory_space<hbm>>) target(%arg7 : memref<128x64xf32, #tpu.memory_space<vmem>>) offsets(%dma_start3A_24 : memref<128xi32, #tpu.memory_space<vmem>>) semaphore(%arg15 : memref<!tpu.dma_semaphore, #tpu.memory_space<semaphore_mem>>)
    %dma_start3A_28 = arith.constant 0 : i32
    %dma_start3A_29 = arith.constant 2 : i32
    %dma_start3A_30 = arith.constant 0 : i32
    %dma_start3A_31 = tpu.memref_slice %arg5[%dma_start3A_28, %dma_start3A_29, %dma_start3A_30] : memref<25x8x128xi32, #tpu.memory_space<vmem>> -> memref<1x1x128xi32, #tpu.memory_space<vmem>>
    %dma_start3A_32 = tpu.memref_squeeze %dma_start3A_31 : memref<1x1x128xi32, #tpu.memory_space<vmem>> -> memref<128xi32, #tpu.memory_space<vmem>>
    %dma_start3A_33 = arith.constant 0 : i32
    %dma_start3A_34 = arith.constant 0 : i32
    %dma_start3A_35 = tpu.memref_slice %arg3[%dma_start3A_33, %dma_start3A_34] : memref<1000000x64xf32, #tpu.memory_space<hbm>> -> memref<1000000x64xf32, #tpu.memory_space<hbm>>
    tpu.enqueue_indirect_dma source(%dma_start3A_35 : memref<1000000x64xf32, #tpu.memory_space<hbm>>) target(%arg8 : memref<128x64xf32, #tpu.memory_space<vmem>>) offsets(%dma_start3A_32 : memref<128xi32, #tpu.memory_space<vmem>>) semaphore(%arg16 : memref<!tpu.dma_semaphore, #tpu.memory_space<semaphore_mem>>)
    %dma_start3A_36 = arith.constant 0 : i32
    %dma_start3A_37 = arith.constant 3 : i32
    %dma_start3A_38 = arith.constant 0 : i32
    %dma_start3A_39 = tpu.memref_slice %arg5[%dma_start3A_36, %dma_start3A_37, %dma_start3A_38] : memref<25x8x128xi32, #tpu.memory_space<vmem>> -> memref<1x1x128xi32, #tpu.memory_space<vmem>>
    %dma_start3A_40 = tpu.memref_squeeze %dma_start3A_39 : memref<1x1x128xi32, #tpu.memory_space<vmem>> -> memref<128xi32, #tpu.memory_space<vmem>>
    %dma_start3A_41 = arith.constant 0 : i32
    %dma_start3A_42 = arith.constant 0 : i32
    %dma_start3A_43 = tpu.memref_slice %arg3[%dma_start3A_41, %dma_start3A_42] : memref<1000000x64xf32, #tpu.memory_space<hbm>> -> memref<1000000x64xf32, #tpu.memory_space<hbm>>
    tpu.enqueue_indirect_dma source(%dma_start3A_43 : memref<1000000x64xf32, #tpu.memory_space<hbm>>) target(%arg9 : memref<128x64xf32, #tpu.memory_space<vmem>>) offsets(%dma_start3A_40 : memref<128xi32, #tpu.memory_space<vmem>>) semaphore(%arg17 : memref<!tpu.dma_semaphore, #tpu.memory_space<semaphore_mem>>)
    %scan3A = arith.constant 0 : i32
    %scan3A_44 = arith.constant 0 : i32
    %scan3A_45 = arith.constant 50 : i32
    %scan3A_46 = arith.addi %scan3A_44, %scan3A_45 : i32
    %scan3A_47 = arith.constant 1 : i32
    scf.for %scan3A_560 = %scan3A_44 to %scan3A_46 step %scan3A_47  : i32 {
      %mul3A_561 = arith.constant 4 : i32
      %mul3A_562 = arith.muli %scan3A_560, %mul3A_561 : i32
      %add3A_563 = arith.constant 0 : i32
      %add3A_564 = arith.addi %mul3A_562, %add3A_563 : i32
      %dma_wait3A_565 = arith.constant 0 : i32
      %dma_wait3A_566 = arith.constant 0 : i32
      %dma_wait3A_567 = arith.constant 0 : i32
      %dma_wait3A_568 = tpu.memref_slice %arg5[%dma_wait3A_565, %dma_wait3A_566, %dma_wait3A_567] : memref<25x8x128xi32, #tpu.memory_space<vmem>> -> memref<1x1x128xi32, #tpu.memory_space<vmem>>
      %dma_wait3A_569 = tpu.memref_squeeze %dma_wait3A_568 : memref<1x1x128xi32, #tpu.memory_space<vmem>> -> memref<128xi32, #tpu.memory_space<vmem>>
      %dma_wait3A_570 = arith.constant 0 : i32
      %dma_wait3A_571 = arith.constant 0 : i32
      %dma_wait3A_572 = tpu.memref_slice %arg3[%dma_wait3A_570, %dma_wait3A_571] : memref<1000000x64xf32, #tpu.memory_space<hbm>> -> memref<1000000x64xf32, #tpu.memory_space<hbm>>
      tpu.wait_indirect_dma semaphore(%arg14 : memref<!tpu.dma_semaphore, #tpu.memory_space<semaphore_mem>>) src(%dma_wait3A_572 : memref<1000000x64xf32, #tpu.memory_space<hbm>>) dst(%arg6 : memref<128x64xf32, #tpu.memory_space<vmem>>)
      %ge3A = arith.constant 1 : i32
      %ge3A_573 = arith.cmpi sge, %scan3A_560, %ge3A : i32
      %convert_element_type3A = arith.extui %ge3A_573 : i1 to i32
      %cond3A = arith.constant 0 : i32
      %cond3A_574 = arith.cmpi ne, %convert_element_type3A, %cond3A : i32
      scf.if %cond3A_574 {
        %sub3A = arith.constant 4 : i32
        %sub3A_1136 = arith.subi %add3A_564, %sub3A : i32
        %dma_wait3A_1137 = arith.constant 0 : i32
        %dma_wait3A_1138 = arith.constant 0 : i32
        %dma_wait3A_1139 = arith.constant 0 : i32
        %dma_wait3A_1140 = tpu.memref_slice %arg10[%dma_wait3A_1138, %dma_wait3A_1139] : memref<64x133xf32, #tpu.memory_space<vmem>> -> memref<8x128xf32, #tpu.memory_space<vmem>>
        %dma_wait3A_1141 = arith.constant 0 : i32
        %dma_wait3A_1142 = arith.constant 0 : i32
        %dma_wait3A_1143 = tpu.memref_slice %arg4[%sub3A_1136, %dma_wait3A_1137, %add3A, %dma_wait3A_1141, %dma_wait3A_1142] : memref<200x8x32x8x128xf32, #tpu.memory_space<hbm>> -> memref<1x1x1x8x128xf32, #tpu.memory_space<hbm>>
        %dma_wait3A_1144 = tpu.memref_squeeze %dma_wait3A_1143 : memref<1x1x1x8x128xf32, #tpu.memory_space<hbm>> -> memref<8x128xf32, #tpu.memory_space<hbm>>
        %dma_wait3A_1145 = arith.constant 0 : i32
        %dma_wait3A_1146 = arith.constant 0 : i32
        %dma_wait3A_1147 = tpu.memref_slice %arg4[%sub3A_1136, %dma_wait3A_1137, %add3A, %dma_wait3A_1145, %dma_wait3A_1146] : memref<200x8x32x8x128xf32, #tpu.memory_space<hbm>> -> memref<1x1x1x8x128xf32, #tpu.memory_space<hbm>>
        %dma_wait3A_1148 = tpu.memref_squeeze %dma_wait3A_1147 : memref<1x1x1x8x128xf32, #tpu.memory_space<hbm>> -> memref<8x128xf32, #tpu.memory_space<hbm>>
        %dma_wait3A_1149 = arith.constant 0 : i32
        %dma_wait3A_1150 = arith.constant 0 : i32
        %dma_wait3A_1151 = tpu.memref_slice %arg10[%dma_wait3A_1149, %dma_wait3A_1150] : memref<64x133xf32, #tpu.memory_space<vmem>> -> memref<8x128xf32, #tpu.memory_space<vmem>>
        tpu.wait_dma2 semaphore(%arg18 : memref<!tpu.dma_semaphore, #tpu.memory_space<semaphore_mem>>) src(%dma_wait3A_1151 : memref<8x128xf32, #tpu.memory_space<vmem>>) dst(%dma_wait3A_1148 : memref<8x128xf32, #tpu.memory_space<hbm>>)
        %dma_wait3A_1152 = arith.constant 1 : i32
        %dma_wait3A_1153 = arith.constant 8 : i32
        %dma_wait3A_1154 = arith.constant 0 : i32
        %dma_wait3A_1155 = tpu.memref_slice %arg10[%dma_wait3A_1153, %dma_wait3A_1154] : memref<64x133xf32, #tpu.memory_space<vmem>> -> memref<8x128xf32, #tpu.memory_space<vmem>>
        %dma_wait3A_1156 = arith.constant 0 : i32
        %dma_wait3A_1157 = arith.constant 0 : i32
        %dma_wait3A_1158 = tpu.memref_slice %arg4[%sub3A_1136, %dma_wait3A_1152, %add3A, %dma_wait3A_1156, %dma_wait3A_1157] : memref<200x8x32x8x128xf32, #tpu.memory_space<hbm>> -> memref<1x1x1x8x128xf32, #tpu.memory_space<hbm>>
        %dma_wait3A_1159 = tpu.memref_squeeze %dma_wait3A_1158 : memref<1x1x1x8x128xf32, #tpu.memory_space<hbm>> -> memref<8x128xf32, #tpu.memory_space<hbm>>
        %dma_wait3A_1160 = arith.constant 0 : i32
        %dma_wait3A_1161 = arith.constant 0 : i32
        %dma_wait3A_1162 = tpu.memref_slice %arg4[%sub3A_1136, %dma_wait3A_1152, %add3A, %dma_wait3A_1160, %dma_wait3A_1161] : memref<200x8x32x8x128xf32, #tpu.memory_space<hbm>> -> memref<1x1x1x8x128xf32, #tpu.memory_space<hbm>>
        %dma_wait3A_1163 = tpu.memref_squeeze %dma_wait3A_1162 : memref<1x1x1x8x128xf32, #tpu.memory_space<hbm>> -> memref<8x128xf32, #tpu.memory_space<hbm>>
        %dma_wait3A_1164 = arith.constant 8 : i32
        %dma_wait3A_1165 = arith.constant 0 : i32
        %dma_wait3A_1166 = tpu.memref_slice %arg10[%dma_wait3A_1164, %dma_wait3A_1165] : memref<64x133xf32, #tpu.memory_space<vmem>> -> memref<8x128xf32, #tpu.memory_space<vmem>>
        tpu.wait_dma2 semaphore(%arg18 : memref<!tpu.dma_semaphore, #tpu.memory_space<semaphore_mem>>) src(%dma_wait3A_1166 : memref<8x128xf32, #tpu.memory_space<vmem>>) dst(%dma_wait3A_1163 : memref<8x128xf32, #tpu.memory_space<hbm>>)
        %dma_wait3A_1167 = arith.constant 2 : i32
        %dma_wait3A_1168 = arith.constant 16 : i32
        %dma_wait3A_1169 = arith.constant 0 : i32
        %dma_wait3A_1170 = tpu.memref_slice %arg10[%dma_wait3A_1168, %dma_wait3A_1169] : memref<64x133xf32, #tpu.memory_space<vmem>> -> memref<8x128xf32, #tpu.memory_space<vmem>>
        %dma_wait3A_1171 = arith.constant 0 : i32
        %dma_wait3A_1172 = arith.constant 0 : i32
        %dma_wait3A_1173 = tpu.memref_slice %arg4[%sub3A_1136, %dma_wait3A_1167, %add3A, %dma_wait3A_1171, %dma_wait3A_1172] : memref<200x8x32x8x128xf32, #tpu.memory_space<hbm>> -> memref<1x1x1x8x128xf32, #tpu.memory_space<hbm>>
        %dma_wait3A_1174 = tpu.memref_squeeze %dma_wait3A_1173 : memref<1x1x1x8x128xf32, #tpu.memory_space<hbm>> -> memref<8x128xf32, #tpu.memory_space<hbm>>
        %dma_wait3A_1175 = arith.constant 0 : i32
        %dma_wait3A_1176 = arith.constant 0 : i32
        %dma_wait3A_1177 = tpu.memref_slice %arg4[%sub3A_1136, %dma_wait3A_1167, %add3A, %dma_wait3A_1175, %dma_wait3A_1176] : memref<200x8x32x8x128xf32, #tpu.memory_space<hbm>> -> memref<1x1x1x8x128xf32, #tpu.memory_space<hbm>>
        %dma_wait3A_1178 = tpu.memref_squeeze %dma_wait3A_1177 : memref<1x1x1x8x128xf32, #tpu.memory_space<hbm>> -> memref<8x128xf32, #tpu.memory_space<hbm>>
        %dma_wait3A_1179 = arith.constant 16 : i32
        %dma_wait3A_1180 = arith.constant 0 : i32
        %dma_wait3A_1181 = tpu.memref_slice %arg10[%dma_wait3A_1179, %dma_wait3A_1180] : memref<64x133xf32, #tpu.memory_space<vmem>> -> memref<8x128xf32, #tpu.memory_space<vmem>>
        tpu.wait_dma2 semaphore(%arg18 : memref<!tpu.dma_semaphore, #tpu.memory_space<semaphore_mem>>) src(%dma_wait3A_1181 : memref<8x128xf32, #tpu.memory_space<vmem>>) dst(%dma_wait3A_1178 : memref<8x128xf32, #tpu.memory_space<hbm>>)
        %dma_wait3A_1182 = arith.constant 3 : i32
        %dma_wait3A_1183 = arith.constant 24 : i32
        %dma_wait3A_1184 = arith.constant 0 : i32
        %dma_wait3A_1185 = tpu.memref_slice %arg10[%dma_wait3A_1183, %dma_wait3A_1184] : memref<64x133xf32, #tpu.memory_space<vmem>> -> memref<8x128xf32, #tpu.memory_space<vmem>>
        %dma_wait3A_1186 = arith.constant 0 : i32
        %dma_wait3A_1187 = arith.constant 0 : i32
        %dma_wait3A_1188 = tpu.memref_slice %arg4[%sub3A_1136, %dma_wait3A_1182, %add3A, %dma_wait3A_1186, %dma_wait3A_1187] : memref<200x8x32x8x128xf32, #tpu.memory_space<hbm>> -> memref<1x1x1x8x128xf32, #tpu.memory_space<hbm>>
        %dma_wait3A_1189 = tpu.memref_squeeze %dma_wait3A_1188 : memref<1x1x1x8x128xf32, #tpu.memory_space<hbm>> -> memref<8x128xf32, #tpu.memory_space<hbm>>
        %dma_wait3A_1190 = arith.constant 0 : i32
        %dma_wait3A_1191 = arith.constant 0 : i32
        %dma_wait3A_1192 = tpu.memref_slice %arg4[%sub3A_1136, %dma_wait3A_1182, %add3A, %dma_wait3A_1190, %dma_wait3A_1191] : memref<200x8x32x8x128xf32, #tpu.memory_space<hbm>> -> memref<1x1x1x8x128xf32, #tpu.memory_space<hbm>>
        %dma_wait3A_1193 = tpu.memref_squeeze %dma_wait3A_1192 : memref<1x1x1x8x128xf32, #tpu.memory_space<hbm>> -> memref<8x128xf32, #tpu.memory_space<hbm>>
        %dma_wait3A_1194 = arith.constant 24 : i32
        %dma_wait3A_1195 = arith.constant 0 : i32
        %dma_wait3A_1196 = tpu.memref_slice %arg10[%dma_wait3A_1194, %dma_wait3A_1195] : memref<64x133xf32, #tpu.memory_space<vmem>> -> memref<8x128xf32, #tpu.memory_space<vmem>>
        tpu.wait_dma2 semaphore(%arg18 : memref<!tpu.dma_semaphore, #tpu.memory_space<semaphore_mem>>) src(%dma_wait3A_1196 : memref<8x128xf32, #tpu.memory_space<vmem>>) dst(%dma_wait3A_1193 : memref<8x128xf32, #tpu.memory_space<hbm>>)
        %dma_wait3A_1197 = arith.constant 4 : i32
        %dma_wait3A_1198 = arith.constant 32 : i32
        %dma_wait3A_1199 = arith.constant 0 : i32
        %dma_wait3A_1200 = tpu.memref_slice %arg10[%dma_wait3A_1198, %dma_wait3A_1199] : memref<64x133xf32, #tpu.memory_space<vmem>> -> memref<8x128xf32, #tpu.memory_space<vmem>>
        %dma_wait3A_1201 = arith.constant 0 : i32
        %dma_wait3A_1202 = arith.constant 0 : i32
        %dma_wait3A_1203 = tpu.memref_slice %arg4[%sub3A_1136, %dma_wait3A_1197, %add3A, %dma_wait3A_1201, %dma_wait3A_1202] : memref<200x8x32x8x128xf32, #tpu.memory_space<hbm>> -> memref<1x1x1x8x128xf32, #tpu.memory_space<hbm>>
        %dma_wait3A_1204 = tpu.memref_squeeze %dma_wait3A_1203 : memref<1x1x1x8x128xf32, #tpu.memory_space<hbm>> -> memref<8x128xf32, #tpu.memory_space<hbm>>
        %dma_wait3A_1205 = arith.constant 0 : i32
        %dma_wait3A_1206 = arith.constant 0 : i32
        %dma_wait3A_1207 = tpu.memref_slice %arg4[%sub3A_1136, %dma_wait3A_1197, %add3A, %dma_wait3A_1205, %dma_wait3A_1206] : memref<200x8x32x8x128xf32, #tpu.memory_space<hbm>> -> memref<1x1x1x8x128xf32, #tpu.memory_space<hbm>>
        %dma_wait3A_1208 = tpu.memref_squeeze %dma_wait3A_1207 : memref<1x1x1x8x128xf32, #tpu.memory_space<hbm>> -> memref<8x128xf32, #tpu.memory_space<hbm>>
        %dma_wait3A_1209 = arith.constant 32 : i32
        %dma_wait3A_1210 = arith.constant 0 : i32
        %dma_wait3A_1211 = tpu.memref_slice %arg10[%dma_wait3A_1209, %dma_wait3A_1210] : memref<64x133xf32, #tpu.memory_space<vmem>> -> memref<8x128xf32, #tpu.memory_space<vmem>>
        tpu.wait_dma2 semaphore(%arg18 : memref<!tpu.dma_semaphore, #tpu.memory_space<semaphore_mem>>) src(%dma_wait3A_1211 : memref<8x128xf32, #tpu.memory_space<vmem>>) dst(%dma_wait3A_1208 : memref<8x128xf32, #tpu.memory_space<hbm>>)
        %dma_wait3A_1212 = arith.constant 5 : i32
        %dma_wait3A_1213 = arith.constant 40 : i32
        %dma_wait3A_1214 = arith.constant 0 : i32
        %dma_wait3A_1215 = tpu.memref_slice %arg10[%dma_wait3A_1213, %dma_wait3A_1214] : memref<64x133xf32, #tpu.memory_space<vmem>> -> memref<8x128xf32, #tpu.memory_space<vmem>>
        %dma_wait3A_1216 = arith.constant 0 : i32
        %dma_wait3A_1217 = arith.constant 0 : i32
        %dma_wait3A_1218 = tpu.memref_slice %arg4[%sub3A_1136, %dma_wait3A_1212, %add3A, %dma_wait3A_1216, %dma_wait3A_1217] : memref<200x8x32x8x128xf32, #tpu.memory_space<hbm>> -> memref<1x1x1x8x128xf32, #tpu.memory_space<hbm>>
        %dma_wait3A_1219 = tpu.memref_squeeze %dma_wait3A_1218 : memref<1x1x1x8x128xf32, #tpu.memory_space<hbm>> -> memref<8x128xf32, #tpu.memory_space<hbm>>
        %dma_wait3A_1220 = arith.constant 0 : i32
        %dma_wait3A_1221 = arith.constant 0 : i32
        %dma_wait3A_1222 = tpu.memref_slice %arg4[%sub3A_1136, %dma_wait3A_1212, %add3A, %dma_wait3A_1220, %dma_wait3A_1221] : memref<200x8x32x8x128xf32, #tpu.memory_space<hbm>> -> memref<1x1x1x8x128xf32, #tpu.memory_space<hbm>>
        %dma_wait3A_1223 = tpu.memref_squeeze %dma_wait3A_1222 : memref<1x1x1x8x128xf32, #tpu.memory_space<hbm>> -> memref<8x128xf32, #tpu.memory_space<hbm>>
        %dma_wait3A_1224 = arith.constant 40 : i32
        %dma_wait3A_1225 = arith.constant 0 : i32
        %dma_wait3A_1226 = tpu.memref_slice %arg10[%dma_wait3A_1224, %dma_wait3A_1225] : memref<64x133xf32, #tpu.memory_space<vmem>> -> memref<8x128xf32, #tpu.memory_space<vmem>>
        tpu.wait_dma2 semaphore(%arg18 : memref<!tpu.dma_semaphore, #tpu.memory_space<semaphore_mem>>) src(%dma_wait3A_1226 : memref<8x128xf32, #tpu.memory_space<vmem>>) dst(%dma_wait3A_1223 : memref<8x128xf32, #tpu.memory_space<hbm>>)
        %dma_wait3A_1227 = arith.constant 6 : i32
        %dma_wait3A_1228 = arith.constant 48 : i32
        %dma_wait3A_1229 = arith.constant 0 : i32
        %dma_wait3A_1230 = tpu.memref_slice %arg10[%dma_wait3A_1228, %dma_wait3A_1229] : memref<64x133xf32, #tpu.memory_space<vmem>> -> memref<8x128xf32, #tpu.memory_space<vmem>>
        %dma_wait3A_1231 = arith.constant 0 : i32
        %dma_wait3A_1232 = arith.constant 0 : i32
        %dma_wait3A_1233 = tpu.memref_slice %arg4[%sub3A_1136, %dma_wait3A_1227, %add3A, %dma_wait3A_1231, %dma_wait3A_1232] : memref<200x8x32x8x128xf32, #tpu.memory_space<hbm>> -> memref<1x1x1x8x128xf32, #tpu.memory_space<hbm>>
        %dma_wait3A_1234 = tpu.memref_squeeze %dma_wait3A_1233 : memref<1x1x1x8x128xf32, #tpu.memory_space<hbm>> -> memref<8x128xf32, #tpu.memory_space<hbm>>
        %dma_wait3A_1235 = arith.constant 0 : i32
        %dma_wait3A_1236 = arith.constant 0 : i32
        %dma_wait3A_1237 = tpu.memref_slice %arg4[%sub3A_1136, %dma_wait3A_1227, %add3A, %dma_wait3A_1235, %dma_wait3A_1236] : memref<200x8x32x8x128xf32, #tpu.memory_space<hbm>> -> memref<1x1x1x8x128xf32, #tpu.memory_space<hbm>>
        %dma_wait3A_1238 = tpu.memref_squeeze %dma_wait3A_1237 : memref<1x1x1x8x128xf32, #tpu.memory_space<hbm>> -> memref<8x128xf32, #tpu.memory_space<hbm>>
        %dma_wait3A_1239 = arith.constant 48 : i32
        %dma_wait3A_1240 = arith.constant 0 : i32
        %dma_wait3A_1241 = tpu.memref_slice %arg10[%dma_wait3A_1239, %dma_wait3A_1240] : memref<64x133xf32, #tpu.memory_space<vmem>> -> memref<8x128xf32, #tpu.memory_space<vmem>>
        tpu.wait_dma2 semaphore(%arg18 : memref<!tpu.dma_semaphore, #tpu.memory_space<semaphore_mem>>) src(%dma_wait3A_1241 : memref<8x128xf32, #tpu.memory_space<vmem>>) dst(%dma_wait3A_1238 : memref<8x128xf32, #tpu.memory_space<hbm>>)
        %dma_wait3A_1242 = arith.constant 7 : i32
        %dma_wait3A_1243 = arith.constant 56 : i32
        %dma_wait3A_1244 = arith.constant 0 : i32
        %dma_wait3A_1245 = tpu.memref_slice %arg10[%dma_wait3A_1243, %dma_wait3A_1244] : memref<64x133xf32, #tpu.memory_space<vmem>> -> memref<8x128xf32, #tpu.memory_space<vmem>>
        %dma_wait3A_1246 = arith.constant 0 : i32
        %dma_wait3A_1247 = arith.constant 0 : i32
        %dma_wait3A_1248 = tpu.memref_slice %arg4[%sub3A_1136, %dma_wait3A_1242, %add3A, %dma_wait3A_1246, %dma_wait3A_1247] : memref<200x8x32x8x128xf32, #tpu.memory_space<hbm>> -> memref<1x1x1x8x128xf32, #tpu.memory_space<hbm>>
        %dma_wait3A_1249 = tpu.memref_squeeze %dma_wait3A_1248 : memref<1x1x1x8x128xf32, #tpu.memory_space<hbm>> -> memref<8x128xf32, #tpu.memory_space<hbm>>
        %dma_wait3A_1250 = arith.constant 0 : i32
        %dma_wait3A_1251 = arith.constant 0 : i32
        %dma_wait3A_1252 = tpu.memref_slice %arg4[%sub3A_1136, %dma_wait3A_1242, %add3A, %dma_wait3A_1250, %dma_wait3A_1251] : memref<200x8x32x8x128xf32, #tpu.memory_space<hbm>> -> memref<1x1x1x8x128xf32, #tpu.memory_space<hbm>>
        %dma_wait3A_1253 = tpu.memref_squeeze %dma_wait3A_1252 : memref<1x1x1x8x128xf32, #tpu.memory_space<hbm>> -> memref<8x128xf32, #tpu.memory_space<hbm>>
        %dma_wait3A_1254 = arith.constant 56 : i32
        %dma_wait3A_1255 = arith.constant 0 : i32
        %dma_wait3A_1256 = tpu.memref_slice %arg10[%dma_wait3A_1254, %dma_wait3A_1255] : memref<64x133xf32, #tpu.memory_space<vmem>> -> memref<8x128xf32, #tpu.memory_space<vmem>>
        tpu.wait_dma2 semaphore(%arg18 : memref<!tpu.dma_semaphore, #tpu.memory_space<semaphore_mem>>) src(%dma_wait3A_1256 : memref<8x128xf32, #tpu.memory_space<vmem>>) dst(%dma_wait3A_1253 : memref<8x128xf32, #tpu.memory_space<hbm>>)
      } else {
      }
      %parallel_loop3A = arith.constant 0 : i32
      %parallel_loop3A_575 = arith.constant 128 : i32
      %parallel_loop3A_576 = arith.constant 1 : i32
      scf.for %parallel_loop3A_1136 = %parallel_loop3A to %parallel_loop3A_575 step %parallel_loop3A_576  : i32 {
        %parallel_loop3A_1137 = vector.broadcast %parallel_loop3A_1136 : i32 to vector<16xi32>
        %parallel_loop3A_1138 = arith.index_cast %parallel_loop3A_1136 : i32 to index
        %parallel_loop3A_1139 = arith.constant 0 : index
        %parallel_loop3A_1140 = tpu.vector_load %arg6[%parallel_loop3A_1138, %parallel_loop3A_1139] {strides = array<i32>} : memref<128x64xf32, #tpu.memory_space<vmem>>, vector<16xf32>,
        %parallel_loop3A_1141 = arith.constant 8.000000e+00 : f32
        %parallel_loop3A_1142 = vector.broadcast %parallel_loop3A_1141 : f32 to vector<16xf32>
        %parallel_loop3A_1143 = arith.mulf %parallel_loop3A_1140, %parallel_loop3A_1142 : vector<16xf32>
        tpu.vector_store_idx %arg10[%add3A_3, %parallel_loop3A_1137], %parallel_loop3A_1143 : memref<64x133xf32, #tpu.memory_space<vmem>>[vector<16xi32>, vector<16xi32>], vector<16xf32>,
        %parallel_loop3A_1144 = arith.index_cast %parallel_loop3A_1136 : i32 to index
        %parallel_loop3A_1145 = arith.constant 16 : index
        %parallel_loop3A_1146 = tpu.vector_load %arg6[%parallel_loop3A_1144, %parallel_loop3A_1145] {strides = array<i32>} : memref<128x64xf32, #tpu.memory_space<vmem>>, vector<16xf32>,
        %parallel_loop3A_1147 = arith.constant 8.000000e+00 : f32
        %parallel_loop3A_1148 = vector.broadcast %parallel_loop3A_1147 : f32 to vector<16xf32>
        %parallel_loop3A_1149 = arith.mulf %parallel_loop3A_1146, %parallel_loop3A_1148 : vector<16xf32>
        tpu.vector_store_idx %arg10[%add3A_6, %parallel_loop3A_1137], %parallel_loop3A_1149 : memref<64x133xf32, #tpu.memory_space<vmem>>[vector<16xi32>, vector<16xi32>], vector<16xf32>,
        %parallel_loop3A_1150 = arith.index_cast %parallel_loop3A_1136 : i32 to index
        %parallel_loop3A_1151 = arith.constant 32 : index
        %parallel_loop3A_1152 = tpu.vector_load %arg6[%parallel_loop3A_1150, %parallel_loop3A_1151] {strides = array<i32>} : memref<128x64xf32, #tpu.memory_space<vmem>>, vector<16xf32>,
        %parallel_loop3A_1153 = arith.constant 8.000000e+00 : f32
        %parallel_loop3A_1154 = vector.broadcast %parallel_loop3A_1153 : f32 to vector<16xf32>
        %parallel_loop3A_1155 = arith.mulf %parallel_loop3A_1152, %parallel_loop3A_1154 : vector<16xf32>
        tpu.vector_store_idx %arg10[%add3A_9, %parallel_loop3A_1137], %parallel_loop3A_1155 : memref<64x133xf32, #tpu.memory_space<vmem>>[vector<16xi32>, vector<16xi32>], vector<16xf32>,
        %parallel_loop3A_1156 = arith.index_cast %parallel_loop3A_1136 : i32 to index
        %parallel_loop3A_1157 = arith.constant 48 : index
        %parallel_loop3A_1158 = tpu.vector_load %arg6[%parallel_loop3A_1156, %parallel_loop3A_1157] {strides = array<i32>} : memref<128x64xf32, #tpu.memory_space<vmem>>, vector<16xf32>,
        %parallel_loop3A_1159 = arith.constant 8.000000e+00 : f32
        %parallel_loop3A_1160 = vector.broadcast %parallel_loop3A_1159 : f32 to vector<16xf32>
        %parallel_loop3A_1161 = arith.mulf %parallel_loop3A_1158, %parallel_loop3A_1160 : vector<16xf32>
        tpu.vector_store_idx %arg10[%add3A_12, %parallel_loop3A_1137], %parallel_loop3A_1161 : memref<64x133xf32, #tpu.memory_space<vmem>>[vector<16xi32>, vector<16xi32>], vector<16xf32>,
      } {sc.loop_unroll_factor = 2 : i64, sc.parallel_access}
      %lt3A = arith.constant 49 : i32
      %lt3A_577 = arith.cmpi slt, %scan3A_560, %lt3A : i32
      %convert_element_type3A_578 = arith.extui %lt3A_577 : i1 to i32
      %cond3A_579 = arith.constant 0 : i32
      %cond3A_580 = arith.cmpi ne, %convert_element_type3A_578, %cond3A_579 : i32
      scf.if %cond3A_580 {
        %add3A_1136 = arith.constant 4 : i32
        %add3A_1137 = arith.addi %add3A_564, %add3A_1136 : i32
        %jit3A = arith.constant 8 : i32
        %div3A = arith.divsi %add3A_1137, %jit3A : i32
        %sign3A = arith.constant 0 : i32
        %sign3A_1138 = arith.cmpi sgt, %add3A_1137, %sign3A : i32
        %sign3A_1139 = arith.extui %sign3A_1138 : i1 to i32
        %sign3A_1140 = arith.constant 0 : i32
        %sign3A_1141 = arith.cmpi slt, %add3A_1137, %sign3A_1140 : i32
        %sign3A_1142 = arith.extui %sign3A_1141 : i1 to i32
        %sign3A_1143 = arith.subi %sign3A_1139, %sign3A_1142 : i32
        %sign3A_1144 = arith.constant 0 : i32
        %sign3A_1145 = arith.cmpi sgt, %jit3A, %sign3A_1144 : i32
        %sign3A_1146 = arith.extui %sign3A_1145 : i1 to i32
        %sign3A_1147 = arith.constant 0 : i32
        %sign3A_1148 = arith.cmpi slt, %jit3A, %sign3A_1147 : i32
        %sign3A_1149 = arith.extui %sign3A_1148 : i1 to i32
        %sign3A_1150 = arith.subi %sign3A_1146, %sign3A_1149 : i32
        %ne3A = arith.cmpi ne, %sign3A_1143, %sign3A_1150 : i32
        %rem3A = arith.remsi %add3A_1137, %jit3A : i32
        %ne3A_1151 = arith.constant 0 : i32
        %ne3A_1152 = arith.cmpi ne, %rem3A, %ne3A_1151 : i32
        %and3A = arith.andi %ne3A, %ne3A_1152 : i1
        %sub3A = arith.constant 1 : i32
        %sub3A_1153 = arith.subi %div3A, %sub3A : i32
        %select_n3A = arith.select %and3A, %sub3A_1153, %div3A : i32
        %mul3A_1154 = arith.constant 8 : i32
        %mul3A_1155 = arith.muli %select_n3A, %mul3A_1154 : i32
        %sub3A_1156 = arith.subi %add3A_1137, %mul3A_1155 : i32
        %dma_start3A_1157 = arith.constant 0 : i32
        %dma_start3A_1158 = tpu.memref_slice %arg5[%select_n3A, %sub3A_1156, %dma_start3A_1157] : memref<25x8x128xi32, #tpu.memory_space<vmem>> -> memref<1x1x128xi32, #tpu.memory_space<vmem>>
        %dma_start3A_1159 = tpu.memref_squeeze %dma_start3A_1158 : memref<1x1x128xi32, #tpu.memory_space<vmem>> -> memref<128xi32, #tpu.memory_space<vmem>>
        %dma_start3A_1160 = arith.constant 0 : i32
        %dma_start3A_1161 = arith.constant 0 : i32
        %dma_start3A_1162 = tpu.memref_slice %arg3[%dma_start3A_1160, %dma_start3A_1161] : memref<1000000x64xf32, #tpu.memory_space<hbm>> -> memref<1000000x64xf32, #tpu.memory_space<hbm>>
        tpu.enqueue_indirect_dma source(%dma_start3A_1162 : memref<1000000x64xf32, #tpu.memory_space<hbm>>) target(%arg6 : memref<128x64xf32, #tpu.memory_space<vmem>>) offsets(%dma_start3A_1159 : memref<128xi32, #tpu.memory_space<vmem>>) semaphore(%arg14 : memref<!tpu.dma_semaphore, #tpu.memory_space<semaphore_mem>>)
      } else {
      }
      %dma_start3A_581 = arith.constant 0 : i32
      %dma_start3A_582 = arith.constant 0 : i32
      %dma_start3A_583 = arith.constant 0 : i32
      %dma_start3A_584 = tpu.memref_slice %arg10[%dma_start3A_582, %dma_start3A_583] : memref<64x133xf32, #tpu.memory_space<vmem>> -> memref<8x128xf32, #tpu.memory_space<vmem>>
      %dma_start3A_585 = arith.constant 0 : i32
      %dma_start3A_586 = arith.constant 0 : i32
      %dma_start3A_587 = tpu.memref_slice %arg4[%add3A_564, %dma_start3A_581, %add3A, %dma_start3A_585, %dma_start3A_586] : memref<200x8x32x8x128xf32, #tpu.memory_space<hbm>> -> memref<1x1x1x8x128xf32, #tpu.memory_space<hbm>>
      %dma_start3A_588 = tpu.memref_squeeze %dma_start3A_587 : memref<1x1x1x8x128xf32, #tpu.memory_space<hbm>> -> memref<8x128xf32, #tpu.memory_space<hbm>>
      %dma_start3A_589 = arith.constant 0 : i32
      %dma_start3A_590 = arith.constant 0 : i32
      %dma_start3A_591 = tpu.memref_slice %arg4[%add3A_564, %dma_start3A_581, %add3A, %dma_start3A_589, %dma_start3A_590] : memref<200x8x32x8x128xf32, #tpu.memory_space<hbm>> -> memref<1x1x1x8x128xf32, #tpu.memory_space<hbm>>
      %dma_start3A_592 = tpu.memref_squeeze %dma_start3A_591 : memref<1x1x1x8x128xf32, #tpu.memory_space<hbm>> -> memref<8x128xf32, #tpu.memory_space<hbm>>
      %dma_start3A_593 = arith.constant 0 : i32
      %dma_start3A_594 = arith.constant 0 : i32
      %dma_start3A_595 = tpu.memref_slice %arg10[%dma_start3A_593, %dma_start3A_594] : memref<64x133xf32, #tpu.memory_space<vmem>> -> memref<8x128xf32, #tpu.memory_space<vmem>>
      tpu.enqueue_dma source(%dma_start3A_595 : memref<8x128xf32, #tpu.memory_space<vmem>>) target(%dma_start3A_592 : memref<8x128xf32, #tpu.memory_space<hbm>>) target_semaphore(%arg18 : memref<!tpu.dma_semaphore, #tpu.memory_space<semaphore_mem>>)
      %dma_start3A_596 = arith.constant 1 : i32
      %dma_start3A_597 = arith.constant 8 : i32
      %dma_start3A_598 = arith.constant 0 : i32
      %dma_start3A_599 = tpu.memref_slice %arg10[%dma_start3A_597, %dma_start3A_598] : memref<64x133xf32, #tpu.memory_space<vmem>> -> memref<8x128xf32, #tpu.memory_space<vmem>>
      %dma_start3A_600 = arith.constant 0 : i32
      %dma_start3A_601 = arith.constant 0 : i32
      %dma_start3A_602 = tpu.memref_slice %arg4[%add3A_564, %dma_start3A_596, %add3A, %dma_start3A_600, %dma_start3A_601] : memref<200x8x32x8x128xf32, #tpu.memory_space<hbm>> -> memref<1x1x1x8x128xf32, #tpu.memory_space<hbm>>
      %dma_start3A_603 = tpu.memref_squeeze %dma_start3A_602 : memref<1x1x1x8x128xf32, #tpu.memory_space<hbm>> -> memref<8x128xf32, #tpu.memory_space<hbm>>
      %dma_start3A_604 = arith.constant 0 : i32
      %dma_start3A_605 = arith.constant 0 : i32
      %dma_start3A_606 = tpu.memref_slice %arg4[%add3A_564, %dma_start3A_596, %add3A, %dma_start3A_604, %dma_start3A_605] : memref<200x8x32x8x128xf32, #tpu.memory_space<hbm>> -> memref<1x1x1x8x128xf32, #tpu.memory_space<hbm>>
      %dma_start3A_607 = tpu.memref_squeeze %dma_start3A_606 : memref<1x1x1x8x128xf32, #tpu.memory_space<hbm>> -> memref<8x128xf32, #tpu.memory_space<hbm>>
      %dma_start3A_608 = arith.constant 8 : i32
      %dma_start3A_609 = arith.constant 0 : i32
      %dma_start3A_610 = tpu.memref_slice %arg10[%dma_start3A_608, %dma_start3A_609] : memref<64x133xf32, #tpu.memory_space<vmem>> -> memref<8x128xf32, #tpu.memory_space<vmem>>
      tpu.enqueue_dma source(%dma_start3A_610 : memref<8x128xf32, #tpu.memory_space<vmem>>) target(%dma_start3A_607 : memref<8x128xf32, #tpu.memory_space<hbm>>) target_semaphore(%arg18 : memref<!tpu.dma_semaphore, #tpu.memory_space<semaphore_mem>>)
      %dma_start3A_611 = arith.constant 2 : i32
      %dma_start3A_612 = arith.constant 16 : i32
      %dma_start3A_613 = arith.constant 0 : i32
      %dma_start3A_614 = tpu.memref_slice %arg10[%dma_start3A_612, %dma_start3A_613] : memref<64x133xf32, #tpu.memory_space<vmem>> -> memref<8x128xf32, #tpu.memory_space<vmem>>
      %dma_start3A_615 = arith.constant 0 : i32
      %dma_start3A_616 = arith.constant 0 : i32
      %dma_start3A_617 = tpu.memref_slice %arg4[%add3A_564, %dma_start3A_611, %add3A, %dma_start3A_615, %dma_start3A_616] : memref<200x8x32x8x128xf32, #tpu.memory_space<hbm>> -> memref<1x1x1x8x128xf32, #tpu.memory_space<hbm>>
      %dma_start3A_618 = tpu.memref_squeeze %dma_start3A_617 : memref<1x1x1x8x128xf32, #tpu.memory_space<hbm>> -> memref<8x128xf32, #tpu.memory_space<hbm>>
      %dma_start3A_619 = arith.constant 0 : i32
      %dma_start3A_620 = arith.constant 0 : i32
      %dma_start3A_621 = tpu.memref_slice %arg4[%add3A_564, %dma_start3A_611, %add3A, %dma_start3A_619, %dma_start3A_620] : memref<200x8x32x8x128xf32, #tpu.memory_space<hbm>> -> memref<1x1x1x8x128xf32, #tpu.memory_space<hbm>>
      %dma_start3A_622 = tpu.memref_squeeze %dma_start3A_621 : memref<1x1x1x8x128xf32, #tpu.memory_space<hbm>> -> memref<8x128xf32, #tpu.memory_space<hbm>>
      %dma_start3A_623 = arith.constant 16 : i32
      %dma_start3A_624 = arith.constant 0 : i32
      %dma_start3A_625 = tpu.memref_slice %arg10[%dma_start3A_623, %dma_start3A_624] : memref<64x133xf32, #tpu.memory_space<vmem>> -> memref<8x128xf32, #tpu.memory_space<vmem>>
      tpu.enqueue_dma source(%dma_start3A_625 : memref<8x128xf32, #tpu.memory_space<vmem>>) target(%dma_start3A_622 : memref<8x128xf32, #tpu.memory_space<hbm>>) target_semaphore(%arg18 : memref<!tpu.dma_semaphore, #tpu.memory_space<semaphore_mem>>)
      %dma_start3A_626 = arith.constant 3 : i32
      %dma_start3A_627 = arith.constant 24 : i32
      %dma_start3A_628 = arith.constant 0 : i32
      %dma_start3A_629 = tpu.memref_slice %arg10[%dma_start3A_627, %dma_start3A_628] : memref<64x133xf32, #tpu.memory_space<vmem>> -> memref<8x128xf32, #tpu.memory_space<vmem>>
      %dma_start3A_630 = arith.constant 0 : i32
      %dma_start3A_631 = arith.constant 0 : i32
      %dma_start3A_632 = tpu.memref_slice %arg4[%add3A_564, %dma_start3A_626, %add3A, %dma_start3A_630, %dma_start3A_631] : memref<200x8x32x8x128xf32, #tpu.memory_space<hbm>> -> memref<1x1x1x8x128xf32, #tpu.memory_space<hbm>>
      %dma_start3A_633 = tpu.memref_squeeze %dma_start3A_632 : memref<1x1x1x8x128xf32, #tpu.memory_space<hbm>> -> memref<8x128xf32, #tpu.memory_space<hbm>>
      %dma_start3A_634 = arith.constant 0 : i32
      %dma_start3A_635 = arith.constant 0 : i32
      %dma_start3A_636 = tpu.memref_slice %arg4[%add3A_564, %dma_start3A_626, %add3A, %dma_start3A_634, %dma_start3A_635] : memref<200x8x32x8x128xf32, #tpu.memory_space<hbm>> -> memref<1x1x1x8x128xf32, #tpu.memory_space<hbm>>
      %dma_start3A_637 = tpu.memref_squeeze %dma_start3A_636 : memref<1x1x1x8x128xf32, #tpu.memory_space<hbm>> -> memref<8x128xf32, #tpu.memory_space<hbm>>
      %dma_start3A_638 = arith.constant 24 : i32
      %dma_start3A_639 = arith.constant 0 : i32
      %dma_start3A_640 = tpu.memref_slice %arg10[%dma_start3A_638, %dma_start3A_639] : memref<64x133xf32, #tpu.memory_space<vmem>> -> memref<8x128xf32, #tpu.memory_space<vmem>>
      tpu.enqueue_dma source(%dma_start3A_640 : memref<8x128xf32, #tpu.memory_space<vmem>>) target(%dma_start3A_637 : memref<8x128xf32, #tpu.memory_space<hbm>>) target_semaphore(%arg18 : memref<!tpu.dma_semaphore, #tpu.memory_space<semaphore_mem>>)
      %dma_start3A_641 = arith.constant 4 : i32
      %dma_start3A_642 = arith.constant 32 : i32
      %dma_start3A_643 = arith.constant 0 : i32
      %dma_start3A_644 = tpu.memref_slice %arg10[%dma_start3A_642, %dma_start3A_643] : memref<64x133xf32, #tpu.memory_space<vmem>> -> memref<8x128xf32, #tpu.memory_space<vmem>>
      %dma_start3A_645 = arith.constant 0 : i32
      %dma_start3A_646 = arith.constant 0 : i32
      %dma_start3A_647 = tpu.memref_slice %arg4[%add3A_564, %dma_start3A_641, %add3A, %dma_start3A_645, %dma_start3A_646] : memref<200x8x32x8x128xf32, #tpu.memory_space<hbm>> -> memref<1x1x1x8x128xf32, #tpu.memory_space<hbm>>
      %dma_start3A_648 = tpu.memref_squeeze %dma_start3A_647 : memref<1x1x1x8x128xf32, #tpu.memory_space<hbm>> -> memref<8x128xf32, #tpu.memory_space<hbm>>
      %dma_start3A_649 = arith.constant 0 : i32
      %dma_start3A_650 = arith.constant 0 : i32
      %dma_start3A_651 = tpu.memref_slice %arg4[%add3A_564, %dma_start3A_641, %add3A, %dma_start3A_649, %dma_start3A_650] : memref<200x8x32x8x128xf32, #tpu.memory_space<hbm>> -> memref<1x1x1x8x128xf32, #tpu.memory_space<hbm>>
      %dma_start3A_652 = tpu.memref_squeeze %dma_start3A_651 : memref<1x1x1x8x128xf32, #tpu.memory_space<hbm>> -> memref<8x128xf32, #tpu.memory_space<hbm>>
      %dma_start3A_653 = arith.constant 32 : i32
      %dma_start3A_654 = arith.constant 0 : i32
      %dma_start3A_655 = tpu.memref_slice %arg10[%dma_start3A_653, %dma_start3A_654] : memref<64x133xf32, #tpu.memory_space<vmem>> -> memref<8x128xf32, #tpu.memory_space<vmem>>
      tpu.enqueue_dma source(%dma_start3A_655 : memref<8x128xf32, #tpu.memory_space<vmem>>) target(%dma_start3A_652 : memref<8x128xf32, #tpu.memory_space<hbm>>) target_semaphore(%arg18 : memref<!tpu.dma_semaphore, #tpu.memory_space<semaphore_mem>>)
      %dma_start3A_656 = arith.constant 5 : i32
      %dma_start3A_657 = arith.constant 40 : i32
      %dma_start3A_658 = arith.constant 0 : i32
      %dma_start3A_659 = tpu.memref_slice %arg10[%dma_start3A_657, %dma_start3A_658] : memref<64x133xf32, #tpu.memory_space<vmem>> -> memref<8x128xf32, #tpu.memory_space<vmem>>
      %dma_start3A_660 = arith.constant 0 : i32
      %dma_start3A_661 = arith.constant 0 : i32
      %dma_start3A_662 = tpu.memref_slice %arg4[%add3A_564, %dma_start3A_656, %add3A, %dma_start3A_660, %dma_start3A_661] : memref<200x8x32x8x128xf32, #tpu.memory_space<hbm>> -> memref<1x1x1x8x128xf32, #tpu.memory_space<hbm>>
      %dma_start3A_663 = tpu.memref_squeeze %dma_start3A_662 : memref<1x1x1x8x128xf32, #tpu.memory_space<hbm>> -> memref<8x128xf32, #tpu.memory_space<hbm>>
      %dma_start3A_664 = arith.constant 0 : i32
      %dma_start3A_665 = arith.constant 0 : i32
      %dma_start3A_666 = tpu.memref_slice %arg4[%add3A_564, %dma_start3A_656, %add3A, %dma_start3A_664, %dma_start3A_665] : memref<200x8x32x8x128xf32, #tpu.memory_space<hbm>> -> memref<1x1x1x8x128xf32, #tpu.memory_space<hbm>>
      %dma_start3A_667 = tpu.memref_squeeze %dma_start3A_666 : memref<1x1x1x8x128xf32, #tpu.memory_space<hbm>> -> memref<8x128xf32, #tpu.memory_space<hbm>>
      %dma_start3A_668 = arith.constant 40 : i32
      %dma_start3A_669 = arith.constant 0 : i32
      %dma_start3A_670 = tpu.memref_slice %arg10[%dma_start3A_668, %dma_start3A_669] : memref<64x133xf32, #tpu.memory_space<vmem>> -> memref<8x128xf32, #tpu.memory_space<vmem>>
      tpu.enqueue_dma source(%dma_start3A_670 : memref<8x128xf32, #tpu.memory_space<vmem>>) target(%dma_start3A_667 : memref<8x128xf32, #tpu.memory_space<hbm>>) target_semaphore(%arg18 : memref<!tpu.dma_semaphore, #tpu.memory_space<semaphore_mem>>)
      %dma_start3A_671 = arith.constant 6 : i32
      %dma_start3A_672 = arith.constant 48 : i32
      %dma_start3A_673 = arith.constant 0 : i32
      %dma_start3A_674 = tpu.memref_slice %arg10[%dma_start3A_672, %dma_start3A_673] : memref<64x133xf32, #tpu.memory_space<vmem>> -> memref<8x128xf32, #tpu.memory_space<vmem>>
      %dma_start3A_675 = arith.constant 0 : i32
      %dma_start3A_676 = arith.constant 0 : i32
      %dma_start3A_677 = tpu.memref_slice %arg4[%add3A_564, %dma_start3A_671, %add3A, %dma_start3A_675, %dma_start3A_676] : memref<200x8x32x8x128xf32, #tpu.memory_space<hbm>> -> memref<1x1x1x8x128xf32, #tpu.memory_space<hbm>>
      %dma_start3A_678 = tpu.memref_squeeze %dma_start3A_677 : memref<1x1x1x8x128xf32, #tpu.memory_space<hbm>> -> memref<8x128xf32, #tpu.memory_space<hbm>>
      %dma_start3A_679 = arith.constant 0 : i32
      %dma_start3A_680 = arith.constant 0 : i32
      %dma_start3A_681 = tpu.memref_slice %arg4[%add3A_564, %dma_start3A_671, %add3A, %dma_start3A_679, %dma_start3A_680] : memref<200x8x32x8x128xf32, #tpu.memory_space<hbm>> -> memref<1x1x1x8x128xf32, #tpu.memory_space<hbm>>
      %dma_start3A_682 = tpu.memref_squeeze %dma_start3A_681 : memref<1x1x1x8x128xf32, #tpu.memory_space<hbm>> -> memref<8x128xf32, #tpu.memory_space<hbm>>
      %dma_start3A_683 = arith.constant 48 : i32
      %dma_start3A_684 = arith.constant 0 : i32
      %dma_start3A_685 = tpu.memref_slice %arg10[%dma_start3A_683, %dma_start3A_684] : memref<64x133xf32, #tpu.memory_space<vmem>> -> memref<8x128xf32, #tpu.memory_space<vmem>>
      tpu.enqueue_dma source(%dma_start3A_685 : memref<8x128xf32, #tpu.memory_space<vmem>>) target(%dma_start3A_682 : memref<8x128xf32, #tpu.memory_space<hbm>>) target_semaphore(%arg18 : memref<!tpu.dma_semaphore, #tpu.memory_space<semaphore_mem>>)
      %dma_start3A_686 = arith.constant 7 : i32
      %dma_start3A_687 = arith.constant 56 : i32
      %dma_start3A_688 = arith.constant 0 : i32
      %dma_start3A_689 = tpu.memref_slice %arg10[%dma_start3A_687, %dma_start3A_688] : memref<64x133xf32, #tpu.memory_space<vmem>> -> memref<8x128xf32, #tpu.memory_space<vmem>>
      %dma_start3A_690 = arith.constant 0 : i32
      %dma_start3A_691 = arith.constant 0 : i32
      %dma_start3A_692 = tpu.memref_slice %arg4[%add3A_564, %dma_start3A_686, %add3A, %dma_start3A_690, %dma_start3A_691] : memref<200x8x32x8x128xf32, #tpu.memory_space<hbm>> -> memref<1x1x1x8x128xf32, #tpu.memory_space<hbm>>
      %dma_start3A_693 = tpu.memref_squeeze %dma_start3A_692 : memref<1x1x1x8x128xf32, #tpu.memory_space<hbm>> -> memref<8x128xf32, #tpu.memory_space<hbm>>
      %dma_start3A_694 = arith.constant 0 : i32
      %dma_start3A_695 = arith.constant 0 : i32
      %dma_start3A_696 = tpu.memref_slice %arg4[%add3A_564, %dma_start3A_686, %add3A, %dma_start3A_694, %dma_start3A_695] : memref<200x8x32x8x128xf32, #tpu.memory_space<hbm>> -> memref<1x1x1x8x128xf32, #tpu.memory_space<hbm>>
      %dma_start3A_697 = tpu.memref_squeeze %dma_start3A_696 : memref<1x1x1x8x128xf32, #tpu.memory_space<hbm>> -> memref<8x128xf32, #tpu.memory_space<hbm>>
      %dma_start3A_698 = arith.constant 56 : i32
      %dma_start3A_699 = arith.constant 0 : i32
      %dma_start3A_700 = tpu.memref_slice %arg10[%dma_start3A_698, %dma_start3A_699] : memref<64x133xf32, #tpu.memory_space<vmem>> -> memref<8x128xf32, #tpu.memory_space<vmem>>
      tpu.enqueue_dma source(%dma_start3A_700 : memref<8x128xf32, #tpu.memory_space<vmem>>) target(%dma_start3A_697 : memref<8x128xf32, #tpu.memory_space<hbm>>) target_semaphore(%arg18 : memref<!tpu.dma_semaphore, #tpu.memory_space<semaphore_mem>>)
      %mul3A_701 = arith.constant 4 : i32
      %mul3A_702 = arith.muli %scan3A_560, %mul3A_701 : i32
      %add3A_703 = arith.constant 1 : i32
      %add3A_704 = arith.addi %mul3A_702, %add3A_703 : i32
      %dma_wait3A_705 = arith.constant 0 : i32
      %dma_wait3A_706 = arith.constant 0 : i32
      %dma_wait3A_707 = arith.constant 0 : i32
      %dma_wait3A_708 = tpu.memref_slice %arg5[%dma_wait3A_705, %dma_wait3A_706, %dma_wait3A_707] : memref<25x8x128xi32, #tpu.memory_space<vmem>> -> memref<1x1x128xi32, #tpu.memory_space<vmem>>
      %dma_wait3A_709 = tpu.memref_squeeze %dma_wait3A_708 : memref<1x1x128xi32, #tpu.memory_space<vmem>> -> memref<128xi32, #tpu.memory_space<vmem>>
      %dma_wait3A_710 = arith.constant 0 : i32
      %dma_wait3A_711 = arith.constant 0 : i32
      %dma_wait3A_712 = tpu.memref_slice %arg3[%dma_wait3A_710, %dma_wait3A_711] : memref<1000000x64xf32, #tpu.memory_space<hbm>> -> memref<1000000x64xf32, #tpu.memory_space<hbm>>
      tpu.wait_indirect_dma semaphore(%arg15 : memref<!tpu.dma_semaphore, #tpu.memory_space<semaphore_mem>>) src(%dma_wait3A_712 : memref<1000000x64xf32, #tpu.memory_space<hbm>>) dst(%arg7 : memref<128x64xf32, #tpu.memory_space<vmem>>)
      %ge3A_713 = arith.constant 1 : i32
      %ge3A_714 = arith.cmpi sge, %scan3A_560, %ge3A_713 : i32
      %convert_element_type3A_715 = arith.extui %ge3A_714 : i1 to i32
      %cond3A_716 = arith.constant 0 : i32
      %cond3A_717 = arith.cmpi ne, %convert_element_type3A_715, %cond3A_716 : i32
      scf.if %cond3A_717 {
        %sub3A = arith.constant 4 : i32
        %sub3A_1136 = arith.subi %add3A_704, %sub3A : i32
        %dma_wait3A_1137 = arith.constant 0 : i32
        %dma_wait3A_1138 = arith.constant 0 : i32
        %dma_wait3A_1139 = arith.constant 0 : i32
        %dma_wait3A_1140 = tpu.memref_slice %arg11[%dma_wait3A_1138, %dma_wait3A_1139] : memref<64x133xf32, #tpu.memory_space<vmem>> -> memref<8x128xf32, #tpu.memory_space<vmem>>
        %dma_wait3A_1141 = arith.constant 0 : i32
        %dma_wait3A_1142 = arith.constant 0 : i32
        %dma_wait3A_1143 = tpu.memref_slice %arg4[%sub3A_1136, %dma_wait3A_1137, %add3A, %dma_wait3A_1141, %dma_wait3A_1142] : memref<200x8x32x8x128xf32, #tpu.memory_space<hbm>> -> memref<1x1x1x8x128xf32, #tpu.memory_space<hbm>>
        %dma_wait3A_1144 = tpu.memref_squeeze %dma_wait3A_1143 : memref<1x1x1x8x128xf32, #tpu.memory_space<hbm>> -> memref<8x128xf32, #tpu.memory_space<hbm>>
        %dma_wait3A_1145 = arith.constant 0 : i32
        %dma_wait3A_1146 = arith.constant 0 : i32
        %dma_wait3A_1147 = tpu.memref_slice %arg4[%sub3A_1136, %dma_wait3A_1137, %add3A, %dma_wait3A_1145, %dma_wait3A_1146] : memref<200x8x32x8x128xf32, #tpu.memory_space<hbm>> -> memref<1x1x1x8x128xf32, #tpu.memory_space<hbm>>
        %dma_wait3A_1148 = tpu.memref_squeeze %dma_wait3A_1147 : memref<1x1x1x8x128xf32, #tpu.memory_space<hbm>> -> memref<8x128xf32, #tpu.memory_space<hbm>>
        %dma_wait3A_1149 = arith.constant 0 : i32
        %dma_wait3A_1150 = arith.constant 0 : i32
        %dma_wait3A_1151 = tpu.memref_slice %arg11[%dma_wait3A_1149, %dma_wait3A_1150] : memref<64x133xf32, #tpu.memory_space<vmem>> -> memref<8x128xf32, #tpu.memory_space<vmem>>
        tpu.wait_dma2 semaphore(%arg19 : memref<!tpu.dma_semaphore, #tpu.memory_space<semaphore_mem>>) src(%dma_wait3A_1151 : memref<8x128xf32, #tpu.memory_space<vmem>>) dst(%dma_wait3A_1148 : memref<8x128xf32, #tpu.memory_space<hbm>>)
        %dma_wait3A_1152 = arith.constant 1 : i32
        %dma_wait3A_1153 = arith.constant 8 : i32
        %dma_wait3A_1154 = arith.constant 0 : i32
        %dma_wait3A_1155 = tpu.memref_slice %arg11[%dma_wait3A_1153, %dma_wait3A_1154] : memref<64x133xf32, #tpu.memory_space<vmem>> -> memref<8x128xf32, #tpu.memory_space<vmem>>
        %dma_wait3A_1156 = arith.constant 0 : i32
        %dma_wait3A_1157 = arith.constant 0 : i32
        %dma_wait3A_1158 = tpu.memref_slice %arg4[%sub3A_1136, %dma_wait3A_1152, %add3A, %dma_wait3A_1156, %dma_wait3A_1157] : memref<200x8x32x8x128xf32, #tpu.memory_space<hbm>> -> memref<1x1x1x8x128xf32, #tpu.memory_space<hbm>>
        %dma_wait3A_1159 = tpu.memref_squeeze %dma_wait3A_1158 : memref<1x1x1x8x128xf32, #tpu.memory_space<hbm>> -> memref<8x128xf32, #tpu.memory_space<hbm>>
        %dma_wait3A_1160 = arith.constant 0 : i32
        %dma_wait3A_1161 = arith.constant 0 : i32
        %dma_wait3A_1162 = tpu.memref_slice %arg4[%sub3A_1136, %dma_wait3A_1152, %add3A, %dma_wait3A_1160, %dma_wait3A_1161] : memref<200x8x32x8x128xf32, #tpu.memory_space<hbm>> -> memref<1x1x1x8x128xf32, #tpu.memory_space<hbm>>
        %dma_wait3A_1163 = tpu.memref_squeeze %dma_wait3A_1162 : memref<1x1x1x8x128xf32, #tpu.memory_space<hbm>> -> memref<8x128xf32, #tpu.memory_space<hbm>>
        %dma_wait3A_1164 = arith.constant 8 : i32
        %dma_wait3A_1165 = arith.constant 0 : i32
        %dma_wait3A_1166 = tpu.memref_slice %arg11[%dma_wait3A_1164, %dma_wait3A_1165] : memref<64x133xf32, #tpu.memory_space<vmem>> -> memref<8x128xf32, #tpu.memory_space<vmem>>
        tpu.wait_dma2 semaphore(%arg19 : memref<!tpu.dma_semaphore, #tpu.memory_space<semaphore_mem>>) src(%dma_wait3A_1166 : memref<8x128xf32, #tpu.memory_space<vmem>>) dst(%dma_wait3A_1163 : memref<8x128xf32, #tpu.memory_space<hbm>>)
        %dma_wait3A_1167 = arith.constant 2 : i32
        %dma_wait3A_1168 = arith.constant 16 : i32
        %dma_wait3A_1169 = arith.constant 0 : i32
        %dma_wait3A_1170 = tpu.memref_slice %arg11[%dma_wait3A_1168, %dma_wait3A_1169] : memref<64x133xf32, #tpu.memory_space<vmem>> -> memref<8x128xf32, #tpu.memory_space<vmem>>
        %dma_wait3A_1171 = arith.constant 0 : i32
        %dma_wait3A_1172 = arith.constant 0 : i32
        %dma_wait3A_1173 = tpu.memref_slice %arg4[%sub3A_1136, %dma_wait3A_1167, %add3A, %dma_wait3A_1171, %dma_wait3A_1172] : memref<200x8x32x8x128xf32, #tpu.memory_space<hbm>> -> memref<1x1x1x8x128xf32, #tpu.memory_space<hbm>>
        %dma_wait3A_1174 = tpu.memref_squeeze %dma_wait3A_1173 : memref<1x1x1x8x128xf32, #tpu.memory_space<hbm>> -> memref<8x128xf32, #tpu.memory_space<hbm>>
        %dma_wait3A_1175 = arith.constant 0 : i32
        %dma_wait3A_1176 = arith.constant 0 : i32
        %dma_wait3A_1177 = tpu.memref_slice %arg4[%sub3A_1136, %dma_wait3A_1167, %add3A, %dma_wait3A_1175, %dma_wait3A_1176] : memref<200x8x32x8x128xf32, #tpu.memory_space<hbm>> -> memref<1x1x1x8x128xf32, #tpu.memory_space<hbm>>
        %dma_wait3A_1178 = tpu.memref_squeeze %dma_wait3A_1177 : memref<1x1x1x8x128xf32, #tpu.memory_space<hbm>> -> memref<8x128xf32, #tpu.memory_space<hbm>>
        %dma_wait3A_1179 = arith.constant 16 : i32
        %dma_wait3A_1180 = arith.constant 0 : i32
        %dma_wait3A_1181 = tpu.memref_slice %arg11[%dma_wait3A_1179, %dma_wait3A_1180] : memref<64x133xf32, #tpu.memory_space<vmem>> -> memref<8x128xf32, #tpu.memory_space<vmem>>
        tpu.wait_dma2 semaphore(%arg19 : memref<!tpu.dma_semaphore, #tpu.memory_space<semaphore_mem>>) src(%dma_wait3A_1181 : memref<8x128xf32, #tpu.memory_space<vmem>>) dst(%dma_wait3A_1178 : memref<8x128xf32, #tpu.memory_space<hbm>>)
        %dma_wait3A_1182 = arith.constant 3 : i32
        %dma_wait3A_1183 = arith.constant 24 : i32
        %dma_wait3A_1184 = arith.constant 0 : i32
        %dma_wait3A_1185 = tpu.memref_slice %arg11[%dma_wait3A_1183, %dma_wait3A_1184] : memref<64x133xf32, #tpu.memory_space<vmem>> -> memref<8x128xf32, #tpu.memory_space<vmem>>
        %dma_wait3A_1186 = arith.constant 0 : i32
        %dma_wait3A_1187 = arith.constant 0 : i32
        %dma_wait3A_1188 = tpu.memref_slice %arg4[%sub3A_1136, %dma_wait3A_1182, %add3A, %dma_wait3A_1186, %dma_wait3A_1187] : memref<200x8x32x8x128xf32, #tpu.memory_space<hbm>> -> memref<1x1x1x8x128xf32, #tpu.memory_space<hbm>>
        %dma_wait3A_1189 = tpu.memref_squeeze %dma_wait3A_1188 : memref<1x1x1x8x128xf32, #tpu.memory_space<hbm>> -> memref<8x128xf32, #tpu.memory_space<hbm>>
        %dma_wait3A_1190 = arith.constant 0 : i32
        %dma_wait3A_1191 = arith.constant 0 : i32
        %dma_wait3A_1192 = tpu.memref_slice %arg4[%sub3A_1136, %dma_wait3A_1182, %add3A, %dma_wait3A_1190, %dma_wait3A_1191] : memref<200x8x32x8x128xf32, #tpu.memory_space<hbm>> -> memref<1x1x1x8x128xf32, #tpu.memory_space<hbm>>
        %dma_wait3A_1193 = tpu.memref_squeeze %dma_wait3A_1192 : memref<1x1x1x8x128xf32, #tpu.memory_space<hbm>> -> memref<8x128xf32, #tpu.memory_space<hbm>>
        %dma_wait3A_1194 = arith.constant 24 : i32
        %dma_wait3A_1195 = arith.constant 0 : i32
        %dma_wait3A_1196 = tpu.memref_slice %arg11[%dma_wait3A_1194, %dma_wait3A_1195] : memref<64x133xf32, #tpu.memory_space<vmem>> -> memref<8x128xf32, #tpu.memory_space<vmem>>
        tpu.wait_dma2 semaphore(%arg19 : memref<!tpu.dma_semaphore, #tpu.memory_space<semaphore_mem>>) src(%dma_wait3A_1196 : memref<8x128xf32, #tpu.memory_space<vmem>>) dst(%dma_wait3A_1193 : memref<8x128xf32, #tpu.memory_space<hbm>>)
        %dma_wait3A_1197 = arith.constant 4 : i32
        %dma_wait3A_1198 = arith.constant 32 : i32
        %dma_wait3A_1199 = arith.constant 0 : i32
        %dma_wait3A_1200 = tpu.memref_slice %arg11[%dma_wait3A_1198, %dma_wait3A_1199] : memref<64x133xf32, #tpu.memory_space<vmem>> -> memref<8x128xf32, #tpu.memory_space<vmem>>
        %dma_wait3A_1201 = arith.constant 0 : i32
        %dma_wait3A_1202 = arith.constant 0 : i32
        %dma_wait3A_1203 = tpu.memref_slice %arg4[%sub3A_1136, %dma_wait3A_1197, %add3A, %dma_wait3A_1201, %dma_wait3A_1202] : memref<200x8x32x8x128xf32, #tpu.memory_space<hbm>> -> memref<1x1x1x8x128xf32, #tpu.memory_space<hbm>>
        %dma_wait3A_1204 = tpu.memref_squeeze %dma_wait3A_1203 : memref<1x1x1x8x128xf32, #tpu.memory_space<hbm>> -> memref<8x128xf32, #tpu.memory_space<hbm>>
        %dma_wait3A_1205 = arith.constant 0 : i32
        %dma_wait3A_1206 = arith.constant 0 : i32
        %dma_wait3A_1207 = tpu.memref_slice %arg4[%sub3A_1136, %dma_wait3A_1197, %add3A, %dma_wait3A_1205, %dma_wait3A_1206] : memref<200x8x32x8x128xf32, #tpu.memory_space<hbm>> -> memref<1x1x1x8x128xf32, #tpu.memory_space<hbm>>
        %dma_wait3A_1208 = tpu.memref_squeeze %dma_wait3A_1207 : memref<1x1x1x8x128xf32, #tpu.memory_space<hbm>> -> memref<8x128xf32, #tpu.memory_space<hbm>>
        %dma_wait3A_1209 = arith.constant 32 : i32
        %dma_wait3A_1210 = arith.constant 0 : i32
        %dma_wait3A_1211 = tpu.memref_slice %arg11[%dma_wait3A_1209, %dma_wait3A_1210] : memref<64x133xf32, #tpu.memory_space<vmem>> -> memref<8x128xf32, #tpu.memory_space<vmem>>
        tpu.wait_dma2 semaphore(%arg19 : memref<!tpu.dma_semaphore, #tpu.memory_space<semaphore_mem>>) src(%dma_wait3A_1211 : memref<8x128xf32, #tpu.memory_space<vmem>>) dst(%dma_wait3A_1208 : memref<8x128xf32, #tpu.memory_space<hbm>>)
        %dma_wait3A_1212 = arith.constant 5 : i32
        %dma_wait3A_1213 = arith.constant 40 : i32
        %dma_wait3A_1214 = arith.constant 0 : i32
        %dma_wait3A_1215 = tpu.memref_slice %arg11[%dma_wait3A_1213, %dma_wait3A_1214] : memref<64x133xf32, #tpu.memory_space<vmem>> -> memref<8x128xf32, #tpu.memory_space<vmem>>
        %dma_wait3A_1216 = arith.constant 0 : i32
        %dma_wait3A_1217 = arith.constant 0 : i32
        %dma_wait3A_1218 = tpu.memref_slice %arg4[%sub3A_1136, %dma_wait3A_1212, %add3A, %dma_wait3A_1216, %dma_wait3A_1217] : memref<200x8x32x8x128xf32, #tpu.memory_space<hbm>> -> memref<1x1x1x8x128xf32, #tpu.memory_space<hbm>>
        %dma_wait3A_1219 = tpu.memref_squeeze %dma_wait3A_1218 : memref<1x1x1x8x128xf32, #tpu.memory_space<hbm>> -> memref<8x128xf32, #tpu.memory_space<hbm>>
        %dma_wait3A_1220 = arith.constant 0 : i32
        %dma_wait3A_1221 = arith.constant 0 : i32
        %dma_wait3A_1222 = tpu.memref_slice %arg4[%sub3A_1136, %dma_wait3A_1212, %add3A, %dma_wait3A_1220, %dma_wait3A_1221] : memref<200x8x32x8x128xf32, #tpu.memory_space<hbm>> -> memref<1x1x1x8x128xf32, #tpu.memory_space<hbm>>
        %dma_wait3A_1223 = tpu.memref_squeeze %dma_wait3A_1222 : memref<1x1x1x8x128xf32, #tpu.memory_space<hbm>> -> memref<8x128xf32, #tpu.memory_space<hbm>>
        %dma_wait3A_1224 = arith.constant 40 : i32
        %dma_wait3A_1225 = arith.constant 0 : i32
        %dma_wait3A_1226 = tpu.memref_slice %arg11[%dma_wait3A_1224, %dma_wait3A_1225] : memref<64x133xf32, #tpu.memory_space<vmem>> -> memref<8x128xf32, #tpu.memory_space<vmem>>
        tpu.wait_dma2 semaphore(%arg19 : memref<!tpu.dma_semaphore, #tpu.memory_space<semaphore_mem>>) src(%dma_wait3A_1226 : memref<8x128xf32, #tpu.memory_space<vmem>>) dst(%dma_wait3A_1223 : memref<8x128xf32, #tpu.memory_space<hbm>>)
        %dma_wait3A_1227 = arith.constant 6 : i32
        %dma_wait3A_1228 = arith.constant 48 : i32
        %dma_wait3A_1229 = arith.constant 0 : i32
        %dma_wait3A_1230 = tpu.memref_slice %arg11[%dma_wait3A_1228, %dma_wait3A_1229] : memref<64x133xf32, #tpu.memory_space<vmem>> -> memref<8x128xf32, #tpu.memory_space<vmem>>
        %dma_wait3A_1231 = arith.constant 0 : i32
        %dma_wait3A_1232 = arith.constant 0 : i32
        %dma_wait3A_1233 = tpu.memref_slice %arg4[%sub3A_1136, %dma_wait3A_1227, %add3A, %dma_wait3A_1231, %dma_wait3A_1232] : memref<200x8x32x8x128xf32, #tpu.memory_space<hbm>> -> memref<1x1x1x8x128xf32, #tpu.memory_space<hbm>>
        %dma_wait3A_1234 = tpu.memref_squeeze %dma_wait3A_1233 : memref<1x1x1x8x128xf32, #tpu.memory_space<hbm>> -> memref<8x128xf32, #tpu.memory_space<hbm>>
        %dma_wait3A_1235 = arith.constant 0 : i32
        %dma_wait3A_1236 = arith.constant 0 : i32
        %dma_wait3A_1237 = tpu.memref_slice %arg4[%sub3A_1136, %dma_wait3A_1227, %add3A, %dma_wait3A_1235, %dma_wait3A_1236] : memref<200x8x32x8x128xf32, #tpu.memory_space<hbm>> -> memref<1x1x1x8x128xf32, #tpu.memory_space<hbm>>
        %dma_wait3A_1238 = tpu.memref_squeeze %dma_wait3A_1237 : memref<1x1x1x8x128xf32, #tpu.memory_space<hbm>> -> memref<8x128xf32, #tpu.memory_space<hbm>>
        %dma_wait3A_1239 = arith.constant 48 : i32
        %dma_wait3A_1240 = arith.constant 0 : i32
        %dma_wait3A_1241 = tpu.memref_slice %arg11[%dma_wait3A_1239, %dma_wait3A_1240] : memref<64x133xf32, #tpu.memory_space<vmem>> -> memref<8x128xf32, #tpu.memory_space<vmem>>
        tpu.wait_dma2 semaphore(%arg19 : memref<!tpu.dma_semaphore, #tpu.memory_space<semaphore_mem>>) src(%dma_wait3A_1241 : memref<8x128xf32, #tpu.memory_space<vmem>>) dst(%dma_wait3A_1238 : memref<8x128xf32, #tpu.memory_space<hbm>>)
        %dma_wait3A_1242 = arith.constant 7 : i32
        %dma_wait3A_1243 = arith.constant 56 : i32
        %dma_wait3A_1244 = arith.constant 0 : i32
        %dma_wait3A_1245 = tpu.memref_slice %arg11[%dma_wait3A_1243, %dma_wait3A_1244] : memref<64x133xf32, #tpu.memory_space<vmem>> -> memref<8x128xf32, #tpu.memory_space<vmem>>
        %dma_wait3A_1246 = arith.constant 0 : i32
        %dma_wait3A_1247 = arith.constant 0 : i32
        %dma_wait3A_1248 = tpu.memref_slice %arg4[%sub3A_1136, %dma_wait3A_1242, %add3A, %dma_wait3A_1246, %dma_wait3A_1247] : memref<200x8x32x8x128xf32, #tpu.memory_space<hbm>> -> memref<1x1x1x8x128xf32, #tpu.memory_space<hbm>>
        %dma_wait3A_1249 = tpu.memref_squeeze %dma_wait3A_1248 : memref<1x1x1x8x128xf32, #tpu.memory_space<hbm>> -> memref<8x128xf32, #tpu.memory_space<hbm>>
        %dma_wait3A_1250 = arith.constant 0 : i32
        %dma_wait3A_1251 = arith.constant 0 : i32
        %dma_wait3A_1252 = tpu.memref_slice %arg4[%sub3A_1136, %dma_wait3A_1242, %add3A, %dma_wait3A_1250, %dma_wait3A_1251] : memref<200x8x32x8x128xf32, #tpu.memory_space<hbm>> -> memref<1x1x1x8x128xf32, #tpu.memory_space<hbm>>
        %dma_wait3A_1253 = tpu.memref_squeeze %dma_wait3A_1252 : memref<1x1x1x8x128xf32, #tpu.memory_space<hbm>> -> memref<8x128xf32, #tpu.memory_space<hbm>>
        %dma_wait3A_1254 = arith.constant 56 : i32
        %dma_wait3A_1255 = arith.constant 0 : i32
        %dma_wait3A_1256 = tpu.memref_slice %arg11[%dma_wait3A_1254, %dma_wait3A_1255] : memref<64x133xf32, #tpu.memory_space<vmem>> -> memref<8x128xf32, #tpu.memory_space<vmem>>
        tpu.wait_dma2 semaphore(%arg19 : memref<!tpu.dma_semaphore, #tpu.memory_space<semaphore_mem>>) src(%dma_wait3A_1256 : memref<8x128xf32, #tpu.memory_space<vmem>>) dst(%dma_wait3A_1253 : memref<8x128xf32, #tpu.memory_space<hbm>>)
      } else {
      }
      %parallel_loop3A_718 = arith.constant 0 : i32
      %parallel_loop3A_719 = arith.constant 128 : i32
      %parallel_loop3A_720 = arith.constant 1 : i32
      scf.for %parallel_loop3A_1136 = %parallel_loop3A_718 to %parallel_loop3A_719 step %parallel_loop3A_720  : i32 {
        %parallel_loop3A_1137 = vector.broadcast %parallel_loop3A_1136 : i32 to vector<16xi32>
        %parallel_loop3A_1138 = arith.index_cast %parallel_loop3A_1136 : i32 to index
        %parallel_loop3A_1139 = arith.constant 0 : index
        %parallel_loop3A_1140 = tpu.vector_load %arg7[%parallel_loop3A_1138, %parallel_loop3A_1139] {strides = array<i32>} : memref<128x64xf32, #tpu.memory_space<vmem>>, vector<16xf32>,
        %parallel_loop3A_1141 = arith.constant 8.000000e+00 : f32
        %parallel_loop3A_1142 = vector.broadcast %parallel_loop3A_1141 : f32 to vector<16xf32>
        %parallel_loop3A_1143 = arith.mulf %parallel_loop3A_1140, %parallel_loop3A_1142 : vector<16xf32>
        tpu.vector_store_idx %arg11[%add3A_3, %parallel_loop3A_1137], %parallel_loop3A_1143 : memref<64x133xf32, #tpu.memory_space<vmem>>[vector<16xi32>, vector<16xi32>], vector<16xf32>,
        %parallel_loop3A_1144 = arith.index_cast %parallel_loop3A_1136 : i32 to index
        %parallel_loop3A_1145 = arith.constant 16 : index
        %parallel_loop3A_1146 = tpu.vector_load %arg7[%parallel_loop3A_1144, %parallel_loop3A_1145] {strides = array<i32>} : memref<128x64xf32, #tpu.memory_space<vmem>>, vector<16xf32>,
        %parallel_loop3A_1147 = arith.constant 8.000000e+00 : f32
        %parallel_loop3A_1148 = vector.broadcast %parallel_loop3A_1147 : f32 to vector<16xf32>
        %parallel_loop3A_1149 = arith.mulf %parallel_loop3A_1146, %parallel_loop3A_1148 : vector<16xf32>
        tpu.vector_store_idx %arg11[%add3A_6, %parallel_loop3A_1137], %parallel_loop3A_1149 : memref<64x133xf32, #tpu.memory_space<vmem>>[vector<16xi32>, vector<16xi32>], vector<16xf32>,
        %parallel_loop3A_1150 = arith.index_cast %parallel_loop3A_1136 : i32 to index
        %parallel_loop3A_1151 = arith.constant 32 : index
        %parallel_loop3A_1152 = tpu.vector_load %arg7[%parallel_loop3A_1150, %parallel_loop3A_1151] {strides = array<i32>} : memref<128x64xf32, #tpu.memory_space<vmem>>, vector<16xf32>,
        %parallel_loop3A_1153 = arith.constant 8.000000e+00 : f32
        %parallel_loop3A_1154 = vector.broadcast %parallel_loop3A_1153 : f32 to vector<16xf32>
        %parallel_loop3A_1155 = arith.mulf %parallel_loop3A_1152, %parallel_loop3A_1154 : vector<16xf32>
        tpu.vector_store_idx %arg11[%add3A_9, %parallel_loop3A_1137], %parallel_loop3A_1155 : memref<64x133xf32, #tpu.memory_space<vmem>>[vector<16xi32>, vector<16xi32>], vector<16xf32>,
        %parallel_loop3A_1156 = arith.index_cast %parallel_loop3A_1136 : i32 to index
        %parallel_loop3A_1157 = arith.constant 48 : index
        %parallel_loop3A_1158 = tpu.vector_load %arg7[%parallel_loop3A_1156, %parallel_loop3A_1157] {strides = array<i32>} : memref<128x64xf32, #tpu.memory_space<vmem>>, vector<16xf32>,
        %parallel_loop3A_1159 = arith.constant 8.000000e+00 : f32
        %parallel_loop3A_1160 = vector.broadcast %parallel_loop3A_1159 : f32 to vector<16xf32>
        %parallel_loop3A_1161 = arith.mulf %parallel_loop3A_1158, %parallel_loop3A_1160 : vector<16xf32>
        tpu.vector_store_idx %arg11[%add3A_12, %parallel_loop3A_1137], %parallel_loop3A_1161 : memref<64x133xf32, #tpu.memory_space<vmem>>[vector<16xi32>, vector<16xi32>], vector<16xf32>,
      } {sc.loop_unroll_factor = 2 : i64, sc.parallel_access}
      %lt3A_721 = arith.constant 49 : i32
      %lt3A_722 = arith.cmpi slt, %scan3A_560, %lt3A_721 : i32
      %convert_element_type3A_723 = arith.extui %lt3A_722 : i1 to i32
      %cond3A_724 = arith.constant 0 : i32
      %cond3A_725 = arith.cmpi ne, %convert_element_type3A_723, %cond3A_724 : i32
      scf.if %cond3A_725 {
        %add3A_1136 = arith.constant 4 : i32
        %add3A_1137 = arith.addi %add3A_704, %add3A_1136 : i32
        %jit3A = arith.constant 8 : i32
        %div3A = arith.divsi %add3A_1137, %jit3A : i32
        %sign3A = arith.constant 0 : i32
        %sign3A_1138 = arith.cmpi sgt, %add3A_1137, %sign3A : i32
        %sign3A_1139 = arith.extui %sign3A_1138 : i1 to i32
        %sign3A_1140 = arith.constant 0 : i32
        %sign3A_1141 = arith.cmpi slt, %add3A_1137, %sign3A_1140 : i32
        %sign3A_1142 = arith.extui %sign3A_1141 : i1 to i32
        %sign3A_1143 = arith.subi %sign3A_1139, %sign3A_1142 : i32
        %sign3A_1144 = arith.constant 0 : i32
        %sign3A_1145 = arith.cmpi sgt, %jit3A, %sign3A_1144 : i32
        %sign3A_1146 = arith.extui %sign3A_1145 : i1 to i32
        %sign3A_1147 = arith.constant 0 : i32
        %sign3A_1148 = arith.cmpi slt, %jit3A, %sign3A_1147 : i32
        %sign3A_1149 = arith.extui %sign3A_1148 : i1 to i32
        %sign3A_1150 = arith.subi %sign3A_1146, %sign3A_1149 : i32
        %ne3A = arith.cmpi ne, %sign3A_1143, %sign3A_1150 : i32
        %rem3A = arith.remsi %add3A_1137, %jit3A : i32
        %ne3A_1151 = arith.constant 0 : i32
        %ne3A_1152 = arith.cmpi ne, %rem3A, %ne3A_1151 : i32
        %and3A = arith.andi %ne3A, %ne3A_1152 : i1
        %sub3A = arith.constant 1 : i32
        %sub3A_1153 = arith.subi %div3A, %sub3A : i32
        %select_n3A = arith.select %and3A, %sub3A_1153, %div3A : i32
        %mul3A_1154 = arith.constant 8 : i32
        %mul3A_1155 = arith.muli %select_n3A, %mul3A_1154 : i32
        %sub3A_1156 = arith.subi %add3A_1137, %mul3A_1155 : i32
        %dma_start3A_1157 = arith.constant 0 : i32
        %dma_start3A_1158 = tpu.memref_slice %arg5[%select_n3A, %sub3A_1156, %dma_start3A_1157] : memref<25x8x128xi32, #tpu.memory_space<vmem>> -> memref<1x1x128xi32, #tpu.memory_space<vmem>>
        %dma_start3A_1159 = tpu.memref_squeeze %dma_start3A_1158 : memref<1x1x128xi32, #tpu.memory_space<vmem>> -> memref<128xi32, #tpu.memory_space<vmem>>
        %dma_start3A_1160 = arith.constant 0 : i32
        %dma_start3A_1161 = arith.constant 0 : i32
        %dma_start3A_1162 = tpu.memref_slice %arg3[%dma_start3A_1160, %dma_start3A_1161] : memref<1000000x64xf32, #tpu.memory_space<hbm>> -> memref<1000000x64xf32, #tpu.memory_space<hbm>>
        tpu.enqueue_indirect_dma source(%dma_start3A_1162 : memref<1000000x64xf32, #tpu.memory_space<hbm>>) target(%arg7 : memref<128x64xf32, #tpu.memory_space<vmem>>) offsets(%dma_start3A_1159 : memref<128xi32, #tpu.memory_space<vmem>>) semaphore(%arg15 : memref<!tpu.dma_semaphore, #tpu.memory_space<semaphore_mem>>)
      } else {
      }
      %dma_start3A_726 = arith.constant 0 : i32
      %dma_start3A_727 = arith.constant 0 : i32
      %dma_start3A_728 = arith.constant 0 : i32
      %dma_start3A_729 = tpu.memref_slice %arg11[%dma_start3A_727, %dma_start3A_728] : memref<64x133xf32, #tpu.memory_space<vmem>> -> memref<8x128xf32, #tpu.memory_space<vmem>>
      %dma_start3A_730 = arith.constant 0 : i32
      %dma_start3A_731 = arith.constant 0 : i32
      %dma_start3A_732 = tpu.memref_slice %arg4[%add3A_704, %dma_start3A_726, %add3A, %dma_start3A_730, %dma_start3A_731] : memref<200x8x32x8x128xf32, #tpu.memory_space<hbm>> -> memref<1x1x1x8x128xf32, #tpu.memory_space<hbm>>
      %dma_start3A_733 = tpu.memref_squeeze %dma_start3A_732 : memref<1x1x1x8x128xf32, #tpu.memory_space<hbm>> -> memref<8x128xf32, #tpu.memory_space<hbm>>
      %dma_start3A_734 = arith.constant 0 : i32
      %dma_start3A_735 = arith.constant 0 : i32
      %dma_start3A_736 = tpu.memref_slice %arg4[%add3A_704, %dma_start3A_726, %add3A, %dma_start3A_734, %dma_start3A_735] : memref<200x8x32x8x128xf32, #tpu.memory_space<hbm>> -> memref<1x1x1x8x128xf32, #tpu.memory_space<hbm>>
      %dma_start3A_737 = tpu.memref_squeeze %dma_start3A_736 : memref<1x1x1x8x128xf32, #tpu.memory_space<hbm>> -> memref<8x128xf32, #tpu.memory_space<hbm>>
      %dma_start3A_738 = arith.constant 0 : i32
      %dma_start3A_739 = arith.constant 0 : i32
      %dma_start3A_740 = tpu.memref_slice %arg11[%dma_start3A_738, %dma_start3A_739] : memref<64x133xf32, #tpu.memory_space<vmem>> -> memref<8x128xf32, #tpu.memory_space<vmem>>
      tpu.enqueue_dma source(%dma_start3A_740 : memref<8x128xf32, #tpu.memory_space<vmem>>) target(%dma_start3A_737 : memref<8x128xf32, #tpu.memory_space<hbm>>) target_semaphore(%arg19 : memref<!tpu.dma_semaphore, #tpu.memory_space<semaphore_mem>>)
      %dma_start3A_741 = arith.constant 1 : i32
      %dma_start3A_742 = arith.constant 8 : i32
      %dma_start3A_743 = arith.constant 0 : i32
      %dma_start3A_744 = tpu.memref_slice %arg11[%dma_start3A_742, %dma_start3A_743] : memref<64x133xf32, #tpu.memory_space<vmem>> -> memref<8x128xf32, #tpu.memory_space<vmem>>
      %dma_start3A_745 = arith.constant 0 : i32
      %dma_start3A_746 = arith.constant 0 : i32
      %dma_start3A_747 = tpu.memref_slice %arg4[%add3A_704, %dma_start3A_741, %add3A, %dma_start3A_745, %dma_start3A_746] : memref<200x8x32x8x128xf32, #tpu.memory_space<hbm>> -> memref<1x1x1x8x128xf32, #tpu.memory_space<hbm>>
      %dma_start3A_748 = tpu.memref_squeeze %dma_start3A_747 : memref<1x1x1x8x128xf32, #tpu.memory_space<hbm>> -> memref<8x128xf32, #tpu.memory_space<hbm>>
      %dma_start3A_749 = arith.constant 0 : i32
      %dma_start3A_750 = arith.constant 0 : i32
      %dma_start3A_751 = tpu.memref_slice %arg4[%add3A_704, %dma_start3A_741, %add3A, %dma_start3A_749, %dma_start3A_750] : memref<200x8x32x8x128xf32, #tpu.memory_space<hbm>> -> memref<1x1x1x8x128xf32, #tpu.memory_space<hbm>>
      %dma_start3A_752 = tpu.memref_squeeze %dma_start3A_751 : memref<1x1x1x8x128xf32, #tpu.memory_space<hbm>> -> memref<8x128xf32, #tpu.memory_space<hbm>>
      %dma_start3A_753 = arith.constant 8 : i32
      %dma_start3A_754 = arith.constant 0 : i32
      %dma_start3A_755 = tpu.memref_slice %arg11[%dma_start3A_753, %dma_start3A_754] : memref<64x133xf32, #tpu.memory_space<vmem>> -> memref<8x128xf32, #tpu.memory_space<vmem>>
      tpu.enqueue_dma source(%dma_start3A_755 : memref<8x128xf32, #tpu.memory_space<vmem>>) target(%dma_start3A_752 : memref<8x128xf32, #tpu.memory_space<hbm>>) target_semaphore(%arg19 : memref<!tpu.dma_semaphore, #tpu.memory_space<semaphore_mem>>)
      %dma_start3A_756 = arith.constant 2 : i32
      %dma_start3A_757 = arith.constant 16 : i32
      %dma_start3A_758 = arith.constant 0 : i32
      %dma_start3A_759 = tpu.memref_slice %arg11[%dma_start3A_757, %dma_start3A_758] : memref<64x133xf32, #tpu.memory_space<vmem>> -> memref<8x128xf32, #tpu.memory_space<vmem>>
      %dma_start3A_760 = arith.constant 0 : i32
      %dma_start3A_761 = arith.constant 0 : i32
      %dma_start3A_762 = tpu.memref_slice %arg4[%add3A_704, %dma_start3A_756, %add3A, %dma_start3A_760, %dma_start3A_761] : memref<200x8x32x8x128xf32, #tpu.memory_space<hbm>> -> memref<1x1x1x8x128xf32, #tpu.memory_space<hbm>>
      %dma_start3A_763 = tpu.memref_squeeze %dma_start3A_762 : memref<1x1x1x8x128xf32, #tpu.memory_space<hbm>> -> memref<8x128xf32, #tpu.memory_space<hbm>>
      %dma_start3A_764 = arith.constant 0 : i32
      %dma_start3A_765 = arith.constant 0 : i32
      %dma_start3A_766 = tpu.memref_slice %arg4[%add3A_704, %dma_start3A_756, %add3A, %dma_start3A_764, %dma_start3A_765] : memref<200x8x32x8x128xf32, #tpu.memory_space<hbm>> -> memref<1x1x1x8x128xf32, #tpu.memory_space<hbm>>
      %dma_start3A_767 = tpu.memref_squeeze %dma_start3A_766 : memref<1x1x1x8x128xf32, #tpu.memory_space<hbm>> -> memref<8x128xf32, #tpu.memory_space<hbm>>
      %dma_start3A_768 = arith.constant 16 : i32
      %dma_start3A_769 = arith.constant 0 : i32
      %dma_start3A_770 = tpu.memref_slice %arg11[%dma_start3A_768, %dma_start3A_769] : memref<64x133xf32, #tpu.memory_space<vmem>> -> memref<8x128xf32, #tpu.memory_space<vmem>>
      tpu.enqueue_dma source(%dma_start3A_770 : memref<8x128xf32, #tpu.memory_space<vmem>>) target(%dma_start3A_767 : memref<8x128xf32, #tpu.memory_space<hbm>>) target_semaphore(%arg19 : memref<!tpu.dma_semaphore, #tpu.memory_space<semaphore_mem>>)
      %dma_start3A_771 = arith.constant 3 : i32
      %dma_start3A_772 = arith.constant 24 : i32
      %dma_start3A_773 = arith.constant 0 : i32
      %dma_start3A_774 = tpu.memref_slice %arg11[%dma_start3A_772, %dma_start3A_773] : memref<64x133xf32, #tpu.memory_space<vmem>> -> memref<8x128xf32, #tpu.memory_space<vmem>>
      %dma_start3A_775 = arith.constant 0 : i32
      %dma_start3A_776 = arith.constant 0 : i32
      %dma_start3A_777 = tpu.memref_slice %arg4[%add3A_704, %dma_start3A_771, %add3A, %dma_start3A_775, %dma_start3A_776] : memref<200x8x32x8x128xf32, #tpu.memory_space<hbm>> -> memref<1x1x1x8x128xf32, #tpu.memory_space<hbm>>
      %dma_start3A_778 = tpu.memref_squeeze %dma_start3A_777 : memref<1x1x1x8x128xf32, #tpu.memory_space<hbm>> -> memref<8x128xf32, #tpu.memory_space<hbm>>
      %dma_start3A_779 = arith.constant 0 : i32
      %dma_start3A_780 = arith.constant 0 : i32
      %dma_start3A_781 = tpu.memref_slice %arg4[%add3A_704, %dma_start3A_771, %add3A, %dma_start3A_779, %dma_start3A_780] : memref<200x8x32x8x128xf32, #tpu.memory_space<hbm>> -> memref<1x1x1x8x128xf32, #tpu.memory_space<hbm>>
      %dma_start3A_782 = tpu.memref_squeeze %dma_start3A_781 : memref<1x1x1x8x128xf32, #tpu.memory_space<hbm>> -> memref<8x128xf32, #tpu.memory_space<hbm>>
      %dma_start3A_783 = arith.constant 24 : i32
      %dma_start3A_784 = arith.constant 0 : i32
      %dma_start3A_785 = tpu.memref_slice %arg11[%dma_start3A_783, %dma_start3A_784] : memref<64x133xf32, #tpu.memory_space<vmem>> -> memref<8x128xf32, #tpu.memory_space<vmem>>
      tpu.enqueue_dma source(%dma_start3A_785 : memref<8x128xf32, #tpu.memory_space<vmem>>) target(%dma_start3A_782 : memref<8x128xf32, #tpu.memory_space<hbm>>) target_semaphore(%arg19 : memref<!tpu.dma_semaphore, #tpu.memory_space<semaphore_mem>>)
      %dma_start3A_786 = arith.constant 4 : i32
      %dma_start3A_787 = arith.constant 32 : i32
      %dma_start3A_788 = arith.constant 0 : i32
      %dma_start3A_789 = tpu.memref_slice %arg11[%dma_start3A_787, %dma_start3A_788] : memref<64x133xf32, #tpu.memory_space<vmem>> -> memref<8x128xf32, #tpu.memory_space<vmem>>
      %dma_start3A_790 = arith.constant 0 : i32
      %dma_start3A_791 = arith.constant 0 : i32
      %dma_start3A_792 = tpu.memref_slice %arg4[%add3A_704, %dma_start3A_786, %add3A, %dma_start3A_790, %dma_start3A_791] : memref<200x8x32x8x128xf32, #tpu.memory_space<hbm>> -> memref<1x1x1x8x128xf32, #tpu.memory_space<hbm>>
      %dma_start3A_793 = tpu.memref_squeeze %dma_start3A_792 : memref<1x1x1x8x128xf32, #tpu.memory_space<hbm>> -> memref<8x128xf32, #tpu.memory_space<hbm>>
      %dma_start3A_794 = arith.constant 0 : i32
      %dma_start3A_795 = arith.constant 0 : i32
      %dma_start3A_796 = tpu.memref_slice %arg4[%add3A_704, %dma_start3A_786, %add3A, %dma_start3A_794, %dma_start3A_795] : memref<200x8x32x8x128xf32, #tpu.memory_space<hbm>> -> memref<1x1x1x8x128xf32, #tpu.memory_space<hbm>>
      %dma_start3A_797 = tpu.memref_squeeze %dma_start3A_796 : memref<1x1x1x8x128xf32, #tpu.memory_space<hbm>> -> memref<8x128xf32, #tpu.memory_space<hbm>>
      %dma_start3A_798 = arith.constant 32 : i32
      %dma_start3A_799 = arith.constant 0 : i32
      %dma_start3A_800 = tpu.memref_slice %arg11[%dma_start3A_798, %dma_start3A_799] : memref<64x133xf32, #tpu.memory_space<vmem>> -> memref<8x128xf32, #tpu.memory_space<vmem>>
      tpu.enqueue_dma source(%dma_start3A_800 : memref<8x128xf32, #tpu.memory_space<vmem>>) target(%dma_start3A_797 : memref<8x128xf32, #tpu.memory_space<hbm>>) target_semaphore(%arg19 : memref<!tpu.dma_semaphore, #tpu.memory_space<semaphore_mem>>)
      %dma_start3A_801 = arith.constant 5 : i32
      %dma_start3A_802 = arith.constant 40 : i32
      %dma_start3A_803 = arith.constant 0 : i32
      %dma_start3A_804 = tpu.memref_slice %arg11[%dma_start3A_802, %dma_start3A_803] : memref<64x133xf32, #tpu.memory_space<vmem>> -> memref<8x128xf32, #tpu.memory_space<vmem>>
      %dma_start3A_805 = arith.constant 0 : i32
      %dma_start3A_806 = arith.constant 0 : i32
      %dma_start3A_807 = tpu.memref_slice %arg4[%add3A_704, %dma_start3A_801, %add3A, %dma_start3A_805, %dma_start3A_806] : memref<200x8x32x8x128xf32, #tpu.memory_space<hbm>> -> memref<1x1x1x8x128xf32, #tpu.memory_space<hbm>>
      %dma_start3A_808 = tpu.memref_squeeze %dma_start3A_807 : memref<1x1x1x8x128xf32, #tpu.memory_space<hbm>> -> memref<8x128xf32, #tpu.memory_space<hbm>>
      %dma_start3A_809 = arith.constant 0 : i32
      %dma_start3A_810 = arith.constant 0 : i32
      %dma_start3A_811 = tpu.memref_slice %arg4[%add3A_704, %dma_start3A_801, %add3A, %dma_start3A_809, %dma_start3A_810] : memref<200x8x32x8x128xf32, #tpu.memory_space<hbm>> -> memref<1x1x1x8x128xf32, #tpu.memory_space<hbm>>
      %dma_start3A_812 = tpu.memref_squeeze %dma_start3A_811 : memref<1x1x1x8x128xf32, #tpu.memory_space<hbm>> -> memref<8x128xf32, #tpu.memory_space<hbm>>
      %dma_start3A_813 = arith.constant 40 : i32
      %dma_start3A_814 = arith.constant 0 : i32
      %dma_start3A_815 = tpu.memref_slice %arg11[%dma_start3A_813, %dma_start3A_814] : memref<64x133xf32, #tpu.memory_space<vmem>> -> memref<8x128xf32, #tpu.memory_space<vmem>>
      tpu.enqueue_dma source(%dma_start3A_815 : memref<8x128xf32, #tpu.memory_space<vmem>>) target(%dma_start3A_812 : memref<8x128xf32, #tpu.memory_space<hbm>>) target_semaphore(%arg19 : memref<!tpu.dma_semaphore, #tpu.memory_space<semaphore_mem>>)
      %dma_start3A_816 = arith.constant 6 : i32
      %dma_start3A_817 = arith.constant 48 : i32
      %dma_start3A_818 = arith.constant 0 : i32
      %dma_start3A_819 = tpu.memref_slice %arg11[%dma_start3A_817, %dma_start3A_818] : memref<64x133xf32, #tpu.memory_space<vmem>> -> memref<8x128xf32, #tpu.memory_space<vmem>>
      %dma_start3A_820 = arith.constant 0 : i32
      %dma_start3A_821 = arith.constant 0 : i32
      %dma_start3A_822 = tpu.memref_slice %arg4[%add3A_704, %dma_start3A_816, %add3A, %dma_start3A_820, %dma_start3A_821] : memref<200x8x32x8x128xf32, #tpu.memory_space<hbm>> -> memref<1x1x1x8x128xf32, #tpu.memory_space<hbm>>
      %dma_start3A_823 = tpu.memref_squeeze %dma_start3A_822 : memref<1x1x1x8x128xf32, #tpu.memory_space<hbm>> -> memref<8x128xf32, #tpu.memory_space<hbm>>
      %dma_start3A_824 = arith.constant 0 : i32
      %dma_start3A_825 = arith.constant 0 : i32
      %dma_start3A_826 = tpu.memref_slice %arg4[%add3A_704, %dma_start3A_816, %add3A, %dma_start3A_824, %dma_start3A_825] : memref<200x8x32x8x128xf32, #tpu.memory_space<hbm>> -> memref<1x1x1x8x128xf32, #tpu.memory_space<hbm>>
      %dma_start3A_827 = tpu.memref_squeeze %dma_start3A_826 : memref<1x1x1x8x128xf32, #tpu.memory_space<hbm>> -> memref<8x128xf32, #tpu.memory_space<hbm>>
      %dma_start3A_828 = arith.constant 48 : i32
      %dma_start3A_829 = arith.constant 0 : i32
      %dma_start3A_830 = tpu.memref_slice %arg11[%dma_start3A_828, %dma_start3A_829] : memref<64x133xf32, #tpu.memory_space<vmem>> -> memref<8x128xf32, #tpu.memory_space<vmem>>
      tpu.enqueue_dma source(%dma_start3A_830 : memref<8x128xf32, #tpu.memory_space<vmem>>) target(%dma_start3A_827 : memref<8x128xf32, #tpu.memory_space<hbm>>) target_semaphore(%arg19 : memref<!tpu.dma_semaphore, #tpu.memory_space<semaphore_mem>>)
      %dma_start3A_831 = arith.constant 7 : i32
      %dma_start3A_832 = arith.constant 56 : i32
      %dma_start3A_833 = arith.constant 0 : i32
      %dma_start3A_834 = tpu.memref_slice %arg11[%dma_start3A_832, %dma_start3A_833] : memref<64x133xf32, #tpu.memory_space<vmem>> -> memref<8x128xf32, #tpu.memory_space<vmem>>
      %dma_start3A_835 = arith.constant 0 : i32
      %dma_start3A_836 = arith.constant 0 : i32
      %dma_start3A_837 = tpu.memref_slice %arg4[%add3A_704, %dma_start3A_831, %add3A, %dma_start3A_835, %dma_start3A_836] : memref<200x8x32x8x128xf32, #tpu.memory_space<hbm>> -> memref<1x1x1x8x128xf32, #tpu.memory_space<hbm>>
      %dma_start3A_838 = tpu.memref_squeeze %dma_start3A_837 : memref<1x1x1x8x128xf32, #tpu.memory_space<hbm>> -> memref<8x128xf32, #tpu.memory_space<hbm>>
      %dma_start3A_839 = arith.constant 0 : i32
      %dma_start3A_840 = arith.constant 0 : i32
      %dma_start3A_841 = tpu.memref_slice %arg4[%add3A_704, %dma_start3A_831, %add3A, %dma_start3A_839, %dma_start3A_840] : memref<200x8x32x8x128xf32, #tpu.memory_space<hbm>> -> memref<1x1x1x8x128xf32, #tpu.memory_space<hbm>>
      %dma_start3A_842 = tpu.memref_squeeze %dma_start3A_841 : memref<1x1x1x8x128xf32, #tpu.memory_space<hbm>> -> memref<8x128xf32, #tpu.memory_space<hbm>>
      %dma_start3A_843 = arith.constant 56 : i32
      %dma_start3A_844 = arith.constant 0 : i32
      %dma_start3A_845 = tpu.memref_slice %arg11[%dma_start3A_843, %dma_start3A_844] : memref<64x133xf32, #tpu.memory_space<vmem>> -> memref<8x128xf32, #tpu.memory_space<vmem>>
      tpu.enqueue_dma source(%dma_start3A_845 : memref<8x128xf32, #tpu.memory_space<vmem>>) target(%dma_start3A_842 : memref<8x128xf32, #tpu.memory_space<hbm>>) target_semaphore(%arg19 : memref<!tpu.dma_semaphore, #tpu.memory_space<semaphore_mem>>)
      %mul3A_846 = arith.constant 4 : i32
      %mul3A_847 = arith.muli %scan3A_560, %mul3A_846 : i32
      %add3A_848 = arith.constant 2 : i32
      %add3A_849 = arith.addi %mul3A_847, %add3A_848 : i32
      %dma_wait3A_850 = arith.constant 0 : i32
      %dma_wait3A_851 = arith.constant 0 : i32
      %dma_wait3A_852 = arith.constant 0 : i32
      %dma_wait3A_853 = tpu.memref_slice %arg5[%dma_wait3A_850, %dma_wait3A_851, %dma_wait3A_852] : memref<25x8x128xi32, #tpu.memory_space<vmem>> -> memref<1x1x128xi32, #tpu.memory_space<vmem>>
      %dma_wait3A_854 = tpu.memref_squeeze %dma_wait3A_853 : memref<1x1x128xi32, #tpu.memory_space<vmem>> -> memref<128xi32, #tpu.memory_space<vmem>>
      %dma_wait3A_855 = arith.constant 0 : i32
      %dma_wait3A_856 = arith.constant 0 : i32
      %dma_wait3A_857 = tpu.memref_slice %arg3[%dma_wait3A_855, %dma_wait3A_856] : memref<1000000x64xf32, #tpu.memory_space<hbm>> -> memref<1000000x64xf32, #tpu.memory_space<hbm>>
      tpu.wait_indirect_dma semaphore(%arg16 : memref<!tpu.dma_semaphore, #tpu.memory_space<semaphore_mem>>) src(%dma_wait3A_857 : memref<1000000x64xf32, #tpu.memory_space<hbm>>) dst(%arg8 : memref<128x64xf32, #tpu.memory_space<vmem>>)
      %ge3A_858 = arith.constant 1 : i32
      %ge3A_859 = arith.cmpi sge, %scan3A_560, %ge3A_858 : i32
      %convert_element_type3A_860 = arith.extui %ge3A_859 : i1 to i32
      %cond3A_861 = arith.constant 0 : i32
      %cond3A_862 = arith.cmpi ne, %convert_element_type3A_860, %cond3A_861 : i32
      scf.if %cond3A_862 {
        %sub3A = arith.constant 4 : i32
        %sub3A_1136 = arith.subi %add3A_849, %sub3A : i32
        %dma_wait3A_1137 = arith.constant 0 : i32
        %dma_wait3A_1138 = arith.constant 0 : i32
        %dma_wait3A_1139 = arith.constant 0 : i32
        %dma_wait3A_1140 = tpu.memref_slice %arg12[%dma_wait3A_1138, %dma_wait3A_1139] : memref<64x133xf32, #tpu.memory_space<vmem>> -> memref<8x128xf32, #tpu.memory_space<vmem>>
        %dma_wait3A_1141 = arith.constant 0 : i32
        %dma_wait3A_1142 = arith.constant 0 : i32
        %dma_wait3A_1143 = tpu.memref_slice %arg4[%sub3A_1136, %dma_wait3A_1137, %add3A, %dma_wait3A_1141, %dma_wait3A_1142] : memref<200x8x32x8x128xf32, #tpu.memory_space<hbm>> -> memref<1x1x1x8x128xf32, #tpu.memory_space<hbm>>
        %dma_wait3A_1144 = tpu.memref_squeeze %dma_wait3A_1143 : memref<1x1x1x8x128xf32, #tpu.memory_space<hbm>> -> memref<8x128xf32, #tpu.memory_space<hbm>>
        %dma_wait3A_1145 = arith.constant 0 : i32
        %dma_wait3A_1146 = arith.constant 0 : i32
        %dma_wait3A_1147 = tpu.memref_slice %arg4[%sub3A_1136, %dma_wait3A_1137, %add3A, %dma_wait3A_1145, %dma_wait3A_1146] : memref<200x8x32x8x128xf32, #tpu.memory_space<hbm>> -> memref<1x1x1x8x128xf32, #tpu.memory_space<hbm>>
        %dma_wait3A_1148 = tpu.memref_squeeze %dma_wait3A_1147 : memref<1x1x1x8x128xf32, #tpu.memory_space<hbm>> -> memref<8x128xf32, #tpu.memory_space<hbm>>
        %dma_wait3A_1149 = arith.constant 0 : i32
        %dma_wait3A_1150 = arith.constant 0 : i32
        %dma_wait3A_1151 = tpu.memref_slice %arg12[%dma_wait3A_1149, %dma_wait3A_1150] : memref<64x133xf32, #tpu.memory_space<vmem>> -> memref<8x128xf32, #tpu.memory_space<vmem>>
        tpu.wait_dma2 semaphore(%arg20 : memref<!tpu.dma_semaphore, #tpu.memory_space<semaphore_mem>>) src(%dma_wait3A_1151 : memref<8x128xf32, #tpu.memory_space<vmem>>) dst(%dma_wait3A_1148 : memref<8x128xf32, #tpu.memory_space<hbm>>)
        %dma_wait3A_1152 = arith.constant 1 : i32
        %dma_wait3A_1153 = arith.constant 8 : i32
        %dma_wait3A_1154 = arith.constant 0 : i32
        %dma_wait3A_1155 = tpu.memref_slice %arg12[%dma_wait3A_1153, %dma_wait3A_1154] : memref<64x133xf32, #tpu.memory_space<vmem>> -> memref<8x128xf32, #tpu.memory_space<vmem>>
        %dma_wait3A_1156 = arith.constant 0 : i32
        %dma_wait3A_1157 = arith.constant 0 : i32
        %dma_wait3A_1158 = tpu.memref_slice %arg4[%sub3A_1136, %dma_wait3A_1152, %add3A, %dma_wait3A_1156, %dma_wait3A_1157] : memref<200x8x32x8x128xf32, #tpu.memory_space<hbm>> -> memref<1x1x1x8x128xf32, #tpu.memory_space<hbm>>
        %dma_wait3A_1159 = tpu.memref_squeeze %dma_wait3A_1158 : memref<1x1x1x8x128xf32, #tpu.memory_space<hbm>> -> memref<8x128xf32, #tpu.memory_space<hbm>>
        %dma_wait3A_1160 = arith.constant 0 : i32
        %dma_wait3A_1161 = arith.constant 0 : i32
        %dma_wait3A_1162 = tpu.memref_slice %arg4[%sub3A_1136, %dma_wait3A_1152, %add3A, %dma_wait3A_1160, %dma_wait3A_1161] : memref<200x8x32x8x128xf32, #tpu.memory_space<hbm>> -> memref<1x1x1x8x128xf32, #tpu.memory_space<hbm>>
        %dma_wait3A_1163 = tpu.memref_squeeze %dma_wait3A_1162 : memref<1x1x1x8x128xf32, #tpu.memory_space<hbm>> -> memref<8x128xf32, #tpu.memory_space<hbm>>
        %dma_wait3A_1164 = arith.constant 8 : i32
        %dma_wait3A_1165 = arith.constant 0 : i32
        %dma_wait3A_1166 = tpu.memref_slice %arg12[%dma_wait3A_1164, %dma_wait3A_1165] : memref<64x133xf32, #tpu.memory_space<vmem>> -> memref<8x128xf32, #tpu.memory_space<vmem>>
        tpu.wait_dma2 semaphore(%arg20 : memref<!tpu.dma_semaphore, #tpu.memory_space<semaphore_mem>>) src(%dma_wait3A_1166 : memref<8x128xf32, #tpu.memory_space<vmem>>) dst(%dma_wait3A_1163 : memref<8x128xf32, #tpu.memory_space<hbm>>)
        %dma_wait3A_1167 = arith.constant 2 : i32
        %dma_wait3A_1168 = arith.constant 16 : i32
        %dma_wait3A_1169 = arith.constant 0 : i32
        %dma_wait3A_1170 = tpu.memref_slice %arg12[%dma_wait3A_1168, %dma_wait3A_1169] : memref<64x133xf32, #tpu.memory_space<vmem>> -> memref<8x128xf32, #tpu.memory_space<vmem>>
        %dma_wait3A_1171 = arith.constant 0 : i32
        %dma_wait3A_1172 = arith.constant 0 : i32
        %dma_wait3A_1173 = tpu.memref_slice %arg4[%sub3A_1136, %dma_wait3A_1167, %add3A, %dma_wait3A_1171, %dma_wait3A_1172] : memref<200x8x32x8x128xf32, #tpu.memory_space<hbm>> -> memref<1x1x1x8x128xf32, #tpu.memory_space<hbm>>
        %dma_wait3A_1174 = tpu.memref_squeeze %dma_wait3A_1173 : memref<1x1x1x8x128xf32, #tpu.memory_space<hbm>> -> memref<8x128xf32, #tpu.memory_space<hbm>>
        %dma_wait3A_1175 = arith.constant 0 : i32
        %dma_wait3A_1176 = arith.constant 0 : i32
        %dma_wait3A_1177 = tpu.memref_slice %arg4[%sub3A_1136, %dma_wait3A_1167, %add3A, %dma_wait3A_1175, %dma_wait3A_1176] : memref<200x8x32x8x128xf32, #tpu.memory_space<hbm>> -> memref<1x1x1x8x128xf32, #tpu.memory_space<hbm>>
        %dma_wait3A_1178 = tpu.memref_squeeze %dma_wait3A_1177 : memref<1x1x1x8x128xf32, #tpu.memory_space<hbm>> -> memref<8x128xf32, #tpu.memory_space<hbm>>
        %dma_wait3A_1179 = arith.constant 16 : i32
        %dma_wait3A_1180 = arith.constant 0 : i32
        %dma_wait3A_1181 = tpu.memref_slice %arg12[%dma_wait3A_1179, %dma_wait3A_1180] : memref<64x133xf32, #tpu.memory_space<vmem>> -> memref<8x128xf32, #tpu.memory_space<vmem>>
        tpu.wait_dma2 semaphore(%arg20 : memref<!tpu.dma_semaphore, #tpu.memory_space<semaphore_mem>>) src(%dma_wait3A_1181 : memref<8x128xf32, #tpu.memory_space<vmem>>) dst(%dma_wait3A_1178 : memref<8x128xf32, #tpu.memory_space<hbm>>)
        %dma_wait3A_1182 = arith.constant 3 : i32
        %dma_wait3A_1183 = arith.constant 24 : i32
        %dma_wait3A_1184 = arith.constant 0 : i32
        %dma_wait3A_1185 = tpu.memref_slice %arg12[%dma_wait3A_1183, %dma_wait3A_1184] : memref<64x133xf32, #tpu.memory_space<vmem>> -> memref<8x128xf32, #tpu.memory_space<vmem>>
        %dma_wait3A_1186 = arith.constant 0 : i32
        %dma_wait3A_1187 = arith.constant 0 : i32
        %dma_wait3A_1188 = tpu.memref_slice %arg4[%sub3A_1136, %dma_wait3A_1182, %add3A, %dma_wait3A_1186, %dma_wait3A_1187] : memref<200x8x32x8x128xf32, #tpu.memory_space<hbm>> -> memref<1x1x1x8x128xf32, #tpu.memory_space<hbm>>
        %dma_wait3A_1189 = tpu.memref_squeeze %dma_wait3A_1188 : memref<1x1x1x8x128xf32, #tpu.memory_space<hbm>> -> memref<8x128xf32, #tpu.memory_space<hbm>>
        %dma_wait3A_1190 = arith.constant 0 : i32
        %dma_wait3A_1191 = arith.constant 0 : i32
        %dma_wait3A_1192 = tpu.memref_slice %arg4[%sub3A_1136, %dma_wait3A_1182, %add3A, %dma_wait3A_1190, %dma_wait3A_1191] : memref<200x8x32x8x128xf32, #tpu.memory_space<hbm>> -> memref<1x1x1x8x128xf32, #tpu.memory_space<hbm>>
        %dma_wait3A_1193 = tpu.memref_squeeze %dma_wait3A_1192 : memref<1x1x1x8x128xf32, #tpu.memory_space<hbm>> -> memref<8x128xf32, #tpu.memory_space<hbm>>
        %dma_wait3A_1194 = arith.constant 24 : i32
        %dma_wait3A_1195 = arith.constant 0 : i32
        %dma_wait3A_1196 = tpu.memref_slice %arg12[%dma_wait3A_1194, %dma_wait3A_1195] : memref<64x133xf32, #tpu.memory_space<vmem>> -> memref<8x128xf32, #tpu.memory_space<vmem>>
        tpu.wait_dma2 semaphore(%arg20 : memref<!tpu.dma_semaphore, #tpu.memory_space<semaphore_mem>>) src(%dma_wait3A_1196 : memref<8x128xf32, #tpu.memory_space<vmem>>) dst(%dma_wait3A_1193 : memref<8x128xf32, #tpu.memory_space<hbm>>)
        %dma_wait3A_1197 = arith.constant 4 : i32
        %dma_wait3A_1198 = arith.constant 32 : i32
        %dma_wait3A_1199 = arith.constant 0 : i32
        %dma_wait3A_1200 = tpu.memref_slice %arg12[%dma_wait3A_1198, %dma_wait3A_1199] : memref<64x133xf32, #tpu.memory_space<vmem>> -> memref<8x128xf32, #tpu.memory_space<vmem>>
        %dma_wait3A_1201 = arith.constant 0 : i32
        %dma_wait3A_1202 = arith.constant 0 : i32
        %dma_wait3A_1203 = tpu.memref_slice %arg4[%sub3A_1136, %dma_wait3A_1197, %add3A, %dma_wait3A_1201, %dma_wait3A_1202] : memref<200x8x32x8x128xf32, #tpu.memory_space<hbm>> -> memref<1x1x1x8x128xf32, #tpu.memory_space<hbm>>
        %dma_wait3A_1204 = tpu.memref_squeeze %dma_wait3A_1203 : memref<1x1x1x8x128xf32, #tpu.memory_space<hbm>> -> memref<8x128xf32, #tpu.memory_space<hbm>>
        %dma_wait3A_1205 = arith.constant 0 : i32
        %dma_wait3A_1206 = arith.constant 0 : i32
        %dma_wait3A_1207 = tpu.memref_slice %arg4[%sub3A_1136, %dma_wait3A_1197, %add3A, %dma_wait3A_1205, %dma_wait3A_1206] : memref<200x8x32x8x128xf32, #tpu.memory_space<hbm>> -> memref<1x1x1x8x128xf32, #tpu.memory_space<hbm>>
        %dma_wait3A_1208 = tpu.memref_squeeze %dma_wait3A_1207 : memref<1x1x1x8x128xf32, #tpu.memory_space<hbm>> -> memref<8x128xf32, #tpu.memory_space<hbm>>
        %dma_wait3A_1209 = arith.constant 32 : i32
        %dma_wait3A_1210 = arith.constant 0 : i32
        %dma_wait3A_1211 = tpu.memref_slice %arg12[%dma_wait3A_1209, %dma_wait3A_1210] : memref<64x133xf32, #tpu.memory_space<vmem>> -> memref<8x128xf32, #tpu.memory_space<vmem>>
        tpu.wait_dma2 semaphore(%arg20 : memref<!tpu.dma_semaphore, #tpu.memory_space<semaphore_mem>>) src(%dma_wait3A_1211 : memref<8x128xf32, #tpu.memory_space<vmem>>) dst(%dma_wait3A_1208 : memref<8x128xf32, #tpu.memory_space<hbm>>)
        %dma_wait3A_1212 = arith.constant 5 : i32
        %dma_wait3A_1213 = arith.constant 40 : i32
        %dma_wait3A_1214 = arith.constant 0 : i32
        %dma_wait3A_1215 = tpu.memref_slice %arg12[%dma_wait3A_1213, %dma_wait3A_1214] : memref<64x133xf32, #tpu.memory_space<vmem>> -> memref<8x128xf32, #tpu.memory_space<vmem>>
        %dma_wait3A_1216 = arith.constant 0 : i32
        %dma_wait3A_1217 = arith.constant 0 : i32
        %dma_wait3A_1218 = tpu.memref_slice %arg4[%sub3A_1136, %dma_wait3A_1212, %add3A, %dma_wait3A_1216, %dma_wait3A_1217] : memref<200x8x32x8x128xf32, #tpu.memory_space<hbm>> -> memref<1x1x1x8x128xf32, #tpu.memory_space<hbm>>
        %dma_wait3A_1219 = tpu.memref_squeeze %dma_wait3A_1218 : memref<1x1x1x8x128xf32, #tpu.memory_space<hbm>> -> memref<8x128xf32, #tpu.memory_space<hbm>>
        %dma_wait3A_1220 = arith.constant 0 : i32
        %dma_wait3A_1221 = arith.constant 0 : i32
        %dma_wait3A_1222 = tpu.memref_slice %arg4[%sub3A_1136, %dma_wait3A_1212, %add3A, %dma_wait3A_1220, %dma_wait3A_1221] : memref<200x8x32x8x128xf32, #tpu.memory_space<hbm>> -> memref<1x1x1x8x128xf32, #tpu.memory_space<hbm>>
        %dma_wait3A_1223 = tpu.memref_squeeze %dma_wait3A_1222 : memref<1x1x1x8x128xf32, #tpu.memory_space<hbm>> -> memref<8x128xf32, #tpu.memory_space<hbm>>
        %dma_wait3A_1224 = arith.constant 40 : i32
        %dma_wait3A_1225 = arith.constant 0 : i32
        %dma_wait3A_1226 = tpu.memref_slice %arg12[%dma_wait3A_1224, %dma_wait3A_1225] : memref<64x133xf32, #tpu.memory_space<vmem>> -> memref<8x128xf32, #tpu.memory_space<vmem>>
        tpu.wait_dma2 semaphore(%arg20 : memref<!tpu.dma_semaphore, #tpu.memory_space<semaphore_mem>>) src(%dma_wait3A_1226 : memref<8x128xf32, #tpu.memory_space<vmem>>) dst(%dma_wait3A_1223 : memref<8x128xf32, #tpu.memory_space<hbm>>)
        %dma_wait3A_1227 = arith.constant 6 : i32
        %dma_wait3A_1228 = arith.constant 48 : i32
        %dma_wait3A_1229 = arith.constant 0 : i32
        %dma_wait3A_1230 = tpu.memref_slice %arg12[%dma_wait3A_1228, %dma_wait3A_1229] : memref<64x133xf32, #tpu.memory_space<vmem>> -> memref<8x128xf32, #tpu.memory_space<vmem>>
        %dma_wait3A_1231 = arith.constant 0 : i32
        %dma_wait3A_1232 = arith.constant 0 : i32
        %dma_wait3A_1233 = tpu.memref_slice %arg4[%sub3A_1136, %dma_wait3A_1227, %add3A, %dma_wait3A_1231, %dma_wait3A_1232] : memref<200x8x32x8x128xf32, #tpu.memory_space<hbm>> -> memref<1x1x1x8x128xf32, #tpu.memory_space<hbm>>
        %dma_wait3A_1234 = tpu.memref_squeeze %dma_wait3A_1233 : memref<1x1x1x8x128xf32, #tpu.memory_space<hbm>> -> memref<8x128xf32, #tpu.memory_space<hbm>>
        %dma_wait3A_1235 = arith.constant 0 : i32
        %dma_wait3A_1236 = arith.constant 0 : i32
        %dma_wait3A_1237 = tpu.memref_slice %arg4[%sub3A_1136, %dma_wait3A_1227, %add3A, %dma_wait3A_1235, %dma_wait3A_1236] : memref<200x8x32x8x128xf32, #tpu.memory_space<hbm>> -> memref<1x1x1x8x128xf32, #tpu.memory_space<hbm>>
        %dma_wait3A_1238 = tpu.memref_squeeze %dma_wait3A_1237 : memref<1x1x1x8x128xf32, #tpu.memory_space<hbm>> -> memref<8x128xf32, #tpu.memory_space<hbm>>
        %dma_wait3A_1239 = arith.constant 48 : i32
        %dma_wait3A_1240 = arith.constant 0 : i32
        %dma_wait3A_1241 = tpu.memref_slice %arg12[%dma_wait3A_1239, %dma_wait3A_1240] : memref<64x133xf32, #tpu.memory_space<vmem>> -> memref<8x128xf32, #tpu.memory_space<vmem>>
        tpu.wait_dma2 semaphore(%arg20 : memref<!tpu.dma_semaphore, #tpu.memory_space<semaphore_mem>>) src(%dma_wait3A_1241 : memref<8x128xf32, #tpu.memory_space<vmem>>) dst(%dma_wait3A_1238 : memref<8x128xf32, #tpu.memory_space<hbm>>)
        %dma_wait3A_1242 = arith.constant 7 : i32
        %dma_wait3A_1243 = arith.constant 56 : i32
        %dma_wait3A_1244 = arith.constant 0 : i32
        %dma_wait3A_1245 = tpu.memref_slice %arg12[%dma_wait3A_1243, %dma_wait3A_1244] : memref<64x133xf32, #tpu.memory_space<vmem>> -> memref<8x128xf32, #tpu.memory_space<vmem>>
        %dma_wait3A_1246 = arith.constant 0 : i32
        %dma_wait3A_1247 = arith.constant 0 : i32
        %dma_wait3A_1248 = tpu.memref_slice %arg4[%sub3A_1136, %dma_wait3A_1242, %add3A, %dma_wait3A_1246, %dma_wait3A_1247] : memref<200x8x32x8x128xf32, #tpu.memory_space<hbm>> -> memref<1x1x1x8x128xf32, #tpu.memory_space<hbm>>
        %dma_wait3A_1249 = tpu.memref_squeeze %dma_wait3A_1248 : memref<1x1x1x8x128xf32, #tpu.memory_space<hbm>> -> memref<8x128xf32, #tpu.memory_space<hbm>>
        %dma_wait3A_1250 = arith.constant 0 : i32
        %dma_wait3A_1251 = arith.constant 0 : i32
        %dma_wait3A_1252 = tpu.memref_slice %arg4[%sub3A_1136, %dma_wait3A_1242, %add3A, %dma_wait3A_1250, %dma_wait3A_1251] : memref<200x8x32x8x128xf32, #tpu.memory_space<hbm>> -> memref<1x1x1x8x128xf32, #tpu.memory_space<hbm>>
        %dma_wait3A_1253 = tpu.memref_squeeze %dma_wait3A_1252 : memref<1x1x1x8x128xf32, #tpu.memory_space<hbm>> -> memref<8x128xf32, #tpu.memory_space<hbm>>
        %dma_wait3A_1254 = arith.constant 56 : i32
        %dma_wait3A_1255 = arith.constant 0 : i32
        %dma_wait3A_1256 = tpu.memref_slice %arg12[%dma_wait3A_1254, %dma_wait3A_1255] : memref<64x133xf32, #tpu.memory_space<vmem>> -> memref<8x128xf32, #tpu.memory_space<vmem>>
        tpu.wait_dma2 semaphore(%arg20 : memref<!tpu.dma_semaphore, #tpu.memory_space<semaphore_mem>>) src(%dma_wait3A_1256 : memref<8x128xf32, #tpu.memory_space<vmem>>) dst(%dma_wait3A_1253 : memref<8x128xf32, #tpu.memory_space<hbm>>)
      } else {
      }
      %parallel_loop3A_863 = arith.constant 0 : i32
      %parallel_loop3A_864 = arith.constant 128 : i32
      %parallel_loop3A_865 = arith.constant 1 : i32
      scf.for %parallel_loop3A_1136 = %parallel_loop3A_863 to %parallel_loop3A_864 step %parallel_loop3A_865  : i32 {
        %parallel_loop3A_1137 = vector.broadcast %parallel_loop3A_1136 : i32 to vector<16xi32>
        %parallel_loop3A_1138 = arith.index_cast %parallel_loop3A_1136 : i32 to index
        %parallel_loop3A_1139 = arith.constant 0 : index
        %parallel_loop3A_1140 = tpu.vector_load %arg8[%parallel_loop3A_1138, %parallel_loop3A_1139] {strides = array<i32>} : memref<128x64xf32, #tpu.memory_space<vmem>>, vector<16xf32>,
        %parallel_loop3A_1141 = arith.constant 8.000000e+00 : f32
        %parallel_loop3A_1142 = vector.broadcast %parallel_loop3A_1141 : f32 to vector<16xf32>
        %parallel_loop3A_1143 = arith.mulf %parallel_loop3A_1140, %parallel_loop3A_1142 : vector<16xf32>
        tpu.vector_store_idx %arg12[%add3A_3, %parallel_loop3A_1137], %parallel_loop3A_1143 : memref<64x133xf32, #tpu.memory_space<vmem>>[vector<16xi32>, vector<16xi32>], vector<16xf32>,
        %parallel_loop3A_1144 = arith.index_cast %parallel_loop3A_1136 : i32 to index
        %parallel_loop3A_1145 = arith.constant 16 : index
        %parallel_loop3A_1146 = tpu.vector_load %arg8[%parallel_loop3A_1144, %parallel_loop3A_1145] {strides = array<i32>} : memref<128x64xf32, #tpu.memory_space<vmem>>, vector<16xf32>,
        %parallel_loop3A_1147 = arith.constant 8.000000e+00 : f32
        %parallel_loop3A_1148 = vector.broadcast %parallel_loop3A_1147 : f32 to vector<16xf32>
        %parallel_loop3A_1149 = arith.mulf %parallel_loop3A_1146, %parallel_loop3A_1148 : vector<16xf32>
        tpu.vector_store_idx %arg12[%add3A_6, %parallel_loop3A_1137], %parallel_loop3A_1149 : memref<64x133xf32, #tpu.memory_space<vmem>>[vector<16xi32>, vector<16xi32>], vector<16xf32>,
        %parallel_loop3A_1150 = arith.index_cast %parallel_loop3A_1136 : i32 to index
        %parallel_loop3A_1151 = arith.constant 32 : index
        %parallel_loop3A_1152 = tpu.vector_load %arg8[%parallel_loop3A_1150, %parallel_loop3A_1151] {strides = array<i32>} : memref<128x64xf32, #tpu.memory_space<vmem>>, vector<16xf32>,
        %parallel_loop3A_1153 = arith.constant 8.000000e+00 : f32
        %parallel_loop3A_1154 = vector.broadcast %parallel_loop3A_1153 : f32 to vector<16xf32>
        %parallel_loop3A_1155 = arith.mulf %parallel_loop3A_1152, %parallel_loop3A_1154 : vector<16xf32>
        tpu.vector_store_idx %arg12[%add3A_9, %parallel_loop3A_1137], %parallel_loop3A_1155 : memref<64x133xf32, #tpu.memory_space<vmem>>[vector<16xi32>, vector<16xi32>], vector<16xf32>,
        %parallel_loop3A_1156 = arith.index_cast %parallel_loop3A_1136 : i32 to index
        %parallel_loop3A_1157 = arith.constant 48 : index
        %parallel_loop3A_1158 = tpu.vector_load %arg8[%parallel_loop3A_1156, %parallel_loop3A_1157] {strides = array<i32>} : memref<128x64xf32, #tpu.memory_space<vmem>>, vector<16xf32>,
        %parallel_loop3A_1159 = arith.constant 8.000000e+00 : f32
        %parallel_loop3A_1160 = vector.broadcast %parallel_loop3A_1159 : f32 to vector<16xf32>
        %parallel_loop3A_1161 = arith.mulf %parallel_loop3A_1158, %parallel_loop3A_1160 : vector<16xf32>
        tpu.vector_store_idx %arg12[%add3A_12, %parallel_loop3A_1137], %parallel_loop3A_1161 : memref<64x133xf32, #tpu.memory_space<vmem>>[vector<16xi32>, vector<16xi32>], vector<16xf32>,
      } {sc.loop_unroll_factor = 2 : i64, sc.parallel_access}
      %lt3A_866 = arith.constant 49 : i32
      %lt3A_867 = arith.cmpi slt, %scan3A_560, %lt3A_866 : i32
      %convert_element_type3A_868 = arith.extui %lt3A_867 : i1 to i32
      %cond3A_869 = arith.constant 0 : i32
      %cond3A_870 = arith.cmpi ne, %convert_element_type3A_868, %cond3A_869 : i32
      scf.if %cond3A_870 {
        %add3A_1136 = arith.constant 4 : i32
        %add3A_1137 = arith.addi %add3A_849, %add3A_1136 : i32
        %jit3A = arith.constant 8 : i32
        %div3A = arith.divsi %add3A_1137, %jit3A : i32
        %sign3A = arith.constant 0 : i32
        %sign3A_1138 = arith.cmpi sgt, %add3A_1137, %sign3A : i32
        %sign3A_1139 = arith.extui %sign3A_1138 : i1 to i32
        %sign3A_1140 = arith.constant 0 : i32
        %sign3A_1141 = arith.cmpi slt, %add3A_1137, %sign3A_1140 : i32
        %sign3A_1142 = arith.extui %sign3A_1141 : i1 to i32
        %sign3A_1143 = arith.subi %sign3A_1139, %sign3A_1142 : i32
        %sign3A_1144 = arith.constant 0 : i32
        %sign3A_1145 = arith.cmpi sgt, %jit3A, %sign3A_1144 : i32
        %sign3A_1146 = arith.extui %sign3A_1145 : i1 to i32
        %sign3A_1147 = arith.constant 0 : i32
        %sign3A_1148 = arith.cmpi slt, %jit3A, %sign3A_1147 : i32
        %sign3A_1149 = arith.extui %sign3A_1148 : i1 to i32
        %sign3A_1150 = arith.subi %sign3A_1146, %sign3A_1149 : i32
        %ne3A = arith.cmpi ne, %sign3A_1143, %sign3A_1150 : i32
        %rem3A = arith.remsi %add3A_1137, %jit3A : i32
        %ne3A_1151 = arith.constant 0 : i32
        %ne3A_1152 = arith.cmpi ne, %rem3A, %ne3A_1151 : i32
        %and3A = arith.andi %ne3A, %ne3A_1152 : i1
        %sub3A = arith.constant 1 : i32
        %sub3A_1153 = arith.subi %div3A, %sub3A : i32
        %select_n3A = arith.select %and3A, %sub3A_1153, %div3A : i32
        %mul3A_1154 = arith.constant 8 : i32
        %mul3A_1155 = arith.muli %select_n3A, %mul3A_1154 : i32
        %sub3A_1156 = arith.subi %add3A_1137, %mul3A_1155 : i32
        %dma_start3A_1157 = arith.constant 0 : i32
        %dma_start3A_1158 = tpu.memref_slice %arg5[%select_n3A, %sub3A_1156, %dma_start3A_1157] : memref<25x8x128xi32, #tpu.memory_space<vmem>> -> memref<1x1x128xi32, #tpu.memory_space<vmem>>
        %dma_start3A_1159 = tpu.memref_squeeze %dma_start3A_1158 : memref<1x1x128xi32, #tpu.memory_space<vmem>> -> memref<128xi32, #tpu.memory_space<vmem>>
        %dma_start3A_1160 = arith.constant 0 : i32
        %dma_start3A_1161 = arith.constant 0 : i32
        %dma_start3A_1162 = tpu.memref_slice %arg3[%dma_start3A_1160, %dma_start3A_1161] : memref<1000000x64xf32, #tpu.memory_space<hbm>> -> memref<1000000x64xf32, #tpu.memory_space<hbm>>
        tpu.enqueue_indirect_dma source(%dma_start3A_1162 : memref<1000000x64xf32, #tpu.memory_space<hbm>>) target(%arg8 : memref<128x64xf32, #tpu.memory_space<vmem>>) offsets(%dma_start3A_1159 : memref<128xi32, #tpu.memory_space<vmem>>) semaphore(%arg16 : memref<!tpu.dma_semaphore, #tpu.memory_space<semaphore_mem>>)
      } else {
      }
      %dma_start3A_871 = arith.constant 0 : i32
      %dma_start3A_872 = arith.constant 0 : i32
      %dma_start3A_873 = arith.constant 0 : i32
      %dma_start3A_874 = tpu.memref_slice %arg12[%dma_start3A_872, %dma_start3A_873] : memref<64x133xf32, #tpu.memory_space<vmem>> -> memref<8x128xf32, #tpu.memory_space<vmem>>
      %dma_start3A_875 = arith.constant 0 : i32
      %dma_start3A_876 = arith.constant 0 : i32
      %dma_start3A_877 = tpu.memref_slice %arg4[%add3A_849, %dma_start3A_871, %add3A, %dma_start3A_875, %dma_start3A_876] : memref<200x8x32x8x128xf32, #tpu.memory_space<hbm>> -> memref<1x1x1x8x128xf32, #tpu.memory_space<hbm>>
      %dma_start3A_878 = tpu.memref_squeeze %dma_start3A_877 : memref<1x1x1x8x128xf32, #tpu.memory_space<hbm>> -> memref<8x128xf32, #tpu.memory_space<hbm>>
      %dma_start3A_879 = arith.constant 0 : i32
      %dma_start3A_880 = arith.constant 0 : i32
      %dma_start3A_881 = tpu.memref_slice %arg4[%add3A_849, %dma_start3A_871, %add3A, %dma_start3A_879, %dma_start3A_880] : memref<200x8x32x8x128xf32, #tpu.memory_space<hbm>> -> memref<1x1x1x8x128xf32, #tpu.memory_space<hbm>>
      %dma_start3A_882 = tpu.memref_squeeze %dma_start3A_881 : memref<1x1x1x8x128xf32, #tpu.memory_space<hbm>> -> memref<8x128xf32, #tpu.memory_space<hbm>>
      %dma_start3A_883 = arith.constant 0 : i32
      %dma_start3A_884 = arith.constant 0 : i32
      %dma_start3A_885 = tpu.memref_slice %arg12[%dma_start3A_883, %dma_start3A_884] : memref<64x133xf32, #tpu.memory_space<vmem>> -> memref<8x128xf32, #tpu.memory_space<vmem>>
      tpu.enqueue_dma source(%dma_start3A_885 : memref<8x128xf32, #tpu.memory_space<vmem>>) target(%dma_start3A_882 : memref<8x128xf32, #tpu.memory_space<hbm>>) target_semaphore(%arg20 : memref<!tpu.dma_semaphore, #tpu.memory_space<semaphore_mem>>)
      %dma_start3A_886 = arith.constant 1 : i32
      %dma_start3A_887 = arith.constant 8 : i32
      %dma_start3A_888 = arith.constant 0 : i32
      %dma_start3A_889 = tpu.memref_slice %arg12[%dma_start3A_887, %dma_start3A_888] : memref<64x133xf32, #tpu.memory_space<vmem>> -> memref<8x128xf32, #tpu.memory_space<vmem>>
      %dma_start3A_890 = arith.constant 0 : i32
      %dma_start3A_891 = arith.constant 0 : i32
      %dma_start3A_892 = tpu.memref_slice %arg4[%add3A_849, %dma_start3A_886, %add3A, %dma_start3A_890, %dma_start3A_891] : memref<200x8x32x8x128xf32, #tpu.memory_space<hbm>> -> memref<1x1x1x8x128xf32, #tpu.memory_space<hbm>>
      %dma_start3A_893 = tpu.memref_squeeze %dma_start3A_892 : memref<1x1x1x8x128xf32, #tpu.memory_space<hbm>> -> memref<8x128xf32, #tpu.memory_space<hbm>>
      %dma_start3A_894 = arith.constant 0 : i32
      %dma_start3A_895 = arith.constant 0 : i32
      %dma_start3A_896 = tpu.memref_slice %arg4[%add3A_849, %dma_start3A_886, %add3A, %dma_start3A_894, %dma_start3A_895] : memref<200x8x32x8x128xf32, #tpu.memory_space<hbm>> -> memref<1x1x1x8x128xf32, #tpu.memory_space<hbm>>
      %dma_start3A_897 = tpu.memref_squeeze %dma_start3A_896 : memref<1x1x1x8x128xf32, #tpu.memory_space<hbm>> -> memref<8x128xf32, #tpu.memory_space<hbm>>
      %dma_start3A_898 = arith.constant 8 : i32
      %dma_start3A_899 = arith.constant 0 : i32
      %dma_start3A_900 = tpu.memref_slice %arg12[%dma_start3A_898, %dma_start3A_899] : memref<64x133xf32, #tpu.memory_space<vmem>> -> memref<8x128xf32, #tpu.memory_space<vmem>>
      tpu.enqueue_dma source(%dma_start3A_900 : memref<8x128xf32, #tpu.memory_space<vmem>>) target(%dma_start3A_897 : memref<8x128xf32, #tpu.memory_space<hbm>>) target_semaphore(%arg20 : memref<!tpu.dma_semaphore, #tpu.memory_space<semaphore_mem>>)
      %dma_start3A_901 = arith.constant 2 : i32
      %dma_start3A_902 = arith.constant 16 : i32
      %dma_start3A_903 = arith.constant 0 : i32
      %dma_start3A_904 = tpu.memref_slice %arg12[%dma_start3A_902, %dma_start3A_903] : memref<64x133xf32, #tpu.memory_space<vmem>> -> memref<8x128xf32, #tpu.memory_space<vmem>>
      %dma_start3A_905 = arith.constant 0 : i32
      %dma_start3A_906 = arith.constant 0 : i32
      %dma_start3A_907 = tpu.memref_slice %arg4[%add3A_849, %dma_start3A_901, %add3A, %dma_start3A_905, %dma_start3A_906] : memref<200x8x32x8x128xf32, #tpu.memory_space<hbm>> -> memref<1x1x1x8x128xf32, #tpu.memory_space<hbm>>
      %dma_start3A_908 = tpu.memref_squeeze %dma_start3A_907 : memref<1x1x1x8x128xf32, #tpu.memory_space<hbm>> -> memref<8x128xf32, #tpu.memory_space<hbm>>
      %dma_start3A_909 = arith.constant 0 : i32
      %dma_start3A_910 = arith.constant 0 : i32
      %dma_start3A_911 = tpu.memref_slice %arg4[%add3A_849, %dma_start3A_901, %add3A, %dma_start3A_909, %dma_start3A_910] : memref<200x8x32x8x128xf32, #tpu.memory_space<hbm>> -> memref<1x1x1x8x128xf32, #tpu.memory_space<hbm>>
      %dma_start3A_912 = tpu.memref_squeeze %dma_start3A_911 : memref<1x1x1x8x128xf32, #tpu.memory_space<hbm>> -> memref<8x128xf32, #tpu.memory_space<hbm>>
      %dma_start3A_913 = arith.constant 16 : i32
      %dma_start3A_914 = arith.constant 0 : i32
      %dma_start3A_915 = tpu.memref_slice %arg12[%dma_start3A_913, %dma_start3A_914] : memref<64x133xf32, #tpu.memory_space<vmem>> -> memref<8x128xf32, #tpu.memory_space<vmem>>
      tpu.enqueue_dma source(%dma_start3A_915 : memref<8x128xf32, #tpu.memory_space<vmem>>) target(%dma_start3A_912 : memref<8x128xf32, #tpu.memory_space<hbm>>) target_semaphore(%arg20 : memref<!tpu.dma_semaphore, #tpu.memory_space<semaphore_mem>>)
      %dma_start3A_916 = arith.constant 3 : i32
      %dma_start3A_917 = arith.constant 24 : i32
      %dma_start3A_918 = arith.constant 0 : i32
      %dma_start3A_919 = tpu.memref_slice %arg12[%dma_start3A_917, %dma_start3A_918] : memref<64x133xf32, #tpu.memory_space<vmem>> -> memref<8x128xf32, #tpu.memory_space<vmem>>
      %dma_start3A_920 = arith.constant 0 : i32
      %dma_start3A_921 = arith.constant 0 : i32
      %dma_start3A_922 = tpu.memref_slice %arg4[%add3A_849, %dma_start3A_916, %add3A, %dma_start3A_920, %dma_start3A_921] : memref<200x8x32x8x128xf32, #tpu.memory_space<hbm>> -> memref<1x1x1x8x128xf32, #tpu.memory_space<hbm>>
      %dma_start3A_923 = tpu.memref_squeeze %dma_start3A_922 : memref<1x1x1x8x128xf32, #tpu.memory_space<hbm>> -> memref<8x128xf32, #tpu.memory_space<hbm>>
      %dma_start3A_924 = arith.constant 0 : i32
      %dma_start3A_925 = arith.constant 0 : i32
      %dma_start3A_926 = tpu.memref_slice %arg4[%add3A_849, %dma_start3A_916, %add3A, %dma_start3A_924, %dma_start3A_925] : memref<200x8x32x8x128xf32, #tpu.memory_space<hbm>> -> memref<1x1x1x8x128xf32, #tpu.memory_space<hbm>>
      %dma_start3A_927 = tpu.memref_squeeze %dma_start3A_926 : memref<1x1x1x8x128xf32, #tpu.memory_space<hbm>> -> memref<8x128xf32, #tpu.memory_space<hbm>>
      %dma_start3A_928 = arith.constant 24 : i32
      %dma_start3A_929 = arith.constant 0 : i32
      %dma_start3A_930 = tpu.memref_slice %arg12[%dma_start3A_928, %dma_start3A_929] : memref<64x133xf32, #tpu.memory_space<vmem>> -> memref<8x128xf32, #tpu.memory_space<vmem>>
      tpu.enqueue_dma source(%dma_start3A_930 : memref<8x128xf32, #tpu.memory_space<vmem>>) target(%dma_start3A_927 : memref<8x128xf32, #tpu.memory_space<hbm>>) target_semaphore(%arg20 : memref<!tpu.dma_semaphore, #tpu.memory_space<semaphore_mem>>)
      %dma_start3A_931 = arith.constant 4 : i32
      %dma_start3A_932 = arith.constant 32 : i32
      %dma_start3A_933 = arith.constant 0 : i32
      %dma_start3A_934 = tpu.memref_slice %arg12[%dma_start3A_932, %dma_start3A_933] : memref<64x133xf32, #tpu.memory_space<vmem>> -> memref<8x128xf32, #tpu.memory_space<vmem>>
      %dma_start3A_935 = arith.constant 0 : i32
      %dma_start3A_936 = arith.constant 0 : i32
      %dma_start3A_937 = tpu.memref_slice %arg4[%add3A_849, %dma_start3A_931, %add3A, %dma_start3A_935, %dma_start3A_936] : memref<200x8x32x8x128xf32, #tpu.memory_space<hbm>> -> memref<1x1x1x8x128xf32, #tpu.memory_space<hbm>>
      %dma_start3A_938 = tpu.memref_squeeze %dma_start3A_937 : memref<1x1x1x8x128xf32, #tpu.memory_space<hbm>> -> memref<8x128xf32, #tpu.memory_space<hbm>>
      %dma_start3A_939 = arith.constant 0 : i32
      %dma_start3A_940 = arith.constant 0 : i32
      %dma_start3A_941 = tpu.memref_slice %arg4[%add3A_849, %dma_start3A_931, %add3A, %dma_start3A_939, %dma_start3A_940] : memref<200x8x32x8x128xf32, #tpu.memory_space<hbm>> -> memref<1x1x1x8x128xf32, #tpu.memory_space<hbm>>
      %dma_start3A_942 = tpu.memref_squeeze %dma_start3A_941 : memref<1x1x1x8x128xf32, #tpu.memory_space<hbm>> -> memref<8x128xf32, #tpu.memory_space<hbm>>
      %dma_start3A_943 = arith.constant 32 : i32
      %dma_start3A_944 = arith.constant 0 : i32
      %dma_start3A_945 = tpu.memref_slice %arg12[%dma_start3A_943, %dma_start3A_944] : memref<64x133xf32, #tpu.memory_space<vmem>> -> memref<8x128xf32, #tpu.memory_space<vmem>>
      tpu.enqueue_dma source(%dma_start3A_945 : memref<8x128xf32, #tpu.memory_space<vmem>>) target(%dma_start3A_942 : memref<8x128xf32, #tpu.memory_space<hbm>>) target_semaphore(%arg20 : memref<!tpu.dma_semaphore, #tpu.memory_space<semaphore_mem>>)
      %dma_start3A_946 = arith.constant 5 : i32
      %dma_start3A_947 = arith.constant 40 : i32
      %dma_start3A_948 = arith.constant 0 : i32
      %dma_start3A_949 = tpu.memref_slice %arg12[%dma_start3A_947, %dma_start3A_948] : memref<64x133xf32, #tpu.memory_space<vmem>> -> memref<8x128xf32, #tpu.memory_space<vmem>>
      %dma_start3A_950 = arith.constant 0 : i32
      %dma_start3A_951 = arith.constant 0 : i32
      %dma_start3A_952 = tpu.memref_slice %arg4[%add3A_849, %dma_start3A_946, %add3A, %dma_start3A_950, %dma_start3A_951] : memref<200x8x32x8x128xf32, #tpu.memory_space<hbm>> -> memref<1x1x1x8x128xf32, #tpu.memory_space<hbm>>
      %dma_start3A_953 = tpu.memref_squeeze %dma_start3A_952 : memref<1x1x1x8x128xf32, #tpu.memory_space<hbm>> -> memref<8x128xf32, #tpu.memory_space<hbm>>
      %dma_start3A_954 = arith.constant 0 : i32
      %dma_start3A_955 = arith.constant 0 : i32
      %dma_start3A_956 = tpu.memref_slice %arg4[%add3A_849, %dma_start3A_946, %add3A, %dma_start3A_954, %dma_start3A_955] : memref<200x8x32x8x128xf32, #tpu.memory_space<hbm>> -> memref<1x1x1x8x128xf32, #tpu.memory_space<hbm>>
      %dma_start3A_957 = tpu.memref_squeeze %dma_start3A_956 : memref<1x1x1x8x128xf32, #tpu.memory_space<hbm>> -> memref<8x128xf32, #tpu.memory_space<hbm>>
      %dma_start3A_958 = arith.constant 40 : i32
      %dma_start3A_959 = arith.constant 0 : i32
      %dma_start3A_960 = tpu.memref_slice %arg12[%dma_start3A_958, %dma_start3A_959] : memref<64x133xf32, #tpu.memory_space<vmem>> -> memref<8x128xf32, #tpu.memory_space<vmem>>
      tpu.enqueue_dma source(%dma_start3A_960 : memref<8x128xf32, #tpu.memory_space<vmem>>) target(%dma_start3A_957 : memref<8x128xf32, #tpu.memory_space<hbm>>) target_semaphore(%arg20 : memref<!tpu.dma_semaphore, #tpu.memory_space<semaphore_mem>>)
      %dma_start3A_961 = arith.constant 6 : i32
      %dma_start3A_962 = arith.constant 48 : i32
      %dma_start3A_963 = arith.constant 0 : i32
      %dma_start3A_964 = tpu.memref_slice %arg12[%dma_start3A_962, %dma_start3A_963] : memref<64x133xf32, #tpu.memory_space<vmem>> -> memref<8x128xf32, #tpu.memory_space<vmem>>
      %dma_start3A_965 = arith.constant 0 : i32
      %dma_start3A_966 = arith.constant 0 : i32
      %dma_start3A_967 = tpu.memref_slice %arg4[%add3A_849, %dma_start3A_961, %add3A, %dma_start3A_965, %dma_start3A_966] : memref<200x8x32x8x128xf32, #tpu.memory_space<hbm>> -> memref<1x1x1x8x128xf32, #tpu.memory_space<hbm>>
      %dma_start3A_968 = tpu.memref_squeeze %dma_start3A_967 : memref<1x1x1x8x128xf32, #tpu.memory_space<hbm>> -> memref<8x128xf32, #tpu.memory_space<hbm>>
      %dma_start3A_969 = arith.constant 0 : i32
      %dma_start3A_970 = arith.constant 0 : i32
      %dma_start3A_971 = tpu.memref_slice %arg4[%add3A_849, %dma_start3A_961, %add3A, %dma_start3A_969, %dma_start3A_970] : memref<200x8x32x8x128xf32, #tpu.memory_space<hbm>> -> memref<1x1x1x8x128xf32, #tpu.memory_space<hbm>>
      %dma_start3A_972 = tpu.memref_squeeze %dma_start3A_971 : memref<1x1x1x8x128xf32, #tpu.memory_space<hbm>> -> memref<8x128xf32, #tpu.memory_space<hbm>>
      %dma_start3A_973 = arith.constant 48 : i32
      %dma_start3A_974 = arith.constant 0 : i32
      %dma_start3A_975 = tpu.memref_slice %arg12[%dma_start3A_973, %dma_start3A_974] : memref<64x133xf32, #tpu.memory_space<vmem>> -> memref<8x128xf32, #tpu.memory_space<vmem>>
      tpu.enqueue_dma source(%dma_start3A_975 : memref<8x128xf32, #tpu.memory_space<vmem>>) target(%dma_start3A_972 : memref<8x128xf32, #tpu.memory_space<hbm>>) target_semaphore(%arg20 : memref<!tpu.dma_semaphore, #tpu.memory_space<semaphore_mem>>)
      %dma_start3A_976 = arith.constant 7 : i32
      %dma_start3A_977 = arith.constant 56 : i32
      %dma_start3A_978 = arith.constant 0 : i32
      %dma_start3A_979 = tpu.memref_slice %arg12[%dma_start3A_977, %dma_start3A_978] : memref<64x133xf32, #tpu.memory_space<vmem>> -> memref<8x128xf32, #tpu.memory_space<vmem>>
      %dma_start3A_980 = arith.constant 0 : i32
      %dma_start3A_981 = arith.constant 0 : i32
      %dma_start3A_982 = tpu.memref_slice %arg4[%add3A_849, %dma_start3A_976, %add3A, %dma_start3A_980, %dma_start3A_981] : memref<200x8x32x8x128xf32, #tpu.memory_space<hbm>> -> memref<1x1x1x8x128xf32, #tpu.memory_space<hbm>>
      %dma_start3A_983 = tpu.memref_squeeze %dma_start3A_982 : memref<1x1x1x8x128xf32, #tpu.memory_space<hbm>> -> memref<8x128xf32, #tpu.memory_space<hbm>>
      %dma_start3A_984 = arith.constant 0 : i32
      %dma_start3A_985 = arith.constant 0 : i32
      %dma_start3A_986 = tpu.memref_slice %arg4[%add3A_849, %dma_start3A_976, %add3A, %dma_start3A_984, %dma_start3A_985] : memref<200x8x32x8x128xf32, #tpu.memory_space<hbm>> -> memref<1x1x1x8x128xf32, #tpu.memory_space<hbm>>
      %dma_start3A_987 = tpu.memref_squeeze %dma_start3A_986 : memref<1x1x1x8x128xf32, #tpu.memory_space<hbm>> -> memref<8x128xf32, #tpu.memory_space<hbm>>
      %dma_start3A_988 = arith.constant 56 : i32
      %dma_start3A_989 = arith.constant 0 : i32
      %dma_start3A_990 = tpu.memref_slice %arg12[%dma_start3A_988, %dma_start3A_989] : memref<64x133xf32, #tpu.memory_space<vmem>> -> memref<8x128xf32, #tpu.memory_space<vmem>>
      tpu.enqueue_dma source(%dma_start3A_990 : memref<8x128xf32, #tpu.memory_space<vmem>>) target(%dma_start3A_987 : memref<8x128xf32, #tpu.memory_space<hbm>>) target_semaphore(%arg20 : memref<!tpu.dma_semaphore, #tpu.memory_space<semaphore_mem>>)
      %mul3A_991 = arith.constant 4 : i32
      %mul3A_992 = arith.muli %scan3A_560, %mul3A_991 : i32
      %add3A_993 = arith.constant 3 : i32
      %add3A_994 = arith.addi %mul3A_992, %add3A_993 : i32
      %dma_wait3A_995 = arith.constant 0 : i32
      %dma_wait3A_996 = arith.constant 0 : i32
      %dma_wait3A_997 = arith.constant 0 : i32
      %dma_wait3A_998 = tpu.memref_slice %arg5[%dma_wait3A_995, %dma_wait3A_996, %dma_wait3A_997] : memref<25x8x128xi32, #tpu.memory_space<vmem>> -> memref<1x1x128xi32, #tpu.memory_space<vmem>>
      %dma_wait3A_999 = tpu.memref_squeeze %dma_wait3A_998 : memref<1x1x128xi32, #tpu.memory_space<vmem>> -> memref<128xi32, #tpu.memory_space<vmem>>
      %dma_wait3A_1000 = arith.constant 0 : i32
      %dma_wait3A_1001 = arith.constant 0 : i32
      %dma_wait3A_1002 = tpu.memref_slice %arg3[%dma_wait3A_1000, %dma_wait3A_1001] : memref<1000000x64xf32, #tpu.memory_space<hbm>> -> memref<1000000x64xf32, #tpu.memory_space<hbm>>
      tpu.wait_indirect_dma semaphore(%arg17 : memref<!tpu.dma_semaphore, #tpu.memory_space<semaphore_mem>>) src(%dma_wait3A_1002 : memref<1000000x64xf32, #tpu.memory_space<hbm>>) dst(%arg9 : memref<128x64xf32, #tpu.memory_space<vmem>>)
      %ge3A_1003 = arith.constant 1 : i32
      %ge3A_1004 = arith.cmpi sge, %scan3A_560, %ge3A_1003 : i32
      %convert_element_type3A_1005 = arith.extui %ge3A_1004 : i1 to i32
      %cond3A_1006 = arith.constant 0 : i32
      %cond3A_1007 = arith.cmpi ne, %convert_element_type3A_1005, %cond3A_1006 : i32
      scf.if %cond3A_1007 {
        %sub3A = arith.constant 4 : i32
        %sub3A_1136 = arith.subi %add3A_994, %sub3A : i32
        %dma_wait3A_1137 = arith.constant 0 : i32
        %dma_wait3A_1138 = arith.constant 0 : i32
        %dma_wait3A_1139 = arith.constant 0 : i32
        %dma_wait3A_1140 = tpu.memref_slice %arg13[%dma_wait3A_1138, %dma_wait3A_1139] : memref<64x133xf32, #tpu.memory_space<vmem>> -> memref<8x128xf32, #tpu.memory_space<vmem>>
        %dma_wait3A_1141 = arith.constant 0 : i32
        %dma_wait3A_1142 = arith.constant 0 : i32
        %dma_wait3A_1143 = tpu.memref_slice %arg4[%sub3A_1136, %dma_wait3A_1137, %add3A, %dma_wait3A_1141, %dma_wait3A_1142] : memref<200x8x32x8x128xf32, #tpu.memory_space<hbm>> -> memref<1x1x1x8x128xf32, #tpu.memory_space<hbm>>
        %dma_wait3A_1144 = tpu.memref_squeeze %dma_wait3A_1143 : memref<1x1x1x8x128xf32, #tpu.memory_space<hbm>> -> memref<8x128xf32, #tpu.memory_space<hbm>>
        %dma_wait3A_1145 = arith.constant 0 : i32
        %dma_wait3A_1146 = arith.constant 0 : i32
        %dma_wait3A_1147 = tpu.memref_slice %arg4[%sub3A_1136, %dma_wait3A_1137, %add3A, %dma_wait3A_1145, %dma_wait3A_1146] : memref<200x8x32x8x128xf32, #tpu.memory_space<hbm>> -> memref<1x1x1x8x128xf32, #tpu.memory_space<hbm>>
        %dma_wait3A_1148 = tpu.memref_squeeze %dma_wait3A_1147 : memref<1x1x1x8x128xf32, #tpu.memory_space<hbm>> -> memref<8x128xf32, #tpu.memory_space<hbm>>
        %dma_wait3A_1149 = arith.constant 0 : i32
        %dma_wait3A_1150 = arith.constant 0 : i32
        %dma_wait3A_1151 = tpu.memref_slice %arg13[%dma_wait3A_1149, %dma_wait3A_1150] : memref<64x133xf32, #tpu.memory_space<vmem>> -> memref<8x128xf32, #tpu.memory_space<vmem>>
        tpu.wait_dma2 semaphore(%arg21 : memref<!tpu.dma_semaphore, #tpu.memory_space<semaphore_mem>>) src(%dma_wait3A_1151 : memref<8x128xf32, #tpu.memory_space<vmem>>) dst(%dma_wait3A_1148 : memref<8x128xf32, #tpu.memory_space<hbm>>)
        %dma_wait3A_1152 = arith.constant 1 : i32
        %dma_wait3A_1153 = arith.constant 8 : i32
        %dma_wait3A_1154 = arith.constant 0 : i32
        %dma_wait3A_1155 = tpu.memref_slice %arg13[%dma_wait3A_1153, %dma_wait3A_1154] : memref<64x133xf32, #tpu.memory_space<vmem>> -> memref<8x128xf32, #tpu.memory_space<vmem>>
        %dma_wait3A_1156 = arith.constant 0 : i32
        %dma_wait3A_1157 = arith.constant 0 : i32
        %dma_wait3A_1158 = tpu.memref_slice %arg4[%sub3A_1136, %dma_wait3A_1152, %add3A, %dma_wait3A_1156, %dma_wait3A_1157] : memref<200x8x32x8x128xf32, #tpu.memory_space<hbm>> -> memref<1x1x1x8x128xf32, #tpu.memory_space<hbm>>
        %dma_wait3A_1159 = tpu.memref_squeeze %dma_wait3A_1158 : memref<1x1x1x8x128xf32, #tpu.memory_space<hbm>> -> memref<8x128xf32, #tpu.memory_space<hbm>>
        %dma_wait3A_1160 = arith.constant 0 : i32
        %dma_wait3A_1161 = arith.constant 0 : i32
        %dma_wait3A_1162 = tpu.memref_slice %arg4[%sub3A_1136, %dma_wait3A_1152, %add3A, %dma_wait3A_1160, %dma_wait3A_1161] : memref<200x8x32x8x128xf32, #tpu.memory_space<hbm>> -> memref<1x1x1x8x128xf32, #tpu.memory_space<hbm>>
        %dma_wait3A_1163 = tpu.memref_squeeze %dma_wait3A_1162 : memref<1x1x1x8x128xf32, #tpu.memory_space<hbm>> -> memref<8x128xf32, #tpu.memory_space<hbm>>
        %dma_wait3A_1164 = arith.constant 8 : i32
        %dma_wait3A_1165 = arith.constant 0 : i32
        %dma_wait3A_1166 = tpu.memref_slice %arg13[%dma_wait3A_1164, %dma_wait3A_1165] : memref<64x133xf32, #tpu.memory_space<vmem>> -> memref<8x128xf32, #tpu.memory_space<vmem>>
        tpu.wait_dma2 semaphore(%arg21 : memref<!tpu.dma_semaphore, #tpu.memory_space<semaphore_mem>>) src(%dma_wait3A_1166 : memref<8x128xf32, #tpu.memory_space<vmem>>) dst(%dma_wait3A_1163 : memref<8x128xf32, #tpu.memory_space<hbm>>)
        %dma_wait3A_1167 = arith.constant 2 : i32
        %dma_wait3A_1168 = arith.constant 16 : i32
        %dma_wait3A_1169 = arith.constant 0 : i32
        %dma_wait3A_1170 = tpu.memref_slice %arg13[%dma_wait3A_1168, %dma_wait3A_1169] : memref<64x133xf32, #tpu.memory_space<vmem>> -> memref<8x128xf32, #tpu.memory_space<vmem>>
        %dma_wait3A_1171 = arith.constant 0 : i32
        %dma_wait3A_1172 = arith.constant 0 : i32
        %dma_wait3A_1173 = tpu.memref_slice %arg4[%sub3A_1136, %dma_wait3A_1167, %add3A, %dma_wait3A_1171, %dma_wait3A_1172] : memref<200x8x32x8x128xf32, #tpu.memory_space<hbm>> -> memref<1x1x1x8x128xf32, #tpu.memory_space<hbm>>
        %dma_wait3A_1174 = tpu.memref_squeeze %dma_wait3A_1173 : memref<1x1x1x8x128xf32, #tpu.memory_space<hbm>> -> memref<8x128xf32, #tpu.memory_space<hbm>>
        %dma_wait3A_1175 = arith.constant 0 : i32
        %dma_wait3A_1176 = arith.constant 0 : i32
        %dma_wait3A_1177 = tpu.memref_slice %arg4[%sub3A_1136, %dma_wait3A_1167, %add3A, %dma_wait3A_1175, %dma_wait3A_1176] : memref<200x8x32x8x128xf32, #tpu.memory_space<hbm>> -> memref<1x1x1x8x128xf32, #tpu.memory_space<hbm>>
        %dma_wait3A_1178 = tpu.memref_squeeze %dma_wait3A_1177 : memref<1x1x1x8x128xf32, #tpu.memory_space<hbm>> -> memref<8x128xf32, #tpu.memory_space<hbm>>
        %dma_wait3A_1179 = arith.constant 16 : i32
        %dma_wait3A_1180 = arith.constant 0 : i32
        %dma_wait3A_1181 = tpu.memref_slice %arg13[%dma_wait3A_1179, %dma_wait3A_1180] : memref<64x133xf32, #tpu.memory_space<vmem>> -> memref<8x128xf32, #tpu.memory_space<vmem>>
        tpu.wait_dma2 semaphore(%arg21 : memref<!tpu.dma_semaphore, #tpu.memory_space<semaphore_mem>>) src(%dma_wait3A_1181 : memref<8x128xf32, #tpu.memory_space<vmem>>) dst(%dma_wait3A_1178 : memref<8x128xf32, #tpu.memory_space<hbm>>)
        %dma_wait3A_1182 = arith.constant 3 : i32
        %dma_wait3A_1183 = arith.constant 24 : i32
        %dma_wait3A_1184 = arith.constant 0 : i32
        %dma_wait3A_1185 = tpu.memref_slice %arg13[%dma_wait3A_1183, %dma_wait3A_1184] : memref<64x133xf32, #tpu.memory_space<vmem>> -> memref<8x128xf32, #tpu.memory_space<vmem>>
        %dma_wait3A_1186 = arith.constant 0 : i32
        %dma_wait3A_1187 = arith.constant 0 : i32
        %dma_wait3A_1188 = tpu.memref_slice %arg4[%sub3A_1136, %dma_wait3A_1182, %add3A, %dma_wait3A_1186, %dma_wait3A_1187] : memref<200x8x32x8x128xf32, #tpu.memory_space<hbm>> -> memref<1x1x1x8x128xf32, #tpu.memory_space<hbm>>
        %dma_wait3A_1189 = tpu.memref_squeeze %dma_wait3A_1188 : memref<1x1x1x8x128xf32, #tpu.memory_space<hbm>> -> memref<8x128xf32, #tpu.memory_space<hbm>>
        %dma_wait3A_1190 = arith.constant 0 : i32
        %dma_wait3A_1191 = arith.constant 0 : i32
        %dma_wait3A_1192 = tpu.memref_slice %arg4[%sub3A_1136, %dma_wait3A_1182, %add3A, %dma_wait3A_1190, %dma_wait3A_1191] : memref<200x8x32x8x128xf32, #tpu.memory_space<hbm>> -> memref<1x1x1x8x128xf32, #tpu.memory_space<hbm>>
        %dma_wait3A_1193 = tpu.memref_squeeze %dma_wait3A_1192 : memref<1x1x1x8x128xf32, #tpu.memory_space<hbm>> -> memref<8x128xf32, #tpu.memory_space<hbm>>
        %dma_wait3A_1194 = arith.constant 24 : i32
        %dma_wait3A_1195 = arith.constant 0 : i32
        %dma_wait3A_1196 = tpu.memref_slice %arg13[%dma_wait3A_1194, %dma_wait3A_1195] : memref<64x133xf32, #tpu.memory_space<vmem>> -> memref<8x128xf32, #tpu.memory_space<vmem>>
        tpu.wait_dma2 semaphore(%arg21 : memref<!tpu.dma_semaphore, #tpu.memory_space<semaphore_mem>>) src(%dma_wait3A_1196 : memref<8x128xf32, #tpu.memory_space<vmem>>) dst(%dma_wait3A_1193 : memref<8x128xf32, #tpu.memory_space<hbm>>)
        %dma_wait3A_1197 = arith.constant 4 : i32
        %dma_wait3A_1198 = arith.constant 32 : i32
        %dma_wait3A_1199 = arith.constant 0 : i32
        %dma_wait3A_1200 = tpu.memref_slice %arg13[%dma_wait3A_1198, %dma_wait3A_1199] : memref<64x133xf32, #tpu.memory_space<vmem>> -> memref<8x128xf32, #tpu.memory_space<vmem>>
        %dma_wait3A_1201 = arith.constant 0 : i32
        %dma_wait3A_1202 = arith.constant 0 : i32
        %dma_wait3A_1203 = tpu.memref_slice %arg4[%sub3A_1136, %dma_wait3A_1197, %add3A, %dma_wait3A_1201, %dma_wait3A_1202] : memref<200x8x32x8x128xf32, #tpu.memory_space<hbm>> -> memref<1x1x1x8x128xf32, #tpu.memory_space<hbm>>
        %dma_wait3A_1204 = tpu.memref_squeeze %dma_wait3A_1203 : memref<1x1x1x8x128xf32, #tpu.memory_space<hbm>> -> memref<8x128xf32, #tpu.memory_space<hbm>>
        %dma_wait3A_1205 = arith.constant 0 : i32
        %dma_wait3A_1206 = arith.constant 0 : i32
        %dma_wait3A_1207 = tpu.memref_slice %arg4[%sub3A_1136, %dma_wait3A_1197, %add3A, %dma_wait3A_1205, %dma_wait3A_1206] : memref<200x8x32x8x128xf32, #tpu.memory_space<hbm>> -> memref<1x1x1x8x128xf32, #tpu.memory_space<hbm>>
        %dma_wait3A_1208 = tpu.memref_squeeze %dma_wait3A_1207 : memref<1x1x1x8x128xf32, #tpu.memory_space<hbm>> -> memref<8x128xf32, #tpu.memory_space<hbm>>
        %dma_wait3A_1209 = arith.constant 32 : i32
        %dma_wait3A_1210 = arith.constant 0 : i32
        %dma_wait3A_1211 = tpu.memref_slice %arg13[%dma_wait3A_1209, %dma_wait3A_1210] : memref<64x133xf32, #tpu.memory_space<vmem>> -> memref<8x128xf32, #tpu.memory_space<vmem>>
        tpu.wait_dma2 semaphore(%arg21 : memref<!tpu.dma_semaphore, #tpu.memory_space<semaphore_mem>>) src(%dma_wait3A_1211 : memref<8x128xf32, #tpu.memory_space<vmem>>) dst(%dma_wait3A_1208 : memref<8x128xf32, #tpu.memory_space<hbm>>)
        %dma_wait3A_1212 = arith.constant 5 : i32
        %dma_wait3A_1213 = arith.constant 40 : i32
        %dma_wait3A_1214 = arith.constant 0 : i32
        %dma_wait3A_1215 = tpu.memref_slice %arg13[%dma_wait3A_1213, %dma_wait3A_1214] : memref<64x133xf32, #tpu.memory_space<vmem>> -> memref<8x128xf32, #tpu.memory_space<vmem>>
        %dma_wait3A_1216 = arith.constant 0 : i32
        %dma_wait3A_1217 = arith.constant 0 : i32
        %dma_wait3A_1218 = tpu.memref_slice %arg4[%sub3A_1136, %dma_wait3A_1212, %add3A, %dma_wait3A_1216, %dma_wait3A_1217] : memref<200x8x32x8x128xf32, #tpu.memory_space<hbm>> -> memref<1x1x1x8x128xf32, #tpu.memory_space<hbm>>
        %dma_wait3A_1219 = tpu.memref_squeeze %dma_wait3A_1218 : memref<1x1x1x8x128xf32, #tpu.memory_space<hbm>> -> memref<8x128xf32, #tpu.memory_space<hbm>>
        %dma_wait3A_1220 = arith.constant 0 : i32
        %dma_wait3A_1221 = arith.constant 0 : i32
        %dma_wait3A_1222 = tpu.memref_slice %arg4[%sub3A_1136, %dma_wait3A_1212, %add3A, %dma_wait3A_1220, %dma_wait3A_1221] : memref<200x8x32x8x128xf32, #tpu.memory_space<hbm>> -> memref<1x1x1x8x128xf32, #tpu.memory_space<hbm>>
        %dma_wait3A_1223 = tpu.memref_squeeze %dma_wait3A_1222 : memref<1x1x1x8x128xf32, #tpu.memory_space<hbm>> -> memref<8x128xf32, #tpu.memory_space<hbm>>
        %dma_wait3A_1224 = arith.constant 40 : i32
        %dma_wait3A_1225 = arith.constant 0 : i32
        %dma_wait3A_1226 = tpu.memref_slice %arg13[%dma_wait3A_1224, %dma_wait3A_1225] : memref<64x133xf32, #tpu.memory_space<vmem>> -> memref<8x128xf32, #tpu.memory_space<vmem>>
        tpu.wait_dma2 semaphore(%arg21 : memref<!tpu.dma_semaphore, #tpu.memory_space<semaphore_mem>>) src(%dma_wait3A_1226 : memref<8x128xf32, #tpu.memory_space<vmem>>) dst(%dma_wait3A_1223 : memref<8x128xf32, #tpu.memory_space<hbm>>)
        %dma_wait3A_1227 = arith.constant 6 : i32
        %dma_wait3A_1228 = arith.constant 48 : i32
        %dma_wait3A_1229 = arith.constant 0 : i32
        %dma_wait3A_1230 = tpu.memref_slice %arg13[%dma_wait3A_1228, %dma_wait3A_1229] : memref<64x133xf32, #tpu.memory_space<vmem>> -> memref<8x128xf32, #tpu.memory_space<vmem>>
        %dma_wait3A_1231 = arith.constant 0 : i32
        %dma_wait3A_1232 = arith.constant 0 : i32
        %dma_wait3A_1233 = tpu.memref_slice %arg4[%sub3A_1136, %dma_wait3A_1227, %add3A, %dma_wait3A_1231, %dma_wait3A_1232] : memref<200x8x32x8x128xf32, #tpu.memory_space<hbm>> -> memref<1x1x1x8x128xf32, #tpu.memory_space<hbm>>
        %dma_wait3A_1234 = tpu.memref_squeeze %dma_wait3A_1233 : memref<1x1x1x8x128xf32, #tpu.memory_space<hbm>> -> memref<8x128xf32, #tpu.memory_space<hbm>>
        %dma_wait3A_1235 = arith.constant 0 : i32
        %dma_wait3A_1236 = arith.constant 0 : i32
        %dma_wait3A_1237 = tpu.memref_slice %arg4[%sub3A_1136, %dma_wait3A_1227, %add3A, %dma_wait3A_1235, %dma_wait3A_1236] : memref<200x8x32x8x128xf32, #tpu.memory_space<hbm>> -> memref<1x1x1x8x128xf32, #tpu.memory_space<hbm>>
        %dma_wait3A_1238 = tpu.memref_squeeze %dma_wait3A_1237 : memref<1x1x1x8x128xf32, #tpu.memory_space<hbm>> -> memref<8x128xf32, #tpu.memory_space<hbm>>
        %dma_wait3A_1239 = arith.constant 48 : i32
        %dma_wait3A_1240 = arith.constant 0 : i32
        %dma_wait3A_1241 = tpu.memref_slice %arg13[%dma_wait3A_1239, %dma_wait3A_1240] : memref<64x133xf32, #tpu.memory_space<vmem>> -> memref<8x128xf32, #tpu.memory_space<vmem>>
        tpu.wait_dma2 semaphore(%arg21 : memref<!tpu.dma_semaphore, #tpu.memory_space<semaphore_mem>>) src(%dma_wait3A_1241 : memref<8x128xf32, #tpu.memory_space<vmem>>) dst(%dma_wait3A_1238 : memref<8x128xf32, #tpu.memory_space<hbm>>)
        %dma_wait3A_1242 = arith.constant 7 : i32
        %dma_wait3A_1243 = arith.constant 56 : i32
        %dma_wait3A_1244 = arith.constant 0 : i32
        %dma_wait3A_1245 = tpu.memref_slice %arg13[%dma_wait3A_1243, %dma_wait3A_1244] : memref<64x133xf32, #tpu.memory_space<vmem>> -> memref<8x128xf32, #tpu.memory_space<vmem>>
        %dma_wait3A_1246 = arith.constant 0 : i32
        %dma_wait3A_1247 = arith.constant 0 : i32
        %dma_wait3A_1248 = tpu.memref_slice %arg4[%sub3A_1136, %dma_wait3A_1242, %add3A, %dma_wait3A_1246, %dma_wait3A_1247] : memref<200x8x32x8x128xf32, #tpu.memory_space<hbm>> -> memref<1x1x1x8x128xf32, #tpu.memory_space<hbm>>
        %dma_wait3A_1249 = tpu.memref_squeeze %dma_wait3A_1248 : memref<1x1x1x8x128xf32, #tpu.memory_space<hbm>> -> memref<8x128xf32, #tpu.memory_space<hbm>>
        %dma_wait3A_1250 = arith.constant 0 : i32
        %dma_wait3A_1251 = arith.constant 0 : i32
        %dma_wait3A_1252 = tpu.memref_slice %arg4[%sub3A_1136, %dma_wait3A_1242, %add3A, %dma_wait3A_1250, %dma_wait3A_1251] : memref<200x8x32x8x128xf32, #tpu.memory_space<hbm>> -> memref<1x1x1x8x128xf32, #tpu.memory_space<hbm>>
        %dma_wait3A_1253 = tpu.memref_squeeze %dma_wait3A_1252 : memref<1x1x1x8x128xf32, #tpu.memory_space<hbm>> -> memref<8x128xf32, #tpu.memory_space<hbm>>
        %dma_wait3A_1254 = arith.constant 56 : i32
        %dma_wait3A_1255 = arith.constant 0 : i32
        %dma_wait3A_1256 = tpu.memref_slice %arg13[%dma_wait3A_1254, %dma_wait3A_1255] : memref<64x133xf32, #tpu.memory_space<vmem>> -> memref<8x128xf32, #tpu.memory_space<vmem>>
        tpu.wait_dma2 semaphore(%arg21 : memref<!tpu.dma_semaphore, #tpu.memory_space<semaphore_mem>>) src(%dma_wait3A_1256 : memref<8x128xf32, #tpu.memory_space<vmem>>) dst(%dma_wait3A_1253 : memref<8x128xf32, #tpu.memory_space<hbm>>)
      } else {
      }
      %parallel_loop3A_1008 = arith.constant 0 : i32
      %parallel_loop3A_1009 = arith.constant 128 : i32
      %parallel_loop3A_1010 = arith.constant 1 : i32
      scf.for %parallel_loop3A_1136 = %parallel_loop3A_1008 to %parallel_loop3A_1009 step %parallel_loop3A_1010  : i32 {
        %parallel_loop3A_1137 = vector.broadcast %parallel_loop3A_1136 : i32 to vector<16xi32>
        %parallel_loop3A_1138 = arith.index_cast %parallel_loop3A_1136 : i32 to index
        %parallel_loop3A_1139 = arith.constant 0 : index
        %parallel_loop3A_1140 = tpu.vector_load %arg9[%parallel_loop3A_1138, %parallel_loop3A_1139] {strides = array<i32>} : memref<128x64xf32, #tpu.memory_space<vmem>>, vector<16xf32>,
        %parallel_loop3A_1141 = arith.constant 8.000000e+00 : f32
        %parallel_loop3A_1142 = vector.broadcast %parallel_loop3A_1141 : f32 to vector<16xf32>
        %parallel_loop3A_1143 = arith.mulf %parallel_loop3A_1140, %parallel_loop3A_1142 : vector<16xf32>
        tpu.vector_store_idx %arg13[%add3A_3, %parallel_loop3A_1137], %parallel_loop3A_1143 : memref<64x133xf32, #tpu.memory_space<vmem>>[vector<16xi32>, vector<16xi32>], vector<16xf32>,
        %parallel_loop3A_1144 = arith.index_cast %parallel_loop3A_1136 : i32 to index
        %parallel_loop3A_1145 = arith.constant 16 : index
        %parallel_loop3A_1146 = tpu.vector_load %arg9[%parallel_loop3A_1144, %parallel_loop3A_1145] {strides = array<i32>} : memref<128x64xf32, #tpu.memory_space<vmem>>, vector<16xf32>,
        %parallel_loop3A_1147 = arith.constant 8.000000e+00 : f32
        %parallel_loop3A_1148 = vector.broadcast %parallel_loop3A_1147 : f32 to vector<16xf32>
        %parallel_loop3A_1149 = arith.mulf %parallel_loop3A_1146, %parallel_loop3A_1148 : vector<16xf32>
        tpu.vector_store_idx %arg13[%add3A_6, %parallel_loop3A_1137], %parallel_loop3A_1149 : memref<64x133xf32, #tpu.memory_space<vmem>>[vector<16xi32>, vector<16xi32>], vector<16xf32>,
        %parallel_loop3A_1150 = arith.index_cast %parallel_loop3A_1136 : i32 to index
        %parallel_loop3A_1151 = arith.constant 32 : index
        %parallel_loop3A_1152 = tpu.vector_load %arg9[%parallel_loop3A_1150, %parallel_loop3A_1151] {strides = array<i32>} : memref<128x64xf32, #tpu.memory_space<vmem>>, vector<16xf32>,
        %parallel_loop3A_1153 = arith.constant 8.000000e+00 : f32
        %parallel_loop3A_1154 = vector.broadcast %parallel_loop3A_1153 : f32 to vector<16xf32>
        %parallel_loop3A_1155 = arith.mulf %parallel_loop3A_1152, %parallel_loop3A_1154 : vector<16xf32>
        tpu.vector_store_idx %arg13[%add3A_9, %parallel_loop3A_1137], %parallel_loop3A_1155 : memref<64x133xf32, #tpu.memory_space<vmem>>[vector<16xi32>, vector<16xi32>], vector<16xf32>,
        %parallel_loop3A_1156 = arith.index_cast %parallel_loop3A_1136 : i32 to index
        %parallel_loop3A_1157 = arith.constant 48 : index
        %parallel_loop3A_1158 = tpu.vector_load %arg9[%parallel_loop3A_1156, %parallel_loop3A_1157] {strides = array<i32>} : memref<128x64xf32, #tpu.memory_space<vmem>>, vector<16xf32>,
        %parallel_loop3A_1159 = arith.constant 8.000000e+00 : f32
        %parallel_loop3A_1160 = vector.broadcast %parallel_loop3A_1159 : f32 to vector<16xf32>
        %parallel_loop3A_1161 = arith.mulf %parallel_loop3A_1158, %parallel_loop3A_1160 : vector<16xf32>
        tpu.vector_store_idx %arg13[%add3A_12, %parallel_loop3A_1137], %parallel_loop3A_1161 : memref<64x133xf32, #tpu.memory_space<vmem>>[vector<16xi32>, vector<16xi32>], vector<16xf32>,
      } {sc.loop_unroll_factor = 2 : i64, sc.parallel_access}
      %lt3A_1011 = arith.constant 49 : i32
      %lt3A_1012 = arith.cmpi slt, %scan3A_560, %lt3A_1011 : i32
      %convert_element_type3A_1013 = arith.extui %lt3A_1012 : i1 to i32
      %cond3A_1014 = arith.constant 0 : i32
      %cond3A_1015 = arith.cmpi ne, %convert_element_type3A_1013, %cond3A_1014 : i32
      scf.if %cond3A_1015 {
        %add3A_1136 = arith.constant 4 : i32
        %add3A_1137 = arith.addi %add3A_994, %add3A_1136 : i32
        %jit3A = arith.constant 8 : i32
        %div3A = arith.divsi %add3A_1137, %jit3A : i32
        %sign3A = arith.constant 0 : i32
        %sign3A_1138 = arith.cmpi sgt, %add3A_1137, %sign3A : i32
        %sign3A_1139 = arith.extui %sign3A_1138 : i1 to i32
        %sign3A_1140 = arith.constant 0 : i32
        %sign3A_1141 = arith.cmpi slt, %add3A_1137, %sign3A_1140 : i32
        %sign3A_1142 = arith.extui %sign3A_1141 : i1 to i32
        %sign3A_1143 = arith.subi %sign3A_1139, %sign3A_1142 : i32
        %sign3A_1144 = arith.constant 0 : i32
        %sign3A_1145 = arith.cmpi sgt, %jit3A, %sign3A_1144 : i32
        %sign3A_1146 = arith.extui %sign3A_1145 : i1 to i32
        %sign3A_1147 = arith.constant 0 : i32
        %sign3A_1148 = arith.cmpi slt, %jit3A, %sign3A_1147 : i32
        %sign3A_1149 = arith.extui %sign3A_1148 : i1 to i32
        %sign3A_1150 = arith.subi %sign3A_1146, %sign3A_1149 : i32
        %ne3A = arith.cmpi ne, %sign3A_1143, %sign3A_1150 : i32
        %rem3A = arith.remsi %add3A_1137, %jit3A : i32
        %ne3A_1151 = arith.constant 0 : i32
        %ne3A_1152 = arith.cmpi ne, %rem3A, %ne3A_1151 : i32
        %and3A = arith.andi %ne3A, %ne3A_1152 : i1
        %sub3A = arith.constant 1 : i32
        %sub3A_1153 = arith.subi %div3A, %sub3A : i32
        %select_n3A = arith.select %and3A, %sub3A_1153, %div3A : i32
        %mul3A_1154 = arith.constant 8 : i32
        %mul3A_1155 = arith.muli %select_n3A, %mul3A_1154 : i32
        %sub3A_1156 = arith.subi %add3A_1137, %mul3A_1155 : i32
        %dma_start3A_1157 = arith.constant 0 : i32
        %dma_start3A_1158 = tpu.memref_slice %arg5[%select_n3A, %sub3A_1156, %dma_start3A_1157] : memref<25x8x128xi32, #tpu.memory_space<vmem>> -> memref<1x1x128xi32, #tpu.memory_space<vmem>>
        %dma_start3A_1159 = tpu.memref_squeeze %dma_start3A_1158 : memref<1x1x128xi32, #tpu.memory_space<vmem>> -> memref<128xi32, #tpu.memory_space<vmem>>
        %dma_start3A_1160 = arith.constant 0 : i32
        %dma_start3A_1161 = arith.constant 0 : i32
        %dma_start3A_1162 = tpu.memref_slice %arg3[%dma_start3A_1160, %dma_start3A_1161] : memref<1000000x64xf32, #tpu.memory_space<hbm>> -> memref<1000000x64xf32, #tpu.memory_space<hbm>>
        tpu.enqueue_indirect_dma source(%dma_start3A_1162 : memref<1000000x64xf32, #tpu.memory_space<hbm>>) target(%arg9 : memref<128x64xf32, #tpu.memory_space<vmem>>) offsets(%dma_start3A_1159 : memref<128xi32, #tpu.memory_space<vmem>>) semaphore(%arg17 : memref<!tpu.dma_semaphore, #tpu.memory_space<semaphore_mem>>)
      } else {
      }
      %dma_start3A_1016 = arith.constant 0 : i32
      %dma_start3A_1017 = arith.constant 0 : i32
      %dma_start3A_1018 = arith.constant 0 : i32
      %dma_start3A_1019 = tpu.memref_slice %arg13[%dma_start3A_1017, %dma_start3A_1018] : memref<64x133xf32, #tpu.memory_space<vmem>> -> memref<8x128xf32, #tpu.memory_space<vmem>>
      %dma_start3A_1020 = arith.constant 0 : i32
      %dma_start3A_1021 = arith.constant 0 : i32
      %dma_start3A_1022 = tpu.memref_slice %arg4[%add3A_994, %dma_start3A_1016, %add3A, %dma_start3A_1020, %dma_start3A_1021] : memref<200x8x32x8x128xf32, #tpu.memory_space<hbm>> -> memref<1x1x1x8x128xf32, #tpu.memory_space<hbm>>
      %dma_start3A_1023 = tpu.memref_squeeze %dma_start3A_1022 : memref<1x1x1x8x128xf32, #tpu.memory_space<hbm>> -> memref<8x128xf32, #tpu.memory_space<hbm>>
      %dma_start3A_1024 = arith.constant 0 : i32
      %dma_start3A_1025 = arith.constant 0 : i32
      %dma_start3A_1026 = tpu.memref_slice %arg4[%add3A_994, %dma_start3A_1016, %add3A, %dma_start3A_1024, %dma_start3A_1025] : memref<200x8x32x8x128xf32, #tpu.memory_space<hbm>> -> memref<1x1x1x8x128xf32, #tpu.memory_space<hbm>>
      %dma_start3A_1027 = tpu.memref_squeeze %dma_start3A_1026 : memref<1x1x1x8x128xf32, #tpu.memory_space<hbm>> -> memref<8x128xf32, #tpu.memory_space<hbm>>
      %dma_start3A_1028 = arith.constant 0 : i32
      %dma_start3A_1029 = arith.constant 0 : i32
      %dma_start3A_1030 = tpu.memref_slice %arg13[%dma_start3A_1028, %dma_start3A_1029] : memref<64x133xf32, #tpu.memory_space<vmem>> -> memref<8x128xf32, #tpu.memory_space<vmem>>
      tpu.enqueue_dma source(%dma_start3A_1030 : memref<8x128xf32, #tpu.memory_space<vmem>>) target(%dma_start3A_1027 : memref<8x128xf32, #tpu.memory_space<hbm>>) target_semaphore(%arg21 : memref<!tpu.dma_semaphore, #tpu.memory_space<semaphore_mem>>)
      %dma_start3A_1031 = arith.constant 1 : i32
      %dma_start3A_1032 = arith.constant 8 : i32
      %dma_start3A_1033 = arith.constant 0 : i32
      %dma_start3A_1034 = tpu.memref_slice %arg13[%dma_start3A_1032, %dma_start3A_1033] : memref<64x133xf32, #tpu.memory_space<vmem>> -> memref<8x128xf32, #tpu.memory_space<vmem>>
      %dma_start3A_1035 = arith.constant 0 : i32
      %dma_start3A_1036 = arith.constant 0 : i32
      %dma_start3A_1037 = tpu.memref_slice %arg4[%add3A_994, %dma_start3A_1031, %add3A, %dma_start3A_1035, %dma_start3A_1036] : memref<200x8x32x8x128xf32, #tpu.memory_space<hbm>> -> memref<1x1x1x8x128xf32, #tpu.memory_space<hbm>>
      %dma_start3A_1038 = tpu.memref_squeeze %dma_start3A_1037 : memref<1x1x1x8x128xf32, #tpu.memory_space<hbm>> -> memref<8x128xf32, #tpu.memory_space<hbm>>
      %dma_start3A_1039 = arith.constant 0 : i32
      %dma_start3A_1040 = arith.constant 0 : i32
      %dma_start3A_1041 = tpu.memref_slice %arg4[%add3A_994, %dma_start3A_1031, %add3A, %dma_start3A_1039, %dma_start3A_1040] : memref<200x8x32x8x128xf32, #tpu.memory_space<hbm>> -> memref<1x1x1x8x128xf32, #tpu.memory_space<hbm>>
      %dma_start3A_1042 = tpu.memref_squeeze %dma_start3A_1041 : memref<1x1x1x8x128xf32, #tpu.memory_space<hbm>> -> memref<8x128xf32, #tpu.memory_space<hbm>>
      %dma_start3A_1043 = arith.constant 8 : i32
      %dma_start3A_1044 = arith.constant 0 : i32
      %dma_start3A_1045 = tpu.memref_slice %arg13[%dma_start3A_1043, %dma_start3A_1044] : memref<64x133xf32, #tpu.memory_space<vmem>> -> memref<8x128xf32, #tpu.memory_space<vmem>>
      tpu.enqueue_dma source(%dma_start3A_1045 : memref<8x128xf32, #tpu.memory_space<vmem>>) target(%dma_start3A_1042 : memref<8x128xf32, #tpu.memory_space<hbm>>) target_semaphore(%arg21 : memref<!tpu.dma_semaphore, #tpu.memory_space<semaphore_mem>>)
      %dma_start3A_1046 = arith.constant 2 : i32
      %dma_start3A_1047 = arith.constant 16 : i32
      %dma_start3A_1048 = arith.constant 0 : i32
      %dma_start3A_1049 = tpu.memref_slice %arg13[%dma_start3A_1047, %dma_start3A_1048] : memref<64x133xf32, #tpu.memory_space<vmem>> -> memref<8x128xf32, #tpu.memory_space<vmem>>
      %dma_start3A_1050 = arith.constant 0 : i32
      %dma_start3A_1051 = arith.constant 0 : i32
      %dma_start3A_1052 = tpu.memref_slice %arg4[%add3A_994, %dma_start3A_1046, %add3A, %dma_start3A_1050, %dma_start3A_1051] : memref<200x8x32x8x128xf32, #tpu.memory_space<hbm>> -> memref<1x1x1x8x128xf32, #tpu.memory_space<hbm>>
      %dma_start3A_1053 = tpu.memref_squeeze %dma_start3A_1052 : memref<1x1x1x8x128xf32, #tpu.memory_space<hbm>> -> memref<8x128xf32, #tpu.memory_space<hbm>>
      %dma_start3A_1054 = arith.constant 0 : i32
      %dma_start3A_1055 = arith.constant 0 : i32
      %dma_start3A_1056 = tpu.memref_slice %arg4[%add3A_994, %dma_start3A_1046, %add3A, %dma_start3A_1054, %dma_start3A_1055] : memref<200x8x32x8x128xf32, #tpu.memory_space<hbm>> -> memref<1x1x1x8x128xf32, #tpu.memory_space<hbm>>
      %dma_start3A_1057 = tpu.memref_squeeze %dma_start3A_1056 : memref<1x1x1x8x128xf32, #tpu.memory_space<hbm>> -> memref<8x128xf32, #tpu.memory_space<hbm>>
      %dma_start3A_1058 = arith.constant 16 : i32
      %dma_start3A_1059 = arith.constant 0 : i32
      %dma_start3A_1060 = tpu.memref_slice %arg13[%dma_start3A_1058, %dma_start3A_1059] : memref<64x133xf32, #tpu.memory_space<vmem>> -> memref<8x128xf32, #tpu.memory_space<vmem>>
      tpu.enqueue_dma source(%dma_start3A_1060 : memref<8x128xf32, #tpu.memory_space<vmem>>) target(%dma_start3A_1057 : memref<8x128xf32, #tpu.memory_space<hbm>>) target_semaphore(%arg21 : memref<!tpu.dma_semaphore, #tpu.memory_space<semaphore_mem>>)
      %dma_start3A_1061 = arith.constant 3 : i32
      %dma_start3A_1062 = arith.constant 24 : i32
      %dma_start3A_1063 = arith.constant 0 : i32
      %dma_start3A_1064 = tpu.memref_slice %arg13[%dma_start3A_1062, %dma_start3A_1063] : memref<64x133xf32, #tpu.memory_space<vmem>> -> memref<8x128xf32, #tpu.memory_space<vmem>>
      %dma_start3A_1065 = arith.constant 0 : i32
      %dma_start3A_1066 = arith.constant 0 : i32
      %dma_start3A_1067 = tpu.memref_slice %arg4[%add3A_994, %dma_start3A_1061, %add3A, %dma_start3A_1065, %dma_start3A_1066] : memref<200x8x32x8x128xf32, #tpu.memory_space<hbm>> -> memref<1x1x1x8x128xf32, #tpu.memory_space<hbm>>
      %dma_start3A_1068 = tpu.memref_squeeze %dma_start3A_1067 : memref<1x1x1x8x128xf32, #tpu.memory_space<hbm>> -> memref<8x128xf32, #tpu.memory_space<hbm>>
      %dma_start3A_1069 = arith.constant 0 : i32
      %dma_start3A_1070 = arith.constant 0 : i32
      %dma_start3A_1071 = tpu.memref_slice %arg4[%add3A_994, %dma_start3A_1061, %add3A, %dma_start3A_1069, %dma_start3A_1070] : memref<200x8x32x8x128xf32, #tpu.memory_space<hbm>> -> memref<1x1x1x8x128xf32, #tpu.memory_space<hbm>>
      %dma_start3A_1072 = tpu.memref_squeeze %dma_start3A_1071 : memref<1x1x1x8x128xf32, #tpu.memory_space<hbm>> -> memref<8x128xf32, #tpu.memory_space<hbm>>
      %dma_start3A_1073 = arith.constant 24 : i32
      %dma_start3A_1074 = arith.constant 0 : i32
      %dma_start3A_1075 = tpu.memref_slice %arg13[%dma_start3A_1073, %dma_start3A_1074] : memref<64x133xf32, #tpu.memory_space<vmem>> -> memref<8x128xf32, #tpu.memory_space<vmem>>
      tpu.enqueue_dma source(%dma_start3A_1075 : memref<8x128xf32, #tpu.memory_space<vmem>>) target(%dma_start3A_1072 : memref<8x128xf32, #tpu.memory_space<hbm>>) target_semaphore(%arg21 : memref<!tpu.dma_semaphore, #tpu.memory_space<semaphore_mem>>)
      %dma_start3A_1076 = arith.constant 4 : i32
      %dma_start3A_1077 = arith.constant 32 : i32
      %dma_start3A_1078 = arith.constant 0 : i32
      %dma_start3A_1079 = tpu.memref_slice %arg13[%dma_start3A_1077, %dma_start3A_1078] : memref<64x133xf32, #tpu.memory_space<vmem>> -> memref<8x128xf32, #tpu.memory_space<vmem>>
      %dma_start3A_1080 = arith.constant 0 : i32
      %dma_start3A_1081 = arith.constant 0 : i32
      %dma_start3A_1082 = tpu.memref_slice %arg4[%add3A_994, %dma_start3A_1076, %add3A, %dma_start3A_1080, %dma_start3A_1081] : memref<200x8x32x8x128xf32, #tpu.memory_space<hbm>> -> memref<1x1x1x8x128xf32, #tpu.memory_space<hbm>>
      %dma_start3A_1083 = tpu.memref_squeeze %dma_start3A_1082 : memref<1x1x1x8x128xf32, #tpu.memory_space<hbm>> -> memref<8x128xf32, #tpu.memory_space<hbm>>
      %dma_start3A_1084 = arith.constant 0 : i32
      %dma_start3A_1085 = arith.constant 0 : i32
      %dma_start3A_1086 = tpu.memref_slice %arg4[%add3A_994, %dma_start3A_1076, %add3A, %dma_start3A_1084, %dma_start3A_1085] : memref<200x8x32x8x128xf32, #tpu.memory_space<hbm>> -> memref<1x1x1x8x128xf32, #tpu.memory_space<hbm>>
      %dma_start3A_1087 = tpu.memref_squeeze %dma_start3A_1086 : memref<1x1x1x8x128xf32, #tpu.memory_space<hbm>> -> memref<8x128xf32, #tpu.memory_space<hbm>>
      %dma_start3A_1088 = arith.constant 32 : i32
      %dma_start3A_1089 = arith.constant 0 : i32
      %dma_start3A_1090 = tpu.memref_slice %arg13[%dma_start3A_1088, %dma_start3A_1089] : memref<64x133xf32, #tpu.memory_space<vmem>> -> memref<8x128xf32, #tpu.memory_space<vmem>>
      tpu.enqueue_dma source(%dma_start3A_1090 : memref<8x128xf32, #tpu.memory_space<vmem>>) target(%dma_start3A_1087 : memref<8x128xf32, #tpu.memory_space<hbm>>) target_semaphore(%arg21 : memref<!tpu.dma_semaphore, #tpu.memory_space<semaphore_mem>>)
      %dma_start3A_1091 = arith.constant 5 : i32
      %dma_start3A_1092 = arith.constant 40 : i32
      %dma_start3A_1093 = arith.constant 0 : i32
      %dma_start3A_1094 = tpu.memref_slice %arg13[%dma_start3A_1092, %dma_start3A_1093] : memref<64x133xf32, #tpu.memory_space<vmem>> -> memref<8x128xf32, #tpu.memory_space<vmem>>
      %dma_start3A_1095 = arith.constant 0 : i32
      %dma_start3A_1096 = arith.constant 0 : i32
      %dma_start3A_1097 = tpu.memref_slice %arg4[%add3A_994, %dma_start3A_1091, %add3A, %dma_start3A_1095, %dma_start3A_1096] : memref<200x8x32x8x128xf32, #tpu.memory_space<hbm>> -> memref<1x1x1x8x128xf32, #tpu.memory_space<hbm>>
      %dma_start3A_1098 = tpu.memref_squeeze %dma_start3A_1097 : memref<1x1x1x8x128xf32, #tpu.memory_space<hbm>> -> memref<8x128xf32, #tpu.memory_space<hbm>>
      %dma_start3A_1099 = arith.constant 0 : i32
      %dma_start3A_1100 = arith.constant 0 : i32
      %dma_start3A_1101 = tpu.memref_slice %arg4[%add3A_994, %dma_start3A_1091, %add3A, %dma_start3A_1099, %dma_start3A_1100] : memref<200x8x32x8x128xf32, #tpu.memory_space<hbm>> -> memref<1x1x1x8x128xf32, #tpu.memory_space<hbm>>
      %dma_start3A_1102 = tpu.memref_squeeze %dma_start3A_1101 : memref<1x1x1x8x128xf32, #tpu.memory_space<hbm>> -> memref<8x128xf32, #tpu.memory_space<hbm>>
      %dma_start3A_1103 = arith.constant 40 : i32
      %dma_start3A_1104 = arith.constant 0 : i32
      %dma_start3A_1105 = tpu.memref_slice %arg13[%dma_start3A_1103, %dma_start3A_1104] : memref<64x133xf32, #tpu.memory_space<vmem>> -> memref<8x128xf32, #tpu.memory_space<vmem>>
      tpu.enqueue_dma source(%dma_start3A_1105 : memref<8x128xf32, #tpu.memory_space<vmem>>) target(%dma_start3A_1102 : memref<8x128xf32, #tpu.memory_space<hbm>>) target_semaphore(%arg21 : memref<!tpu.dma_semaphore, #tpu.memory_space<semaphore_mem>>)
      %dma_start3A_1106 = arith.constant 6 : i32
      %dma_start3A_1107 = arith.constant 48 : i32
      %dma_start3A_1108 = arith.constant 0 : i32
      %dma_start3A_1109 = tpu.memref_slice %arg13[%dma_start3A_1107, %dma_start3A_1108] : memref<64x133xf32, #tpu.memory_space<vmem>> -> memref<8x128xf32, #tpu.memory_space<vmem>>
      %dma_start3A_1110 = arith.constant 0 : i32
      %dma_start3A_1111 = arith.constant 0 : i32
      %dma_start3A_1112 = tpu.memref_slice %arg4[%add3A_994, %dma_start3A_1106, %add3A, %dma_start3A_1110, %dma_start3A_1111] : memref<200x8x32x8x128xf32, #tpu.memory_space<hbm>> -> memref<1x1x1x8x128xf32, #tpu.memory_space<hbm>>
      %dma_start3A_1113 = tpu.memref_squeeze %dma_start3A_1112 : memref<1x1x1x8x128xf32, #tpu.memory_space<hbm>> -> memref<8x128xf32, #tpu.memory_space<hbm>>
      %dma_start3A_1114 = arith.constant 0 : i32
      %dma_start3A_1115 = arith.constant 0 : i32
      %dma_start3A_1116 = tpu.memref_slice %arg4[%add3A_994, %dma_start3A_1106, %add3A, %dma_start3A_1114, %dma_start3A_1115] : memref<200x8x32x8x128xf32, #tpu.memory_space<hbm>> -> memref<1x1x1x8x128xf32, #tpu.memory_space<hbm>>
      %dma_start3A_1117 = tpu.memref_squeeze %dma_start3A_1116 : memref<1x1x1x8x128xf32, #tpu.memory_space<hbm>> -> memref<8x128xf32, #tpu.memory_space<hbm>>
      %dma_start3A_1118 = arith.constant 48 : i32
      %dma_start3A_1119 = arith.constant 0 : i32
      %dma_start3A_1120 = tpu.memref_slice %arg13[%dma_start3A_1118, %dma_start3A_1119] : memref<64x133xf32, #tpu.memory_space<vmem>> -> memref<8x128xf32, #tpu.memory_space<vmem>>
      tpu.enqueue_dma source(%dma_start3A_1120 : memref<8x128xf32, #tpu.memory_space<vmem>>) target(%dma_start3A_1117 : memref<8x128xf32, #tpu.memory_space<hbm>>) target_semaphore(%arg21 : memref<!tpu.dma_semaphore, #tpu.memory_space<semaphore_mem>>)
      %dma_start3A_1121 = arith.constant 7 : i32
      %dma_start3A_1122 = arith.constant 56 : i32
      %dma_start3A_1123 = arith.constant 0 : i32
      %dma_start3A_1124 = tpu.memref_slice %arg13[%dma_start3A_1122, %dma_start3A_1123] : memref<64x133xf32, #tpu.memory_space<vmem>> -> memref<8x128xf32, #tpu.memory_space<vmem>>
      %dma_start3A_1125 = arith.constant 0 : i32
      %dma_start3A_1126 = arith.constant 0 : i32
      %dma_start3A_1127 = tpu.memref_slice %arg4[%add3A_994, %dma_start3A_1121, %add3A, %dma_start3A_1125, %dma_start3A_1126] : memref<200x8x32x8x128xf32, #tpu.memory_space<hbm>> -> memref<1x1x1x8x128xf32, #tpu.memory_space<hbm>>
      %dma_start3A_1128 = tpu.memref_squeeze %dma_start3A_1127 : memref<1x1x1x8x128xf32, #tpu.memory_space<hbm>> -> memref<8x128xf32, #tpu.memory_space<hbm>>
      %dma_start3A_1129 = arith.constant 0 : i32
      %dma_start3A_1130 = arith.constant 0 : i32
      %dma_start3A_1131 = tpu.memref_slice %arg4[%add3A_994, %dma_start3A_1121, %add3A, %dma_start3A_1129, %dma_start3A_1130] : memref<200x8x32x8x128xf32, #tpu.memory_space<hbm>> -> memref<1x1x1x8x128xf32, #tpu.memory_space<hbm>>
      %dma_start3A_1132 = tpu.memref_squeeze %dma_start3A_1131 : memref<1x1x1x8x128xf32, #tpu.memory_space<hbm>> -> memref<8x128xf32, #tpu.memory_space<hbm>>
      %dma_start3A_1133 = arith.constant 56 : i32
      %dma_start3A_1134 = arith.constant 0 : i32
      %dma_start3A_1135 = tpu.memref_slice %arg13[%dma_start3A_1133, %dma_start3A_1134] : memref<64x133xf32, #tpu.memory_space<vmem>> -> memref<8x128xf32, #tpu.memory_space<vmem>>
      tpu.enqueue_dma source(%dma_start3A_1135 : memref<8x128xf32, #tpu.memory_space<vmem>>) target(%dma_start3A_1132 : memref<8x128xf32, #tpu.memory_space<hbm>>) target_semaphore(%arg21 : memref<!tpu.dma_semaphore, #tpu.memory_space<semaphore_mem>>)
    }
    %scan3A_48 = arith.constant 50 : i32
    %dma_wait3A = arith.constant 196 : i32
    %dma_wait3A_49 = arith.constant 0 : i32
    %dma_wait3A_50 = arith.constant 0 : i32
    %dma_wait3A_51 = arith.constant 0 : i32
    %dma_wait3A_52 = tpu.memref_slice %arg10[%dma_wait3A_50, %dma_wait3A_51] : memref<64x133xf32, #tpu.memory_space<vmem>> -> memref<8x128xf32, #tpu.memory_space<vmem>>
    %dma_wait3A_53 = arith.constant 0 : i32
    %dma_wait3A_54 = arith.constant 0 : i32
    %dma_wait3A_55 = tpu.memref_slice %arg4[%dma_wait3A, %dma_wait3A_49, %add3A, %dma_wait3A_53, %dma_wait3A_54] : memref<200x8x32x8x128xf32, #tpu.memory_space<hbm>> -> memref<1x1x1x8x128xf32, #tpu.memory_space<hbm>>
    %dma_wait3A_56 = tpu.memref_squeeze %dma_wait3A_55 : memref<1x1x1x8x128xf32, #tpu.memory_space<hbm>> -> memref<8x128xf32, #tpu.memory_space<hbm>>
    %dma_wait3A_57 = arith.constant 0 : i32
    %dma_wait3A_58 = arith.constant 0 : i32
    %dma_wait3A_59 = tpu.memref_slice %arg4[%dma_wait3A, %dma_wait3A_49, %add3A, %dma_wait3A_57, %dma_wait3A_58] : memref<200x8x32x8x128xf32, #tpu.memory_space<hbm>> -> memref<1x1x1x8x128xf32, #tpu.memory_space<hbm>>
    %dma_wait3A_60 = tpu.memref_squeeze %dma_wait3A_59 : memref<1x1x1x8x128xf32, #tpu.memory_space<hbm>> -> memref<8x128xf32, #tpu.memory_space<hbm>>
    %dma_wait3A_61 = arith.constant 0 : i32
    %dma_wait3A_62 = arith.constant 0 : i32
    %dma_wait3A_63 = tpu.memref_slice %arg10[%dma_wait3A_61, %dma_wait3A_62] : memref<64x133xf32, #tpu.memory_space<vmem>> -> memref<8x128xf32, #tpu.memory_space<vmem>>
    tpu.wait_dma2 semaphore(%arg18 : memref<!tpu.dma_semaphore, #tpu.memory_space<semaphore_mem>>) src(%dma_wait3A_63 : memref<8x128xf32, #tpu.memory_space<vmem>>) dst(%dma_wait3A_60 : memref<8x128xf32, #tpu.memory_space<hbm>>)
    %dma_wait3A_64 = arith.constant 196 : i32
    %dma_wait3A_65 = arith.constant 1 : i32
    %dma_wait3A_66 = arith.constant 8 : i32
    %dma_wait3A_67 = arith.constant 0 : i32
    %dma_wait3A_68 = tpu.memref_slice %arg10[%dma_wait3A_66, %dma_wait3A_67] : memref<64x133xf32, #tpu.memory_space<vmem>> -> memref<8x128xf32, #tpu.memory_space<vmem>>
    %dma_wait3A_69 = arith.constant 0 : i32
    %dma_wait3A_70 = arith.constant 0 : i32
    %dma_wait3A_71 = tpu.memref_slice %arg4[%dma_wait3A_64, %dma_wait3A_65, %add3A, %dma_wait3A_69, %dma_wait3A_70] : memref<200x8x32x8x128xf32, #tpu.memory_space<hbm>> -> memref<1x1x1x8x128xf32, #tpu.memory_space<hbm>>
    %dma_wait3A_72 = tpu.memref_squeeze %dma_wait3A_71 : memref<1x1x1x8x128xf32, #tpu.memory_space<hbm>> -> memref<8x128xf32, #tpu.memory_space<hbm>>
    %dma_wait3A_73 = arith.constant 0 : i32
    %dma_wait3A_74 = arith.constant 0 : i32
    %dma_wait3A_75 = tpu.memref_slice %arg4[%dma_wait3A_64, %dma_wait3A_65, %add3A, %dma_wait3A_73, %dma_wait3A_74] : memref<200x8x32x8x128xf32, #tpu.memory_space<hbm>> -> memref<1x1x1x8x128xf32, #tpu.memory_space<hbm>>
    %dma_wait3A_76 = tpu.memref_squeeze %dma_wait3A_75 : memref<1x1x1x8x128xf32, #tpu.memory_space<hbm>> -> memref<8x128xf32, #tpu.memory_space<hbm>>
    %dma_wait3A_77 = arith.constant 8 : i32
    %dma_wait3A_78 = arith.constant 0 : i32
    %dma_wait3A_79 = tpu.memref_slice %arg10[%dma_wait3A_77, %dma_wait3A_78] : memref<64x133xf32, #tpu.memory_space<vmem>> -> memref<8x128xf32, #tpu.memory_space<vmem>>
    tpu.wait_dma2 semaphore(%arg18 : memref<!tpu.dma_semaphore, #tpu.memory_space<semaphore_mem>>) src(%dma_wait3A_79 : memref<8x128xf32, #tpu.memory_space<vmem>>) dst(%dma_wait3A_76 : memref<8x128xf32, #tpu.memory_space<hbm>>)
    %dma_wait3A_80 = arith.constant 196 : i32
    %dma_wait3A_81 = arith.constant 2 : i32
    %dma_wait3A_82 = arith.constant 16 : i32
    %dma_wait3A_83 = arith.constant 0 : i32
    %dma_wait3A_84 = tpu.memref_slice %arg10[%dma_wait3A_82, %dma_wait3A_83] : memref<64x133xf32, #tpu.memory_space<vmem>> -> memref<8x128xf32, #tpu.memory_space<vmem>>
    %dma_wait3A_85 = arith.constant 0 : i32
    %dma_wait3A_86 = arith.constant 0 : i32
    %dma_wait3A_87 = tpu.memref_slice %arg4[%dma_wait3A_80, %dma_wait3A_81, %add3A, %dma_wait3A_85, %dma_wait3A_86] : memref<200x8x32x8x128xf32, #tpu.memory_space<hbm>> -> memref<1x1x1x8x128xf32, #tpu.memory_space<hbm>>
    %dma_wait3A_88 = tpu.memref_squeeze %dma_wait3A_87 : memref<1x1x1x8x128xf32, #tpu.memory_space<hbm>> -> memref<8x128xf32, #tpu.memory_space<hbm>>
    %dma_wait3A_89 = arith.constant 0 : i32
    %dma_wait3A_90 = arith.constant 0 : i32
    %dma_wait3A_91 = tpu.memref_slice %arg4[%dma_wait3A_80, %dma_wait3A_81, %add3A, %dma_wait3A_89, %dma_wait3A_90] : memref<200x8x32x8x128xf32, #tpu.memory_space<hbm>> -> memref<1x1x1x8x128xf32, #tpu.memory_space<hbm>>
    %dma_wait3A_92 = tpu.memref_squeeze %dma_wait3A_91 : memref<1x1x1x8x128xf32, #tpu.memory_space<hbm>> -> memref<8x128xf32, #tpu.memory_space<hbm>>
    %dma_wait3A_93 = arith.constant 16 : i32
    %dma_wait3A_94 = arith.constant 0 : i32
    %dma_wait3A_95 = tpu.memref_slice %arg10[%dma_wait3A_93, %dma_wait3A_94] : memref<64x133xf32, #tpu.memory_space<vmem>> -> memref<8x128xf32, #tpu.memory_space<vmem>>
    tpu.wait_dma2 semaphore(%arg18 : memref<!tpu.dma_semaphore, #tpu.memory_space<semaphore_mem>>) src(%dma_wait3A_95 : memref<8x128xf32, #tpu.memory_space<vmem>>) dst(%dma_wait3A_92 : memref<8x128xf32, #tpu.memory_space<hbm>>)
    %dma_wait3A_96 = arith.constant 196 : i32
    %dma_wait3A_97 = arith.constant 3 : i32
    %dma_wait3A_98 = arith.constant 24 : i32
    %dma_wait3A_99 = arith.constant 0 : i32
    %dma_wait3A_100 = tpu.memref_slice %arg10[%dma_wait3A_98, %dma_wait3A_99] : memref<64x133xf32, #tpu.memory_space<vmem>> -> memref<8x128xf32, #tpu.memory_space<vmem>>
    %dma_wait3A_101 = arith.constant 0 : i32
    %dma_wait3A_102 = arith.constant 0 : i32
    %dma_wait3A_103 = tpu.memref_slice %arg4[%dma_wait3A_96, %dma_wait3A_97, %add3A, %dma_wait3A_101, %dma_wait3A_102] : memref<200x8x32x8x128xf32, #tpu.memory_space<hbm>> -> memref<1x1x1x8x128xf32, #tpu.memory_space<hbm>>
    %dma_wait3A_104 = tpu.memref_squeeze %dma_wait3A_103 : memref<1x1x1x8x128xf32, #tpu.memory_space<hbm>> -> memref<8x128xf32, #tpu.memory_space<hbm>>
    %dma_wait3A_105 = arith.constant 0 : i32
    %dma_wait3A_106 = arith.constant 0 : i32
    %dma_wait3A_107 = tpu.memref_slice %arg4[%dma_wait3A_96, %dma_wait3A_97, %add3A, %dma_wait3A_105, %dma_wait3A_106] : memref<200x8x32x8x128xf32, #tpu.memory_space<hbm>> -> memref<1x1x1x8x128xf32, #tpu.memory_space<hbm>>
    %dma_wait3A_108 = tpu.memref_squeeze %dma_wait3A_107 : memref<1x1x1x8x128xf32, #tpu.memory_space<hbm>> -> memref<8x128xf32, #tpu.memory_space<hbm>>
    %dma_wait3A_109 = arith.constant 24 : i32
    %dma_wait3A_110 = arith.constant 0 : i32
    %dma_wait3A_111 = tpu.memref_slice %arg10[%dma_wait3A_109, %dma_wait3A_110] : memref<64x133xf32, #tpu.memory_space<vmem>> -> memref<8x128xf32, #tpu.memory_space<vmem>>
    tpu.wait_dma2 semaphore(%arg18 : memref<!tpu.dma_semaphore, #tpu.memory_space<semaphore_mem>>) src(%dma_wait3A_111 : memref<8x128xf32, #tpu.memory_space<vmem>>) dst(%dma_wait3A_108 : memref<8x128xf32, #tpu.memory_space<hbm>>)
    %dma_wait3A_112 = arith.constant 196 : i32
    %dma_wait3A_113 = arith.constant 4 : i32
    %dma_wait3A_114 = arith.constant 32 : i32
    %dma_wait3A_115 = arith.constant 0 : i32
    %dma_wait3A_116 = tpu.memref_slice %arg10[%dma_wait3A_114, %dma_wait3A_115] : memref<64x133xf32, #tpu.memory_space<vmem>> -> memref<8x128xf32, #tpu.memory_space<vmem>>
    %dma_wait3A_117 = arith.constant 0 : i32
    %dma_wait3A_118 = arith.constant 0 : i32
    %dma_wait3A_119 = tpu.memref_slice %arg4[%dma_wait3A_112, %dma_wait3A_113, %add3A, %dma_wait3A_117, %dma_wait3A_118] : memref<200x8x32x8x128xf32, #tpu.memory_space<hbm>> -> memref<1x1x1x8x128xf32, #tpu.memory_space<hbm>>
    %dma_wait3A_120 = tpu.memref_squeeze %dma_wait3A_119 : memref<1x1x1x8x128xf32, #tpu.memory_space<hbm>> -> memref<8x128xf32, #tpu.memory_space<hbm>>
    %dma_wait3A_121 = arith.constant 0 : i32
    %dma_wait3A_122 = arith.constant 0 : i32
    %dma_wait3A_123 = tpu.memref_slice %arg4[%dma_wait3A_112, %dma_wait3A_113, %add3A, %dma_wait3A_121, %dma_wait3A_122] : memref<200x8x32x8x128xf32, #tpu.memory_space<hbm>> -> memref<1x1x1x8x128xf32, #tpu.memory_space<hbm>>
    %dma_wait3A_124 = tpu.memref_squeeze %dma_wait3A_123 : memref<1x1x1x8x128xf32, #tpu.memory_space<hbm>> -> memref<8x128xf32, #tpu.memory_space<hbm>>
    %dma_wait3A_125 = arith.constant 32 : i32
    %dma_wait3A_126 = arith.constant 0 : i32
    %dma_wait3A_127 = tpu.memref_slice %arg10[%dma_wait3A_125, %dma_wait3A_126] : memref<64x133xf32, #tpu.memory_space<vmem>> -> memref<8x128xf32, #tpu.memory_space<vmem>>
    tpu.wait_dma2 semaphore(%arg18 : memref<!tpu.dma_semaphore, #tpu.memory_space<semaphore_mem>>) src(%dma_wait3A_127 : memref<8x128xf32, #tpu.memory_space<vmem>>) dst(%dma_wait3A_124 : memref<8x128xf32, #tpu.memory_space<hbm>>)
    %dma_wait3A_128 = arith.constant 196 : i32
    %dma_wait3A_129 = arith.constant 5 : i32
    %dma_wait3A_130 = arith.constant 40 : i32
    %dma_wait3A_131 = arith.constant 0 : i32
    %dma_wait3A_132 = tpu.memref_slice %arg10[%dma_wait3A_130, %dma_wait3A_131] : memref<64x133xf32, #tpu.memory_space<vmem>> -> memref<8x128xf32, #tpu.memory_space<vmem>>
    %dma_wait3A_133 = arith.constant 0 : i32
    %dma_wait3A_134 = arith.constant 0 : i32
    %dma_wait3A_135 = tpu.memref_slice %arg4[%dma_wait3A_128, %dma_wait3A_129, %add3A, %dma_wait3A_133, %dma_wait3A_134] : memref<200x8x32x8x128xf32, #tpu.memory_space<hbm>> -> memref<1x1x1x8x128xf32, #tpu.memory_space<hbm>>
    %dma_wait3A_136 = tpu.memref_squeeze %dma_wait3A_135 : memref<1x1x1x8x128xf32, #tpu.memory_space<hbm>> -> memref<8x128xf32, #tpu.memory_space<hbm>>
    %dma_wait3A_137 = arith.constant 0 : i32
    %dma_wait3A_138 = arith.constant 0 : i32
    %dma_wait3A_139 = tpu.memref_slice %arg4[%dma_wait3A_128, %dma_wait3A_129, %add3A, %dma_wait3A_137, %dma_wait3A_138] : memref<200x8x32x8x128xf32, #tpu.memory_space<hbm>> -> memref<1x1x1x8x128xf32, #tpu.memory_space<hbm>>
    %dma_wait3A_140 = tpu.memref_squeeze %dma_wait3A_139 : memref<1x1x1x8x128xf32, #tpu.memory_space<hbm>> -> memref<8x128xf32, #tpu.memory_space<hbm>>
    %dma_wait3A_141 = arith.constant 40 : i32
    %dma_wait3A_142 = arith.constant 0 : i32
    %dma_wait3A_143 = tpu.memref_slice %arg10[%dma_wait3A_141, %dma_wait3A_142] : memref<64x133xf32, #tpu.memory_space<vmem>> -> memref<8x128xf32, #tpu.memory_space<vmem>>
    tpu.wait_dma2 semaphore(%arg18 : memref<!tpu.dma_semaphore, #tpu.memory_space<semaphore_mem>>) src(%dma_wait3A_143 : memref<8x128xf32, #tpu.memory_space<vmem>>) dst(%dma_wait3A_140 : memref<8x128xf32, #tpu.memory_space<hbm>>)
    %dma_wait3A_144 = arith.constant 196 : i32
    %dma_wait3A_145 = arith.constant 6 : i32
    %dma_wait3A_146 = arith.constant 48 : i32
    %dma_wait3A_147 = arith.constant 0 : i32
    %dma_wait3A_148 = tpu.memref_slice %arg10[%dma_wait3A_146, %dma_wait3A_147] : memref<64x133xf32, #tpu.memory_space<vmem>> -> memref<8x128xf32, #tpu.memory_space<vmem>>
    %dma_wait3A_149 = arith.constant 0 : i32
    %dma_wait3A_150 = arith.constant 0 : i32
    %dma_wait3A_151 = tpu.memref_slice %arg4[%dma_wait3A_144, %dma_wait3A_145, %add3A, %dma_wait3A_149, %dma_wait3A_150] : memref<200x8x32x8x128xf32, #tpu.memory_space<hbm>> -> memref<1x1x1x8x128xf32, #tpu.memory_space<hbm>>
    %dma_wait3A_152 = tpu.memref_squeeze %dma_wait3A_151 : memref<1x1x1x8x128xf32, #tpu.memory_space<hbm>> -> memref<8x128xf32, #tpu.memory_space<hbm>>
    %dma_wait3A_153 = arith.constant 0 : i32
    %dma_wait3A_154 = arith.constant 0 : i32
    %dma_wait3A_155 = tpu.memref_slice %arg4[%dma_wait3A_144, %dma_wait3A_145, %add3A, %dma_wait3A_153, %dma_wait3A_154] : memref<200x8x32x8x128xf32, #tpu.memory_space<hbm>> -> memref<1x1x1x8x128xf32, #tpu.memory_space<hbm>>
    %dma_wait3A_156 = tpu.memref_squeeze %dma_wait3A_155 : memref<1x1x1x8x128xf32, #tpu.memory_space<hbm>> -> memref<8x128xf32, #tpu.memory_space<hbm>>
    %dma_wait3A_157 = arith.constant 48 : i32
    %dma_wait3A_158 = arith.constant 0 : i32
    %dma_wait3A_159 = tpu.memref_slice %arg10[%dma_wait3A_157, %dma_wait3A_158] : memref<64x133xf32, #tpu.memory_space<vmem>> -> memref<8x128xf32, #tpu.memory_space<vmem>>
    tpu.wait_dma2 semaphore(%arg18 : memref<!tpu.dma_semaphore, #tpu.memory_space<semaphore_mem>>) src(%dma_wait3A_159 : memref<8x128xf32, #tpu.memory_space<vmem>>) dst(%dma_wait3A_156 : memref<8x128xf32, #tpu.memory_space<hbm>>)
    %dma_wait3A_160 = arith.constant 196 : i32
    %dma_wait3A_161 = arith.constant 7 : i32
    %dma_wait3A_162 = arith.constant 56 : i32
    %dma_wait3A_163 = arith.constant 0 : i32
    %dma_wait3A_164 = tpu.memref_slice %arg10[%dma_wait3A_162, %dma_wait3A_163] : memref<64x133xf32, #tpu.memory_space<vmem>> -> memref<8x128xf32, #tpu.memory_space<vmem>>
    %dma_wait3A_165 = arith.constant 0 : i32
    %dma_wait3A_166 = arith.constant 0 : i32
    %dma_wait3A_167 = tpu.memref_slice %arg4[%dma_wait3A_160, %dma_wait3A_161, %add3A, %dma_wait3A_165, %dma_wait3A_166] : memref<200x8x32x8x128xf32, #tpu.memory_space<hbm>> -> memref<1x1x1x8x128xf32, #tpu.memory_space<hbm>>
    %dma_wait3A_168 = tpu.memref_squeeze %dma_wait3A_167 : memref<1x1x1x8x128xf32, #tpu.memory_space<hbm>> -> memref<8x128xf32, #tpu.memory_space<hbm>>
    %dma_wait3A_169 = arith.constant 0 : i32
    %dma_wait3A_170 = arith.constant 0 : i32
    %dma_wait3A_171 = tpu.memref_slice %arg4[%dma_wait3A_160, %dma_wait3A_161, %add3A, %dma_wait3A_169, %dma_wait3A_170] : memref<200x8x32x8x128xf32, #tpu.memory_space<hbm>> -> memref<1x1x1x8x128xf32, #tpu.memory_space<hbm>>
    %dma_wait3A_172 = tpu.memref_squeeze %dma_wait3A_171 : memref<1x1x1x8x128xf32, #tpu.memory_space<hbm>> -> memref<8x128xf32, #tpu.memory_space<hbm>>
    %dma_wait3A_173 = arith.constant 56 : i32
    %dma_wait3A_174 = arith.constant 0 : i32
    %dma_wait3A_175 = tpu.memref_slice %arg10[%dma_wait3A_173, %dma_wait3A_174] : memref<64x133xf32, #tpu.memory_space<vmem>> -> memref<8x128xf32, #tpu.memory_space<vmem>>
    tpu.wait_dma2 semaphore(%arg18 : memref<!tpu.dma_semaphore, #tpu.memory_space<semaphore_mem>>) src(%dma_wait3A_175 : memref<8x128xf32, #tpu.memory_space<vmem>>) dst(%dma_wait3A_172 : memref<8x128xf32, #tpu.memory_space<hbm>>)
    %dma_wait3A_176 = arith.constant 197 : i32
    %dma_wait3A_177 = arith.constant 0 : i32
    %dma_wait3A_178 = arith.constant 0 : i32
    %dma_wait3A_179 = arith.constant 0 : i32
    %dma_wait3A_180 = tpu.memref_slice %arg11[%dma_wait3A_178, %dma_wait3A_179] : memref<64x133xf32, #tpu.memory_space<vmem>> -> memref<8x128xf32, #tpu.memory_space<vmem>>
    %dma_wait3A_181 = arith.constant 0 : i32
    %dma_wait3A_182 = arith.constant 0 : i32
    %dma_wait3A_183 = tpu.memref_slice %arg4[%dma_wait3A_176, %dma_wait3A_177, %add3A, %dma_wait3A_181, %dma_wait3A_182] : memref<200x8x32x8x128xf32, #tpu.memory_space<hbm>> -> memref<1x1x1x8x128xf32, #tpu.memory_space<hbm>>
    %dma_wait3A_184 = tpu.memref_squeeze %dma_wait3A_183 : memref<1x1x1x8x128xf32, #tpu.memory_space<hbm>> -> memref<8x128xf32, #tpu.memory_space<hbm>>
    %dma_wait3A_185 = arith.constant 0 : i32
    %dma_wait3A_186 = arith.constant 0 : i32
    %dma_wait3A_187 = tpu.memref_slice %arg4[%dma_wait3A_176, %dma_wait3A_177, %add3A, %dma_wait3A_185, %dma_wait3A_186] : memref<200x8x32x8x128xf32, #tpu.memory_space<hbm>> -> memref<1x1x1x8x128xf32, #tpu.memory_space<hbm>>
    %dma_wait3A_188 = tpu.memref_squeeze %dma_wait3A_187 : memref<1x1x1x8x128xf32, #tpu.memory_space<hbm>> -> memref<8x128xf32, #tpu.memory_space<hbm>>
    %dma_wait3A_189 = arith.constant 0 : i32
    %dma_wait3A_190 = arith.constant 0 : i32
    %dma_wait3A_191 = tpu.memref_slice %arg11[%dma_wait3A_189, %dma_wait3A_190] : memref<64x133xf32, #tpu.memory_space<vmem>> -> memref<8x128xf32, #tpu.memory_space<vmem>>
    tpu.wait_dma2 semaphore(%arg19 : memref<!tpu.dma_semaphore, #tpu.memory_space<semaphore_mem>>) src(%dma_wait3A_191 : memref<8x128xf32, #tpu.memory_space<vmem>>) dst(%dma_wait3A_188 : memref<8x128xf32, #tpu.memory_space<hbm>>)
    %dma_wait3A_192 = arith.constant 197 : i32
    %dma_wait3A_193 = arith.constant 1 : i32
    %dma_wait3A_194 = arith.constant 8 : i32
    %dma_wait3A_195 = arith.constant 0 : i32
    %dma_wait3A_196 = tpu.memref_slice %arg11[%dma_wait3A_194, %dma_wait3A_195] : memref<64x133xf32, #tpu.memory_space<vmem>> -> memref<8x128xf32, #tpu.memory_space<vmem>>
    %dma_wait3A_197 = arith.constant 0 : i32
    %dma_wait3A_198 = arith.constant 0 : i32
    %dma_wait3A_199 = tpu.memref_slice %arg4[%dma_wait3A_192, %dma_wait3A_193, %add3A, %dma_wait3A_197, %dma_wait3A_198] : memref<200x8x32x8x128xf32, #tpu.memory_space<hbm>> -> memref<1x1x1x8x128xf32, #tpu.memory_space<hbm>>
    %dma_wait3A_200 = tpu.memref_squeeze %dma_wait3A_199 : memref<1x1x1x8x128xf32, #tpu.memory_space<hbm>> -> memref<8x128xf32, #tpu.memory_space<hbm>>
    %dma_wait3A_201 = arith.constant 0 : i32
    %dma_wait3A_202 = arith.constant 0 : i32
    %dma_wait3A_203 = tpu.memref_slice %arg4[%dma_wait3A_192, %dma_wait3A_193, %add3A, %dma_wait3A_201, %dma_wait3A_202] : memref<200x8x32x8x128xf32, #tpu.memory_space<hbm>> -> memref<1x1x1x8x128xf32, #tpu.memory_space<hbm>>
    %dma_wait3A_204 = tpu.memref_squeeze %dma_wait3A_203 : memref<1x1x1x8x128xf32, #tpu.memory_space<hbm>> -> memref<8x128xf32, #tpu.memory_space<hbm>>
    %dma_wait3A_205 = arith.constant 8 : i32
    %dma_wait3A_206 = arith.constant 0 : i32
    %dma_wait3A_207 = tpu.memref_slice %arg11[%dma_wait3A_205, %dma_wait3A_206] : memref<64x133xf32, #tpu.memory_space<vmem>> -> memref<8x128xf32, #tpu.memory_space<vmem>>
    tpu.wait_dma2 semaphore(%arg19 : memref<!tpu.dma_semaphore, #tpu.memory_space<semaphore_mem>>) src(%dma_wait3A_207 : memref<8x128xf32, #tpu.memory_space<vmem>>) dst(%dma_wait3A_204 : memref<8x128xf32, #tpu.memory_space<hbm>>)
    %dma_wait3A_208 = arith.constant 197 : i32
    %dma_wait3A_209 = arith.constant 2 : i32
    %dma_wait3A_210 = arith.constant 16 : i32
    %dma_wait3A_211 = arith.constant 0 : i32
    %dma_wait3A_212 = tpu.memref_slice %arg11[%dma_wait3A_210, %dma_wait3A_211] : memref<64x133xf32, #tpu.memory_space<vmem>> -> memref<8x128xf32, #tpu.memory_space<vmem>>
    %dma_wait3A_213 = arith.constant 0 : i32
    %dma_wait3A_214 = arith.constant 0 : i32
    %dma_wait3A_215 = tpu.memref_slice %arg4[%dma_wait3A_208, %dma_wait3A_209, %add3A, %dma_wait3A_213, %dma_wait3A_214] : memref<200x8x32x8x128xf32, #tpu.memory_space<hbm>> -> memref<1x1x1x8x128xf32, #tpu.memory_space<hbm>>
    %dma_wait3A_216 = tpu.memref_squeeze %dma_wait3A_215 : memref<1x1x1x8x128xf32, #tpu.memory_space<hbm>> -> memref<8x128xf32, #tpu.memory_space<hbm>>
    %dma_wait3A_217 = arith.constant 0 : i32
    %dma_wait3A_218 = arith.constant 0 : i32
    %dma_wait3A_219 = tpu.memref_slice %arg4[%dma_wait3A_208, %dma_wait3A_209, %add3A, %dma_wait3A_217, %dma_wait3A_218] : memref<200x8x32x8x128xf32, #tpu.memory_space<hbm>> -> memref<1x1x1x8x128xf32, #tpu.memory_space<hbm>>
    %dma_wait3A_220 = tpu.memref_squeeze %dma_wait3A_219 : memref<1x1x1x8x128xf32, #tpu.memory_space<hbm>> -> memref<8x128xf32, #tpu.memory_space<hbm>>
    %dma_wait3A_221 = arith.constant 16 : i32
    %dma_wait3A_222 = arith.constant 0 : i32
    %dma_wait3A_223 = tpu.memref_slice %arg11[%dma_wait3A_221, %dma_wait3A_222] : memref<64x133xf32, #tpu.memory_space<vmem>> -> memref<8x128xf32, #tpu.memory_space<vmem>>
    tpu.wait_dma2 semaphore(%arg19 : memref<!tpu.dma_semaphore, #tpu.memory_space<semaphore_mem>>) src(%dma_wait3A_223 : memref<8x128xf32, #tpu.memory_space<vmem>>) dst(%dma_wait3A_220 : memref<8x128xf32, #tpu.memory_space<hbm>>)
    %dma_wait3A_224 = arith.constant 197 : i32
    %dma_wait3A_225 = arith.constant 3 : i32
    %dma_wait3A_226 = arith.constant 24 : i32
    %dma_wait3A_227 = arith.constant 0 : i32
    %dma_wait3A_228 = tpu.memref_slice %arg11[%dma_wait3A_226, %dma_wait3A_227] : memref<64x133xf32, #tpu.memory_space<vmem>> -> memref<8x128xf32, #tpu.memory_space<vmem>>
    %dma_wait3A_229 = arith.constant 0 : i32
    %dma_wait3A_230 = arith.constant 0 : i32
    %dma_wait3A_231 = tpu.memref_slice %arg4[%dma_wait3A_224, %dma_wait3A_225, %add3A, %dma_wait3A_229, %dma_wait3A_230] : memref<200x8x32x8x128xf32, #tpu.memory_space<hbm>> -> memref<1x1x1x8x128xf32, #tpu.memory_space<hbm>>
    %dma_wait3A_232 = tpu.memref_squeeze %dma_wait3A_231 : memref<1x1x1x8x128xf32, #tpu.memory_space<hbm>> -> memref<8x128xf32, #tpu.memory_space<hbm>>
    %dma_wait3A_233 = arith.constant 0 : i32
    %dma_wait3A_234 = arith.constant 0 : i32
    %dma_wait3A_235 = tpu.memref_slice %arg4[%dma_wait3A_224, %dma_wait3A_225, %add3A, %dma_wait3A_233, %dma_wait3A_234] : memref<200x8x32x8x128xf32, #tpu.memory_space<hbm>> -> memref<1x1x1x8x128xf32, #tpu.memory_space<hbm>>
    %dma_wait3A_236 = tpu.memref_squeeze %dma_wait3A_235 : memref<1x1x1x8x128xf32, #tpu.memory_space<hbm>> -> memref<8x128xf32, #tpu.memory_space<hbm>>
    %dma_wait3A_237 = arith.constant 24 : i32
    %dma_wait3A_238 = arith.constant 0 : i32
    %dma_wait3A_239 = tpu.memref_slice %arg11[%dma_wait3A_237, %dma_wait3A_238] : memref<64x133xf32, #tpu.memory_space<vmem>> -> memref<8x128xf32, #tpu.memory_space<vmem>>
    tpu.wait_dma2 semaphore(%arg19 : memref<!tpu.dma_semaphore, #tpu.memory_space<semaphore_mem>>) src(%dma_wait3A_239 : memref<8x128xf32, #tpu.memory_space<vmem>>) dst(%dma_wait3A_236 : memref<8x128xf32, #tpu.memory_space<hbm>>)
    %dma_wait3A_240 = arith.constant 197 : i32
    %dma_wait3A_241 = arith.constant 4 : i32
    %dma_wait3A_242 = arith.constant 32 : i32
    %dma_wait3A_243 = arith.constant 0 : i32
    %dma_wait3A_244 = tpu.memref_slice %arg11[%dma_wait3A_242, %dma_wait3A_243] : memref<64x133xf32, #tpu.memory_space<vmem>> -> memref<8x128xf32, #tpu.memory_space<vmem>>
    %dma_wait3A_245 = arith.constant 0 : i32
    %dma_wait3A_246 = arith.constant 0 : i32
    %dma_wait3A_247 = tpu.memref_slice %arg4[%dma_wait3A_240, %dma_wait3A_241, %add3A, %dma_wait3A_245, %dma_wait3A_246] : memref<200x8x32x8x128xf32, #tpu.memory_space<hbm>> -> memref<1x1x1x8x128xf32, #tpu.memory_space<hbm>>
    %dma_wait3A_248 = tpu.memref_squeeze %dma_wait3A_247 : memref<1x1x1x8x128xf32, #tpu.memory_space<hbm>> -> memref<8x128xf32, #tpu.memory_space<hbm>>
    %dma_wait3A_249 = arith.constant 0 : i32
    %dma_wait3A_250 = arith.constant 0 : i32
    %dma_wait3A_251 = tpu.memref_slice %arg4[%dma_wait3A_240, %dma_wait3A_241, %add3A, %dma_wait3A_249, %dma_wait3A_250] : memref<200x8x32x8x128xf32, #tpu.memory_space<hbm>> -> memref<1x1x1x8x128xf32, #tpu.memory_space<hbm>>
    %dma_wait3A_252 = tpu.memref_squeeze %dma_wait3A_251 : memref<1x1x1x8x128xf32, #tpu.memory_space<hbm>> -> memref<8x128xf32, #tpu.memory_space<hbm>>
    %dma_wait3A_253 = arith.constant 32 : i32
    %dma_wait3A_254 = arith.constant 0 : i32
    %dma_wait3A_255 = tpu.memref_slice %arg11[%dma_wait3A_253, %dma_wait3A_254] : memref<64x133xf32, #tpu.memory_space<vmem>> -> memref<8x128xf32, #tpu.memory_space<vmem>>
    tpu.wait_dma2 semaphore(%arg19 : memref<!tpu.dma_semaphore, #tpu.memory_space<semaphore_mem>>) src(%dma_wait3A_255 : memref<8x128xf32, #tpu.memory_space<vmem>>) dst(%dma_wait3A_252 : memref<8x128xf32, #tpu.memory_space<hbm>>)
    %dma_wait3A_256 = arith.constant 197 : i32
    %dma_wait3A_257 = arith.constant 5 : i32
    %dma_wait3A_258 = arith.constant 40 : i32
    %dma_wait3A_259 = arith.constant 0 : i32
    %dma_wait3A_260 = tpu.memref_slice %arg11[%dma_wait3A_258, %dma_wait3A_259] : memref<64x133xf32, #tpu.memory_space<vmem>> -> memref<8x128xf32, #tpu.memory_space<vmem>>
    %dma_wait3A_261 = arith.constant 0 : i32
    %dma_wait3A_262 = arith.constant 0 : i32
    %dma_wait3A_263 = tpu.memref_slice %arg4[%dma_wait3A_256, %dma_wait3A_257, %add3A, %dma_wait3A_261, %dma_wait3A_262] : memref<200x8x32x8x128xf32, #tpu.memory_space<hbm>> -> memref<1x1x1x8x128xf32, #tpu.memory_space<hbm>>
    %dma_wait3A_264 = tpu.memref_squeeze %dma_wait3A_263 : memref<1x1x1x8x128xf32, #tpu.memory_space<hbm>> -> memref<8x128xf32, #tpu.memory_space<hbm>>
    %dma_wait3A_265 = arith.constant 0 : i32
    %dma_wait3A_266 = arith.constant 0 : i32
    %dma_wait3A_267 = tpu.memref_slice %arg4[%dma_wait3A_256, %dma_wait3A_257, %add3A, %dma_wait3A_265, %dma_wait3A_266] : memref<200x8x32x8x128xf32, #tpu.memory_space<hbm>> -> memref<1x1x1x8x128xf32, #tpu.memory_space<hbm>>
    %dma_wait3A_268 = tpu.memref_squeeze %dma_wait3A_267 : memref<1x1x1x8x128xf32, #tpu.memory_space<hbm>> -> memref<8x128xf32, #tpu.memory_space<hbm>>
    %dma_wait3A_269 = arith.constant 40 : i32
    %dma_wait3A_270 = arith.constant 0 : i32
    %dma_wait3A_271 = tpu.memref_slice %arg11[%dma_wait3A_269, %dma_wait3A_270] : memref<64x133xf32, #tpu.memory_space<vmem>> -> memref<8x128xf32, #tpu.memory_space<vmem>>
    tpu.wait_dma2 semaphore(%arg19 : memref<!tpu.dma_semaphore, #tpu.memory_space<semaphore_mem>>) src(%dma_wait3A_271 : memref<8x128xf32, #tpu.memory_space<vmem>>) dst(%dma_wait3A_268 : memref<8x128xf32, #tpu.memory_space<hbm>>)
    %dma_wait3A_272 = arith.constant 197 : i32
    %dma_wait3A_273 = arith.constant 6 : i32
    %dma_wait3A_274 = arith.constant 48 : i32
    %dma_wait3A_275 = arith.constant 0 : i32
    %dma_wait3A_276 = tpu.memref_slice %arg11[%dma_wait3A_274, %dma_wait3A_275] : memref<64x133xf32, #tpu.memory_space<vmem>> -> memref<8x128xf32, #tpu.memory_space<vmem>>
    %dma_wait3A_277 = arith.constant 0 : i32
    %dma_wait3A_278 = arith.constant 0 : i32
    %dma_wait3A_279 = tpu.memref_slice %arg4[%dma_wait3A_272, %dma_wait3A_273, %add3A, %dma_wait3A_277, %dma_wait3A_278] : memref<200x8x32x8x128xf32, #tpu.memory_space<hbm>> -> memref<1x1x1x8x128xf32, #tpu.memory_space<hbm>>
    %dma_wait3A_280 = tpu.memref_squeeze %dma_wait3A_279 : memref<1x1x1x8x128xf32, #tpu.memory_space<hbm>> -> memref<8x128xf32, #tpu.memory_space<hbm>>
    %dma_wait3A_281 = arith.constant 0 : i32
    %dma_wait3A_282 = arith.constant 0 : i32
    %dma_wait3A_283 = tpu.memref_slice %arg4[%dma_wait3A_272, %dma_wait3A_273, %add3A, %dma_wait3A_281, %dma_wait3A_282] : memref<200x8x32x8x128xf32, #tpu.memory_space<hbm>> -> memref<1x1x1x8x128xf32, #tpu.memory_space<hbm>>
    %dma_wait3A_284 = tpu.memref_squeeze %dma_wait3A_283 : memref<1x1x1x8x128xf32, #tpu.memory_space<hbm>> -> memref<8x128xf32, #tpu.memory_space<hbm>>
    %dma_wait3A_285 = arith.constant 48 : i32
    %dma_wait3A_286 = arith.constant 0 : i32
    %dma_wait3A_287 = tpu.memref_slice %arg11[%dma_wait3A_285, %dma_wait3A_286] : memref<64x133xf32, #tpu.memory_space<vmem>> -> memref<8x128xf32, #tpu.memory_space<vmem>>
    tpu.wait_dma2 semaphore(%arg19 : memref<!tpu.dma_semaphore, #tpu.memory_space<semaphore_mem>>) src(%dma_wait3A_287 : memref<8x128xf32, #tpu.memory_space<vmem>>) dst(%dma_wait3A_284 : memref<8x128xf32, #tpu.memory_space<hbm>>)
    %dma_wait3A_288 = arith.constant 197 : i32
    %dma_wait3A_289 = arith.constant 7 : i32
    %dma_wait3A_290 = arith.constant 56 : i32
    %dma_wait3A_291 = arith.constant 0 : i32
    %dma_wait3A_292 = tpu.memref_slice %arg11[%dma_wait3A_290, %dma_wait3A_291] : memref<64x133xf32, #tpu.memory_space<vmem>> -> memref<8x128xf32, #tpu.memory_space<vmem>>
    %dma_wait3A_293 = arith.constant 0 : i32
    %dma_wait3A_294 = arith.constant 0 : i32
    %dma_wait3A_295 = tpu.memref_slice %arg4[%dma_wait3A_288, %dma_wait3A_289, %add3A, %dma_wait3A_293, %dma_wait3A_294] : memref<200x8x32x8x128xf32, #tpu.memory_space<hbm>> -> memref<1x1x1x8x128xf32, #tpu.memory_space<hbm>>
    %dma_wait3A_296 = tpu.memref_squeeze %dma_wait3A_295 : memref<1x1x1x8x128xf32, #tpu.memory_space<hbm>> -> memref<8x128xf32, #tpu.memory_space<hbm>>
    %dma_wait3A_297 = arith.constant 0 : i32
    %dma_wait3A_298 = arith.constant 0 : i32
    %dma_wait3A_299 = tpu.memref_slice %arg4[%dma_wait3A_288, %dma_wait3A_289, %add3A, %dma_wait3A_297, %dma_wait3A_298] : memref<200x8x32x8x128xf32, #tpu.memory_space<hbm>> -> memref<1x1x1x8x128xf32, #tpu.memory_space<hbm>>
    %dma_wait3A_300 = tpu.memref_squeeze %dma_wait3A_299 : memref<1x1x1x8x128xf32, #tpu.memory_space<hbm>> -> memref<8x128xf32, #tpu.memory_space<hbm>>
    %dma_wait3A_301 = arith.constant 56 : i32
    %dma_wait3A_302 = arith.constant 0 : i32
    %dma_wait3A_303 = tpu.memref_slice %arg11[%dma_wait3A_301, %dma_wait3A_302] : memref<64x133xf32, #tpu.memory_space<vmem>> -> memref<8x128xf32, #tpu.memory_space<vmem>>
    tpu.wait_dma2 semaphore(%arg19 : memref<!tpu.dma_semaphore, #tpu.memory_space<semaphore_mem>>) src(%dma_wait3A_303 : memref<8x128xf32, #tpu.memory_space<vmem>>) dst(%dma_wait3A_300 : memref<8x128xf32, #tpu.memory_space<hbm>>)
    %dma_wait3A_304 = arith.constant 198 : i32
    %dma_wait3A_305 = arith.constant 0 : i32
    %dma_wait3A_306 = arith.constant 0 : i32
    %dma_wait3A_307 = arith.constant 0 : i32
    %dma_wait3A_308 = tpu.memref_slice %arg12[%dma_wait3A_306, %dma_wait3A_307] : memref<64x133xf32, #tpu.memory_space<vmem>> -> memref<8x128xf32, #tpu.memory_space<vmem>>
    %dma_wait3A_309 = arith.constant 0 : i32
    %dma_wait3A_310 = arith.constant 0 : i32
    %dma_wait3A_311 = tpu.memref_slice %arg4[%dma_wait3A_304, %dma_wait3A_305, %add3A, %dma_wait3A_309, %dma_wait3A_310] : memref<200x8x32x8x128xf32, #tpu.memory_space<hbm>> -> memref<1x1x1x8x128xf32, #tpu.memory_space<hbm>>
    %dma_wait3A_312 = tpu.memref_squeeze %dma_wait3A_311 : memref<1x1x1x8x128xf32, #tpu.memory_space<hbm>> -> memref<8x128xf32, #tpu.memory_space<hbm>>
    %dma_wait3A_313 = arith.constant 0 : i32
    %dma_wait3A_314 = arith.constant 0 : i32
    %dma_wait3A_315 = tpu.memref_slice %arg4[%dma_wait3A_304, %dma_wait3A_305, %add3A, %dma_wait3A_313, %dma_wait3A_314] : memref<200x8x32x8x128xf32, #tpu.memory_space<hbm>> -> memref<1x1x1x8x128xf32, #tpu.memory_space<hbm>>
    %dma_wait3A_316 = tpu.memref_squeeze %dma_wait3A_315 : memref<1x1x1x8x128xf32, #tpu.memory_space<hbm>> -> memref<8x128xf32, #tpu.memory_space<hbm>>
    %dma_wait3A_317 = arith.constant 0 : i32
    %dma_wait3A_318 = arith.constant 0 : i32
    %dma_wait3A_319 = tpu.memref_slice %arg12[%dma_wait3A_317, %dma_wait3A_318] : memref<64x133xf32, #tpu.memory_space<vmem>> -> memref<8x128xf32, #tpu.memory_space<vmem>>
    tpu.wait_dma2 semaphore(%arg20 : memref<!tpu.dma_semaphore, #tpu.memory_space<semaphore_mem>>) src(%dma_wait3A_319 : memref<8x128xf32, #tpu.memory_space<vmem>>) dst(%dma_wait3A_316 : memref<8x128xf32, #tpu.memory_space<hbm>>)
    %dma_wait3A_320 = arith.constant 198 : i32
    %dma_wait3A_321 = arith.constant 1 : i32
    %dma_wait3A_322 = arith.constant 8 : i32
    %dma_wait3A_323 = arith.constant 0 : i32
    %dma_wait3A_324 = tpu.memref_slice %arg12[%dma_wait3A_322, %dma_wait3A_323] : memref<64x133xf32, #tpu.memory_space<vmem>> -> memref<8x128xf32, #tpu.memory_space<vmem>>
    %dma_wait3A_325 = arith.constant 0 : i32
    %dma_wait3A_326 = arith.constant 0 : i32
    %dma_wait3A_327 = tpu.memref_slice %arg4[%dma_wait3A_320, %dma_wait3A_321, %add3A, %dma_wait3A_325, %dma_wait3A_326] : memref<200x8x32x8x128xf32, #tpu.memory_space<hbm>> -> memref<1x1x1x8x128xf32, #tpu.memory_space<hbm>>
    %dma_wait3A_328 = tpu.memref_squeeze %dma_wait3A_327 : memref<1x1x1x8x128xf32, #tpu.memory_space<hbm>> -> memref<8x128xf32, #tpu.memory_space<hbm>>
    %dma_wait3A_329 = arith.constant 0 : i32
    %dma_wait3A_330 = arith.constant 0 : i32
    %dma_wait3A_331 = tpu.memref_slice %arg4[%dma_wait3A_320, %dma_wait3A_321, %add3A, %dma_wait3A_329, %dma_wait3A_330] : memref<200x8x32x8x128xf32, #tpu.memory_space<hbm>> -> memref<1x1x1x8x128xf32, #tpu.memory_space<hbm>>
    %dma_wait3A_332 = tpu.memref_squeeze %dma_wait3A_331 : memref<1x1x1x8x128xf32, #tpu.memory_space<hbm>> -> memref<8x128xf32, #tpu.memory_space<hbm>>
    %dma_wait3A_333 = arith.constant 8 : i32
    %dma_wait3A_334 = arith.constant 0 : i32
    %dma_wait3A_335 = tpu.memref_slice %arg12[%dma_wait3A_333, %dma_wait3A_334] : memref<64x133xf32, #tpu.memory_space<vmem>> -> memref<8x128xf32, #tpu.memory_space<vmem>>
    tpu.wait_dma2 semaphore(%arg20 : memref<!tpu.dma_semaphore, #tpu.memory_space<semaphore_mem>>) src(%dma_wait3A_335 : memref<8x128xf32, #tpu.memory_space<vmem>>) dst(%dma_wait3A_332 : memref<8x128xf32, #tpu.memory_space<hbm>>)
    %dma_wait3A_336 = arith.constant 198 : i32
    %dma_wait3A_337 = arith.constant 2 : i32
    %dma_wait3A_338 = arith.constant 16 : i32
    %dma_wait3A_339 = arith.constant 0 : i32
    %dma_wait3A_340 = tpu.memref_slice %arg12[%dma_wait3A_338, %dma_wait3A_339] : memref<64x133xf32, #tpu.memory_space<vmem>> -> memref<8x128xf32, #tpu.memory_space<vmem>>
    %dma_wait3A_341 = arith.constant 0 : i32
    %dma_wait3A_342 = arith.constant 0 : i32
    %dma_wait3A_343 = tpu.memref_slice %arg4[%dma_wait3A_336, %dma_wait3A_337, %add3A, %dma_wait3A_341, %dma_wait3A_342] : memref<200x8x32x8x128xf32, #tpu.memory_space<hbm>> -> memref<1x1x1x8x128xf32, #tpu.memory_space<hbm>>
    %dma_wait3A_344 = tpu.memref_squeeze %dma_wait3A_343 : memref<1x1x1x8x128xf32, #tpu.memory_space<hbm>> -> memref<8x128xf32, #tpu.memory_space<hbm>>
    %dma_wait3A_345 = arith.constant 0 : i32
    %dma_wait3A_346 = arith.constant 0 : i32
    %dma_wait3A_347 = tpu.memref_slice %arg4[%dma_wait3A_336, %dma_wait3A_337, %add3A, %dma_wait3A_345, %dma_wait3A_346] : memref<200x8x32x8x128xf32, #tpu.memory_space<hbm>> -> memref<1x1x1x8x128xf32, #tpu.memory_space<hbm>>
    %dma_wait3A_348 = tpu.memref_squeeze %dma_wait3A_347 : memref<1x1x1x8x128xf32, #tpu.memory_space<hbm>> -> memref<8x128xf32, #tpu.memory_space<hbm>>
    %dma_wait3A_349 = arith.constant 16 : i32
    %dma_wait3A_350 = arith.constant 0 : i32
    %dma_wait3A_351 = tpu.memref_slice %arg12[%dma_wait3A_349, %dma_wait3A_350] : memref<64x133xf32, #tpu.memory_space<vmem>> -> memref<8x128xf32, #tpu.memory_space<vmem>>
    tpu.wait_dma2 semaphore(%arg20 : memref<!tpu.dma_semaphore, #tpu.memory_space<semaphore_mem>>) src(%dma_wait3A_351 : memref<8x128xf32, #tpu.memory_space<vmem>>) dst(%dma_wait3A_348 : memref<8x128xf32, #tpu.memory_space<hbm>>)
    %dma_wait3A_352 = arith.constant 198 : i32
    %dma_wait3A_353 = arith.constant 3 : i32
    %dma_wait3A_354 = arith.constant 24 : i32
    %dma_wait3A_355 = arith.constant 0 : i32
    %dma_wait3A_356 = tpu.memref_slice %arg12[%dma_wait3A_354, %dma_wait3A_355] : memref<64x133xf32, #tpu.memory_space<vmem>> -> memref<8x128xf32, #tpu.memory_space<vmem>>
    %dma_wait3A_357 = arith.constant 0 : i32
    %dma_wait3A_358 = arith.constant 0 : i32
    %dma_wait3A_359 = tpu.memref_slice %arg4[%dma_wait3A_352, %dma_wait3A_353, %add3A, %dma_wait3A_357, %dma_wait3A_358] : memref<200x8x32x8x128xf32, #tpu.memory_space<hbm>> -> memref<1x1x1x8x128xf32, #tpu.memory_space<hbm>>
    %dma_wait3A_360 = tpu.memref_squeeze %dma_wait3A_359 : memref<1x1x1x8x128xf32, #tpu.memory_space<hbm>> -> memref<8x128xf32, #tpu.memory_space<hbm>>
    %dma_wait3A_361 = arith.constant 0 : i32
    %dma_wait3A_362 = arith.constant 0 : i32
    %dma_wait3A_363 = tpu.memref_slice %arg4[%dma_wait3A_352, %dma_wait3A_353, %add3A, %dma_wait3A_361, %dma_wait3A_362] : memref<200x8x32x8x128xf32, #tpu.memory_space<hbm>> -> memref<1x1x1x8x128xf32, #tpu.memory_space<hbm>>
    %dma_wait3A_364 = tpu.memref_squeeze %dma_wait3A_363 : memref<1x1x1x8x128xf32, #tpu.memory_space<hbm>> -> memref<8x128xf32, #tpu.memory_space<hbm>>
    %dma_wait3A_365 = arith.constant 24 : i32
    %dma_wait3A_366 = arith.constant 0 : i32
    %dma_wait3A_367 = tpu.memref_slice %arg12[%dma_wait3A_365, %dma_wait3A_366] : memref<64x133xf32, #tpu.memory_space<vmem>> -> memref<8x128xf32, #tpu.memory_space<vmem>>
    tpu.wait_dma2 semaphore(%arg20 : memref<!tpu.dma_semaphore, #tpu.memory_space<semaphore_mem>>) src(%dma_wait3A_367 : memref<8x128xf32, #tpu.memory_space<vmem>>) dst(%dma_wait3A_364 : memref<8x128xf32, #tpu.memory_space<hbm>>)
    %dma_wait3A_368 = arith.constant 198 : i32
    %dma_wait3A_369 = arith.constant 4 : i32
    %dma_wait3A_370 = arith.constant 32 : i32
    %dma_wait3A_371 = arith.constant 0 : i32
    %dma_wait3A_372 = tpu.memref_slice %arg12[%dma_wait3A_370, %dma_wait3A_371] : memref<64x133xf32, #tpu.memory_space<vmem>> -> memref<8x128xf32, #tpu.memory_space<vmem>>
    %dma_wait3A_373 = arith.constant 0 : i32
    %dma_wait3A_374 = arith.constant 0 : i32
    %dma_wait3A_375 = tpu.memref_slice %arg4[%dma_wait3A_368, %dma_wait3A_369, %add3A, %dma_wait3A_373, %dma_wait3A_374] : memref<200x8x32x8x128xf32, #tpu.memory_space<hbm>> -> memref<1x1x1x8x128xf32, #tpu.memory_space<hbm>>
    %dma_wait3A_376 = tpu.memref_squeeze %dma_wait3A_375 : memref<1x1x1x8x128xf32, #tpu.memory_space<hbm>> -> memref<8x128xf32, #tpu.memory_space<hbm>>
    %dma_wait3A_377 = arith.constant 0 : i32
    %dma_wait3A_378 = arith.constant 0 : i32
    %dma_wait3A_379 = tpu.memref_slice %arg4[%dma_wait3A_368, %dma_wait3A_369, %add3A, %dma_wait3A_377, %dma_wait3A_378] : memref<200x8x32x8x128xf32, #tpu.memory_space<hbm>> -> memref<1x1x1x8x128xf32, #tpu.memory_space<hbm>>
    %dma_wait3A_380 = tpu.memref_squeeze %dma_wait3A_379 : memref<1x1x1x8x128xf32, #tpu.memory_space<hbm>> -> memref<8x128xf32, #tpu.memory_space<hbm>>
    %dma_wait3A_381 = arith.constant 32 : i32
    %dma_wait3A_382 = arith.constant 0 : i32
    %dma_wait3A_383 = tpu.memref_slice %arg12[%dma_wait3A_381, %dma_wait3A_382] : memref<64x133xf32, #tpu.memory_space<vmem>> -> memref<8x128xf32, #tpu.memory_space<vmem>>
    tpu.wait_dma2 semaphore(%arg20 : memref<!tpu.dma_semaphore, #tpu.memory_space<semaphore_mem>>) src(%dma_wait3A_383 : memref<8x128xf32, #tpu.memory_space<vmem>>) dst(%dma_wait3A_380 : memref<8x128xf32, #tpu.memory_space<hbm>>)
    %dma_wait3A_384 = arith.constant 198 : i32
    %dma_wait3A_385 = arith.constant 5 : i32
    %dma_wait3A_386 = arith.constant 40 : i32
    %dma_wait3A_387 = arith.constant 0 : i32
    %dma_wait3A_388 = tpu.memref_slice %arg12[%dma_wait3A_386, %dma_wait3A_387] : memref<64x133xf32, #tpu.memory_space<vmem>> -> memref<8x128xf32, #tpu.memory_space<vmem>>
    %dma_wait3A_389 = arith.constant 0 : i32
    %dma_wait3A_390 = arith.constant 0 : i32
    %dma_wait3A_391 = tpu.memref_slice %arg4[%dma_wait3A_384, %dma_wait3A_385, %add3A, %dma_wait3A_389, %dma_wait3A_390] : memref<200x8x32x8x128xf32, #tpu.memory_space<hbm>> -> memref<1x1x1x8x128xf32, #tpu.memory_space<hbm>>
    %dma_wait3A_392 = tpu.memref_squeeze %dma_wait3A_391 : memref<1x1x1x8x128xf32, #tpu.memory_space<hbm>> -> memref<8x128xf32, #tpu.memory_space<hbm>>
    %dma_wait3A_393 = arith.constant 0 : i32
    %dma_wait3A_394 = arith.constant 0 : i32
    %dma_wait3A_395 = tpu.memref_slice %arg4[%dma_wait3A_384, %dma_wait3A_385, %add3A, %dma_wait3A_393, %dma_wait3A_394] : memref<200x8x32x8x128xf32, #tpu.memory_space<hbm>> -> memref<1x1x1x8x128xf32, #tpu.memory_space<hbm>>
    %dma_wait3A_396 = tpu.memref_squeeze %dma_wait3A_395 : memref<1x1x1x8x128xf32, #tpu.memory_space<hbm>> -> memref<8x128xf32, #tpu.memory_space<hbm>>
    %dma_wait3A_397 = arith.constant 40 : i32
    %dma_wait3A_398 = arith.constant 0 : i32
    %dma_wait3A_399 = tpu.memref_slice %arg12[%dma_wait3A_397, %dma_wait3A_398] : memref<64x133xf32, #tpu.memory_space<vmem>> -> memref<8x128xf32, #tpu.memory_space<vmem>>
    tpu.wait_dma2 semaphore(%arg20 : memref<!tpu.dma_semaphore, #tpu.memory_space<semaphore_mem>>) src(%dma_wait3A_399 : memref<8x128xf32, #tpu.memory_space<vmem>>) dst(%dma_wait3A_396 : memref<8x128xf32, #tpu.memory_space<hbm>>)
    %dma_wait3A_400 = arith.constant 198 : i32
    %dma_wait3A_401 = arith.constant 6 : i32
    %dma_wait3A_402 = arith.constant 48 : i32
    %dma_wait3A_403 = arith.constant 0 : i32
    %dma_wait3A_404 = tpu.memref_slice %arg12[%dma_wait3A_402, %dma_wait3A_403] : memref<64x133xf32, #tpu.memory_space<vmem>> -> memref<8x128xf32, #tpu.memory_space<vmem>>
    %dma_wait3A_405 = arith.constant 0 : i32
    %dma_wait3A_406 = arith.constant 0 : i32
    %dma_wait3A_407 = tpu.memref_slice %arg4[%dma_wait3A_400, %dma_wait3A_401, %add3A, %dma_wait3A_405, %dma_wait3A_406] : memref<200x8x32x8x128xf32, #tpu.memory_space<hbm>> -> memref<1x1x1x8x128xf32, #tpu.memory_space<hbm>>
    %dma_wait3A_408 = tpu.memref_squeeze %dma_wait3A_407 : memref<1x1x1x8x128xf32, #tpu.memory_space<hbm>> -> memref<8x128xf32, #tpu.memory_space<hbm>>
    %dma_wait3A_409 = arith.constant 0 : i32
    %dma_wait3A_410 = arith.constant 0 : i32
    %dma_wait3A_411 = tpu.memref_slice %arg4[%dma_wait3A_400, %dma_wait3A_401, %add3A, %dma_wait3A_409, %dma_wait3A_410] : memref<200x8x32x8x128xf32, #tpu.memory_space<hbm>> -> memref<1x1x1x8x128xf32, #tpu.memory_space<hbm>>
    %dma_wait3A_412 = tpu.memref_squeeze %dma_wait3A_411 : memref<1x1x1x8x128xf32, #tpu.memory_space<hbm>> -> memref<8x128xf32, #tpu.memory_space<hbm>>
    %dma_wait3A_413 = arith.constant 48 : i32
    %dma_wait3A_414 = arith.constant 0 : i32
    %dma_wait3A_415 = tpu.memref_slice %arg12[%dma_wait3A_413, %dma_wait3A_414] : memref<64x133xf32, #tpu.memory_space<vmem>> -> memref<8x128xf32, #tpu.memory_space<vmem>>
    tpu.wait_dma2 semaphore(%arg20 : memref<!tpu.dma_semaphore, #tpu.memory_space<semaphore_mem>>) src(%dma_wait3A_415 : memref<8x128xf32, #tpu.memory_space<vmem>>) dst(%dma_wait3A_412 : memref<8x128xf32, #tpu.memory_space<hbm>>)
    %dma_wait3A_416 = arith.constant 198 : i32
    %dma_wait3A_417 = arith.constant 7 : i32
    %dma_wait3A_418 = arith.constant 56 : i32
    %dma_wait3A_419 = arith.constant 0 : i32
    %dma_wait3A_420 = tpu.memref_slice %arg12[%dma_wait3A_418, %dma_wait3A_419] : memref<64x133xf32, #tpu.memory_space<vmem>> -> memref<8x128xf32, #tpu.memory_space<vmem>>
    %dma_wait3A_421 = arith.constant 0 : i32
    %dma_wait3A_422 = arith.constant 0 : i32
    %dma_wait3A_423 = tpu.memref_slice %arg4[%dma_wait3A_416, %dma_wait3A_417, %add3A, %dma_wait3A_421, %dma_wait3A_422] : memref<200x8x32x8x128xf32, #tpu.memory_space<hbm>> -> memref<1x1x1x8x128xf32, #tpu.memory_space<hbm>>
    %dma_wait3A_424 = tpu.memref_squeeze %dma_wait3A_423 : memref<1x1x1x8x128xf32, #tpu.memory_space<hbm>> -> memref<8x128xf32, #tpu.memory_space<hbm>>
    %dma_wait3A_425 = arith.constant 0 : i32
    %dma_wait3A_426 = arith.constant 0 : i32
    %dma_wait3A_427 = tpu.memref_slice %arg4[%dma_wait3A_416, %dma_wait3A_417, %add3A, %dma_wait3A_425, %dma_wait3A_426] : memref<200x8x32x8x128xf32, #tpu.memory_space<hbm>> -> memref<1x1x1x8x128xf32, #tpu.memory_space<hbm>>
    %dma_wait3A_428 = tpu.memref_squeeze %dma_wait3A_427 : memref<1x1x1x8x128xf32, #tpu.memory_space<hbm>> -> memref<8x128xf32, #tpu.memory_space<hbm>>
    %dma_wait3A_429 = arith.constant 56 : i32
    %dma_wait3A_430 = arith.constant 0 : i32
    %dma_wait3A_431 = tpu.memref_slice %arg12[%dma_wait3A_429, %dma_wait3A_430] : memref<64x133xf32, #tpu.memory_space<vmem>> -> memref<8x128xf32, #tpu.memory_space<vmem>>
    tpu.wait_dma2 semaphore(%arg20 : memref<!tpu.dma_semaphore, #tpu.memory_space<semaphore_mem>>) src(%dma_wait3A_431 : memref<8x128xf32, #tpu.memory_space<vmem>>) dst(%dma_wait3A_428 : memref<8x128xf32, #tpu.memory_space<hbm>>)
    %dma_wait3A_432 = arith.constant 199 : i32
    %dma_wait3A_433 = arith.constant 0 : i32
    %dma_wait3A_434 = arith.constant 0 : i32
    %dma_wait3A_435 = arith.constant 0 : i32
    %dma_wait3A_436 = tpu.memref_slice %arg13[%dma_wait3A_434, %dma_wait3A_435] : memref<64x133xf32, #tpu.memory_space<vmem>> -> memref<8x128xf32, #tpu.memory_space<vmem>>
    %dma_wait3A_437 = arith.constant 0 : i32
    %dma_wait3A_438 = arith.constant 0 : i32
    %dma_wait3A_439 = tpu.memref_slice %arg4[%dma_wait3A_432, %dma_wait3A_433, %add3A, %dma_wait3A_437, %dma_wait3A_438] : memref<200x8x32x8x128xf32, #tpu.memory_space<hbm>> -> memref<1x1x1x8x128xf32, #tpu.memory_space<hbm>>
    %dma_wait3A_440 = tpu.memref_squeeze %dma_wait3A_439 : memref<1x1x1x8x128xf32, #tpu.memory_space<hbm>> -> memref<8x128xf32, #tpu.memory_space<hbm>>
    %dma_wait3A_441 = arith.constant 0 : i32
    %dma_wait3A_442 = arith.constant 0 : i32
    %dma_wait3A_443 = tpu.memref_slice %arg4[%dma_wait3A_432, %dma_wait3A_433, %add3A, %dma_wait3A_441, %dma_wait3A_442] : memref<200x8x32x8x128xf32, #tpu.memory_space<hbm>> -> memref<1x1x1x8x128xf32, #tpu.memory_space<hbm>>
    %dma_wait3A_444 = tpu.memref_squeeze %dma_wait3A_443 : memref<1x1x1x8x128xf32, #tpu.memory_space<hbm>> -> memref<8x128xf32, #tpu.memory_space<hbm>>
    %dma_wait3A_445 = arith.constant 0 : i32
    %dma_wait3A_446 = arith.constant 0 : i32
    %dma_wait3A_447 = tpu.memref_slice %arg13[%dma_wait3A_445, %dma_wait3A_446] : memref<64x133xf32, #tpu.memory_space<vmem>> -> memref<8x128xf32, #tpu.memory_space<vmem>>
    tpu.wait_dma2 semaphore(%arg21 : memref<!tpu.dma_semaphore, #tpu.memory_space<semaphore_mem>>) src(%dma_wait3A_447 : memref<8x128xf32, #tpu.memory_space<vmem>>) dst(%dma_wait3A_444 : memref<8x128xf32, #tpu.memory_space<hbm>>)
    %dma_wait3A_448 = arith.constant 199 : i32
    %dma_wait3A_449 = arith.constant 1 : i32
    %dma_wait3A_450 = arith.constant 8 : i32
    %dma_wait3A_451 = arith.constant 0 : i32
    %dma_wait3A_452 = tpu.memref_slice %arg13[%dma_wait3A_450, %dma_wait3A_451] : memref<64x133xf32, #tpu.memory_space<vmem>> -> memref<8x128xf32, #tpu.memory_space<vmem>>
    %dma_wait3A_453 = arith.constant 0 : i32
    %dma_wait3A_454 = arith.constant 0 : i32
    %dma_wait3A_455 = tpu.memref_slice %arg4[%dma_wait3A_448, %dma_wait3A_449, %add3A, %dma_wait3A_453, %dma_wait3A_454] : memref<200x8x32x8x128xf32, #tpu.memory_space<hbm>> -> memref<1x1x1x8x128xf32, #tpu.memory_space<hbm>>
    %dma_wait3A_456 = tpu.memref_squeeze %dma_wait3A_455 : memref<1x1x1x8x128xf32, #tpu.memory_space<hbm>> -> memref<8x128xf32, #tpu.memory_space<hbm>>
    %dma_wait3A_457 = arith.constant 0 : i32
    %dma_wait3A_458 = arith.constant 0 : i32
    %dma_wait3A_459 = tpu.memref_slice %arg4[%dma_wait3A_448, %dma_wait3A_449, %add3A, %dma_wait3A_457, %dma_wait3A_458] : memref<200x8x32x8x128xf32, #tpu.memory_space<hbm>> -> memref<1x1x1x8x128xf32, #tpu.memory_space<hbm>>
    %dma_wait3A_460 = tpu.memref_squeeze %dma_wait3A_459 : memref<1x1x1x8x128xf32, #tpu.memory_space<hbm>> -> memref<8x128xf32, #tpu.memory_space<hbm>>
    %dma_wait3A_461 = arith.constant 8 : i32
    %dma_wait3A_462 = arith.constant 0 : i32
    %dma_wait3A_463 = tpu.memref_slice %arg13[%dma_wait3A_461, %dma_wait3A_462] : memref<64x133xf32, #tpu.memory_space<vmem>> -> memref<8x128xf32, #tpu.memory_space<vmem>>
    tpu.wait_dma2 semaphore(%arg21 : memref<!tpu.dma_semaphore, #tpu.memory_space<semaphore_mem>>) src(%dma_wait3A_463 : memref<8x128xf32, #tpu.memory_space<vmem>>) dst(%dma_wait3A_460 : memref<8x128xf32, #tpu.memory_space<hbm>>)
    %dma_wait3A_464 = arith.constant 199 : i32
    %dma_wait3A_465 = arith.constant 2 : i32
    %dma_wait3A_466 = arith.constant 16 : i32
    %dma_wait3A_467 = arith.constant 0 : i32
    %dma_wait3A_468 = tpu.memref_slice %arg13[%dma_wait3A_466, %dma_wait3A_467] : memref<64x133xf32, #tpu.memory_space<vmem>> -> memref<8x128xf32, #tpu.memory_space<vmem>>
    %dma_wait3A_469 = arith.constant 0 : i32
    %dma_wait3A_470 = arith.constant 0 : i32
    %dma_wait3A_471 = tpu.memref_slice %arg4[%dma_wait3A_464, %dma_wait3A_465, %add3A, %dma_wait3A_469, %dma_wait3A_470] : memref<200x8x32x8x128xf32, #tpu.memory_space<hbm>> -> memref<1x1x1x8x128xf32, #tpu.memory_space<hbm>>
    %dma_wait3A_472 = tpu.memref_squeeze %dma_wait3A_471 : memref<1x1x1x8x128xf32, #tpu.memory_space<hbm>> -> memref<8x128xf32, #tpu.memory_space<hbm>>
    %dma_wait3A_473 = arith.constant 0 : i32
    %dma_wait3A_474 = arith.constant 0 : i32
    %dma_wait3A_475 = tpu.memref_slice %arg4[%dma_wait3A_464, %dma_wait3A_465, %add3A, %dma_wait3A_473, %dma_wait3A_474] : memref<200x8x32x8x128xf32, #tpu.memory_space<hbm>> -> memref<1x1x1x8x128xf32, #tpu.memory_space<hbm>>
    %dma_wait3A_476 = tpu.memref_squeeze %dma_wait3A_475 : memref<1x1x1x8x128xf32, #tpu.memory_space<hbm>> -> memref<8x128xf32, #tpu.memory_space<hbm>>
    %dma_wait3A_477 = arith.constant 16 : i32
    %dma_wait3A_478 = arith.constant 0 : i32
    %dma_wait3A_479 = tpu.memref_slice %arg13[%dma_wait3A_477, %dma_wait3A_478] : memref<64x133xf32, #tpu.memory_space<vmem>> -> memref<8x128xf32, #tpu.memory_space<vmem>>
    tpu.wait_dma2 semaphore(%arg21 : memref<!tpu.dma_semaphore, #tpu.memory_space<semaphore_mem>>) src(%dma_wait3A_479 : memref<8x128xf32, #tpu.memory_space<vmem>>) dst(%dma_wait3A_476 : memref<8x128xf32, #tpu.memory_space<hbm>>)
    %dma_wait3A_480 = arith.constant 199 : i32
    %dma_wait3A_481 = arith.constant 3 : i32
    %dma_wait3A_482 = arith.constant 24 : i32
    %dma_wait3A_483 = arith.constant 0 : i32
    %dma_wait3A_484 = tpu.memref_slice %arg13[%dma_wait3A_482, %dma_wait3A_483] : memref<64x133xf32, #tpu.memory_space<vmem>> -> memref<8x128xf32, #tpu.memory_space<vmem>>
    %dma_wait3A_485 = arith.constant 0 : i32
    %dma_wait3A_486 = arith.constant 0 : i32
    %dma_wait3A_487 = tpu.memref_slice %arg4[%dma_wait3A_480, %dma_wait3A_481, %add3A, %dma_wait3A_485, %dma_wait3A_486] : memref<200x8x32x8x128xf32, #tpu.memory_space<hbm>> -> memref<1x1x1x8x128xf32, #tpu.memory_space<hbm>>
    %dma_wait3A_488 = tpu.memref_squeeze %dma_wait3A_487 : memref<1x1x1x8x128xf32, #tpu.memory_space<hbm>> -> memref<8x128xf32, #tpu.memory_space<hbm>>
    %dma_wait3A_489 = arith.constant 0 : i32
    %dma_wait3A_490 = arith.constant 0 : i32
    %dma_wait3A_491 = tpu.memref_slice %arg4[%dma_wait3A_480, %dma_wait3A_481, %add3A, %dma_wait3A_489, %dma_wait3A_490] : memref<200x8x32x8x128xf32, #tpu.memory_space<hbm>> -> memref<1x1x1x8x128xf32, #tpu.memory_space<hbm>>
    %dma_wait3A_492 = tpu.memref_squeeze %dma_wait3A_491 : memref<1x1x1x8x128xf32, #tpu.memory_space<hbm>> -> memref<8x128xf32, #tpu.memory_space<hbm>>
    %dma_wait3A_493 = arith.constant 24 : i32
    %dma_wait3A_494 = arith.constant 0 : i32
    %dma_wait3A_495 = tpu.memref_slice %arg13[%dma_wait3A_493, %dma_wait3A_494] : memref<64x133xf32, #tpu.memory_space<vmem>> -> memref<8x128xf32, #tpu.memory_space<vmem>>
    tpu.wait_dma2 semaphore(%arg21 : memref<!tpu.dma_semaphore, #tpu.memory_space<semaphore_mem>>) src(%dma_wait3A_495 : memref<8x128xf32, #tpu.memory_space<vmem>>) dst(%dma_wait3A_492 : memref<8x128xf32, #tpu.memory_space<hbm>>)
    %dma_wait3A_496 = arith.constant 199 : i32
    %dma_wait3A_497 = arith.constant 4 : i32
    %dma_wait3A_498 = arith.constant 32 : i32
    %dma_wait3A_499 = arith.constant 0 : i32
    %dma_wait3A_500 = tpu.memref_slice %arg13[%dma_wait3A_498, %dma_wait3A_499] : memref<64x133xf32, #tpu.memory_space<vmem>> -> memref<8x128xf32, #tpu.memory_space<vmem>>
    %dma_wait3A_501 = arith.constant 0 : i32
    %dma_wait3A_502 = arith.constant 0 : i32
    %dma_wait3A_503 = tpu.memref_slice %arg4[%dma_wait3A_496, %dma_wait3A_497, %add3A, %dma_wait3A_501, %dma_wait3A_502] : memref<200x8x32x8x128xf32, #tpu.memory_space<hbm>> -> memref<1x1x1x8x128xf32, #tpu.memory_space<hbm>>
    %dma_wait3A_504 = tpu.memref_squeeze %dma_wait3A_503 : memref<1x1x1x8x128xf32, #tpu.memory_space<hbm>> -> memref<8x128xf32, #tpu.memory_space<hbm>>
    %dma_wait3A_505 = arith.constant 0 : i32
    %dma_wait3A_506 = arith.constant 0 : i32
    %dma_wait3A_507 = tpu.memref_slice %arg4[%dma_wait3A_496, %dma_wait3A_497, %add3A, %dma_wait3A_505, %dma_wait3A_506] : memref<200x8x32x8x128xf32, #tpu.memory_space<hbm>> -> memref<1x1x1x8x128xf32, #tpu.memory_space<hbm>>
    %dma_wait3A_508 = tpu.memref_squeeze %dma_wait3A_507 : memref<1x1x1x8x128xf32, #tpu.memory_space<hbm>> -> memref<8x128xf32, #tpu.memory_space<hbm>>
    %dma_wait3A_509 = arith.constant 32 : i32
    %dma_wait3A_510 = arith.constant 0 : i32
    %dma_wait3A_511 = tpu.memref_slice %arg13[%dma_wait3A_509, %dma_wait3A_510] : memref<64x133xf32, #tpu.memory_space<vmem>> -> memref<8x128xf32, #tpu.memory_space<vmem>>
    tpu.wait_dma2 semaphore(%arg21 : memref<!tpu.dma_semaphore, #tpu.memory_space<semaphore_mem>>) src(%dma_wait3A_511 : memref<8x128xf32, #tpu.memory_space<vmem>>) dst(%dma_wait3A_508 : memref<8x128xf32, #tpu.memory_space<hbm>>)
    %dma_wait3A_512 = arith.constant 199 : i32
    %dma_wait3A_513 = arith.constant 5 : i32
    %dma_wait3A_514 = arith.constant 40 : i32
    %dma_wait3A_515 = arith.constant 0 : i32
    %dma_wait3A_516 = tpu.memref_slice %arg13[%dma_wait3A_514, %dma_wait3A_515] : memref<64x133xf32, #tpu.memory_space<vmem>> -> memref<8x128xf32, #tpu.memory_space<vmem>>
    %dma_wait3A_517 = arith.constant 0 : i32
    %dma_wait3A_518 = arith.constant 0 : i32
    %dma_wait3A_519 = tpu.memref_slice %arg4[%dma_wait3A_512, %dma_wait3A_513, %add3A, %dma_wait3A_517, %dma_wait3A_518] : memref<200x8x32x8x128xf32, #tpu.memory_space<hbm>> -> memref<1x1x1x8x128xf32, #tpu.memory_space<hbm>>
    %dma_wait3A_520 = tpu.memref_squeeze %dma_wait3A_519 : memref<1x1x1x8x128xf32, #tpu.memory_space<hbm>> -> memref<8x128xf32, #tpu.memory_space<hbm>>
    %dma_wait3A_521 = arith.constant 0 : i32
    %dma_wait3A_522 = arith.constant 0 : i32
    %dma_wait3A_523 = tpu.memref_slice %arg4[%dma_wait3A_512, %dma_wait3A_513, %add3A, %dma_wait3A_521, %dma_wait3A_522] : memref<200x8x32x8x128xf32, #tpu.memory_space<hbm>> -> memref<1x1x1x8x128xf32, #tpu.memory_space<hbm>>
    %dma_wait3A_524 = tpu.memref_squeeze %dma_wait3A_523 : memref<1x1x1x8x128xf32, #tpu.memory_space<hbm>> -> memref<8x128xf32, #tpu.memory_space<hbm>>
    %dma_wait3A_525 = arith.constant 40 : i32
    %dma_wait3A_526 = arith.constant 0 : i32
    %dma_wait3A_527 = tpu.memref_slice %arg13[%dma_wait3A_525, %dma_wait3A_526] : memref<64x133xf32, #tpu.memory_space<vmem>> -> memref<8x128xf32, #tpu.memory_space<vmem>>
    tpu.wait_dma2 semaphore(%arg21 : memref<!tpu.dma_semaphore, #tpu.memory_space<semaphore_mem>>) src(%dma_wait3A_527 : memref<8x128xf32, #tpu.memory_space<vmem>>) dst(%dma_wait3A_524 : memref<8x128xf32, #tpu.memory_space<hbm>>)
    %dma_wait3A_528 = arith.constant 199 : i32
    %dma_wait3A_529 = arith.constant 6 : i32
    %dma_wait3A_530 = arith.constant 48 : i32
    %dma_wait3A_531 = arith.constant 0 : i32
    %dma_wait3A_532 = tpu.memref_slice %arg13[%dma_wait3A_530, %dma_wait3A_531] : memref<64x133xf32, #tpu.memory_space<vmem>> -> memref<8x128xf32, #tpu.memory_space<vmem>>
    %dma_wait3A_533 = arith.constant 0 : i32
    %dma_wait3A_534 = arith.constant 0 : i32
    %dma_wait3A_535 = tpu.memref_slice %arg4[%dma_wait3A_528, %dma_wait3A_529, %add3A, %dma_wait3A_533, %dma_wait3A_534] : memref<200x8x32x8x128xf32, #tpu.memory_space<hbm>> -> memref<1x1x1x8x128xf32, #tpu.memory_space<hbm>>
    %dma_wait3A_536 = tpu.memref_squeeze %dma_wait3A_535 : memref<1x1x1x8x128xf32, #tpu.memory_space<hbm>> -> memref<8x128xf32, #tpu.memory_space<hbm>>
    %dma_wait3A_537 = arith.constant 0 : i32
    %dma_wait3A_538 = arith.constant 0 : i32
    %dma_wait3A_539 = tpu.memref_slice %arg4[%dma_wait3A_528, %dma_wait3A_529, %add3A, %dma_wait3A_537, %dma_wait3A_538] : memref<200x8x32x8x128xf32, #tpu.memory_space<hbm>> -> memref<1x1x1x8x128xf32, #tpu.memory_space<hbm>>
    %dma_wait3A_540 = tpu.memref_squeeze %dma_wait3A_539 : memref<1x1x1x8x128xf32, #tpu.memory_space<hbm>> -> memref<8x128xf32, #tpu.memory_space<hbm>>
    %dma_wait3A_541 = arith.constant 48 : i32
    %dma_wait3A_542 = arith.constant 0 : i32
    %dma_wait3A_543 = tpu.memref_slice %arg13[%dma_wait3A_541, %dma_wait3A_542] : memref<64x133xf32, #tpu.memory_space<vmem>> -> memref<8x128xf32, #tpu.memory_space<vmem>>
    tpu.wait_dma2 semaphore(%arg21 : memref<!tpu.dma_semaphore, #tpu.memory_space<semaphore_mem>>) src(%dma_wait3A_543 : memref<8x128xf32, #tpu.memory_space<vmem>>) dst(%dma_wait3A_540 : memref<8x128xf32, #tpu.memory_space<hbm>>)
    %dma_wait3A_544 = arith.constant 199 : i32
    %dma_wait3A_545 = arith.constant 7 : i32
    %dma_wait3A_546 = arith.constant 56 : i32
    %dma_wait3A_547 = arith.constant 0 : i32
    %dma_wait3A_548 = tpu.memref_slice %arg13[%dma_wait3A_546, %dma_wait3A_547] : memref<64x133xf32, #tpu.memory_space<vmem>> -> memref<8x128xf32, #tpu.memory_space<vmem>>
    %dma_wait3A_549 = arith.constant 0 : i32
    %dma_wait3A_550 = arith.constant 0 : i32
    %dma_wait3A_551 = tpu.memref_slice %arg4[%dma_wait3A_544, %dma_wait3A_545, %add3A, %dma_wait3A_549, %dma_wait3A_550] : memref<200x8x32x8x128xf32, #tpu.memory_space<hbm>> -> memref<1x1x1x8x128xf32, #tpu.memory_space<hbm>>
    %dma_wait3A_552 = tpu.memref_squeeze %dma_wait3A_551 : memref<1x1x1x8x128xf32, #tpu.memory_space<hbm>> -> memref<8x128xf32, #tpu.memory_space<hbm>>
    %dma_wait3A_553 = arith.constant 0 : i32
    %dma_wait3A_554 = arith.constant 0 : i32
    %dma_wait3A_555 = tpu.memref_slice %arg4[%dma_wait3A_544, %dma_wait3A_545, %add3A, %dma_wait3A_553, %dma_wait3A_554] : memref<200x8x32x8x128xf32, #tpu.memory_space<hbm>> -> memref<1x1x1x8x128xf32, #tpu.memory_space<hbm>>
    %dma_wait3A_556 = tpu.memref_squeeze %dma_wait3A_555 : memref<1x1x1x8x128xf32, #tpu.memory_space<hbm>> -> memref<8x128xf32, #tpu.memory_space<hbm>>
    %dma_wait3A_557 = arith.constant 56 : i32
    %dma_wait3A_558 = arith.constant 0 : i32
    %dma_wait3A_559 = tpu.memref_slice %arg13[%dma_wait3A_557, %dma_wait3A_558] : memref<64x133xf32, #tpu.memory_space<vmem>> -> memref<8x128xf32, #tpu.memory_space<vmem>>
    tpu.wait_dma2 semaphore(%arg21 : memref<!tpu.dma_semaphore, #tpu.memory_space<semaphore_mem>>) src(%dma_wait3A_559 : memref<8x128xf32, #tpu.memory_space<vmem>>) dst(%dma_wait3A_556 : memref<8x128xf32, #tpu.memory_space<hbm>>)
    return
  }
}

</mosaic_0001>

<sc_bundles>
// kernel: kernel.3.cloned.1.call-start
scs
__scs_entry_jumppad:
0x0: {  	(pc) =	sbr.rel $0x88, $3  }
0x1: {  	(tag) =	ssettag $0x0;
	lr =	simm.s32 $0x1  }
0x2: {  	[smem:$0x3F9F] =	sst lr;
	_ =	strace $0xD0000000  }
0x3: {  	_ = 	snop  }
0x4: {  	_ = 	snop  }
0x5: {  	_ = 	snop  }
0x6: {  	_ = 	snop  }
0x7: {  	_ = 	snop  }
__scs_overlays_trampoline_lowered:
0x8: {  	[smem:$0x3FAE] =	sst s0  }
0x9: {  	[smem:$0x3FAF] =	sst s1  }
0xa: {  	[smem:$0x3FB0] =	sst s2  }
0xb: {  	[smem:$0x3FB1] =	sst s3  }
0xc: {  	[smem:$0x3FB2] =	sst s4  }
0xd: {  	[smem:$0x3FB3] =	sst s5  }
0xe: {  	[smem:$0x3FB4] =	sst s6  }
0xf: {  	[smem:$0x3FB5] =	sst s7  }
0x10: {  	[smem:$0x3FB6] =	sst s8  }
0x11: {  	[smem:$0x3FB7] =	sst s9;
	s0 =	simm.s32 @!p0 $0x0  }
0x12: {  	s1 =	sld [smem:$0x3F9D];
	s0 =	simm.s32 @p0 $0x1  }
0x13: {  	[smem:$0x3FB8] =	sst s0;
	s0 =	simm.s32 @!p1 $0x0  }
0x14: {  	s2 =	sld [smem:$0x3F9C];
	s0 =	simm.s32 @p1 $0x1  }
0x15: {  	[smem:$0x3FB9] =	sst s0;
	s0 =	simm.s32 @!p2 $0x0  }
0x16: {  	s3 =	sld [smem:$0x3FDB];
	s0 =	simm.s32 @p2 $0x1  }
0x17: {  	s4 =	simm.s32 $0x1BF5;
	[smem:$0x3FBB] =	sst s0  }
0x18: {  	s0 =	sld [smem:$0x3F9E];
	_ =	swait.ge [sflag:s4], $0x0  }
0x19: {  	s7 =	sld [smem:$0x3F9F]  }
0x1a: {  	s8 =	sadd.s32 $0xFFFFE003, lr  }
0x1b: {  	s9 =	sadd.s32 $0xFFFFFEF7, lr;
	s5 =	simm.s32 $0xFFFFFFFF;
	p2 =	slt.u32 s8, $0xFFFFF086  }
0x1c: {  	p1 =	slt.u32 s9, $0xF7A;
	s5 =	simm.s32 @!p2 $0x0  }
0x1d: {  	s5 =	simm.s32 @p1 $0x1;
	p0 =	seq.s32 s7, s2  }
0x1e: {  	s7 =	smul.u32 @!p0 $0xF7A, s2;
	p2 =	seq.s32 @!p0 s5, $0x0  }
0x1f: {  	s9 =	smul.u32 $0xF7A, s1;
	s8 =	simm.s32 @!p0 $0x1BF5;
	p2 =	por !p2, p0  }
0x20: {  	[sflag:s8] =	ssyncset.s32 @!p0 $0xFFFFF086;
	s6 =	sadd.s32 @!p0 s3, s7;
	s7 =	simm.s32 @!p0 $0x108  }
0x21: {  	s3 =	sadd.s32 s3, s9;
	s6 =	sadd.s32 @!p0 $0x88, s6;
	s7 =	simm.s32 @p2 $0x1082  }
0x22: {  	[simem:s7], [sflag:s8] =	dma.local @!p0 [hbm:s6], $0xF7A  }
0x23: {  	s9 =	sor.u32 $0xD0000000, s2;
	s6 =	simm.s32 $0x108;
	_ =	swait.ge @!p0 [sflag:s8], $0x0  }
0x24: {  	s3 =	sadd.s32 $0x88, s3;
	s6 =	simm.s32 @!p1 $0x1082;
	[sflag:s4] =	ssyncset.s32 $0xFFFFF086  }
0x25: {  	[simem:s6], [sflag:s4] =	dma.local [hbm:s3], $0xF7A  }
0x26: {  	[smem:$0x3F9F] =	sst s1;
	(tag) =	ssettag s2;
	_ =	strace s9  }
0x27: {  	s1 =	sld [smem:$0x3FAF]  }
0x28: {  	s2 =	sld [smem:$0x3FB0]  }
0x29: {  	s4 =	sld [smem:$0x3FB2]  }
0x2a: {  	p0 =	seq.s32 s5, $0x0;
	s5 =	sld [smem:$0x3FB3]  }
0x2b: {  	s6 =	sld [smem:$0x3FB4]  }
0x2c: {  	s7 =	sld [smem:$0x3FB5]  }
0x2d: {  	s3 =	simm.s32 $0x108;
	s8 =	sld [smem:$0x3FB6]  }
0x2e: {  	s3 =	simm.s32 @!p0 $0x1082;
	s9 =	sld [smem:$0x3FB7]  }
0x2f: {  	lr =	sadd.s32 s0, s3;
	s0 =	sld [smem:$0x3FAE]  }
0x30: {  	s3 =	sld [smem:$0x3FB1]  }
0x31: {  	[smem:$0x3FBA] =	sst s10  }
0x32: {  	s10 =	sld [smem:$0x3FB8];
	_ =	sdelay $0x3  }
0x33: {  	p0 =	seq.s32 s10, $0x1;
	s10 =	sld [smem:$0x3FBA];
	_ =	sdelay $0x3  }
0x34: {  	[smem:$0x3FBA] =	sst s10  }
0x35: {  	s10 =	sld [smem:$0x3FB9];
	_ =	sdelay $0x3  }
0x36: {  	p1 =	seq.s32 s10, $0x1;
	s10 =	sld [smem:$0x3FBA];
	_ =	sdelay $0x3  }
0x37: {  	[smem:$0x3FBA] =	sst s10  }
0x38: {  	s10 =	sld [smem:$0x3FBB]  }
0x39: {  	_ = 	snop;
	(pc) =	sbr.ind lr, $3  }
0x3a: {  	_ = 	snop  }
0x3b: {  	_ = 	snop  }
0x3c: {  	p2 =	seq.s32 s10, $0x1;
	s10 =	sld [smem:$0x3FBA]  }
0x3d: {  	_ =	shalt  }
0x3e: {  	_ =	shalt  }
0x3f: {  	_ =	shalt  }
0x40: {  	_ =	shalt  }
0x41: {  	_ =	shalt  }
0x42: {  	_ =	shalt  }
0x43: {  	_ =	shalt  }
0x44: {  	_ =	shalt  }
0x45: {  	_ =	shalt  }
0x46: {  	_ =	shalt  }
0x47: {  	_ =	shalt  }
0x48: {  	_ =	shalt  }
0x49: {  	_ =	shalt  }
0x4a: {  	_ =	shalt  }
0x4b: {  	_ =	shalt  }
0x4c: {  	_ =	shalt  }
0x4d: {  	_ =	shalt  }
0x4e: {  	_ =	shalt  }
0x4f: {  	_ =	shalt  }
0x50: {  	_ =	shalt  }
0x51: {  	_ =	shalt  }
0x52: {  	_ =	shalt  }
0x53: {  	_ =	shalt  }
0x54: {  	_ =	shalt  }
0x55: {  	_ =	shalt  }
0x56: {  	_ =	shalt  }
0x57: {  	_ =	shalt  }
0x58: {  	_ =	shalt  }
0x59: {  	_ =	shalt  }
0x5a: {  	_ =	shalt  }
0x5b: {  	_ =	shalt  }
0x5c: {  	_ =	shalt  }
0x5d: {  	_ =	shalt  }
0x5e: {  	_ =	shalt  }
0x5f: {  	_ =	shalt  }
0x60: {  	_ =	shalt  }
0x61: {  	_ =	shalt  }
0x62: {  	_ =	shalt  }
0x63: {  	_ =	shalt  }
0x64: {  	_ =	shalt  }
0x65: {  	_ =	shalt  }
0x66: {  	_ =	shalt  }
0x67: {  	_ =	shalt  }
0x68: {  	_ =	shalt  }
0x69: {  	_ =	shalt  }
0x6a: {  	_ =	shalt  }
0x6b: {  	_ =	shalt  }
0x6c: {  	_ =	shalt  }
0x6d: {  	_ =	shalt  }
0x6e: {  	_ =	shalt  }
0x6f: {  	_ =	shalt  }
0x70: {  	_ =	shalt  }
0x71: {  	_ =	shalt  }
0x72: {  	_ =	shalt  }
0x73: {  	_ =	shalt  }
0x74: {  	_ =	shalt  }
0x75: {  	_ =	shalt  }
0x76: {  	_ =	shalt  }
0x77: {  	_ =	shalt  }
0x78: {  	_ =	shalt  }
0x79: {  	_ =	shalt  }
0x7a: {  	_ =	shalt  }
0x7b: {  	_ =	shalt  }
0x7c: {  	_ =	shalt  }
0x7d: {  	_ =	shalt  }
0x7e: {  	_ =	shalt  }
0x7f: {  	_ =	shalt  }
0x80: {  	_ =	shalt  }
0x81: {  	_ =	shalt  }
0x82: {  	_ =	shalt  }
0x83: {  	_ =	shalt  }
0x84: {  	_ =	shalt  }
0x85: {  	_ =	shalt  }
0x86: {  	_ =	shalt  }
0x87: {  	_ =	shalt  }
.Lfunc_end0:
.L_simem_size_0:
called_computation_lowered:
.L_overlay_start_0:
0x88: {  	s2 =	sld [smem:$0x3FD9]  }
0x89: {  	s3 =	sld [smem:$0x3FFE];
	_ =	sdelay $0x1  }
0x8a: {  	s1 =	srdreg.scid  }
0x8b: {  	s0 =	sand.u32 $0x1, s1  }
0x8c: {  	s17 =	sshll.u32 s0, $0xA;
	s2 =	sadd.s32 s3, s2  }
0x8d: {  	s2 =	sadd.s32 s2, s17  }
0x8e: {  	[smem:$0x3FC6] =	sst s2  }
0x8f: {  	_ = 	snop  }
0x90: {  	s2 =	sld [smem:$0x3FC9]  }
0x91: {  	s18 =	sld [smem:$0x3FD0];
	(tm) =	ssettm $0x1  }
0x92: {  	s4 =	sld [smem:$0x3FFB];
	_ =	sdelay $0x3  }
0x93: {  	_ =	strace s4  }
0x94: {  	s4 =	sld [smem:$0x3FFC];
	_ =	sdelay $0x3  }
0x95: {  	_ =	strace s4  }
0x96: {  	s4 =	sld [smem:$0x3FFD];
	_ =	sdelay $0x3  }
0x97: {  	_ =	strace s4  }
0x98: {  	_ =	strace $0x8FFFFFFF  }
0x99: {  	s19 =	sld [smem:$0x3FDB];
	_ =	sdelay $0x1  }
0x9a: {  	s5 =	simm.s32 $_scs_section_size  }
0x9b: {  	s6 =	simm.s32 $_size__tile_overlayer_lowered;
	s7 =	simm.s32 $_tile_overlayer_lowered  }
0x9c: {  	s22 =	simm.s32 $0x1BFF;
	s21 =	sshll.u32 s7, $0x1;
	s4 =	sadd.s32 s5, s19  }
0x9d: {  	s8 =	simm.s32 $0x0;
	s20 =	sshll.u32 s6, $0x1;
	s6 =	sadd.s32 s21, s4  }
0x9e: {  	[timem:s8], [sflag:s22] =	dma.local [hbm:s6], s20  }
0x9f: {  	_ =	swait.ge [sflag:s22], s20  }
0xa0: {  	s5 =	ssub.s32 $0x0, s20;
	[sflag:s22] =	ssyncset.done $0x0  }
0xa1: {  	[sflag:s22] =	ssyncadd.s32 s5;
	_ =	sdelay $0x1  }
0xa2: {  	s23 =	simm.s32 $0x1B8B  }
0xa3: {  	_ =	swait.ge [sflag:s23], $0x1  }
0xa4: {  	[sflag:s23] =	ssyncset.done $0x0  }
0xa5: {  	s25 =	simm.s32 $0x1B8E;
	s24 =	sld [smem:$0x3FFE];
	[sflag:s23] =	ssyncadd.s32 $0xFFFFFFFF  }
0xa6: {  	s26 =	simm.s32 $execute0_lowered;
	[smem:$0x3FD2] =	sst s25  }
0xa7: {  	s6 =	sshll.u32 s26, $0x1;
	_ =	strace $0x80000046;
	[dreg:$0x1] =	wrdreg $0xFFFFFFFF  }
0xa8: {  	s28 =	simm.s32 $_size_execute0_lowered;
	s4 =	sadd.s32 s4, s6;
	[dreg:$0x0] =	wrdreg $0x0  }
0xa9: {  	s6 =	sshll.u32 s28, $0x1;
	[dreg:$0x2] =	wrdreg s4  }
0xaa: {  	[dreg:$0x3] =	wrdreg s6  }
0xab: {  	[dreg:$0x4] =	wrdreg $0xC0  }
0xac: {  	_ =	task [dreg:s8], $0x5FFFF  }
0xad: {  	[dreg:$0x1] =	wrdreg $0xFFFFFFFF  }
0xae: {  	[dreg:$0x0] =	wrdreg $0x60  }
0xaf: {  	[dreg:$0x2] =	wrdreg s2  }
0xb0: {  	[dreg:$0x3] =	wrdreg s24  }
0xb1: {  	[dreg:$0x4] =	wrdreg s18  }
0xb2: {  	[dreg:$0x5] =	wrdreg $0x9  }
0xb3: {  	_ =	task.clear_ibuf [dreg:s8], $0x6FFFF;
	_ =	strace $0x90000046  }
0xb4: {  	s29 =	simm.s32 $0x9;
	_ =	strace $0x80000048  }
0xb5: {  	_ =	swait.ge [sflag:s29], $0x1  }
0xb6: {  	[sflag:s29] =	ssyncadd.s32 $0xFFFFFFFF  }
0xb7: {  	_ =	strace $0x90000048  }
0xb8: {  	_ =	sfence  }
0xb9: {  	s30 =	sld [smem:$0x0];
	_ =	sdelay $0x2  }
0xba: {  	s31 =	sshll.u32 s1, $0xD;
	s1 =	sshrl.u32 s1, $0x2  }
0xbb: {  	s3 =	sand.u32 $0x4000, s31;
	s1 =	sadd.s32 s1, s30  }
0xbc: {  	s0 =	sor.u32 s3, s0;
	s1 =	sshll.u32 s1, $0x11  }
0xbd: {  	s0 =	sor.u32 s1, s0  }
0xbe: {  	s0 =	sadd.s32 $0x8F2B, s0  }
0xbf: {  	[sflag:s0] =	ssyncadd.remote.s32 $0x1  }
0xc0: {  	_ =	sfence.sel $0xFFFF  }
0xc1: {  	[dreg:$0x0] =	wrdreg $0xFFFFFFFF;
	(pc) =	sbr.abs _section_cstart, $3  }
0xc2: {  	[dreg:$0x1] =	wrdreg $0xFFFFFFFF  }
0xc3: {  	_ =	task.clear_ibuf [dreg:s8], $0x2FFFF;
	_ =	strace $0x9FFFFFFF  }
0xc4: {  	(tm) =	ssettm $0x7FFFFFFF  }
0xc5: {  	_ =	shalt  }
tec
execute0_lowered:
.L_overlay_start_1:
0x0: {  	(tag) =	ssettag $0x1  }
0x1: {  	s0 =	rddreg [dreg:$0x0]  }
0x2: {  	s1 =	rddreg [dreg:$0x1]  }
0x3: {  	s8 =	rddreg [dreg:$0x2];
	s3 =	simm.s32 $0x0  }
0x4: {  	[smem:$0x7FF] =	sst s3;
	s6 =	sadd.s32 $0x1000, s8  }
0x5: {  	s7 =	sadd.s32 $0x2000, s8;
	_ =	strace $0x80000047;
	[dreg:$0x6] =	wrdreg s6  }
0x6: {  	s9 =	sadd.s32 $0x3000, s8;
	[dreg:$0x7] =	wrdreg s7  }
0x7: {  	s10 =	sadd.s32 $0x4000, s8;
	[dreg:$0x8] =	wrdreg s9  }
0x8: {  	s11 =	sadd.s32 $0x5000, s8;
	[dreg:$0x9] =	wrdreg s10  }
0x9: {  	s12 =	sadd.s32 $0x6000, s8;
	[dreg:$0xa] =	wrdreg s11  }
0xa: {  	s13 =	sadd.s32 $0x7000, s8;
	[dreg:$0xb] =	wrdreg s12  }
0xb: {  	s14 =	sadd.s32 $0x8000, s8;
	[dreg:$0xc] =	wrdreg s13  }
0xc: {  	s15 =	sadd.s32 $0x9000, s8;
	[dreg:$0xd] =	wrdreg s14  }
0xd: {  	s16 =	sadd.s32 $0xA000, s8;
	[dreg:$0xe] =	wrdreg s15  }
0xe: {  	s17 =	sadd.s32 $0xB000, s8;
	[dreg:$0xf] =	wrdreg s16  }
0xf: {  	s18 =	sadd.s32 $0xC000, s8;
	[dreg:$0x10] =	wrdreg s17  }
0x10: {  	s2 =	srdreg.scid;
	s19 =	sadd.s32 $0xD000, s8;
	[dreg:$0x11] =	wrdreg s18  }
0x11: {  	s4 =	stileid.u32;
	s20 =	sadd.s32 $0xE000, s8;
	[dreg:$0x12] =	wrdreg s19  }
0x12: {  	s2 =	sand.u32 $0x1, s2;
	s21 =	sadd.s32 $0xF000, s8;
	[dreg:$0x13] =	wrdreg s20  }
0x13: {  	s4 =	sshll.u32 s4, $0xB;
	s22 =	sadd.s32 $0x10000, s8;
	[dreg:$0x14] =	wrdreg s21  }
0x14: {  	s23 =	sadd.s32 $0x11000, s8;
	s24 =	sadd.s32 $0x12000, s8;
	[dreg:$0x15] =	wrdreg s22  }
0x15: {  	s26 =	sadd.s32 $0x13000, s8;
	s28 =	sadd.s32 $0x14000, s8;
	[dreg:$0x16] =	wrdreg s23  }
0x16: {  	s30 =	sadd.s32 $0x16000, s8;
	s31 =	sadd.s32 $0x17000, s8;
	[dreg:$0x17] =	wrdreg s24  }
0x17: {  	s5 =	sshll.u32 s2, $0xA;
	s2 =	ssub.s32 $0x2, s2;
	[dreg:$0x19] =	wrdreg s26  }
0x18: {  	[dreg:$0x1a] =	wrdreg s28;
	s6 =	sadd.s32 $0x1A000, s8;
	s7 =	sadd.s32 $0x1E000, s8  }
0x19: {  	s9 =	simm.s32 $0x1;
	s10 =	simm.s32 $0xE400;
	s11 =	simm.s32 $0x2  }
0x1a: {  	s12 =	simm.s32 $0x10600;
	s13 =	simm.s32 $0x3;
	s14 =	simm.s32 $0x12800  }
0x1b: {  	s15 =	simm.s32 $0x4;
	s16 =	simm.s32 $0x14A00;
	s4 =	sor.u32 s5, s4  }
0x1c: {  	s5 =	sadd.s32 $0xF42800, s1;
	s29 =	sshrl.u32 s2, $0x1;
	[dreg:$0x4] =	wrdreg s4  }
0x1d: {  	s4 =	sshrl.u32 s4, $0x3;
	s1 =	ssub.s32 s2, s29;
	s29 =	sadd.s32 $0x15000, s8  }
0x1e: {  	v0 =	vlaneseq.u32;
	s19 =	simm.s32 $0x0;
	s0 =	sadd.s32 s0, s4;
	[dreg:$0x1b] =	wrdreg s29  }
0x1f: {  	v0 =	vmul.u32 $0x88, v0;
	s2 =	sadd.s32 $0x1C000, s8;
	s25 =	smax.u32 s1, $0x1;
	[dreg:$0x5] =	wrdreg s0  }
0x20: {  	s1 =	sadd.s32 $0x19000, s8;
	s4 =	sadd.s32 $0x1D000, s8;
	[dreg:$0x18] =	wrdreg s25  }
0x21: {  	v1 =	vadd.s32 $0x880, v0;
	v2 =	vadd.s32 $0x1100, v0;
	v3 =	vadd.s32 $0x1980, v0;
	s0 =	sadd.s32 $0x18000, s8;
	s25 =	sadd.s32 $0x1B000, s8;
	s8 =	sadd.s32 $0x1F000, s8  }
.LBB2_1:
0x22: {  	[dreg:$0x1c] =	wrdreg s19  }
0x23: {  	s17 =	rddreg [dreg:$0x5]  }
0x24: {  	s18 =	simm.s32 $0x400;
	s29 =	simm.s32 $0x8000;
	s20 =	simm.s32 $0x9  }
0x25: {  	[tilespmem:s3], [sflag:$0x9] =	stream.strided.gather [hbm4b:s17+s18], $0x6400, s29, s18, $0x38;
	[tilespmem:$0x16C00] =	vst v63  }
0x26: {  	_ =	swait.ge [sflag:s20], $0x6400  }
0x27: {  	[sflag:s20] =	ssyncset.done $0x0  }
0x28: {  	s21 =	simm.s32 $0x80;
	s22 =	simm.s32 $0x6400;
	[sflag:s20] =	ssyncadd.s32 $0xFFFF9C00  }
0x29: {  	[tilespmem:s22], [sflag:$0x1] =	stream.indirect.gather [hbm4b:s5+s21], $0x40, s3, s21, $0xb8;
	[tilespmem:$0x16C00] =	vst v63  }
0x2a: {  	s23 =	simm.s32 $0x8400  }
0x2b: {  	[tilespmem:s23], [sflag:$0x2] =	stream.indirect.gather [hbm4b:s5+s21], $0x40, s21, s21, $0xb8;
	[tilespmem:$0x16C00] =	vst v63  }
0x2c: {  	s24 =	simm.s32 $0x100;
	s26 =	simm.s32 $0xA400  }
0x2d: {  	[tilespmem:s26], [sflag:$0x3] =	stream.indirect.gather [hbm4b:s5+s21], $0x40, s24, s21, $0xb8;
	[tilespmem:$0x16C00] =	vst v63  }
0x2e: {  	s28 =	simm.s32 $0x180;
	s29 =	simm.s32 $0xC400;
	s17 =	simm.s32 $0x0  }
0x2f: {  	[tilespmem:s29], [sflag:$0x4] =	stream.indirect.gather [hbm4b:s5+s21], $0x40, s28, s21, $0xb8;
	[tilespmem:$0x16C00] =	vst v63  }
.LBB2_2:
0x30: {  	_ =	swait.ge [sflag:s9], $0x2000  }
0x31: {  	p0 =	seq.s32 s17, $0x0;
	[sflag:s9] =	ssyncset.done $0x0  }
0x32: {  	s18 =	simm.s32 @!p0 $0x5;
	[sflag:s9] =	ssyncadd.s32 $0xFFFFE000  }
0x33: {  	_ =	swait.ge @!p0 [sflag:s18], $0x400  }
0x34: {  	[sflag:s18] =	ssyncset.done @!p0 $0x0  }
0x35: {  	[sflag:s18] =	ssyncadd.s32 @!p0 $0xFFFFFC00  }
0x36: {  	_ =	swait.ge @!p0 [sflag:s18], $0x400  }
0x37: {  	[sflag:s18] =	ssyncset.done @!p0 $0x0  }
0x38: {  	[sflag:s18] =	ssyncadd.s32 @!p0 $0xFFFFFC00  }
0x39: {  	_ =	swait.ge @!p0 [sflag:s18], $0x400  }
0x3a: {  	[sflag:s18] =	ssyncset.done @!p0 $0x0  }
0x3b: {  	[sflag:s18] =	ssyncadd.s32 @!p0 $0xFFFFFC00  }
0x3c: {  	_ =	swait.ge @!p0 [sflag:s18], $0x400  }
0x3d: {  	[sflag:s18] =	ssyncset.done @!p0 $0x0  }
0x3e: {  	[sflag:s18] =	ssyncadd.s32 @!p0 $0xFFFFFC00  }
0x3f: {  	_ =	swait.ge @!p0 [sflag:s18], $0x400  }
0x40: {  	[sflag:s18] =	ssyncset.done @!p0 $0x0  }
0x41: {  	[sflag:s18] =	ssyncadd.s32 @!p0 $0xFFFFFC00  }
0x42: {  	_ =	swait.ge @!p0 [sflag:s18], $0x400  }
0x43: {  	[sflag:s18] =	ssyncset.done @!p0 $0x0  }
0x44: {  	[sflag:s18] =	ssyncadd.s32 @!p0 $0xFFFFFC00  }
0x45: {  	_ =	swait.ge @!p0 [sflag:s18], $0x400  }
0x46: {  	[sflag:s18] =	ssyncset.done @!p0 $0x0  }
0x47: {  	[sflag:s18] =	ssyncadd.s32 @!p0 $0xFFFFFC00  }
0x48: {  	_ =	swait.ge @!p0 [sflag:s18], $0x400  }
0x49: {  	[sflag:s18] =	ssyncset.done @!p0 $0x0  }
0x4a: {  	s21 =	simm.s32 $0x6440;
	s22 =	simm.s32 $0x1;
	[sflag:s18] =	ssyncadd.s32 @!p0 $0xFFFFFC00  }
0x4b: {  	v4 =	vmov s22;
	v5 =	vld [tilespmem:s21+$0x0]  }
0x4c: {  	v9 =	vand.u32 $0x7F, v4  }
0x4d: {  	v4 =	vadd.s32 v0, v9  }
0x4e: {  	s23 =	simm.s32 $0x0  }
0x4f: {  	v6 =	vmov s23;
	v7 =	vld [tilespmem:s21+$0xFFFFFFC0]  }
0x50: {  	v14 =	vand.u32 $0x7E, v6;
	v5 =	vmul.f32 $8.000000000e+00, v5  }
0x51: {  	s19 =	simm.s32 $0x3;
	v6 =	vadd.s32 v0, v14;
	s18 =	simm.s32 $0x64C0  }
0x52: {  	v8 =	vld [tilespmem:s18+$0x0];
	[tilespmem:v4+s10+$0x0] =	vst.idx.msk $0xffff, v5;
	v4 =	vmov s19  }
0x53: {  	v4 =	vand.u32 $0x7F, v4;
	v10 =	vld [tilespmem:s21+$0x10]  }
0x54: {  	v5 =	vmul.f32 $8.000000000e+00, v7;
	v7 =	vadd.s32 v0, v4  }
0x55: {  	s24 =	simm.s32 $0x2;
	v11 =	vadd.s32 v1, v9  }
0x56: {  	v12 =	vld [tilespmem:s18+$0xFFFFFFC0];
	[tilespmem:v6+s10+$0x0] =	vst.idx.msk $0xffff, v5;
	v5 =	vmov s24  }
0x57: {  	v6 =	vmul.f32 $8.000000000e+00, v8;
	v5 =	vand.u32 $0x7E, v5;
	v8 =	vld [tilespmem:s21+$0xFFFFFFD0]  }
0x58: {  	s20 =	simm.s32 $0x5;
	s19 =	simm.s32 $0x6540;
	v13 =	vadd.s32 v0, v5;
	v10 =	vmul.f32 $8.000000000e+00, v10  }
0x59: {  	v15 =	vld [tilespmem:s19+$0x0];
	[tilespmem:v7+s10+$0x0] =	vst.idx.msk $0xffff, v6;
	v7 =	vadd.s32 v1, v14;
	v6 =	vmov s20  }
0x5a: {  	[tilespmem:v11+s10+$0x0] =	vst.idx.msk $0xffff, v10;
	v6 =	vand.u32 $0x7F, v6;
	v10 =	vld [tilespmem:s18+$0x10]  }
0x5b: {  	v11 =	vmul.f32 $8.000000000e+00, v12;
	v12 =	vadd.s32 v0, v6;
	v16 =	vld [tilespmem:s21+$0x20]  }
0x5c: {  	s26 =	simm.s32 $0x4;
	v17 =	vadd.s32 v1, v4;
	v8 =	vmul.f32 $8.000000000e+00, v8  }
0x5d: {  	v18 =	vadd.s32 v2, v9;
	[tilespmem:v13+s10+$0x0] =	vst.idx.msk $0xffff, v11;
	v11 =	vmov s26;
	v13 =	vld [tilespmem:s19+$0xFFFFFFC0]  }
0x5e: {  	[tilespmem:v7+s10+$0x0] =	vst.idx.msk $0xffff, v8;
	v7 =	vand.u32 $0x7E, v11;
	v8 =	vmul.f32 $8.000000000e+00, v15;
	v11 =	vld [tilespmem:s18+$0xFFFFFFD0]  }
0x5f: {  	s22 =	simm.s32 $0x7;
	s20 =	simm.s32 $0x65C0;
	v15 =	vadd.s32 v0, v7;
	v10 =	vmul.f32 $8.000000000e+00, v10;
	v19 =	vld [tilespmem:s21+$0xFFFFFFE0]  }
0x60: {  	v20 =	vld [tilespmem:s20+$0x0];
	[tilespmem:v12+s10+$0x0] =	vst.idx.msk $0xffff, v8;
	v12 =	vadd.s32 v1, v5;
	v16 =	vmul.f32 $8.000000000e+00, v16;
	v8 =	vmov s22  }
0x61: {  	[tilespmem:v17+s10+$0x0] =	vst.idx.msk $0xffff, v10;
	v10 =	vadd.s32 v2, v14;
	v8 =	vand.u32 $0x7F, v8;
	v17 =	vld [tilespmem:s19+$0x10]  }
0x62: {  	v13 =	vmul.f32 $8.000000000e+00, v13;
	[tilespmem:v18+s10+$0x0] =	vst.idx.msk $0xffff, v16;
	v16 =	vadd.s32 v0, v8;
	v18 =	vld [tilespmem:s18+$0x20]  }
0x63: {  	s28 =	simm.s32 $0x6;
	v21 =	vadd.s32 v1, v6;
	v11 =	vmul.f32 $8.000000000e+00, v11;
	v22 =	vld [tilespmem:s21+$0x30]  }
0x64: {  	v23 =	vadd.s32 v2, v4;
	[tilespmem:v15+s10+$0x0] =	vst.idx.msk $0xffff, v13;
	v13 =	vmul.f32 $8.000000000e+00, v19;
	v15 =	vld [tilespmem:s20+$0xFFFFFFC0];
	v19 =	vmov s28  }
0x65: {  	v25 =	vadd.s32 v3, v9;
	[tilespmem:v12+s10+$0x0] =	vst.idx.msk $0xffff, v11;
	v12 =	vmul.f32 $8.000000000e+00, v20;
	v24 =	vld [tilespmem:s19+$0xFFFFFFD0];
	v9 =	vand.u32 $0x7E, v19  }
0x66: {  	[tilespmem:v10+s10+$0x0] =	vst.idx.msk $0xffff, v13;
	v10 =	vmul.f32 $8.000000000e+00, v17;
	v11 =	vld [tilespmem:s18+$0xFFFFFFE0];
	v17 =	vadd.s32 v0, v9  }
0x67: {  	s29 =	simm.s32 $0x9;
	s23 =	simm.s32 $0x6640;
	[tilespmem:v16+s10+$0x0] =	vst.idx.msk $0xffff, v12;
	v20 =	vmul.f32 $8.000000000e+00, v18;
	v12 =	vld [tilespmem:s21+$0xFFFFFFF0];
	v16 =	vadd.s32 v1, v7  }
0x68: {  	v19 =	vld [tilespmem:s23+$0x0];
	v13 =	vadd.s32 v2, v5;
	v18 =	vmov s29;
	[tilespmem:v21+s10+$0x0] =	vst.idx.msk $0xffff, v10;
	v26 =	vmul.f32 $8.000000000e+00, v22  }
0x69: {  	s24 =	simm.s32 $0xA;
	v14 =	vadd.s32 v3, v14;
	v10 =	vand.u32 $0x7F, v18;
	v18 =	vld [tilespmem:s20+$0x10];
	v22 =	vmul.f32 $8.000000000e+00, v15;
	[tilespmem:v23+s10+$0x0] =	vst.idx.msk $0xffff, v20  }
0x6a: {  	s26 =	simm.s32 $0x8;
	s22 =	simm.s32 $0x6640;
	s21 =	sshll.u32 s17, $0x2;
	v20 =	vadd.s32 v0, v10;
	v15 =	vld [tilespmem:s19+$0x20];
	v21 =	vmul.f32 $8.000000000e+00, v24;
	[tilespmem:v25+s10+$0x0] =	vst.idx.msk $0xffff, v26  }
.LBB2_3:
0x6b: {  	p1 =	slt.u32 s24, $0x7E;
	[tilespmem:v17+s10+$0x0] =	vst.idx.msk $0xffff, v22;
	v22 =	vadd.s32 v1, v8;
	v11 =	vmul.f32 $8.000000000e+00, v11;
	v23 =	vld [tilespmem:s18+$0x30]  }
0x6c: {  	v17 =	vmov s26;
	s26 =	smov.u32 s24;
	v24 =	vld [tilespmem:s23+$0xFFFFFFC0];
	[tilespmem:v16+s10+$0x0] =	vst.idx.msk $0xffff, v21;
	v21 =	vadd.s32 v2, v6;
	v12 =	vmul.f32 $8.000000000e+00, v12  }
0x6d: {  	v27 =	vadd.s32 v3, v4;
	v4 =	vmovc v6;
	v25 =	vand.u32 $0x7E, v17;
	v16 =	vmul.f32 $8.000000000e+00, v19;
	v26 =	vld [tilespmem:s20+$0xFFFFFFD0];
	[tilespmem:v13+s10+$0x0] =	vst.idx.msk $0xffff, v11  }
.Ltmp0:
0x6e: {  	v6 =	vmovc v8;
	v8 =	vmov v10;
	v17 =	vadd.s32 v0, v25;
	v13 =	vmul.f32 $8.000000000e+00, v18;
	v11 =	vld [tilespmem:s19+$0xFFFFFFE0];
	[tilespmem:v14+s10+$0x0] =	vst.idx.msk $0xffff, v12;
	(pc) =	sbr.rel @p1 .LBB2_3-.Ltmp0, $4  }
0x6f: {  	s28 =	sadd.s32 $0x1, s24;
	s23 =	sadd.s32 $0x80, s23;
	[tilespmem:v20+s10+$0x0] =	vst.idx.msk $0xffff, v16;
	v16 =	vadd.s32 v1, v9;
	v14 =	vmul.f32 $8.000000000e+00, v15;
	v12 =	vld [tilespmem:s18+$0xFFFFFFF0];
	s18 =	smov.u32 s19  }
0x70: {  	v10 =	vmov s28;
	s19 =	smov.u32 s20;
	s20 =	smov.u32 s22;
	s22 =	smov.u32 s23;
	v19 =	vld [tilespmem:s23+$0x0];
	[tilespmem:v22+s10+$0x0] =	vst.idx.msk $0xffff, v13;
	v13 =	vadd.s32 v2, v7;
	v23 =	vmul.f32 $8.000000000e+00, v23  }
0x71: {  	v10 =	vand.u32 $0x7F, v10;
	v22 =	vmul.f32 $8.000000000e+00, v24;
	v18 =	vld [tilespmem:s20+$0x10];
	[tilespmem:v21+s10+$0x0] =	vst.idx.msk $0xffff, v14;
	v14 =	vadd.s32 v3, v5;
	v5 =	vmovc v7  }
0x72: {  	s24 =	sadd.s32 $0x2, s24;
	v20 =	vadd.s32 v0, v10;
	v7 =	vmovc v9;
	v9 =	vmov v25;
	v21 =	vmul.f32 $8.000000000e+00, v26;
	v15 =	vld [tilespmem:s19+$0x20];
	[tilespmem:v27+s10+$0x0] =	vst.idx.msk $0xffff, v23  }
0x73: {  	v23 =	vmov s26;
	v24 =	vld [tilespmem:s23+$0xFFFFFFC0]  }
0x74: {  	v23 =	vand.u32 $0x7E, v23  }
0x75: {  	v25 =	vadd.s32 v0, v23;
	_ =	sdelay $0x1  }
0x76: {  	v19 =	vmul.f32 $8.000000000e+00, v19  }
0x77: {  	[tilespmem:v17+s10+$0x0] =	vst.idx.msk $0xffff, v22;
	v17 =	vmul.f32 $8.000000000e+00, v24  }
0x78: {  	v22 =	vld [tilespmem:s20+$0xFFFFFFD0];
	[tilespmem:v20+s10+$0x0] =	vst.idx.msk $0xffff, v19  }
0x79: {  	v19 =	vadd.s32 v1, v8;
	v20 =	vld [tilespmem:s22+$0x10];
	[tilespmem:v25+s10+$0x0] =	vst.idx.msk $0xffff, v17  }
0x7a: {  	v17 =	vadd.s32 v1, v9;
	v58 =	vld [tilespmem:s22+$0xFFFFFFD0]  }
0x7b: {  	v59 =	vadd.s32 v1, v10  }
0x7c: {  	v26 =	vadd.s32 v1, v23;
	v18 =	vmul.f32 $8.000000000e+00, v18  }
0x7d: {  	[tilespmem:v16+s10+$0x0] =	vst.idx.msk $0xffff, v21;
	v16 =	vmul.f32 $8.000000000e+00, v22  }
0x7e: {  	[tilespmem:v19+s10+$0x0] =	vst.idx.msk $0xffff, v18;
	v18 =	vld [tilespmem:s19+$0xFFFFFFE0];
	v19 =	vmul.f32 $8.000000000e+00, v20  }
0x7f: {  	v20 =	vadd.s32 v2, v6;
	[tilespmem:v17+s10+$0x0] =	vst.idx.msk $0xffff, v16;
	v16 =	vld [tilespmem:s20+$0x20];
	v17 =	vmul.f32 $8.000000000e+00, v58  }
0x80: {  	v11 =	vmul.f32 $8.000000000e+00, v11;
	v21 =	vadd.s32 v2, v7;
	[tilespmem:v59+s10+$0x0] =	vst.idx.msk $0xffff, v19;
	v19 =	vld [tilespmem:s20+$0xFFFFFFE0]  }
0x81: {  	v12 =	vmul.f32 $8.000000000e+00, v12;
	v22 =	vadd.s32 v2, v8;
	[tilespmem:v26+s10+$0x0] =	vst.idx.msk $0xffff, v17;
	v17 =	vld [tilespmem:s22+$0x20]  }
0x82: {  	[tilespmem:v13+s10+$0x0] =	vst.idx.msk $0xffff, v11;
	v13 =	vadd.s32 v2, v9;
	v11 =	vmul.f32 $8.000000000e+00, v15;
	v15 =	vld [tilespmem:s22+$0xFFFFFFE0]  }
0x83: {  	v60 =	vld [tilespmem:s18+$0x30];
	[tilespmem:v14+s10+$0x0] =	vst.idx.msk $0xffff, v12;
	v14 =	vadd.s32 v2, v10;
	v12 =	vmul.f32 $8.000000000e+00, v18  }
0x84: {  	v18 =	vld [tilespmem:s18+$0xFFFFFFF0];
	[tilespmem:v20+s10+$0x0] =	vst.idx.msk $0xffff, v11;
	v11 =	vmul.f32 $8.000000000e+00, v16;
	v16 =	vadd.s32 v2, v23  }
0x85: {  	v4 =	vadd.s32 v3, v4;
	v20 =	vld [tilespmem:s19+$0x30];
	[tilespmem:v21+s10+$0x0] =	vst.idx.msk $0xffff, v12;
	v12 =	vmul.f32 $8.000000000e+00, v19  }
0x86: {  	v5 =	vadd.s32 v3, v5;
	v19 =	vld [tilespmem:s19+$0xFFFFFFF0];
	[tilespmem:v22+s10+$0x0] =	vst.idx.msk $0xffff, v11;
	v11 =	vmul.f32 $8.000000000e+00, v17  }
0x87: {  	v6 =	vadd.s32 v3, v6;
	v17 =	vld [tilespmem:s20+$0x30];
	[tilespmem:v13+s10+$0x0] =	vst.idx.msk $0xffff, v12;
	v12 =	vmul.f32 $8.000000000e+00, v15  }
0x88: {  	v7 =	vadd.s32 v3, v7;
	v13 =	vmul.f32 $8.000000000e+00, v60;
	v15 =	vld [tilespmem:s20+$0xFFFFFFF0];
	[tilespmem:v14+s10+$0x0] =	vst.idx.msk $0xffff, v11  }
0x89: {  	v8 =	vadd.s32 v3, v8;
	v11 =	vmul.f32 $8.000000000e+00, v18;
	v14 =	vld [tilespmem:s22+$0x30];
	[tilespmem:v16+s10+$0x0] =	vst.idx.msk $0xffff, v12  }
0x8a: {  	v9 =	vadd.s32 v3, v9;
	[tilespmem:v4+s10+$0x0] =	vst.idx.msk $0xffff, v13;
	v4 =	vmul.f32 $8.000000000e+00, v20;
	v12 =	vld [tilespmem:s22+$0xFFFFFFF0]  }
0x8b: {  	v10 =	vadd.s32 v3, v10;
	[tilespmem:v5+s10+$0x0] =	vst.idx.msk $0xffff, v11;
	v5 =	vmul.f32 $8.000000000e+00, v19  }
0x8c: {  	[tilespmem:v6+s10+$0x0] =	vst.idx.msk $0xffff, v4;
	v6 =	vadd.s32 v3, v23;
	v4 =	vmul.f32 $8.000000000e+00, v17  }
0x8d: {  	[tilespmem:v7+s10+$0x0] =	vst.idx.msk $0xffff, v5;
	v5 =	vmul.f32 $8.000000000e+00, v15  }
0x8e: {  	p1 =	seq.s32 s17, $0x31;
	[tilespmem:v8+s10+$0x0] =	vst.idx.msk $0xffff, v4;
	v4 =	vmul.f32 $8.000000000e+00, v14  }
0x8f: {  	s19 =	sshll.u32 @!p1 s21, $0x7;
	[tilespmem:v9+s10+$0x0] =	vst.idx.msk $0xffff, v5;
	v5 =	vmul.f32 $8.000000000e+00, v12  }
0x90: {  	s18 =	sadd.s32 @!p1 $0x200, s19;
	[tilespmem:v10+s10+$0x0] =	vst.idx.msk $0xffff, v4  }
0x91: {  	s21 =	simm.s32 @!p1 $0x6400;
	s18 =	sand.u32 @!p1 $0x3FFFFF80, s18;
	s20 =	simm.s32 @!p1 $0x80;
	[tilespmem:v6+s10+$0x0] =	vst.idx.msk $0xffff, v5  }
0x92: {  	[tilespmem:s21], [sflag:$0x1] =	stream.indirect.gather @!p1 [hbm4b:s5+s20], $0x40, s18, s20, $0xb8;
	[tilespmem:$0x16C00] =	vst v63  }
0x93: {  	s20 =	sshll.u32 s17, $0x14;
	s21 =	rddreg [dreg:$0x4]  }
0x94: {  	s18 =	sor.u32 s21, s20  }
0x95: {  	s22 =	rddreg [dreg:$0x2];
	s18 =	sshrl.u32 s18, $0x3  }
0x96: {  	s20 =	sadd.s32 s22, s18  }
0x97: {  	[hbm4b:s20+s3] =	stream.linear.scatter [tilespmem:s10], [sflag:$0x5], $0x80, $0x38;
	[tilespmem:$0x16C00] =	vst v63  }
0x98: {  	s24 =	simm.s32 $0xE488;
	s23 =	sadd.s32 $0x10, s20  }
0x99: {  	[hbm4b:s23+s3] =	stream.linear.scatter [tilespmem:s24], [sflag:$0x5], $0x80, $0x38;
	[tilespmem:$0x16C00] =	vst v63  }
0x9a: {  	s29 =	simm.s32 $0xE510;
	s26 =	sadd.s32 $0x20, s20  }
0x9b: {  	[hbm4b:s26+s3] =	stream.linear.scatter [tilespmem:s29], [sflag:$0x5], $0x80, $0x38;
	[tilespmem:$0x16C00] =	vst v63  }
0x9c: {  	s23 =	sadd.s32 $0x30, s20;
	s24 =	simm.s32 $0xE598  }
0x9d: {  	[hbm4b:s23+s3] =	stream.linear.scatter [tilespmem:s24], [sflag:$0x5], $0x80, $0x38;
	[tilespmem:$0x16C00] =	vst v63  }
0x9e: {  	s26 =	sadd.s32 $0x40, s20;
	s29 =	simm.s32 $0xE620  }
0x9f: {  	[hbm4b:s26+s3] =	stream.linear.scatter [tilespmem:s29], [sflag:$0x5], $0x80, $0x38;
	[tilespmem:$0x16C00] =	vst v63  }
0xa0: {  	s22 =	sadd.s32 $0x50, s20;
	s23 =	simm.s32 $0xE6A8  }
0xa1: {  	[hbm4b:s22+s3] =	stream.linear.scatter [tilespmem:s23], [sflag:$0x5], $0x80, $0x38;
	[tilespmem:$0x16C00] =	vst v63  }
0xa2: {  	s24 =	sadd.s32 $0x60, s20;
	s26 =	simm.s32 $0xE730  }
0xa3: {  	[hbm4b:s24+s3] =	stream.linear.scatter [tilespmem:s26], [sflag:$0x5], $0x80, $0x38;
	[tilespmem:$0x16C00] =	vst v63  }
0xa4: {  	s21 =	rddreg [dreg:$0x6];
	s20 =	sadd.s32 $0x70, s20;
	s29 =	simm.s32 $0xE7B8  }
0xa5: {  	[hbm4b:s20+s3] =	stream.linear.scatter [tilespmem:s29], [sflag:$0x5], $0x80, $0x38;
	[tilespmem:$0x16C00] =	vst v63  }
0xa6: {  	s22 =	simm.s32 $0xE840;
	s20 =	sadd.s32 s18, s21  }
0xa7: {  	[hbm4b:s20+s3] =	stream.linear.scatter [tilespmem:s22], [sflag:$0x5], $0x80, $0x38;
	[tilespmem:$0x16C00] =	vst v63  }
0xa8: {  	s24 =	simm.s32 $0xE8C8;
	s23 =	sadd.s32 $0x10, s20  }
0xa9: {  	[hbm4b:s23+s3] =	stream.linear.scatter [tilespmem:s24], [sflag:$0x5], $0x80, $0x38;
	[tilespmem:$0x16C00] =	vst v63  }
0xaa: {  	s29 =	simm.s32 $0xE950;
	s26 =	sadd.s32 $0x20, s20  }
0xab: {  	[hbm4b:s26+s3] =	stream.linear.scatter [tilespmem:s29], [sflag:$0x5], $0x80, $0x38;
	[tilespmem:$0x16C00] =	vst v63  }
0xac: {  	s23 =	sadd.s32 $0x30, s20;
	s24 =	simm.s32 $0xE9D8  }
0xad: {  	[hbm4b:s23+s3] =	stream.linear.scatter [tilespmem:s24], [sflag:$0x5], $0x80, $0x38;
	[tilespmem:$0x16C00] =	vst v63  }
0xae: {  	s26 =	sadd.s32 $0x40, s20;
	s29 =	simm.s32 $0xEA60  }
0xaf: {  	[hbm4b:s26+s3] =	stream.linear.scatter [tilespmem:s29], [sflag:$0x5], $0x80, $0x38;
	[tilespmem:$0x16C00] =	vst v63  }
0xb0: {  	s22 =	sadd.s32 $0x50, s20;
	s23 =	simm.s32 $0xEAE8  }
0xb1: {  	[hbm4b:s22+s3] =	stream.linear.scatter [tilespmem:s23], [sflag:$0x5], $0x80, $0x38;
	[tilespmem:$0x16C00] =	vst v63  }
0xb2: {  	s24 =	sadd.s32 $0x60, s20;
	s26 =	simm.s32 $0xEB70  }
0xb3: {  	[hbm4b:s24+s3] =	stream.linear.scatter [tilespmem:s26], [sflag:$0x5], $0x80, $0x38;
	[tilespmem:$0x16C00] =	vst v63  }
0xb4: {  	s21 =	rddreg [dreg:$0x7];
	s20 =	sadd.s32 $0x70, s20;
	s29 =	simm.s32 $0xEBF8  }
0xb5: {  	[hbm4b:s20+s3] =	stream.linear.scatter [tilespmem:s29], [sflag:$0x5], $0x80, $0x38;
	[tilespmem:$0x16C00] =	vst v63  }
0xb6: {  	s22 =	simm.s32 $0xEC80;
	s20 =	sadd.s32 s18, s21  }
0xb7: {  	[hbm4b:s20+s3] =	stream.linear.scatter [tilespmem:s22], [sflag:$0x5], $0x80, $0x38;
	[tilespmem:$0x16C00] =	vst v63  }
0xb8: {  	s24 =	simm.s32 $0xED08;
	s23 =	sadd.s32 $0x10, s20  }
0xb9: {  	[hbm4b:s23+s3] =	stream.linear.scatter [tilespmem:s24], [sflag:$0x5], $0x80, $0x38;
	[tilespmem:$0x16C00] =	vst v63  }
0xba: {  	s29 =	simm.s32 $0xED90;
	s26 =	sadd.s32 $0x20, s20  }
0xbb: {  	[hbm4b:s26+s3] =	stream.linear.scatter [tilespmem:s29], [sflag:$0x5], $0x80, $0x38;
	[tilespmem:$0x16C00] =	vst v63  }
0xbc: {  	s23 =	sadd.s32 $0x30, s20;
	s24 =	simm.s32 $0xEE18  }
0xbd: {  	[hbm4b:s23+s3] =	stream.linear.scatter [tilespmem:s24], [sflag:$0x5], $0x80, $0x38;
	[tilespmem:$0x16C00] =	vst v63  }
0xbe: {  	s26 =	sadd.s32 $0x40, s20;
	s29 =	simm.s32 $0xEEA0  }
0xbf: {  	[hbm4b:s26+s3] =	stream.linear.scatter [tilespmem:s29], [sflag:$0x5], $0x80, $0x38;
	[tilespmem:$0x16C00] =	vst v63  }
0xc0: {  	s22 =	sadd.s32 $0x50, s20;
	s23 =	simm.s32 $0xEF28  }
0xc1: {  	[hbm4b:s22+s3] =	stream.linear.scatter [tilespmem:s23], [sflag:$0x5], $0x80, $0x38;
	[tilespmem:$0x16C00] =	vst v63  }
0xc2: {  	s24 =	sadd.s32 $0x60, s20;
	s26 =	simm.s32 $0xEFB0  }
0xc3: {  	[hbm4b:s24+s3] =	stream.linear.scatter [tilespmem:s26], [sflag:$0x5], $0x80, $0x38;
	[tilespmem:$0x16C00] =	vst v63  }
0xc4: {  	s21 =	rddreg [dreg:$0x8];
	s20 =	sadd.s32 $0x70, s20;
	s29 =	simm.s32 $0xF038  }
0xc5: {  	[hbm4b:s20+s3] =	stream.linear.scatter [tilespmem:s29], [sflag:$0x5], $0x80, $0x38;
	[tilespmem:$0x16C00] =	vst v63  }
0xc6: {  	s22 =	simm.s32 $0xF0C0;
	s20 =	sadd.s32 s18, s21  }
0xc7: {  	[hbm4b:s20+s3] =	stream.linear.scatter [tilespmem:s22], [sflag:$0x5], $0x80, $0x38;
	[tilespmem:$0x16C00] =	vst v63  }
0xc8: {  	s24 =	simm.s32 $0xF148;
	s23 =	sadd.s32 $0x10, s20  }
0xc9: {  	[hbm4b:s23+s3] =	stream.linear.scatter [tilespmem:s24], [sflag:$0x5], $0x80, $0x38;
	[tilespmem:$0x16C00] =	vst v63  }
0xca: {  	s29 =	simm.s32 $0xF1D0;
	s26 =	sadd.s32 $0x20, s20  }
0xcb: {  	[hbm4b:s26+s3] =	stream.linear.scatter [tilespmem:s29], [sflag:$0x5], $0x80, $0x38;
	[tilespmem:$0x16C00] =	vst v63  }
0xcc: {  	s23 =	sadd.s32 $0x30, s20;
	s24 =	simm.s32 $0xF258  }
0xcd: {  	[hbm4b:s23+s3] =	stream.linear.scatter [tilespmem:s24], [sflag:$0x5], $0x80, $0x38;
	[tilespmem:$0x16C00] =	vst v63  }
0xce: {  	s26 =	sadd.s32 $0x40, s20;
	s29 =	simm.s32 $0xF2E0  }
0xcf: {  	[hbm4b:s26+s3] =	stream.linear.scatter [tilespmem:s29], [sflag:$0x5], $0x80, $0x38;
	[tilespmem:$0x16C00] =	vst v63  }
0xd0: {  	s22 =	sadd.s32 $0x50, s20;
	s23 =	simm.s32 $0xF368  }
0xd1: {  	[hbm4b:s22+s3] =	stream.linear.scatter [tilespmem:s23], [sflag:$0x5], $0x80, $0x38;
	[tilespmem:$0x16C00] =	vst v63  }
0xd2: {  	s24 =	sadd.s32 $0x60, s20;
	s26 =	simm.s32 $0xF3F0  }
0xd3: {  	[hbm4b:s24+s3] =	stream.linear.scatter [tilespmem:s26], [sflag:$0x5], $0x80, $0x38;
	[tilespmem:$0x16C00] =	vst v63  }
0xd4: {  	s21 =	rddreg [dreg:$0x9];
	s20 =	sadd.s32 $0x70, s20;
	s29 =	simm.s32 $0xF478  }
0xd5: {  	[hbm4b:s20+s3] =	stream.linear.scatter [tilespmem:s29], [sflag:$0x5], $0x80, $0x38;
	[tilespmem:$0x16C00] =	vst v63  }
0xd6: {  	s22 =	simm.s32 $0xF500;
	s20 =	sadd.s32 s18, s21  }
0xd7: {  	[hbm4b:s20+s3] =	stream.linear.scatter [tilespmem:s22], [sflag:$0x5], $0x80, $0x38;
	[tilespmem:$0x16C00] =	vst v63  }
0xd8: {  	s24 =	simm.s32 $0xF588;
	s23 =	sadd.s32 $0x10, s20  }
0xd9: {  	[hbm4b:s23+s3] =	stream.linear.scatter [tilespmem:s24], [sflag:$0x5], $0x80, $0x38;
	[tilespmem:$0x16C00] =	vst v63  }
0xda: {  	s29 =	simm.s32 $0xF610;
	s26 =	sadd.s32 $0x20, s20  }
0xdb: {  	[hbm4b:s26+s3] =	stream.linear.scatter [tilespmem:s29], [sflag:$0x5], $0x80, $0x38;
	[tilespmem:$0x16C00] =	vst v63  }
0xdc: {  	s23 =	sadd.s32 $0x30, s20;
	s24 =	simm.s32 $0xF698  }
0xdd: {  	[hbm4b:s23+s3] =	stream.linear.scatter [tilespmem:s24], [sflag:$0x5], $0x80, $0x38;
	[tilespmem:$0x16C00] =	vst v63  }
0xde: {  	s26 =	sadd.s32 $0x40, s20;
	s29 =	simm.s32 $0xF720  }
0xdf: {  	[hbm4b:s26+s3] =	stream.linear.scatter [tilespmem:s29], [sflag:$0x5], $0x80, $0x38;
	[tilespmem:$0x16C00] =	vst v63  }
0xe0: {  	s22 =	sadd.s32 $0x50, s20;
	s23 =	simm.s32 $0xF7A8  }
0xe1: {  	[hbm4b:s22+s3] =	stream.linear.scatter [tilespmem:s23], [sflag:$0x5], $0x80, $0x38;
	[tilespmem:$0x16C00] =	vst v63  }
0xe2: {  	s24 =	sadd.s32 $0x60, s20;
	s26 =	simm.s32 $0xF830  }
0xe3: {  	[hbm4b:s24+s3] =	stream.linear.scatter [tilespmem:s26], [sflag:$0x5], $0x80, $0x38;
	[tilespmem:$0x16C00] =	vst v63  }
0xe4: {  	s21 =	rddreg [dreg:$0xa];
	s20 =	sadd.s32 $0x70, s20;
	s29 =	simm.s32 $0xF8B8  }
0xe5: {  	[hbm4b:s20+s3] =	stream.linear.scatter [tilespmem:s29], [sflag:$0x5], $0x80, $0x38;
	[tilespmem:$0x16C00] =	vst v63  }
0xe6: {  	s22 =	simm.s32 $0xF940;
	s20 =	sadd.s32 s18, s21  }
0xe7: {  	[hbm4b:s20+s3] =	stream.linear.scatter [tilespmem:s22], [sflag:$0x5], $0x80, $0x38;
	[tilespmem:$0x16C00] =	vst v63  }
0xe8: {  	s24 =	simm.s32 $0xF9C8;
	s23 =	sadd.s32 $0x10, s20  }
0xe9: {  	[hbm4b:s23+s3] =	stream.linear.scatter [tilespmem:s24], [sflag:$0x5], $0x80, $0x38;
	[tilespmem:$0x16C00] =	vst v63  }
0xea: {  	s29 =	simm.s32 $0xFA50;
	s26 =	sadd.s32 $0x20, s20  }
0xeb: {  	[hbm4b:s26+s3] =	stream.linear.scatter [tilespmem:s29], [sflag:$0x5], $0x80, $0x38;
	[tilespmem:$0x16C00] =	vst v63  }
0xec: {  	s23 =	sadd.s32 $0x30, s20;
	s24 =	simm.s32 $0xFAD8  }
0xed: {  	[hbm4b:s23+s3] =	stream.linear.scatter [tilespmem:s24], [sflag:$0x5], $0x80, $0x38;
	[tilespmem:$0x16C00] =	vst v63  }
0xee: {  	s26 =	sadd.s32 $0x40, s20;
	s29 =	simm.s32 $0xFB60  }
0xef: {  	[hbm4b:s26+s3] =	stream.linear.scatter [tilespmem:s29], [sflag:$0x5], $0x80, $0x38;
	[tilespmem:$0x16C00] =	vst v63  }
0xf0: {  	s22 =	sadd.s32 $0x50, s20;
	s23 =	simm.s32 $0xFBE8  }
0xf1: {  	[hbm4b:s22+s3] =	stream.linear.scatter [tilespmem:s23], [sflag:$0x5], $0x80, $0x38;
	[tilespmem:$0x16C00] =	vst v63  }
0xf2: {  	s24 =	sadd.s32 $0x60, s20;
	s26 =	simm.s32 $0xFC70  }
0xf3: {  	[hbm4b:s24+s3] =	stream.linear.scatter [tilespmem:s26], [sflag:$0x5], $0x80, $0x38;
	[tilespmem:$0x16C00] =	vst v63  }
0xf4: {  	s21 =	rddreg [dreg:$0xb];
	s20 =	sadd.s32 $0x70, s20;
	s29 =	simm.s32 $0xFCF8  }
0xf5: {  	[hbm4b:s20+s3] =	stream.linear.scatter [tilespmem:s29], [sflag:$0x5], $0x80, $0x38;
	[tilespmem:$0x16C00] =	vst v63  }
0xf6: {  	s22 =	simm.s32 $0xFD80;
	s20 =	sadd.s32 s18, s21  }
0xf7: {  	[hbm4b:s20+s3] =	stream.linear.scatter [tilespmem:s22], [sflag:$0x5], $0x80, $0x38;
	[tilespmem:$0x16C00] =	vst v63  }
0xf8: {  	s24 =	simm.s32 $0xFE08;
	s23 =	sadd.s32 $0x10, s20  }
0xf9: {  	[hbm4b:s23+s3] =	stream.linear.scatter [tilespmem:s24], [sflag:$0x5], $0x80, $0x38;
	[tilespmem:$0x16C00] =	vst v63  }
0xfa: {  	s29 =	simm.s32 $0xFE90;
	s26 =	sadd.s32 $0x20, s20  }
0xfb: {  	[hbm4b:s26+s3] =	stream.linear.scatter [tilespmem:s29], [sflag:$0x5], $0x80, $0x38;
	[tilespmem:$0x16C00] =	vst v63  }
0xfc: {  	s23 =	sadd.s32 $0x30, s20;
	s24 =	simm.s32 $0xFF18  }
0xfd: {  	[hbm4b:s23+s3] =	stream.linear.scatter [tilespmem:s24], [sflag:$0x5], $0x80, $0x38;
	[tilespmem:$0x16C00] =	vst v63  }
0xfe: {  	s26 =	sadd.s32 $0x40, s20;
	s29 =	simm.s32 $0xFFA0  }
0xff: {  	[hbm4b:s26+s3] =	stream.linear.scatter [tilespmem:s29], [sflag:$0x5], $0x80, $0x38;
	[tilespmem:$0x16C00] =	vst v63  }
0x100: {  	s22 =	sadd.s32 $0x50, s20;
	s23 =	simm.s32 $0x10028  }
0x101: {  	[hbm4b:s22+s3] =	stream.linear.scatter [tilespmem:s23], [sflag:$0x5], $0x80, $0x38;
	[tilespmem:$0x16C00] =	vst v63  }
0x102: {  	s24 =	sadd.s32 $0x60, s20;
	s26 =	simm.s32 $0x100B0  }
0x103: {  	[hbm4b:s24+s3] =	stream.linear.scatter [tilespmem:s26], [sflag:$0x5], $0x80, $0x38;
	[tilespmem:$0x16C00] =	vst v63  }
0x104: {  	s21 =	rddreg [dreg:$0xc];
	s20 =	sadd.s32 $0x70, s20;
	s29 =	simm.s32 $0x10138  }
0x105: {  	[hbm4b:s20+s3] =	stream.linear.scatter [tilespmem:s29], [sflag:$0x5], $0x80, $0x38;
	[tilespmem:$0x16C00] =	vst v63  }
0x106: {  	s22 =	simm.s32 $0x101C0;
	s20 =	sadd.s32 s18, s21  }
0x107: {  	[hbm4b:s20+s3] =	stream.linear.scatter [tilespmem:s22], [sflag:$0x5], $0x80, $0x38;
	[tilespmem:$0x16C00] =	vst v63  }
0x108: {  	s24 =	simm.s32 $0x10248;
	s23 =	sadd.s32 $0x10, s20  }
0x109: {  	[hbm4b:s23+s3] =	stream.linear.scatter [tilespmem:s24], [sflag:$0x5], $0x80, $0x38;
	[tilespmem:$0x16C00] =	vst v63  }
0x10a: {  	s29 =	simm.s32 $0x102D0;
	s26 =	sadd.s32 $0x20, s20  }
0x10b: {  	[hbm4b:s26+s3] =	stream.linear.scatter [tilespmem:s29], [sflag:$0x5], $0x80, $0x38;
	[tilespmem:$0x16C00] =	vst v63  }
0x10c: {  	s23 =	sadd.s32 $0x30, s20;
	s24 =	simm.s32 $0x10358  }
0x10d: {  	[hbm4b:s23+s3] =	stream.linear.scatter [tilespmem:s24], [sflag:$0x5], $0x80, $0x38;
	[tilespmem:$0x16C00] =	vst v63  }
0x10e: {  	s26 =	sadd.s32 $0x40, s20;
	s29 =	simm.s32 $0x103E0  }
0x10f: {  	[hbm4b:s26+s3] =	stream.linear.scatter [tilespmem:s29], [sflag:$0x5], $0x80, $0x38;
	[tilespmem:$0x16C00] =	vst v63  }
0x110: {  	s22 =	sadd.s32 $0x50, s20;
	s23 =	simm.s32 $0x10468  }
0x111: {  	[hbm4b:s22+s3] =	stream.linear.scatter [tilespmem:s23], [sflag:$0x5], $0x80, $0x38;
	[tilespmem:$0x16C00] =	vst v63  }
0x112: {  	s24 =	sadd.s32 $0x60, s20;
	s26 =	simm.s32 $0x104F0  }
0x113: {  	[hbm4b:s24+s3] =	stream.linear.scatter [tilespmem:s26], [sflag:$0x5], $0x80, $0x38;
	[tilespmem:$0x16C00] =	vst v63  }
0x114: {  	s20 =	sadd.s32 $0x70, s20;
	s29 =	simm.s32 $0x10578  }
0x115: {  	[hbm4b:s20+s3] =	stream.linear.scatter [tilespmem:s29], [sflag:$0x5], $0x80, $0x38;
	[tilespmem:$0x16C00] =	vst v63  }
0x116: {  	_ =	swait.ge [sflag:s11], $0x2000  }
0x117: {  	[sflag:s11] =	ssyncset.done $0x0  }
0x118: {  	s20 =	simm.s32 @!p0 $0x6;
	[sflag:s11] =	ssyncadd.s32 $0xFFFFE000  }
0x119: {  	_ =	swait.ge @!p0 [sflag:s20], $0x400  }
0x11a: {  	[sflag:s20] =	ssyncset.done @!p0 $0x0  }
0x11b: {  	[sflag:s20] =	ssyncadd.s32 @!p0 $0xFFFFFC00  }
0x11c: {  	_ =	swait.ge @!p0 [sflag:s20], $0x400  }
0x11d: {  	[sflag:s20] =	ssyncset.done @!p0 $0x0  }
0x11e: {  	[sflag:s20] =	ssyncadd.s32 @!p0 $0xFFFFFC00  }
0x11f: {  	_ =	swait.ge @!p0 [sflag:s20], $0x400  }
0x120: {  	[sflag:s20] =	ssyncset.done @!p0 $0x0  }
0x121: {  	[sflag:s20] =	ssyncadd.s32 @!p0 $0xFFFFFC00  }
0x122: {  	_ =	swait.ge @!p0 [sflag:s20], $0x400  }
0x123: {  	[sflag:s20] =	ssyncset.done @!p0 $0x0  }
0x124: {  	[sflag:s20] =	ssyncadd.s32 @!p0 $0xFFFFFC00  }
0x125: {  	_ =	swait.ge @!p0 [sflag:s20], $0x400  }
0x126: {  	[sflag:s20] =	ssyncset.done @!p0 $0x0  }
0x127: {  	[sflag:s20] =	ssyncadd.s32 @!p0 $0xFFFFFC00  }
0x128: {  	_ =	swait.ge @!p0 [sflag:s20], $0x400  }
0x129: {  	[sflag:s20] =	ssyncset.done @!p0 $0x0  }
0x12a: {  	[sflag:s20] =	ssyncadd.s32 @!p0 $0xFFFFFC00  }
0x12b: {  	_ =	swait.ge @!p0 [sflag:s20], $0x400  }
0x12c: {  	[sflag:s20] =	ssyncset.done @!p0 $0x0  }
0x12d: {  	[sflag:s20] =	ssyncadd.s32 @!p0 $0xFFFFFC00  }
0x12e: {  	_ =	swait.ge @!p0 [sflag:s20], $0x400  }
0x12f: {  	[sflag:s20] =	ssyncset.done @!p0 $0x0  }
0x130: {  	s21 =	simm.s32 $0x1;
	s23 =	simm.s32 $0x8440;
	[sflag:s20] =	ssyncadd.s32 @!p0 $0xFFFFFC00  }
0x131: {  	v4 =	vmov s21;
	v5 =	vld [tilespmem:s23+$0x0]  }
0x132: {  	v9 =	vand.u32 $0x7F, v4  }
0x133: {  	v4 =	vadd.s32 v0, v9  }
0x134: {  	s22 =	simm.s32 $0x0  }
0x135: {  	v6 =	vmov s22;
	v7 =	vld [tilespmem:s23+$0xFFFFFFC0]  }
0x136: {  	v14 =	vand.u32 $0x7E, v6;
	v5 =	vmul.f32 $8.000000000e+00, v5  }
0x137: {  	s24 =	simm.s32 $0x3;
	v6 =	vadd.s32 v0, v14;
	s20 =	simm.s32 $0x84C0  }
0x138: {  	v8 =	vld [tilespmem:s20+$0x0];
	[tilespmem:v4+s12+$0x0] =	vst.idx.msk $0xffff, v5;
	v4 =	vmov s24  }
0x139: {  	v4 =	vand.u32 $0x7F, v4;
	v10 =	vld [tilespmem:s23+$0x10]  }
0x13a: {  	v5 =	vmul.f32 $8.000000000e+00, v7;
	v7 =	vadd.s32 v0, v4  }
0x13b: {  	v11 =	vadd.s32 v1, v9;
	s26 =	simm.s32 $0x2  }
0x13c: {  	v12 =	vld [tilespmem:s20+$0xFFFFFFC0];
	[tilespmem:v6+s12+$0x0] =	vst.idx.msk $0xffff, v5;
	v5 =	vmov s26  }
0x13d: {  	v6 =	vmul.f32 $8.000000000e+00, v8;
	v5 =	vand.u32 $0x7E, v5;
	v8 =	vld [tilespmem:s23+$0xFFFFFFD0]  }
0x13e: {  	s21 =	simm.s32 $0x8540;
	s29 =	simm.s32 $0x5;
	v13 =	vadd.s32 v0, v5;
	v10 =	vmul.f32 $8.000000000e+00, v10  }
0x13f: {  	v15 =	vld [tilespmem:s21+$0x0];
	[tilespmem:v7+s12+$0x0] =	vst.idx.msk $0xffff, v6;
	v7 =	vadd.s32 v1, v14;
	v6 =	vmov s29  }
0x140: {  	[tilespmem:v11+s12+$0x0] =	vst.idx.msk $0xffff, v10;
	v6 =	vand.u32 $0x7F, v6;
	v10 =	vld [tilespmem:s20+$0x10]  }
0x141: {  	v11 =	vmul.f32 $8.000000000e+00, v12;
	v12 =	vadd.s32 v0, v6;
	v16 =	vld [tilespmem:s23+$0x20]  }
0x142: {  	s24 =	simm.s32 $0x4;
	v17 =	vadd.s32 v1, v4;
	v8 =	vmul.f32 $8.000000000e+00, v8  }
0x143: {  	v18 =	vadd.s32 v2, v9;
	[tilespmem:v13+s12+$0x0] =	vst.idx.msk $0xffff, v11;
	v11 =	vmov s24;
	v13 =	vld [tilespmem:s21+$0xFFFFFFC0]  }
0x144: {  	[tilespmem:v7+s12+$0x0] =	vst.idx.msk $0xffff, v8;
	v7 =	vand.u32 $0x7E, v11;
	v8 =	vmul.f32 $8.000000000e+00, v15;
	v11 =	vld [tilespmem:s20+$0xFFFFFFD0]  }
0x145: {  	s22 =	simm.s32 $0x85C0;
	s24 =	simm.s32 $0x7;
	v15 =	vadd.s32 v0, v7;
	v10 =	vmul.f32 $8.000000000e+00, v10;
	v19 =	vld [tilespmem:s23+$0xFFFFFFE0]  }
0x146: {  	v20 =	vld [tilespmem:s22+$0x0];
	[tilespmem:v12+s12+$0x0] =	vst.idx.msk $0xffff, v8;
	v12 =	vadd.s32 v1, v5;
	v16 =	vmul.f32 $8.000000000e+00, v16;
	v8 =	vmov s24  }
0x147: {  	[tilespmem:v17+s12+$0x0] =	vst.idx.msk $0xffff, v10;
	v10 =	vadd.s32 v2, v14;
	v8 =	vand.u32 $0x7F, v8;
	v17 =	vld [tilespmem:s21+$0x10]  }
0x148: {  	v13 =	vmul.f32 $8.000000000e+00, v13;
	[tilespmem:v18+s12+$0x0] =	vst.idx.msk $0xffff, v16;
	v16 =	vadd.s32 v0, v8;
	v18 =	vld [tilespmem:s20+$0x20]  }
0x149: {  	s26 =	simm.s32 $0x6;
	v21 =	vadd.s32 v1, v6;
	v11 =	vmul.f32 $8.000000000e+00, v11;
	v22 =	vld [tilespmem:s23+$0x30]  }
0x14a: {  	v23 =	vadd.s32 v2, v4;
	[tilespmem:v15+s12+$0x0] =	vst.idx.msk $0xffff, v13;
	v13 =	vmul.f32 $8.000000000e+00, v19;
	v15 =	vld [tilespmem:s22+$0xFFFFFFC0];
	v19 =	vmov s26  }
0x14b: {  	v62 =	vadd.s32 v3, v9;
	[tilespmem:v12+s12+$0x0] =	vst.idx.msk $0xffff, v11;
	v12 =	vmul.f32 $8.000000000e+00, v20;
	v61 =	vld [tilespmem:s21+$0xFFFFFFD0];
	v9 =	vand.u32 $0x7E, v19  }
0x14c: {  	[tilespmem:v10+s12+$0x0] =	vst.idx.msk $0xffff, v13;
	v10 =	vmul.f32 $8.000000000e+00, v17;
	v11 =	vld [tilespmem:s20+$0xFFFFFFE0];
	v17 =	vadd.s32 v0, v9  }
0x14d: {  	s29 =	simm.s32 $0x9;
	s24 =	simm.s32 $0x8640;
	[tilespmem:v16+s12+$0x0] =	vst.idx.msk $0xffff, v12;
	v20 =	vmul.f32 $8.000000000e+00, v18;
	v12 =	vld [tilespmem:s23+$0xFFFFFFF0];
	v16 =	vadd.s32 v1, v7  }
0x14e: {  	v19 =	vld [tilespmem:s24+$0x0];
	v13 =	vadd.s32 v2, v5;
	v18 =	vmov s29;
	[tilespmem:v21+s12+$0x0] =	vst.idx.msk $0xffff, v10;
	v63 =	vmul.f32 $8.000000000e+00, v22  }
0x14f: {  	v14 =	vadd.s32 v3, v14;
	v10 =	vand.u32 $0x7F, v18;
	v18 =	vld [tilespmem:s22+$0x10];
	v22 =	vmul.f32 $8.000000000e+00, v15;
	[tilespmem:v23+s12+$0x0] =	vst.idx.msk $0xffff, v20  }
0x150: {  	s28 =	simm.s32 $0x8;
	s26 =	simm.s32 $0xA;
	s23 =	simm.s32 $0x8640;
	v20 =	vadd.s32 v0, v10;
	v15 =	vld [tilespmem:s21+$0x20];
	v21 =	vmul.f32 $8.000000000e+00, v61;
	[tilespmem:v62+s12+$0x0] =	vst.idx.msk $0xffff, v63  }
.LBB2_5:
0x151: {  	p2 =	slt.u32 s26, $0x7E;
	[tilespmem:v17+s12+$0x0] =	vst.idx.msk $0xffff, v22;
	v22 =	vadd.s32 v1, v8;
	v11 =	vmul.f32 $8.000000000e+00, v11;
	v23 =	vld [tilespmem:s20+$0x30]  }
0x152: {  	v17 =	vmov s28;
	s28 =	smov.u32 s26;
	v24 =	vld [tilespmem:s24+$0xFFFFFFC0];
	[tilespmem:v16+s12+$0x0] =	vst.idx.msk $0xffff, v21;
	v21 =	vadd.s32 v2, v6;
	v12 =	vmul.f32 $8.000000000e+00, v12  }
0x153: {  	v27 =	vadd.s32 v3, v4;
	v4 =	vmovc v6;
	v25 =	vand.u32 $0x7E, v17;
	v16 =	vmul.f32 $8.000000000e+00, v19;
	v26 =	vld [tilespmem:s22+$0xFFFFFFD0];
	[tilespmem:v13+s12+$0x0] =	vst.idx.msk $0xffff, v11  }
.Ltmp1:
0x154: {  	v6 =	vmovc v8;
	v8 =	vmov v10;
	v17 =	vadd.s32 v0, v25;
	v13 =	vmul.f32 $8.000000000e+00, v18;
	v11 =	vld [tilespmem:s21+$0xFFFFFFE0];
	[tilespmem:v14+s12+$0x0] =	vst.idx.msk $0xffff, v12;
	(pc) =	sbr.rel @p2 .LBB2_5-.Ltmp1, $4  }
0x155: {  	s29 =	sadd.s32 $0x1, s26;
	s24 =	sadd.s32 $0x80, s24;
	[tilespmem:v20+s12+$0x0] =	vst.idx.msk $0xffff, v16;
	v16 =	vadd.s32 v1, v9;
	v14 =	vmul.f32 $8.000000000e+00, v15;
	v12 =	vld [tilespmem:s20+$0xFFFFFFF0];
	s20 =	smov.u32 s21  }
0x156: {  	v10 =	vmov s29;
	s21 =	smov.u32 s22;
	s22 =	smov.u32 s23;
	s23 =	smov.u32 s24;
	v19 =	vld [tilespmem:s24+$0x0];
	[tilespmem:v22+s12+$0x0] =	vst.idx.msk $0xffff, v13;
	v13 =	vadd.s32 v2, v7;
	v23 =	vmul.f32 $8.000000000e+00, v23  }
0x157: {  	v10 =	vand.u32 $0x7F, v10;
	v22 =	vmul.f32 $8.000000000e+00, v24;
	v18 =	vld [tilespmem:s22+$0x10];
	[tilespmem:v21+s12+$0x0] =	vst.idx.msk $0xffff, v14;
	v14 =	vadd.s32 v3, v5;
	v5 =	vmovc v7  }
0x158: {  	s26 =	sadd.s32 $0x2, s26;
	v20 =	vadd.s32 v0, v10;
	v7 =	vmovc v9;
	v9 =	vmov v25;
	v21 =	vmul.f32 $8.000000000e+00, v26;
	v15 =	vld [tilespmem:s21+$0x20];
	[tilespmem:v27+s12+$0x0] =	vst.idx.msk $0xffff, v23  }
0x159: {  	v23 =	vmov s28;
	v24 =	vld [tilespmem:s24+$0xFFFFFFC0]  }
0x15a: {  	v23 =	vand.u32 $0x7E, v23  }
0x15b: {  	v25 =	vadd.s32 v0, v23;
	_ =	sdelay $0x1  }
0x15c: {  	v19 =	vmul.f32 $8.000000000e+00, v19  }
0x15d: {  	[tilespmem:v17+s12+$0x0] =	vst.idx.msk $0xffff, v22;
	v17 =	vmul.f32 $8.000000000e+00, v24  }
0x15e: {  	v22 =	vld [tilespmem:s22+$0xFFFFFFD0];
	[tilespmem:v20+s12+$0x0] =	vst.idx.msk $0xffff, v19  }
0x15f: {  	v19 =	vadd.s32 v1, v8;
	v20 =	vld [tilespmem:s23+$0x10];
	[tilespmem:v25+s12+$0x0] =	vst.idx.msk $0xffff, v17  }
0x160: {  	v17 =	vadd.s32 v1, v9;
	v58 =	vld [tilespmem:s23+$0xFFFFFFD0]  }
0x161: {  	v59 =	vadd.s32 v1, v10  }
0x162: {  	v26 =	vadd.s32 v1, v23;
	v18 =	vmul.f32 $8.000000000e+00, v18  }
0x163: {  	[tilespmem:v16+s12+$0x0] =	vst.idx.msk $0xffff, v21;
	v16 =	vmul.f32 $8.000000000e+00, v22  }
0x164: {  	[tilespmem:v19+s12+$0x0] =	vst.idx.msk $0xffff, v18;
	v18 =	vld [tilespmem:s21+$0xFFFFFFE0];
	v19 =	vmul.f32 $8.000000000e+00, v20  }
0x165: {  	v20 =	vadd.s32 v2, v6;
	[tilespmem:v17+s12+$0x0] =	vst.idx.msk $0xffff, v16;
	v16 =	vld [tilespmem:s22+$0x20];
	v17 =	vmul.f32 $8.000000000e+00, v58  }
0x166: {  	v11 =	vmul.f32 $8.000000000e+00, v11;
	v21 =	vadd.s32 v2, v7;
	[tilespmem:v59+s12+$0x0] =	vst.idx.msk $0xffff, v19;
	v19 =	vld [tilespmem:s22+$0xFFFFFFE0]  }
0x167: {  	v12 =	vmul.f32 $8.000000000e+00, v12;
	v22 =	vadd.s32 v2, v8;
	[tilespmem:v26+s12+$0x0] =	vst.idx.msk $0xffff, v17;
	v17 =	vld [tilespmem:s23+$0x20]  }
0x168: {  	[tilespmem:v13+s12+$0x0] =	vst.idx.msk $0xffff, v11;
	v13 =	vadd.s32 v2, v9;
	v11 =	vmul.f32 $8.000000000e+00, v15;
	v15 =	vld [tilespmem:s23+$0xFFFFFFE0]  }
0x169: {  	v60 =	vld [tilespmem:s20+$0x30];
	[tilespmem:v14+s12+$0x0] =	vst.idx.msk $0xffff, v12;
	v14 =	vadd.s32 v2, v10;
	v12 =	vmul.f32 $8.000000000e+00, v18  }
0x16a: {  	v18 =	vld [tilespmem:s20+$0xFFFFFFF0];
	[tilespmem:v20+s12+$0x0] =	vst.idx.msk $0xffff, v11;
	v11 =	vmul.f32 $8.000000000e+00, v16;
	v16 =	vadd.s32 v2, v23  }
0x16b: {  	v4 =	vadd.s32 v3, v4;
	v20 =	vld [tilespmem:s21+$0x30];
	[tilespmem:v21+s12+$0x0] =	vst.idx.msk $0xffff, v12;
	v12 =	vmul.f32 $8.000000000e+00, v19  }
0x16c: {  	v5 =	vadd.s32 v3, v5;
	v19 =	vld [tilespmem:s21+$0xFFFFFFF0];
	[tilespmem:v22+s12+$0x0] =	vst.idx.msk $0xffff, v11;
	v11 =	vmul.f32 $8.000000000e+00, v17  }
0x16d: {  	v6 =	vadd.s32 v3, v6;
	v17 =	vld [tilespmem:s22+$0x30];
	[tilespmem:v13+s12+$0x0] =	vst.idx.msk $0xffff, v12;
	v12 =	vmul.f32 $8.000000000e+00, v15  }
0x16e: {  	v7 =	vadd.s32 v3, v7;
	v13 =	vmul.f32 $8.000000000e+00, v60;
	v15 =	vld [tilespmem:s22+$0xFFFFFFF0];
	[tilespmem:v14+s12+$0x0] =	vst.idx.msk $0xffff, v11  }
0x16f: {  	v8 =	vadd.s32 v3, v8;
	v11 =	vmul.f32 $8.000000000e+00, v18;
	v14 =	vld [tilespmem:s23+$0x30];
	[tilespmem:v16+s12+$0x0] =	vst.idx.msk $0xffff, v12  }
0x170: {  	v9 =	vadd.s32 v3, v9;
	[tilespmem:v4+s12+$0x0] =	vst.idx.msk $0xffff, v13;
	v4 =	vmul.f32 $8.000000000e+00, v20;
	v12 =	vld [tilespmem:s23+$0xFFFFFFF0]  }
0x171: {  	v10 =	vadd.s32 v3, v10;
	[tilespmem:v5+s12+$0x0] =	vst.idx.msk $0xffff, v11;
	v5 =	vmul.f32 $8.000000000e+00, v19  }
0x172: {  	[tilespmem:v6+s12+$0x0] =	vst.idx.msk $0xffff, v4;
	v6 =	vadd.s32 v3, v23;
	v4 =	vmul.f32 $8.000000000e+00, v17  }
0x173: {  	[tilespmem:v7+s12+$0x0] =	vst.idx.msk $0xffff, v5;
	v5 =	vmul.f32 $8.000000000e+00, v15  }
0x174: {  	[tilespmem:v8+s12+$0x0] =	vst.idx.msk $0xffff, v4;
	v4 =	vmul.f32 $8.000000000e+00, v14  }
0x175: {  	[tilespmem:v9+s12+$0x0] =	vst.idx.msk $0xffff, v5;
	v5 =	vmul.f32 $8.000000000e+00, v12  }
0x176: {  	s20 =	sadd.s32 @!p1 $0x280, s19;
	[tilespmem:v10+s12+$0x0] =	vst.idx.msk $0xffff, v4  }
0x177: {  	s20 =	sand.u32 @!p1 $0x3FFFFF80, s20;
	s21 =	simm.s32 @!p1 $0x80;
	s22 =	simm.s32 @!p1 $0x8400;
	[tilespmem:v6+s12+$0x0] =	vst.idx.msk $0xffff, v5  }
0x178: {  	[tilespmem:s22], [sflag:$0x2] =	stream.indirect.gather @!p1 [hbm4b:s5+s21], $0x40, s20, s21, $0xb8;
	[tilespmem:$0x16C00] =	vst v63  }
0x179: {  	s22 =	rddreg [dreg:$0xd]  }
0x17a: {  	s20 =	sadd.s32 s18, s22  }
0x17b: {  	[hbm4b:s20+s3] =	stream.linear.scatter [tilespmem:s12], [sflag:$0x6], $0x80, $0x38;
	[tilespmem:$0x16C00] =	vst v63  }
0x17c: {  	s24 =	simm.s32 $0x10688;
	s23 =	sadd.s32 $0x10, s20  }
0x17d: {  	[hbm4b:s23+s3] =	stream.linear.scatter [tilespmem:s24], [sflag:$0x6], $0x80, $0x38;
	[tilespmem:$0x16C00] =	vst v63  }
0x17e: {  	s29 =	simm.s32 $0x10710;
	s26 =	sadd.s32 $0x20, s20  }
0x17f: {  	[hbm4b:s26+s3] =	stream.linear.scatter [tilespmem:s29], [sflag:$0x6], $0x80, $0x38;
	[tilespmem:$0x16C00] =	vst v63  }
0x180: {  	s23 =	sadd.s32 $0x30, s20;
	s24 =	simm.s32 $0x10798  }
0x181: {  	[hbm4b:s23+s3] =	stream.linear.scatter [tilespmem:s24], [sflag:$0x6], $0x80, $0x38;
	[tilespmem:$0x16C00] =	vst v63  }
0x182: {  	s26 =	sadd.s32 $0x40, s20;
	s29 =	simm.s32 $0x10820  }
0x183: {  	[hbm4b:s26+s3] =	stream.linear.scatter [tilespmem:s29], [sflag:$0x6], $0x80, $0x38;
	[tilespmem:$0x16C00] =	vst v63  }
0x184: {  	s22 =	sadd.s32 $0x50, s20;
	s23 =	simm.s32 $0x108A8  }
0x185: {  	[hbm4b:s22+s3] =	stream.linear.scatter [tilespmem:s23], [sflag:$0x6], $0x80, $0x38;
	[tilespmem:$0x16C00] =	vst v63  }
0x186: {  	s24 =	sadd.s32 $0x60, s20;
	s26 =	simm.s32 $0x10930  }
0x187: {  	[hbm4b:s24+s3] =	stream.linear.scatter [tilespmem:s26], [sflag:$0x6], $0x80, $0x38;
	[tilespmem:$0x16C00] =	vst v63  }
0x188: {  	s21 =	rddreg [dreg:$0xe];
	s20 =	sadd.s32 $0x70, s20;
	s29 =	simm.s32 $0x109B8  }
0x189: {  	[hbm4b:s20+s3] =	stream.linear.scatter [tilespmem:s29], [sflag:$0x6], $0x80, $0x38;
	[tilespmem:$0x16C00] =	vst v63  }
0x18a: {  	s22 =	simm.s32 $0x10A40;
	s20 =	sadd.s32 s18, s21  }
0x18b: {  	[hbm4b:s20+s3] =	stream.linear.scatter [tilespmem:s22], [sflag:$0x6], $0x80, $0x38;
	[tilespmem:$0x16C00] =	vst v63  }
0x18c: {  	s24 =	simm.s32 $0x10AC8;
	s23 =	sadd.s32 $0x10, s20  }
0x18d: {  	[hbm4b:s23+s3] =	stream.linear.scatter [tilespmem:s24], [sflag:$0x6], $0x80, $0x38;
	[tilespmem:$0x16C00] =	vst v63  }
0x18e: {  	s29 =	simm.s32 $0x10B50;
	s26 =	sadd.s32 $0x20, s20  }
0x18f: {  	[hbm4b:s26+s3] =	stream.linear.scatter [tilespmem:s29], [sflag:$0x6], $0x80, $0x38;
	[tilespmem:$0x16C00] =	vst v63  }
0x190: {  	s23 =	sadd.s32 $0x30, s20;
	s24 =	simm.s32 $0x10BD8  }
0x191: {  	[hbm4b:s23+s3] =	stream.linear.scatter [tilespmem:s24], [sflag:$0x6], $0x80, $0x38;
	[tilespmem:$0x16C00] =	vst v63  }
0x192: {  	s26 =	sadd.s32 $0x40, s20;
	s29 =	simm.s32 $0x10C60  }
0x193: {  	[hbm4b:s26+s3] =	stream.linear.scatter [tilespmem:s29], [sflag:$0x6], $0x80, $0x38;
	[tilespmem:$0x16C00] =	vst v63  }
0x194: {  	s22 =	sadd.s32 $0x50, s20;
	s23 =	simm.s32 $0x10CE8  }
0x195: {  	[hbm4b:s22+s3] =	stream.linear.scatter [tilespmem:s23], [sflag:$0x6], $0x80, $0x38;
	[tilespmem:$0x16C00] =	vst v63  }
0x196: {  	s24 =	sadd.s32 $0x60, s20;
	s26 =	simm.s32 $0x10D70  }
0x197: {  	[hbm4b:s24+s3] =	stream.linear.scatter [tilespmem:s26], [sflag:$0x6], $0x80, $0x38;
	[tilespmem:$0x16C00] =	vst v63  }
0x198: {  	s21 =	rddreg [dreg:$0xf];
	s20 =	sadd.s32 $0x70, s20;
	s29 =	simm.s32 $0x10DF8  }
0x199: {  	[hbm4b:s20+s3] =	stream.linear.scatter [tilespmem:s29], [sflag:$0x6], $0x80, $0x38;
	[tilespmem:$0x16C00] =	vst v63  }
0x19a: {  	s22 =	simm.s32 $0x10E80;
	s20 =	sadd.s32 s18, s21  }
0x19b: {  	[hbm4b:s20+s3] =	stream.linear.scatter [tilespmem:s22], [sflag:$0x6], $0x80, $0x38;
	[tilespmem:$0x16C00] =	vst v63  }
0x19c: {  	s24 =	simm.s32 $0x10F08;
	s23 =	sadd.s32 $0x10, s20  }
0x19d: {  	[hbm4b:s23+s3] =	stream.linear.scatter [tilespmem:s24], [sflag:$0x6], $0x80, $0x38;
	[tilespmem:$0x16C00] =	vst v63  }
0x19e: {  	s29 =	simm.s32 $0x10F90;
	s26 =	sadd.s32 $0x20, s20  }
0x19f: {  	[hbm4b:s26+s3] =	stream.linear.scatter [tilespmem:s29], [sflag:$0x6], $0x80, $0x38;
	[tilespmem:$0x16C00] =	vst v63  }
0x1a0: {  	s23 =	sadd.s32 $0x30, s20;
	s24 =	simm.s32 $0x11018  }
0x1a1: {  	[hbm4b:s23+s3] =	stream.linear.scatter [tilespmem:s24], [sflag:$0x6], $0x80, $0x38;
	[tilespmem:$0x16C00] =	vst v63  }
0x1a2: {  	s26 =	sadd.s32 $0x40, s20;
	s29 =	simm.s32 $0x110A0  }
0x1a3: {  	[hbm4b:s26+s3] =	stream.linear.scatter [tilespmem:s29], [sflag:$0x6], $0x80, $0x38;
	[tilespmem:$0x16C00] =	vst v63  }
0x1a4: {  	s22 =	sadd.s32 $0x50, s20;
	s23 =	simm.s32 $0x11128  }
0x1a5: {  	[hbm4b:s22+s3] =	stream.linear.scatter [tilespmem:s23], [sflag:$0x6], $0x80, $0x38;
	[tilespmem:$0x16C00] =	vst v63  }
0x1a6: {  	s24 =	sadd.s32 $0x60, s20;
	s26 =	simm.s32 $0x111B0  }
0x1a7: {  	[hbm4b:s24+s3] =	stream.linear.scatter [tilespmem:s26], [sflag:$0x6], $0x80, $0x38;
	[tilespmem:$0x16C00] =	vst v63  }
0x1a8: {  	s21 =	rddreg [dreg:$0x10];
	s20 =	sadd.s32 $0x70, s20;
	s29 =	simm.s32 $0x11238  }
0x1a9: {  	[hbm4b:s20+s3] =	stream.linear.scatter [tilespmem:s29], [sflag:$0x6], $0x80, $0x38;
	[tilespmem:$0x16C00] =	vst v63  }
0x1aa: {  	s22 =	simm.s32 $0x112C0;
	s20 =	sadd.s32 s18, s21  }
0x1ab: {  	[hbm4b:s20+s3] =	stream.linear.scatter [tilespmem:s22], [sflag:$0x6], $0x80, $0x38;
	[tilespmem:$0x16C00] =	vst v63  }
0x1ac: {  	s24 =	simm.s32 $0x11348;
	s23 =	sadd.s32 $0x10, s20  }
0x1ad: {  	[hbm4b:s23+s3] =	stream.linear.scatter [tilespmem:s24], [sflag:$0x6], $0x80, $0x38;
	[tilespmem:$0x16C00] =	vst v63  }
0x1ae: {  	s29 =	simm.s32 $0x113D0;
	s26 =	sadd.s32 $0x20, s20  }
0x1af: {  	[hbm4b:s26+s3] =	stream.linear.scatter [tilespmem:s29], [sflag:$0x6], $0x80, $0x38;
	[tilespmem:$0x16C00] =	vst v63  }
0x1b0: {  	s23 =	sadd.s32 $0x30, s20;
	s24 =	simm.s32 $0x11458  }
0x1b1: {  	[hbm4b:s23+s3] =	stream.linear.scatter [tilespmem:s24], [sflag:$0x6], $0x80, $0x38;
	[tilespmem:$0x16C00] =	vst v63  }
0x1b2: {  	s26 =	sadd.s32 $0x40, s20;
	s29 =	simm.s32 $0x114E0  }
0x1b3: {  	[hbm4b:s26+s3] =	stream.linear.scatter [tilespmem:s29], [sflag:$0x6], $0x80, $0x38;
	[tilespmem:$0x16C00] =	vst v63  }
0x1b4: {  	s22 =	sadd.s32 $0x50, s20;
	s23 =	simm.s32 $0x11568  }
0x1b5: {  	[hbm4b:s22+s3] =	stream.linear.scatter [tilespmem:s23], [sflag:$0x6], $0x80, $0x38;
	[tilespmem:$0x16C00] =	vst v63  }
0x1b6: {  	s24 =	sadd.s32 $0x60, s20;
	s26 =	simm.s32 $0x115F0  }
0x1b7: {  	[hbm4b:s24+s3] =	stream.linear.scatter [tilespmem:s26], [sflag:$0x6], $0x80, $0x38;
	[tilespmem:$0x16C00] =	vst v63  }
0x1b8: {  	s21 =	rddreg [dreg:$0x11];
	s20 =	sadd.s32 $0x70, s20;
	s29 =	simm.s32 $0x11678  }
0x1b9: {  	[hbm4b:s20+s3] =	stream.linear.scatter [tilespmem:s29], [sflag:$0x6], $0x80, $0x38;
	[tilespmem:$0x16C00] =	vst v63  }
0x1ba: {  	s22 =	simm.s32 $0x11700;
	s20 =	sadd.s32 s18, s21  }
0x1bb: {  	[hbm4b:s20+s3] =	stream.linear.scatter [tilespmem:s22], [sflag:$0x6], $0x80, $0x38;
	[tilespmem:$0x16C00] =	vst v63  }
0x1bc: {  	s24 =	simm.s32 $0x11788;
	s23 =	sadd.s32 $0x10, s20  }
0x1bd: {  	[hbm4b:s23+s3] =	stream.linear.scatter [tilespmem:s24], [sflag:$0x6], $0x80, $0x38;
	[tilespmem:$0x16C00] =	vst v63  }
0x1be: {  	s29 =	simm.s32 $0x11810;
	s26 =	sadd.s32 $0x20, s20  }
0x1bf: {  	[hbm4b:s26+s3] =	stream.linear.scatter [tilespmem:s29], [sflag:$0x6], $0x80, $0x38;
	[tilespmem:$0x16C00] =	vst v63  }
0x1c0: {  	s23 =	sadd.s32 $0x30, s20;
	s24 =	simm.s32 $0x11898  }
0x1c1: {  	[hbm4b:s23+s3] =	stream.linear.scatter [tilespmem:s24], [sflag:$0x6], $0x80, $0x38;
	[tilespmem:$0x16C00] =	vst v63  }
0x1c2: {  	s26 =	sadd.s32 $0x40, s20;
	s29 =	simm.s32 $0x11920  }
0x1c3: {  	[hbm4b:s26+s3] =	stream.linear.scatter [tilespmem:s29], [sflag:$0x6], $0x80, $0x38;
	[tilespmem:$0x16C00] =	vst v63  }
0x1c4: {  	s22 =	sadd.s32 $0x50, s20;
	s23 =	simm.s32 $0x119A8  }
0x1c5: {  	[hbm4b:s22+s3] =	stream.linear.scatter [tilespmem:s23], [sflag:$0x6], $0x80, $0x38;
	[tilespmem:$0x16C00] =	vst v63  }
0x1c6: {  	s24 =	sadd.s32 $0x60, s20;
	s26 =	simm.s32 $0x11A30  }
0x1c7: {  	[hbm4b:s24+s3] =	stream.linear.scatter [tilespmem:s26], [sflag:$0x6], $0x80, $0x38;
	[tilespmem:$0x16C00] =	vst v63  }
0x1c8: {  	s21 =	rddreg [dreg:$0x12];
	s20 =	sadd.s32 $0x70, s20;
	s29 =	simm.s32 $0x11AB8  }
0x1c9: {  	[hbm4b:s20+s3] =	stream.linear.scatter [tilespmem:s29], [sflag:$0x6], $0x80, $0x38;
	[tilespmem:$0x16C00] =	vst v63  }
0x1ca: {  	s22 =	simm.s32 $0x11B40;
	s20 =	sadd.s32 s18, s21  }
0x1cb: {  	[hbm4b:s20+s3] =	stream.linear.scatter [tilespmem:s22], [sflag:$0x6], $0x80, $0x38;
	[tilespmem:$0x16C00] =	vst v63  }
0x1cc: {  	s24 =	simm.s32 $0x11BC8;
	s23 =	sadd.s32 $0x10, s20  }
0x1cd: {  	[hbm4b:s23+s3] =	stream.linear.scatter [tilespmem:s24], [sflag:$0x6], $0x80, $0x38;
	[tilespmem:$0x16C00] =	vst v63  }
0x1ce: {  	s29 =	simm.s32 $0x11C50;
	s26 =	sadd.s32 $0x20, s20  }
0x1cf: {  	[hbm4b:s26+s3] =	stream.linear.scatter [tilespmem:s29], [sflag:$0x6], $0x80, $0x38;
	[tilespmem:$0x16C00] =	vst v63  }
0x1d0: {  	s23 =	sadd.s32 $0x30, s20;
	s24 =	simm.s32 $0x11CD8  }
0x1d1: {  	[hbm4b:s23+s3] =	stream.linear.scatter [tilespmem:s24], [sflag:$0x6], $0x80, $0x38;
	[tilespmem:$0x16C00] =	vst v63  }
0x1d2: {  	s26 =	sadd.s32 $0x40, s20;
	s29 =	simm.s32 $0x11D60  }
0x1d3: {  	[hbm4b:s26+s3] =	stream.linear.scatter [tilespmem:s29], [sflag:$0x6], $0x80, $0x38;
	[tilespmem:$0x16C00] =	vst v63  }
0x1d4: {  	s22 =	sadd.s32 $0x50, s20;
	s23 =	simm.s32 $0x11DE8  }
0x1d5: {  	[hbm4b:s22+s3] =	stream.linear.scatter [tilespmem:s23], [sflag:$0x6], $0x80, $0x38;
	[tilespmem:$0x16C00] =	vst v63  }
0x1d6: {  	s24 =	sadd.s32 $0x60, s20;
	s26 =	simm.s32 $0x11E70  }
0x1d7: {  	[hbm4b:s24+s3] =	stream.linear.scatter [tilespmem:s26], [sflag:$0x6], $0x80, $0x38;
	[tilespmem:$0x16C00] =	vst v63  }
0x1d8: {  	s21 =	rddreg [dreg:$0x13];
	s20 =	sadd.s32 $0x70, s20;
	s29 =	simm.s32 $0x11EF8  }
0x1d9: {  	[hbm4b:s20+s3] =	stream.linear.scatter [tilespmem:s29], [sflag:$0x6], $0x80, $0x38;
	[tilespmem:$0x16C00] =	vst v63  }
0x1da: {  	s22 =	simm.s32 $0x11F80;
	s20 =	sadd.s32 s18, s21  }
0x1db: {  	[hbm4b:s20+s3] =	stream.linear.scatter [tilespmem:s22], [sflag:$0x6], $0x80, $0x38;
	[tilespmem:$0x16C00] =	vst v63  }
0x1dc: {  	s24 =	simm.s32 $0x12008;
	s23 =	sadd.s32 $0x10, s20  }
0x1dd: {  	[hbm4b:s23+s3] =	stream.linear.scatter [tilespmem:s24], [sflag:$0x6], $0x80, $0x38;
	[tilespmem:$0x16C00] =	vst v63  }
0x1de: {  	s29 =	simm.s32 $0x12090;
	s26 =	sadd.s32 $0x20, s20  }
0x1df: {  	[hbm4b:s26+s3] =	stream.linear.scatter [tilespmem:s29], [sflag:$0x6], $0x80, $0x38;
	[tilespmem:$0x16C00] =	vst v63  }
0x1e0: {  	s23 =	sadd.s32 $0x30, s20;
	s24 =	simm.s32 $0x12118  }
0x1e1: {  	[hbm4b:s23+s3] =	stream.linear.scatter [tilespmem:s24], [sflag:$0x6], $0x80, $0x38;
	[tilespmem:$0x16C00] =	vst v63  }
0x1e2: {  	s26 =	sadd.s32 $0x40, s20;
	s29 =	simm.s32 $0x121A0  }
0x1e3: {  	[hbm4b:s26+s3] =	stream.linear.scatter [tilespmem:s29], [sflag:$0x6], $0x80, $0x38;
	[tilespmem:$0x16C00] =	vst v63  }
0x1e4: {  	s22 =	sadd.s32 $0x50, s20;
	s23 =	simm.s32 $0x12228  }
0x1e5: {  	[hbm4b:s22+s3] =	stream.linear.scatter [tilespmem:s23], [sflag:$0x6], $0x80, $0x38;
	[tilespmem:$0x16C00] =	vst v63  }
0x1e6: {  	s24 =	sadd.s32 $0x60, s20;
	s26 =	simm.s32 $0x122B0  }
0x1e7: {  	[hbm4b:s24+s3] =	stream.linear.scatter [tilespmem:s26], [sflag:$0x6], $0x80, $0x38;
	[tilespmem:$0x16C00] =	vst v63  }
0x1e8: {  	s21 =	rddreg [dreg:$0x14];
	s20 =	sadd.s32 $0x70, s20;
	s29 =	simm.s32 $0x12338  }
0x1e9: {  	[hbm4b:s20+s3] =	stream.linear.scatter [tilespmem:s29], [sflag:$0x6], $0x80, $0x38;
	[tilespmem:$0x16C00] =	vst v63  }
0x1ea: {  	s22 =	simm.s32 $0x123C0;
	s20 =	sadd.s32 s18, s21  }
0x1eb: {  	[hbm4b:s20+s3] =	stream.linear.scatter [tilespmem:s22], [sflag:$0x6], $0x80, $0x38;
	[tilespmem:$0x16C00] =	vst v63  }
0x1ec: {  	s24 =	simm.s32 $0x12448;
	s23 =	sadd.s32 $0x10, s20  }
0x1ed: {  	[hbm4b:s23+s3] =	stream.linear.scatter [tilespmem:s24], [sflag:$0x6], $0x80, $0x38;
	[tilespmem:$0x16C00] =	vst v63  }
0x1ee: {  	s29 =	simm.s32 $0x124D0;
	s26 =	sadd.s32 $0x20, s20  }
0x1ef: {  	[hbm4b:s26+s3] =	stream.linear.scatter [tilespmem:s29], [sflag:$0x6], $0x80, $0x38;
	[tilespmem:$0x16C00] =	vst v63  }
0x1f0: {  	s23 =	sadd.s32 $0x30, s20;
	s24 =	simm.s32 $0x12558  }
0x1f1: {  	[hbm4b:s23+s3] =	stream.linear.scatter [tilespmem:s24], [sflag:$0x6], $0x80, $0x38;
	[tilespmem:$0x16C00] =	vst v63  }
0x1f2: {  	s26 =	sadd.s32 $0x40, s20;
	s29 =	simm.s32 $0x125E0  }
0x1f3: {  	[hbm4b:s26+s3] =	stream.linear.scatter [tilespmem:s29], [sflag:$0x6], $0x80, $0x38;
	[tilespmem:$0x16C00] =	vst v63  }
0x1f4: {  	s22 =	sadd.s32 $0x50, s20;
	s23 =	simm.s32 $0x12668  }
0x1f5: {  	[hbm4b:s22+s3] =	stream.linear.scatter [tilespmem:s23], [sflag:$0x6], $0x80, $0x38;
	[tilespmem:$0x16C00] =	vst v63  }
0x1f6: {  	s24 =	sadd.s32 $0x60, s20;
	s26 =	simm.s32 $0x126F0  }
0x1f7: {  	[hbm4b:s24+s3] =	stream.linear.scatter [tilespmem:s26], [sflag:$0x6], $0x80, $0x38;
	[tilespmem:$0x16C00] =	vst v63  }
0x1f8: {  	s20 =	sadd.s32 $0x70, s20;
	s29 =	simm.s32 $0x12778  }
0x1f9: {  	[hbm4b:s20+s3] =	stream.linear.scatter [tilespmem:s29], [sflag:$0x6], $0x80, $0x38;
	[tilespmem:$0x16C00] =	vst v63  }
0x1fa: {  	_ =	swait.ge [sflag:s13], $0x2000  }
0x1fb: {  	[sflag:s13] =	ssyncset.done $0x0  }
0x1fc: {  	s20 =	simm.s32 @!p0 $0x7;
	[sflag:s13] =	ssyncadd.s32 $0xFFFFE000  }
0x1fd: {  	_ =	swait.ge @!p0 [sflag:s20], $0x400  }
0x1fe: {  	[sflag:s20] =	ssyncset.done @!p0 $0x0  }
0x1ff: {  	[sflag:s20] =	ssyncadd.s32 @!p0 $0xFFFFFC00  }
0x200: {  	_ =	swait.ge @!p0 [sflag:s20], $0x400  }
0x201: {  	[sflag:s20] =	ssyncset.done @!p0 $0x0  }
0x202: {  	[sflag:s20] =	ssyncadd.s32 @!p0 $0xFFFFFC00  }
0x203: {  	_ =	swait.ge @!p0 [sflag:s20], $0x400  }
0x204: {  	[sflag:s20] =	ssyncset.done @!p0 $0x0  }
0x205: {  	[sflag:s20] =	ssyncadd.s32 @!p0 $0xFFFFFC00  }
0x206: {  	_ =	swait.ge @!p0 [sflag:s20], $0x400  }
0x207: {  	[sflag:s20] =	ssyncset.done @!p0 $0x0  }
0x208: {  	[sflag:s20] =	ssyncadd.s32 @!p0 $0xFFFFFC00  }
0x209: {  	_ =	swait.ge @!p0 [sflag:s20], $0x400  }
0x20a: {  	[sflag:s20] =	ssyncset.done @!p0 $0x0  }
0x20b: {  	[sflag:s20] =	ssyncadd.s32 @!p0 $0xFFFFFC00  }
0x20c: {  	_ =	swait.ge @!p0 [sflag:s20], $0x400  }
0x20d: {  	[sflag:s20] =	ssyncset.done @!p0 $0x0  }
0x20e: {  	[sflag:s20] =	ssyncadd.s32 @!p0 $0xFFFFFC00  }
0x20f: {  	_ =	swait.ge @!p0 [sflag:s20], $0x400  }
0x210: {  	[sflag:s20] =	ssyncset.done @!p0 $0x0  }
0x211: {  	[sflag:s20] =	ssyncadd.s32 @!p0 $0xFFFFFC00  }
0x212: {  	_ =	swait.ge @!p0 [sflag:s20], $0x400  }
0x213: {  	[sflag:s20] =	ssyncset.done @!p0 $0x0  }
0x214: {  	s21 =	simm.s32 $0x1;
	s23 =	simm.s32 $0xA440;
	[sflag:s20] =	ssyncadd.s32 @!p0 $0xFFFFFC00  }
0x215: {  	v4 =	vmov s21;
	v5 =	vld [tilespmem:s23+$0x0]  }
0x216: {  	v9 =	vand.u32 $0x7F, v4  }
0x217: {  	v4 =	vadd.s32 v0, v9  }
0x218: {  	s22 =	simm.s32 $0x0  }
0x219: {  	v6 =	vmov s22;
	v7 =	vld [tilespmem:s23+$0xFFFFFFC0]  }
0x21a: {  	v14 =	vand.u32 $0x7E, v6;
	v5 =	vmul.f32 $8.000000000e+00, v5  }
0x21b: {  	s24 =	simm.s32 $0x3;
	v6 =	vadd.s32 v0, v14;
	s20 =	simm.s32 $0xA4C0  }
0x21c: {  	v8 =	vld [tilespmem:s20+$0x0];
	[tilespmem:v4+s14+$0x0] =	vst.idx.msk $0xffff, v5;
	v4 =	vmov s24  }
0x21d: {  	v4 =	vand.u32 $0x7F, v4;
	v10 =	vld [tilespmem:s23+$0x10]  }
0x21e: {  	v5 =	vmul.f32 $8.000000000e+00, v7;
	v7 =	vadd.s32 v0, v4  }
0x21f: {  	v11 =	vadd.s32 v1, v9;
	s26 =	simm.s32 $0x2  }
0x220: {  	v12 =	vld [tilespmem:s20+$0xFFFFFFC0];
	[tilespmem:v6+s14+$0x0] =	vst.idx.msk $0xffff, v5;
	v5 =	vmov s26  }
0x221: {  	v6 =	vmul.f32 $8.000000000e+00, v8;
	v5 =	vand.u32 $0x7E, v5;
	v8 =	vld [tilespmem:s23+$0xFFFFFFD0]  }
0x222: {  	s21 =	simm.s32 $0xA540;
	s29 =	simm.s32 $0x5;
	v13 =	vadd.s32 v0, v5;
	v10 =	vmul.f32 $8.000000000e+00, v10  }
0x223: {  	v15 =	vld [tilespmem:s21+$0x0];
	[tilespmem:v7+s14+$0x0] =	vst.idx.msk $0xffff, v6;
	v7 =	vadd.s32 v1, v14;
	v6 =	vmov s29  }
0x224: {  	[tilespmem:v11+s14+$0x0] =	vst.idx.msk $0xffff, v10;
	v6 =	vand.u32 $0x7F, v6;
	v10 =	vld [tilespmem:s20+$0x10]  }
0x225: {  	v11 =	vmul.f32 $8.000000000e+00, v12;
	v12 =	vadd.s32 v0, v6;
	v16 =	vld [tilespmem:s23+$0x20]  }
0x226: {  	s24 =	simm.s32 $0x4;
	v17 =	vadd.s32 v1, v4;
	v8 =	vmul.f32 $8.000000000e+00, v8  }
0x227: {  	v18 =	vadd.s32 v2, v9;
	[tilespmem:v13+s14+$0x0] =	vst.idx.msk $0xffff, v11;
	v11 =	vmov s24;
	v13 =	vld [tilespmem:s21+$0xFFFFFFC0]  }
0x228: {  	[tilespmem:v7+s14+$0x0] =	vst.idx.msk $0xffff, v8;
	v7 =	vand.u32 $0x7E, v11;
	v8 =	vmul.f32 $8.000000000e+00, v15;
	v11 =	vld [tilespmem:s20+$0xFFFFFFD0]  }
0x229: {  	s22 =	simm.s32 $0xA5C0;
	s26 =	simm.s32 $0x7;
	v15 =	vadd.s32 v0, v7;
	v10 =	vmul.f32 $8.000000000e+00, v10;
	v19 =	vld [tilespmem:s23+$0xFFFFFFE0]  }
0x22a: {  	v20 =	vld [tilespmem:s22+$0x0];
	[tilespmem:v12+s14+$0x0] =	vst.idx.msk $0xffff, v8;
	v12 =	vadd.s32 v1, v5;
	v16 =	vmul.f32 $8.000000000e+00, v16;
	v8 =	vmov s26  }
0x22b: {  	[tilespmem:v17+s14+$0x0] =	vst.idx.msk $0xffff, v10;
	v10 =	vadd.s32 v2, v14;
	v8 =	vand.u32 $0x7F, v8;
	v17 =	vld [tilespmem:s21+$0x10]  }
0x22c: {  	v13 =	vmul.f32 $8.000000000e+00, v13;
	[tilespmem:v18+s14+$0x0] =	vst.idx.msk $0xffff, v16;
	v16 =	vadd.s32 v0, v8;
	v18 =	vld [tilespmem:s20+$0x20]  }
0x22d: {  	s29 =	simm.s32 $0x6;
	v21 =	vadd.s32 v1, v6;
	v11 =	vmul.f32 $8.000000000e+00, v11;
	v22 =	vld [tilespmem:s23+$0x30]  }
0x22e: {  	v23 =	vadd.s32 v2, v4;
	[tilespmem:v15+s14+$0x0] =	vst.idx.msk $0xffff, v13;
	v13 =	vmul.f32 $8.000000000e+00, v19;
	v15 =	vld [tilespmem:s22+$0xFFFFFFC0];
	v19 =	vmov s29  }
0x22f: {  	v62 =	vadd.s32 v3, v9;
	[tilespmem:v12+s14+$0x0] =	vst.idx.msk $0xffff, v11;
	v12 =	vmul.f32 $8.000000000e+00, v20;
	v61 =	vld [tilespmem:s21+$0xFFFFFFD0];
	v9 =	vand.u32 $0x7E, v19  }
0x230: {  	[tilespmem:v10+s14+$0x0] =	vst.idx.msk $0xffff, v13;
	v10 =	vmul.f32 $8.000000000e+00, v17;
	v11 =	vld [tilespmem:s20+$0xFFFFFFE0];
	v17 =	vadd.s32 v0, v9  }
0x231: {  	s24 =	simm.s32 $0xA640;
	s26 =	simm.s32 $0x9;
	[tilespmem:v16+s14+$0x0] =	vst.idx.msk $0xffff, v12;
	v20 =	vmul.f32 $8.000000000e+00, v18;
	v12 =	vld [tilespmem:s23+$0xFFFFFFF0];
	v16 =	vadd.s32 v1, v7  }
0x232: {  	v19 =	vld [tilespmem:s24+$0x0];
	v13 =	vadd.s32 v2, v5;
	v18 =	vmov s26;
	[tilespmem:v21+s14+$0x0] =	vst.idx.msk $0xffff, v10;
	v63 =	vmul.f32 $8.000000000e+00, v22  }
0x233: {  	v14 =	vadd.s32 v3, v14;
	v10 =	vand.u32 $0x7F, v18;
	v18 =	vld [tilespmem:s22+$0x10];
	v22 =	vmul.f32 $8.000000000e+00, v15;
	[tilespmem:v23+s14+$0x0] =	vst.idx.msk $0xffff, v20  }
0x234: {  	s28 =	simm.s32 $0x8;
	s26 =	simm.s32 $0xA;
	s23 =	simm.s32 $0xA640;
	v20 =	vadd.s32 v0, v10;
	v15 =	vld [tilespmem:s21+$0x20];
	v21 =	vmul.f32 $8.000000000e+00, v61;
	[tilespmem:v62+s14+$0x0] =	vst.idx.msk $0xffff, v63  }
.LBB2_7:
0x235: {  	p2 =	slt.u32 s26, $0x7E;
	[tilespmem:v17+s14+$0x0] =	vst.idx.msk $0xffff, v22;
	v22 =	vadd.s32 v1, v8;
	v11 =	vmul.f32 $8.000000000e+00, v11;
	v23 =	vld [tilespmem:s20+$0x30]  }
0x236: {  	v17 =	vmov s28;
	s28 =	smov.u32 s26;
	v24 =	vld [tilespmem:s24+$0xFFFFFFC0];
	[tilespmem:v16+s14+$0x0] =	vst.idx.msk $0xffff, v21;
	v21 =	vadd.s32 v2, v6;
	v12 =	vmul.f32 $8.000000000e+00, v12  }
0x237: {  	v27 =	vadd.s32 v3, v4;
	v4 =	vmovc v6;
	v25 =	vand.u32 $0x7E, v17;
	v16 =	vmul.f32 $8.000000000e+00, v19;
	v26 =	vld [tilespmem:s22+$0xFFFFFFD0];
	[tilespmem:v13+s14+$0x0] =	vst.idx.msk $0xffff, v11  }
.Ltmp2:
0x238: {  	v6 =	vmovc v8;
	v8 =	vmov v10;
	v17 =	vadd.s32 v0, v25;
	v13 =	vmul.f32 $8.000000000e+00, v18;
	v11 =	vld [tilespmem:s21+$0xFFFFFFE0];
	[tilespmem:v14+s14+$0x0] =	vst.idx.msk $0xffff, v12;
	(pc) =	sbr.rel @p2 .LBB2_7-.Ltmp2, $4  }
0x239: {  	s29 =	sadd.s32 $0x1, s26;
	s24 =	sadd.s32 $0x80, s24;
	[tilespmem:v20+s14+$0x0] =	vst.idx.msk $0xffff, v16;
	v16 =	vadd.s32 v1, v9;
	v14 =	vmul.f32 $8.000000000e+00, v15;
	v12 =	vld [tilespmem:s20+$0xFFFFFFF0];
	s20 =	smov.u32 s21  }
0x23a: {  	v10 =	vmov s29;
	s21 =	smov.u32 s22;
	s22 =	smov.u32 s23;
	s23 =	smov.u32 s24;
	v19 =	vld [tilespmem:s24+$0x0];
	[tilespmem:v22+s14+$0x0] =	vst.idx.msk $0xffff, v13;
	v13 =	vadd.s32 v2, v7;
	v23 =	vmul.f32 $8.000000000e+00, v23  }
0x23b: {  	v10 =	vand.u32 $0x7F, v10;
	v22 =	vmul.f32 $8.000000000e+00, v24;
	v18 =	vld [tilespmem:s22+$0x10];
	[tilespmem:v21+s14+$0x0] =	vst.idx.msk $0xffff, v14;
	v14 =	vadd.s32 v3, v5;
	v5 =	vmovc v7  }
0x23c: {  	s26 =	sadd.s32 $0x2, s26;
	v20 =	vadd.s32 v0, v10;
	v7 =	vmovc v9;
	v9 =	vmov v25;
	v21 =	vmul.f32 $8.000000000e+00, v26;
	v15 =	vld [tilespmem:s21+$0x20];
	[tilespmem:v27+s14+$0x0] =	vst.idx.msk $0xffff, v23  }
0x23d: {  	v23 =	vmov s28;
	v24 =	vld [tilespmem:s24+$0xFFFFFFC0]  }
0x23e: {  	v23 =	vand.u32 $0x7E, v23  }
0x23f: {  	v25 =	vadd.s32 v0, v23;
	_ =	sdelay $0x1  }
0x240: {  	v19 =	vmul.f32 $8.000000000e+00, v19  }
0x241: {  	[tilespmem:v17+s14+$0x0] =	vst.idx.msk $0xffff, v22;
	v17 =	vmul.f32 $8.000000000e+00, v24  }
0x242: {  	v22 =	vld [tilespmem:s22+$0xFFFFFFD0];
	[tilespmem:v20+s14+$0x0] =	vst.idx.msk $0xffff, v19  }
0x243: {  	v19 =	vadd.s32 v1, v8;
	v20 =	vld [tilespmem:s23+$0x10];
	[tilespmem:v25+s14+$0x0] =	vst.idx.msk $0xffff, v17  }
0x244: {  	v17 =	vadd.s32 v1, v9;
	v58 =	vld [tilespmem:s23+$0xFFFFFFD0]  }
0x245: {  	v59 =	vadd.s32 v1, v10  }
0x246: {  	v26 =	vadd.s32 v1, v23;
	v18 =	vmul.f32 $8.000000000e+00, v18  }
0x247: {  	[tilespmem:v16+s14+$0x0] =	vst.idx.msk $0xffff, v21;
	v16 =	vmul.f32 $8.000000000e+00, v22  }
0x248: {  	[tilespmem:v19+s14+$0x0] =	vst.idx.msk $0xffff, v18;
	v18 =	vld [tilespmem:s21+$0xFFFFFFE0];
	v19 =	vmul.f32 $8.000000000e+00, v20  }
0x249: {  	v20 =	vadd.s32 v2, v6;
	[tilespmem:v17+s14+$0x0] =	vst.idx.msk $0xffff, v16;
	v16 =	vld [tilespmem:s22+$0x20];
	v17 =	vmul.f32 $8.000000000e+00, v58  }
0x24a: {  	v11 =	vmul.f32 $8.000000000e+00, v11;
	v21 =	vadd.s32 v2, v7;
	[tilespmem:v59+s14+$0x0] =	vst.idx.msk $0xffff, v19;
	v19 =	vld [tilespmem:s22+$0xFFFFFFE0]  }
0x24b: {  	v12 =	vmul.f32 $8.000000000e+00, v12;
	v22 =	vadd.s32 v2, v8;
	[tilespmem:v26+s14+$0x0] =	vst.idx.msk $0xffff, v17;
	v17 =	vld [tilespmem:s23+$0x20]  }
0x24c: {  	[tilespmem:v13+s14+$0x0] =	vst.idx.msk $0xffff, v11;
	v13 =	vadd.s32 v2, v9;
	v11 =	vmul.f32 $8.000000000e+00, v15;
	v15 =	vld [tilespmem:s23+$0xFFFFFFE0]  }
0x24d: {  	v60 =	vld [tilespmem:s20+$0x30];
	[tilespmem:v14+s14+$0x0] =	vst.idx.msk $0xffff, v12;
	v14 =	vadd.s32 v2, v10;
	v12 =	vmul.f32 $8.000000000e+00, v18  }
0x24e: {  	v18 =	vld [tilespmem:s20+$0xFFFFFFF0];
	[tilespmem:v20+s14+$0x0] =	vst.idx.msk $0xffff, v11;
	v11 =	vmul.f32 $8.000000000e+00, v16;
	v16 =	vadd.s32 v2, v23  }
0x24f: {  	v4 =	vadd.s32 v3, v4;
	v20 =	vld [tilespmem:s21+$0x30];
	[tilespmem:v21+s14+$0x0] =	vst.idx.msk $0xffff, v12;
	v12 =	vmul.f32 $8.000000000e+00, v19  }
0x250: {  	v5 =	vadd.s32 v3, v5;
	v19 =	vld [tilespmem:s21+$0xFFFFFFF0];
	[tilespmem:v22+s14+$0x0] =	vst.idx.msk $0xffff, v11;
	v11 =	vmul.f32 $8.000000000e+00, v17  }
0x251: {  	v6 =	vadd.s32 v3, v6;
	v17 =	vld [tilespmem:s22+$0x30];
	[tilespmem:v13+s14+$0x0] =	vst.idx.msk $0xffff, v12;
	v12 =	vmul.f32 $8.000000000e+00, v15  }
0x252: {  	v7 =	vadd.s32 v3, v7;
	v13 =	vmul.f32 $8.000000000e+00, v60;
	v15 =	vld [tilespmem:s22+$0xFFFFFFF0];
	[tilespmem:v14+s14+$0x0] =	vst.idx.msk $0xffff, v11  }
0x253: {  	v8 =	vadd.s32 v3, v8;
	v11 =	vmul.f32 $8.000000000e+00, v18;
	v14 =	vld [tilespmem:s23+$0x30];
	[tilespmem:v16+s14+$0x0] =	vst.idx.msk $0xffff, v12  }
0x254: {  	v9 =	vadd.s32 v3, v9;
	[tilespmem:v4+s14+$0x0] =	vst.idx.msk $0xffff, v13;
	v4 =	vmul.f32 $8.000000000e+00, v20;
	v12 =	vld [tilespmem:s23+$0xFFFFFFF0]  }
0x255: {  	v10 =	vadd.s32 v3, v10;
	[tilespmem:v5+s14+$0x0] =	vst.idx.msk $0xffff, v11;
	v5 =	vmul.f32 $8.000000000e+00, v19  }
0x256: {  	[tilespmem:v6+s14+$0x0] =	vst.idx.msk $0xffff, v4;
	v6 =	vadd.s32 v3, v23;
	v4 =	vmul.f32 $8.000000000e+00, v17  }
0x257: {  	[tilespmem:v7+s14+$0x0] =	vst.idx.msk $0xffff, v5;
	v5 =	vmul.f32 $8.000000000e+00, v15  }
0x258: {  	[tilespmem:v8+s14+$0x0] =	vst.idx.msk $0xffff, v4;
	v4 =	vmul.f32 $8.000000000e+00, v14  }
0x259: {  	[tilespmem:v9+s14+$0x0] =	vst.idx.msk $0xffff, v5;
	v5 =	vmul.f32 $8.000000000e+00, v12  }
0x25a: {  	s20 =	sadd.s32 @!p1 $0x300, s19;
	[tilespmem:v10+s14+$0x0] =	vst.idx.msk $0xffff, v4  }
0x25b: {  	s20 =	sand.u32 @!p1 $0x3FFFFF80, s20;
	s21 =	simm.s32 @!p1 $0x80;
	s22 =	simm.s32 @!p1 $0xA400;
	[tilespmem:v6+s14+$0x0] =	vst.idx.msk $0xffff, v5  }
0x25c: {  	[tilespmem:s22], [sflag:$0x3] =	stream.indirect.gather @!p1 [hbm4b:s5+s21], $0x40, s20, s21, $0xb8;
	[tilespmem:$0x16C00] =	vst v63  }
0x25d: {  	s22 =	rddreg [dreg:$0x15]  }
0x25e: {  	s20 =	sadd.s32 s18, s22  }
0x25f: {  	[hbm4b:s20+s3] =	stream.linear.scatter [tilespmem:s14], [sflag:$0x7], $0x80, $0x38;
	[tilespmem:$0x16C00] =	vst v63  }
0x260: {  	s24 =	simm.s32 $0x12888;
	s23 =	sadd.s32 $0x10, s20  }
0x261: {  	[hbm4b:s23+s3] =	stream.linear.scatter [tilespmem:s24], [sflag:$0x7], $0x80, $0x38;
	[tilespmem:$0x16C00] =	vst v63  }
0x262: {  	s29 =	simm.s32 $0x12910;
	s26 =	sadd.s32 $0x20, s20  }
0x263: {  	[hbm4b:s26+s3] =	stream.linear.scatter [tilespmem:s29], [sflag:$0x7], $0x80, $0x38;
	[tilespmem:$0x16C00] =	vst v63  }
0x264: {  	s23 =	sadd.s32 $0x30, s20;
	s24 =	simm.s32 $0x12998  }
0x265: {  	[hbm4b:s23+s3] =	stream.linear.scatter [tilespmem:s24], [sflag:$0x7], $0x80, $0x38;
	[tilespmem:$0x16C00] =	vst v63  }
0x266: {  	s26 =	sadd.s32 $0x40, s20;
	s29 =	simm.s32 $0x12A20  }
0x267: {  	[hbm4b:s26+s3] =	stream.linear.scatter [tilespmem:s29], [sflag:$0x7], $0x80, $0x38;
	[tilespmem:$0x16C00] =	vst v63  }
0x268: {  	s22 =	sadd.s32 $0x50, s20;
	s23 =	simm.s32 $0x12AA8  }
0x269: {  	[hbm4b:s22+s3] =	stream.linear.scatter [tilespmem:s23], [sflag:$0x7], $0x80, $0x38;
	[tilespmem:$0x16C00] =	vst v63  }
0x26a: {  	s24 =	sadd.s32 $0x60, s20;
	s26 =	simm.s32 $0x12B30  }
0x26b: {  	[hbm4b:s24+s3] =	stream.linear.scatter [tilespmem:s26], [sflag:$0x7], $0x80, $0x38;
	[tilespmem:$0x16C00] =	vst v63  }
0x26c: {  	s21 =	rddreg [dreg:$0x16];
	s20 =	sadd.s32 $0x70, s20;
	s29 =	simm.s32 $0x12BB8  }
0x26d: {  	[hbm4b:s20+s3] =	stream.linear.scatter [tilespmem:s29], [sflag:$0x7], $0x80, $0x38;
	[tilespmem:$0x16C00] =	vst v63  }
0x26e: {  	s22 =	simm.s32 $0x12C40;
	s20 =	sadd.s32 s18, s21  }
0x26f: {  	[hbm4b:s20+s3] =	stream.linear.scatter [tilespmem:s22], [sflag:$0x7], $0x80, $0x38;
	[tilespmem:$0x16C00] =	vst v63  }
0x270: {  	s24 =	simm.s32 $0x12CC8;
	s23 =	sadd.s32 $0x10, s20  }
0x271: {  	[hbm4b:s23+s3] =	stream.linear.scatter [tilespmem:s24], [sflag:$0x7], $0x80, $0x38;
	[tilespmem:$0x16C00] =	vst v63  }
0x272: {  	s29 =	simm.s32 $0x12D50;
	s26 =	sadd.s32 $0x20, s20  }
0x273: {  	[hbm4b:s26+s3] =	stream.linear.scatter [tilespmem:s29], [sflag:$0x7], $0x80, $0x38;
	[tilespmem:$0x16C00] =	vst v63  }
0x274: {  	s23 =	sadd.s32 $0x30, s20;
	s24 =	simm.s32 $0x12DD8  }
0x275: {  	[hbm4b:s23+s3] =	stream.linear.scatter [tilespmem:s24], [sflag:$0x7], $0x80, $0x38;
	[tilespmem:$0x16C00] =	vst v63  }
0x276: {  	s26 =	sadd.s32 $0x40, s20;
	s29 =	simm.s32 $0x12E60  }
0x277: {  	[hbm4b:s26+s3] =	stream.linear.scatter [tilespmem:s29], [sflag:$0x7], $0x80, $0x38;
	[tilespmem:$0x16C00] =	vst v63  }
0x278: {  	s22 =	sadd.s32 $0x50, s20;
	s23 =	simm.s32 $0x12EE8  }
0x279: {  	[hbm4b:s22+s3] =	stream.linear.scatter [tilespmem:s23], [sflag:$0x7], $0x80, $0x38;
	[tilespmem:$0x16C00] =	vst v63  }
0x27a: {  	s24 =	sadd.s32 $0x60, s20;
	s26 =	simm.s32 $0x12F70  }
0x27b: {  	[hbm4b:s24+s3] =	stream.linear.scatter [tilespmem:s26], [sflag:$0x7], $0x80, $0x38;
	[tilespmem:$0x16C00] =	vst v63  }
0x27c: {  	s21 =	rddreg [dreg:$0x17];
	s20 =	sadd.s32 $0x70, s20;
	s29 =	simm.s32 $0x12FF8  }
0x27d: {  	[hbm4b:s20+s3] =	stream.linear.scatter [tilespmem:s29], [sflag:$0x7], $0x80, $0x38;
	[tilespmem:$0x16C00] =	vst v63  }
0x27e: {  	s22 =	simm.s32 $0x13080;
	s20 =	sadd.s32 s18, s21  }
0x27f: {  	[hbm4b:s20+s3] =	stream.linear.scatter [tilespmem:s22], [sflag:$0x7], $0x80, $0x38;
	[tilespmem:$0x16C00] =	vst v63  }
0x280: {  	s24 =	simm.s32 $0x13108;
	s23 =	sadd.s32 $0x10, s20  }
0x281: {  	[hbm4b:s23+s3] =	stream.linear.scatter [tilespmem:s24], [sflag:$0x7], $0x80, $0x38;
	[tilespmem:$0x16C00] =	vst v63  }
0x282: {  	s29 =	simm.s32 $0x13190;
	s26 =	sadd.s32 $0x20, s20  }
0x283: {  	[hbm4b:s26+s3] =	stream.linear.scatter [tilespmem:s29], [sflag:$0x7], $0x80, $0x38;
	[tilespmem:$0x16C00] =	vst v63  }
0x284: {  	s23 =	sadd.s32 $0x30, s20;
	s24 =	simm.s32 $0x13218  }
0x285: {  	[hbm4b:s23+s3] =	stream.linear.scatter [tilespmem:s24], [sflag:$0x7], $0x80, $0x38;
	[tilespmem:$0x16C00] =	vst v63  }
0x286: {  	s26 =	sadd.s32 $0x40, s20;
	s29 =	simm.s32 $0x132A0  }
0x287: {  	[hbm4b:s26+s3] =	stream.linear.scatter [tilespmem:s29], [sflag:$0x7], $0x80, $0x38;
	[tilespmem:$0x16C00] =	vst v63  }
0x288: {  	s22 =	sadd.s32 $0x50, s20;
	s23 =	simm.s32 $0x13328  }
0x289: {  	[hbm4b:s22+s3] =	stream.linear.scatter [tilespmem:s23], [sflag:$0x7], $0x80, $0x38;
	[tilespmem:$0x16C00] =	vst v63  }
0x28a: {  	s24 =	sadd.s32 $0x60, s20;
	s26 =	simm.s32 $0x133B0  }
0x28b: {  	[hbm4b:s24+s3] =	stream.linear.scatter [tilespmem:s26], [sflag:$0x7], $0x80, $0x38;
	[tilespmem:$0x16C00] =	vst v63  }
0x28c: {  	s21 =	rddreg [dreg:$0x19];
	s20 =	sadd.s32 $0x70, s20;
	s29 =	simm.s32 $0x13438  }
0x28d: {  	[hbm4b:s20+s3] =	stream.linear.scatter [tilespmem:s29], [sflag:$0x7], $0x80, $0x38;
	[tilespmem:$0x16C00] =	vst v63  }
0x28e: {  	s22 =	simm.s32 $0x134C0;
	s20 =	sadd.s32 s18, s21  }
0x28f: {  	[hbm4b:s20+s3] =	stream.linear.scatter [tilespmem:s22], [sflag:$0x7], $0x80, $0x38;
	[tilespmem:$0x16C00] =	vst v63  }
0x290: {  	s24 =	simm.s32 $0x13548;
	s23 =	sadd.s32 $0x10, s20  }
0x291: {  	[hbm4b:s23+s3] =	stream.linear.scatter [tilespmem:s24], [sflag:$0x7], $0x80, $0x38;
	[tilespmem:$0x16C00] =	vst v63  }
0x292: {  	s29 =	simm.s32 $0x135D0;
	s26 =	sadd.s32 $0x20, s20  }
0x293: {  	[hbm4b:s26+s3] =	stream.linear.scatter [tilespmem:s29], [sflag:$0x7], $0x80, $0x38;
	[tilespmem:$0x16C00] =	vst v63  }
0x294: {  	s23 =	sadd.s32 $0x30, s20;
	s24 =	simm.s32 $0x13658  }
0x295: {  	[hbm4b:s23+s3] =	stream.linear.scatter [tilespmem:s24], [sflag:$0x7], $0x80, $0x38;
	[tilespmem:$0x16C00] =	vst v63  }
0x296: {  	s26 =	sadd.s32 $0x40, s20;
	s29 =	simm.s32 $0x136E0  }
0x297: {  	[hbm4b:s26+s3] =	stream.linear.scatter [tilespmem:s29], [sflag:$0x7], $0x80, $0x38;
	[tilespmem:$0x16C00] =	vst v63  }
0x298: {  	s22 =	sadd.s32 $0x50, s20;
	s23 =	simm.s32 $0x13768  }
0x299: {  	[hbm4b:s22+s3] =	stream.linear.scatter [tilespmem:s23], [sflag:$0x7], $0x80, $0x38;
	[tilespmem:$0x16C00] =	vst v63  }
0x29a: {  	s24 =	sadd.s32 $0x60, s20;
	s26 =	simm.s32 $0x137F0  }
0x29b: {  	[hbm4b:s24+s3] =	stream.linear.scatter [tilespmem:s26], [sflag:$0x7], $0x80, $0x38;
	[tilespmem:$0x16C00] =	vst v63  }
0x29c: {  	s21 =	rddreg [dreg:$0x1a];
	s20 =	sadd.s32 $0x70, s20;
	s29 =	simm.s32 $0x13878  }
0x29d: {  	[hbm4b:s20+s3] =	stream.linear.scatter [tilespmem:s29], [sflag:$0x7], $0x80, $0x38;
	[tilespmem:$0x16C00] =	vst v63  }
0x29e: {  	s22 =	simm.s32 $0x13900;
	s20 =	sadd.s32 s18, s21  }
0x29f: {  	[hbm4b:s20+s3] =	stream.linear.scatter [tilespmem:s22], [sflag:$0x7], $0x80, $0x38;
	[tilespmem:$0x16C00] =	vst v63  }
0x2a0: {  	s24 =	simm.s32 $0x13988;
	s23 =	sadd.s32 $0x10, s20  }
0x2a1: {  	[hbm4b:s23+s3] =	stream.linear.scatter [tilespmem:s24], [sflag:$0x7], $0x80, $0x38;
	[tilespmem:$0x16C00] =	vst v63  }
0x2a2: {  	s29 =	simm.s32 $0x13A10;
	s26 =	sadd.s32 $0x20, s20  }
0x2a3: {  	[hbm4b:s26+s3] =	stream.linear.scatter [tilespmem:s29], [sflag:$0x7], $0x80, $0x38;
	[tilespmem:$0x16C00] =	vst v63  }
0x2a4: {  	s23 =	sadd.s32 $0x30, s20;
	s24 =	simm.s32 $0x13A98  }
0x2a5: {  	[hbm4b:s23+s3] =	stream.linear.scatter [tilespmem:s24], [sflag:$0x7], $0x80, $0x38;
	[tilespmem:$0x16C00] =	vst v63  }
0x2a6: {  	s26 =	sadd.s32 $0x40, s20;
	s29 =	simm.s32 $0x13B20  }
0x2a7: {  	[hbm4b:s26+s3] =	stream.linear.scatter [tilespmem:s29], [sflag:$0x7], $0x80, $0x38;
	[tilespmem:$0x16C00] =	vst v63  }
0x2a8: {  	s22 =	sadd.s32 $0x50, s20;
	s23 =	simm.s32 $0x13BA8  }
0x2a9: {  	[hbm4b:s22+s3] =	stream.linear.scatter [tilespmem:s23], [sflag:$0x7], $0x80, $0x38;
	[tilespmem:$0x16C00] =	vst v63  }
0x2aa: {  	s24 =	sadd.s32 $0x60, s20;
	s26 =	simm.s32 $0x13C30  }
0x2ab: {  	[hbm4b:s24+s3] =	stream.linear.scatter [tilespmem:s26], [sflag:$0x7], $0x80, $0x38;
	[tilespmem:$0x16C00] =	vst v63  }
0x2ac: {  	s21 =	rddreg [dreg:$0x1b];
	s20 =	sadd.s32 $0x70, s20;
	s29 =	simm.s32 $0x13CB8  }
0x2ad: {  	[hbm4b:s20+s3] =	stream.linear.scatter [tilespmem:s29], [sflag:$0x7], $0x80, $0x38;
	[tilespmem:$0x16C00] =	vst v63  }
0x2ae: {  	s22 =	simm.s32 $0x13D40;
	s20 =	sadd.s32 s18, s21  }
0x2af: {  	[hbm4b:s20+s3] =	stream.linear.scatter [tilespmem:s22], [sflag:$0x7], $0x80, $0x38;
	[tilespmem:$0x16C00] =	vst v63  }
0x2b0: {  	s24 =	simm.s32 $0x13DC8;
	s23 =	sadd.s32 $0x10, s20  }
0x2b1: {  	[hbm4b:s23+s3] =	stream.linear.scatter [tilespmem:s24], [sflag:$0x7], $0x80, $0x38;
	[tilespmem:$0x16C00] =	vst v63  }
0x2b2: {  	s29 =	simm.s32 $0x13E50;
	s26 =	sadd.s32 $0x20, s20  }
0x2b3: {  	[hbm4b:s26+s3] =	stream.linear.scatter [tilespmem:s29], [sflag:$0x7], $0x80, $0x38;
	[tilespmem:$0x16C00] =	vst v63  }
0x2b4: {  	s23 =	sadd.s32 $0x30, s20;
	s24 =	simm.s32 $0x13ED8  }
0x2b5: {  	[hbm4b:s23+s3] =	stream.linear.scatter [tilespmem:s24], [sflag:$0x7], $0x80, $0x38;
	[tilespmem:$0x16C00] =	vst v63  }
0x2b6: {  	s26 =	sadd.s32 $0x40, s20;
	s29 =	simm.s32 $0x13F60  }
0x2b7: {  	[hbm4b:s26+s3] =	stream.linear.scatter [tilespmem:s29], [sflag:$0x7], $0x80, $0x38;
	[tilespmem:$0x16C00] =	vst v63  }
0x2b8: {  	s22 =	sadd.s32 $0x50, s20;
	s23 =	simm.s32 $0x13FE8  }
0x2b9: {  	[hbm4b:s22+s3] =	stream.linear.scatter [tilespmem:s23], [sflag:$0x7], $0x80, $0x38;
	[tilespmem:$0x16C00] =	vst v63  }
0x2ba: {  	s24 =	sadd.s32 $0x60, s20;
	s26 =	simm.s32 $0x14070  }
0x2bb: {  	[hbm4b:s24+s3] =	stream.linear.scatter [tilespmem:s26], [sflag:$0x7], $0x80, $0x38;
	[tilespmem:$0x16C00] =	vst v63  }
0x2bc: {  	s20 =	sadd.s32 $0x70, s20;
	s29 =	simm.s32 $0x140F8  }
0x2bd: {  	[hbm4b:s20+s3] =	stream.linear.scatter [tilespmem:s29], [sflag:$0x7], $0x80, $0x38;
	[tilespmem:$0x16C00] =	vst v63  }
0x2be: {  	s22 =	simm.s32 $0x14180;
	s20 =	sadd.s32 s18, s30  }
0x2bf: {  	[hbm4b:s20+s3] =	stream.linear.scatter [tilespmem:s22], [sflag:$0x7], $0x80, $0x38;
	[tilespmem:$0x16C00] =	vst v63  }
0x2c0: {  	s24 =	simm.s32 $0x14208;
	s23 =	sadd.s32 $0x10, s20  }
0x2c1: {  	[hbm4b:s23+s3] =	stream.linear.scatter [tilespmem:s24], [sflag:$0x7], $0x80, $0x38;
	[tilespmem:$0x16C00] =	vst v63  }
0x2c2: {  	s29 =	simm.s32 $0x14290;
	s26 =	sadd.s32 $0x20, s20  }
0x2c3: {  	[hbm4b:s26+s3] =	stream.linear.scatter [tilespmem:s29], [sflag:$0x7], $0x80, $0x38;
	[tilespmem:$0x16C00] =	vst v63  }
0x2c4: {  	s23 =	sadd.s32 $0x30, s20;
	s24 =	simm.s32 $0x14318  }
0x2c5: {  	[hbm4b:s23+s3] =	stream.linear.scatter [tilespmem:s24], [sflag:$0x7], $0x80, $0x38;
	[tilespmem:$0x16C00] =	vst v63  }
0x2c6: {  	s26 =	sadd.s32 $0x40, s20;
	s29 =	simm.s32 $0x143A0  }
0x2c7: {  	[hbm4b:s26+s3] =	stream.linear.scatter [tilespmem:s29], [sflag:$0x7], $0x80, $0x38;
	[tilespmem:$0x16C00] =	vst v63  }
0x2c8: {  	s22 =	sadd.s32 $0x50, s20;
	s23 =	simm.s32 $0x14428  }
0x2c9: {  	[hbm4b:s22+s3] =	stream.linear.scatter [tilespmem:s23], [sflag:$0x7], $0x80, $0x38;
	[tilespmem:$0x16C00] =	vst v63  }
0x2ca: {  	s24 =	sadd.s32 $0x60, s20;
	s26 =	simm.s32 $0x144B0  }
0x2cb: {  	[hbm4b:s24+s3] =	stream.linear.scatter [tilespmem:s26], [sflag:$0x7], $0x80, $0x38;
	[tilespmem:$0x16C00] =	vst v63  }
0x2cc: {  	s20 =	sadd.s32 $0x70, s20;
	s29 =	simm.s32 $0x14538  }
0x2cd: {  	[hbm4b:s20+s3] =	stream.linear.scatter [tilespmem:s29], [sflag:$0x7], $0x80, $0x38;
	[tilespmem:$0x16C00] =	vst v63  }
0x2ce: {  	s22 =	simm.s32 $0x145C0;
	s20 =	sadd.s32 s18, s31  }
0x2cf: {  	[hbm4b:s20+s3] =	stream.linear.scatter [tilespmem:s22], [sflag:$0x7], $0x80, $0x38;
	[tilespmem:$0x16C00] =	vst v63  }
0x2d0: {  	s24 =	simm.s32 $0x14648;
	s23 =	sadd.s32 $0x10, s20  }
0x2d1: {  	[hbm4b:s23+s3] =	stream.linear.scatter [tilespmem:s24], [sflag:$0x7], $0x80, $0x38;
	[tilespmem:$0x16C00] =	vst v63  }
0x2d2: {  	s29 =	simm.s32 $0x146D0;
	s26 =	sadd.s32 $0x20, s20  }
0x2d3: {  	[hbm4b:s26+s3] =	stream.linear.scatter [tilespmem:s29], [sflag:$0x7], $0x80, $0x38;
	[tilespmem:$0x16C00] =	vst v63  }
0x2d4: {  	s23 =	sadd.s32 $0x30, s20;
	s24 =	simm.s32 $0x14758  }
0x2d5: {  	[hbm4b:s23+s3] =	stream.linear.scatter [tilespmem:s24], [sflag:$0x7], $0x80, $0x38;
	[tilespmem:$0x16C00] =	vst v63  }
0x2d6: {  	s26 =	sadd.s32 $0x40, s20;
	s29 =	simm.s32 $0x147E0  }
0x2d7: {  	[hbm4b:s26+s3] =	stream.linear.scatter [tilespmem:s29], [sflag:$0x7], $0x80, $0x38;
	[tilespmem:$0x16C00] =	vst v63  }
0x2d8: {  	s22 =	sadd.s32 $0x50, s20;
	s23 =	simm.s32 $0x14868  }
0x2d9: {  	[hbm4b:s22+s3] =	stream.linear.scatter [tilespmem:s23], [sflag:$0x7], $0x80, $0x38;
	[tilespmem:$0x16C00] =	vst v63  }
0x2da: {  	s24 =	sadd.s32 $0x60, s20;
	s26 =	simm.s32 $0x148F0  }
0x2db: {  	[hbm4b:s24+s3] =	stream.linear.scatter [tilespmem:s26], [sflag:$0x7], $0x80, $0x38;
	[tilespmem:$0x16C00] =	vst v63  }
0x2dc: {  	s20 =	sadd.s32 $0x70, s20;
	s29 =	simm.s32 $0x14978  }
0x2dd: {  	[hbm4b:s20+s3] =	stream.linear.scatter [tilespmem:s29], [sflag:$0x7], $0x80, $0x38;
	[tilespmem:$0x16C00] =	vst v63  }
0x2de: {  	_ =	swait.ge [sflag:s15], $0x2000  }
0x2df: {  	[sflag:s15] =	ssyncset.done $0x0  }
0x2e0: {  	s20 =	simm.s32 @!p0 $0x8;
	[sflag:s15] =	ssyncadd.s32 $0xFFFFE000  }
0x2e1: {  	_ =	swait.ge @!p0 [sflag:s20], $0x400  }
0x2e2: {  	[sflag:s20] =	ssyncset.done @!p0 $0x0  }
0x2e3: {  	[sflag:s20] =	ssyncadd.s32 @!p0 $0xFFFFFC00  }
0x2e4: {  	_ =	swait.ge @!p0 [sflag:s20], $0x400  }
0x2e5: {  	[sflag:s20] =	ssyncset.done @!p0 $0x0  }
0x2e6: {  	[sflag:s20] =	ssyncadd.s32 @!p0 $0xFFFFFC00  }
0x2e7: {  	_ =	swait.ge @!p0 [sflag:s20], $0x400  }
0x2e8: {  	[sflag:s20] =	ssyncset.done @!p0 $0x0  }
0x2e9: {  	[sflag:s20] =	ssyncadd.s32 @!p0 $0xFFFFFC00  }
0x2ea: {  	_ =	swait.ge @!p0 [sflag:s20], $0x400  }
0x2eb: {  	[sflag:s20] =	ssyncset.done @!p0 $0x0  }
0x2ec: {  	[sflag:s20] =	ssyncadd.s32 @!p0 $0xFFFFFC00  }
0x2ed: {  	_ =	swait.ge @!p0 [sflag:s20], $0x400  }
0x2ee: {  	[sflag:s20] =	ssyncset.done @!p0 $0x0  }
0x2ef: {  	[sflag:s20] =	ssyncadd.s32 @!p0 $0xFFFFFC00  }
0x2f0: {  	_ =	swait.ge @!p0 [sflag:s20], $0x400  }
0x2f1: {  	[sflag:s20] =	ssyncset.done @!p0 $0x0  }
0x2f2: {  	[sflag:s20] =	ssyncadd.s32 @!p0 $0xFFFFFC00  }
0x2f3: {  	_ =	swait.ge @!p0 [sflag:s20], $0x400  }
0x2f4: {  	[sflag:s20] =	ssyncset.done @!p0 $0x0  }
0x2f5: {  	[sflag:s20] =	ssyncadd.s32 @!p0 $0xFFFFFC00  }
0x2f6: {  	_ =	swait.ge @!p0 [sflag:s20], $0x400  }
0x2f7: {  	[sflag:s20] =	ssyncset.done @!p0 $0x0  }
0x2f8: {  	s21 =	simm.s32 $0x1;
	s23 =	simm.s32 $0xC440;
	[sflag:s20] =	ssyncadd.s32 @!p0 $0xFFFFFC00  }
0x2f9: {  	v4 =	vmov s21;
	v5 =	vld [tilespmem:s23+$0x0]  }
0x2fa: {  	v9 =	vand.u32 $0x7F, v4  }
0x2fb: {  	v4 =	vadd.s32 v0, v9  }
0x2fc: {  	s22 =	simm.s32 $0x0  }
0x2fd: {  	v6 =	vmov s22;
	v7 =	vld [tilespmem:s23+$0xFFFFFFC0]  }
0x2fe: {  	v14 =	vand.u32 $0x7E, v6;
	v5 =	vmul.f32 $8.000000000e+00, v5  }
0x2ff: {  	s24 =	simm.s32 $0x3;
	v6 =	vadd.s32 v0, v14;
	s20 =	simm.s32 $0xC4C0  }
0x300: {  	v8 =	vld [tilespmem:s20+$0x0];
	[tilespmem:v4+s16+$0x0] =	vst.idx.msk $0xffff, v5;
	v4 =	vmov s24  }
0x301: {  	v4 =	vand.u32 $0x7F, v4;
	v10 =	vld [tilespmem:s23+$0x10]  }
0x302: {  	v5 =	vmul.f32 $8.000000000e+00, v7;
	v7 =	vadd.s32 v0, v4  }
0x303: {  	v11 =	vadd.s32 v1, v9;
	s26 =	simm.s32 $0x2  }
0x304: {  	v12 =	vld [tilespmem:s20+$0xFFFFFFC0];
	[tilespmem:v6+s16+$0x0] =	vst.idx.msk $0xffff, v5;
	v5 =	vmov s26  }
0x305: {  	v6 =	vmul.f32 $8.000000000e+00, v8;
	v5 =	vand.u32 $0x7E, v5;
	v8 =	vld [tilespmem:s23+$0xFFFFFFD0]  }
0x306: {  	s21 =	simm.s32 $0xC540;
	s29 =	simm.s32 $0x5;
	v13 =	vadd.s32 v0, v5;
	v10 =	vmul.f32 $8.000000000e+00, v10  }
0x307: {  	v15 =	vld [tilespmem:s21+$0x0];
	[tilespmem:v7+s16+$0x0] =	vst.idx.msk $0xffff, v6;
	v7 =	vadd.s32 v1, v14;
	v6 =	vmov s29  }
0x308: {  	[tilespmem:v11+s16+$0x0] =	vst.idx.msk $0xffff, v10;
	v6 =	vand.u32 $0x7F, v6;
	v10 =	vld [tilespmem:s20+$0x10]  }
0x309: {  	v11 =	vmul.f32 $8.000000000e+00, v12;
	v12 =	vadd.s32 v0, v6;
	v16 =	vld [tilespmem:s23+$0x20]  }
0x30a: {  	s24 =	simm.s32 $0x4;
	v17 =	vadd.s32 v1, v4;
	v8 =	vmul.f32 $8.000000000e+00, v8  }
0x30b: {  	v18 =	vadd.s32 v2, v9;
	[tilespmem:v13+s16+$0x0] =	vst.idx.msk $0xffff, v11;
	v11 =	vmov s24;
	v13 =	vld [tilespmem:s21+$0xFFFFFFC0]  }
0x30c: {  	[tilespmem:v7+s16+$0x0] =	vst.idx.msk $0xffff, v8;
	v7 =	vand.u32 $0x7E, v11;
	v8 =	vmul.f32 $8.000000000e+00, v15;
	v11 =	vld [tilespmem:s20+$0xFFFFFFD0]  }
0x30d: {  	s22 =	simm.s32 $0xC5C0;
	s26 =	simm.s32 $0x7;
	v15 =	vadd.s32 v0, v7;
	v10 =	vmul.f32 $8.000000000e+00, v10;
	v19 =	vld [tilespmem:s23+$0xFFFFFFE0]  }
0x30e: {  	v20 =	vld [tilespmem:s22+$0x0];
	[tilespmem:v12+s16+$0x0] =	vst.idx.msk $0xffff, v8;
	v12 =	vadd.s32 v1, v5;
	v16 =	vmul.f32 $8.000000000e+00, v16;
	v8 =	vmov s26  }
0x30f: {  	[tilespmem:v17+s16+$0x0] =	vst.idx.msk $0xffff, v10;
	v10 =	vadd.s32 v2, v14;
	v8 =	vand.u32 $0x7F, v8;
	v17 =	vld [tilespmem:s21+$0x10]  }
0x310: {  	v13 =	vmul.f32 $8.000000000e+00, v13;
	[tilespmem:v18+s16+$0x0] =	vst.idx.msk $0xffff, v16;
	v16 =	vadd.s32 v0, v8;
	v18 =	vld [tilespmem:s20+$0x20]  }
0x311: {  	s29 =	simm.s32 $0x6;
	v21 =	vadd.s32 v1, v6;
	v11 =	vmul.f32 $8.000000000e+00, v11;
	v22 =	vld [tilespmem:s23+$0x30]  }
0x312: {  	v23 =	vadd.s32 v2, v4;
	[tilespmem:v15+s16+$0x0] =	vst.idx.msk $0xffff, v13;
	v13 =	vmul.f32 $8.000000000e+00, v19;
	v15 =	vld [tilespmem:s22+$0xFFFFFFC0];
	v19 =	vmov s29  }
0x313: {  	v62 =	vadd.s32 v3, v9;
	[tilespmem:v12+s16+$0x0] =	vst.idx.msk $0xffff, v11;
	v12 =	vmul.f32 $8.000000000e+00, v20;
	v61 =	vld [tilespmem:s21+$0xFFFFFFD0];
	v9 =	vand.u32 $0x7E, v19  }
0x314: {  	[tilespmem:v10+s16+$0x0] =	vst.idx.msk $0xffff, v13;
	v10 =	vmul.f32 $8.000000000e+00, v17;
	v11 =	vld [tilespmem:s20+$0xFFFFFFE0];
	v17 =	vadd.s32 v0, v9  }
0x315: {  	s24 =	simm.s32 $0xC640;
	s26 =	simm.s32 $0x9;
	[tilespmem:v16+s16+$0x0] =	vst.idx.msk $0xffff, v12;
	v20 =	vmul.f32 $8.000000000e+00, v18;
	v12 =	vld [tilespmem:s23+$0xFFFFFFF0];
	v16 =	vadd.s32 v1, v7  }
0x316: {  	v19 =	vld [tilespmem:s24+$0x0];
	v13 =	vadd.s32 v2, v5;
	v18 =	vmov s26;
	[tilespmem:v21+s16+$0x0] =	vst.idx.msk $0xffff, v10;
	v63 =	vmul.f32 $8.000000000e+00, v22  }
0x317: {  	v14 =	vadd.s32 v3, v14;
	v10 =	vand.u32 $0x7F, v18;
	v18 =	vld [tilespmem:s22+$0x10];
	v22 =	vmul.f32 $8.000000000e+00, v15;
	[tilespmem:v23+s16+$0x0] =	vst.idx.msk $0xffff, v20  }
0x318: {  	s28 =	simm.s32 $0x8;
	s26 =	simm.s32 $0xA;
	s23 =	simm.s32 $0xC640;
	v20 =	vadd.s32 v0, v10;
	v15 =	vld [tilespmem:s21+$0x20];
	v21 =	vmul.f32 $8.000000000e+00, v61;
	[tilespmem:v62+s16+$0x0] =	vst.idx.msk $0xffff, v63  }
.LBB2_9:
0x319: {  	p0 =	slt.u32 s26, $0x7E;
	[tilespmem:v17+s16+$0x0] =	vst.idx.msk $0xffff, v22;
	v22 =	vadd.s32 v1, v8;
	v11 =	vmul.f32 $8.000000000e+00, v11;
	v23 =	vld [tilespmem:s20+$0x30]  }
0x31a: {  	v17 =	vmov s28;
	s28 =	smov.u32 s26;
	v24 =	vld [tilespmem:s24+$0xFFFFFFC0];
	[tilespmem:v16+s16+$0x0] =	vst.idx.msk $0xffff, v21;
	v21 =	vadd.s32 v2, v6;
	v12 =	vmul.f32 $8.000000000e+00, v12  }
0x31b: {  	v27 =	vadd.s32 v3, v4;
	v4 =	vmovc v6;
	v25 =	vand.u32 $0x7E, v17;
	v16 =	vmul.f32 $8.000000000e+00, v19;
	v26 =	vld [tilespmem:s22+$0xFFFFFFD0];
	[tilespmem:v13+s16+$0x0] =	vst.idx.msk $0xffff, v11  }
.Ltmp3:
0x31c: {  	v6 =	vmovc v8;
	v8 =	vmov v10;
	v17 =	vadd.s32 v0, v25;
	v13 =	vmul.f32 $8.000000000e+00, v18;
	v11 =	vld [tilespmem:s21+$0xFFFFFFE0];
	[tilespmem:v14+s16+$0x0] =	vst.idx.msk $0xffff, v12;
	(pc) =	sbr.rel @p0 .LBB2_9-.Ltmp3, $4  }
0x31d: {  	s29 =	sadd.s32 $0x1, s26;
	s24 =	sadd.s32 $0x80, s24;
	[tilespmem:v20+s16+$0x0] =	vst.idx.msk $0xffff, v16;
	v16 =	vadd.s32 v1, v9;
	v14 =	vmul.f32 $8.000000000e+00, v15;
	v12 =	vld [tilespmem:s20+$0xFFFFFFF0];
	s20 =	smov.u32 s21  }
0x31e: {  	v10 =	vmov s29;
	s21 =	smov.u32 s22;
	s22 =	smov.u32 s23;
	s23 =	smov.u32 s24;
	v19 =	vld [tilespmem:s24+$0x0];
	[tilespmem:v22+s16+$0x0] =	vst.idx.msk $0xffff, v13;
	v13 =	vadd.s32 v2, v7;
	v23 =	vmul.f32 $8.000000000e+00, v23  }
0x31f: {  	v10 =	vand.u32 $0x7F, v10;
	v22 =	vmul.f32 $8.000000000e+00, v24;
	v18 =	vld [tilespmem:s22+$0x10];
	[tilespmem:v21+s16+$0x0] =	vst.idx.msk $0xffff, v14;
	v14 =	vadd.s32 v3, v5;
	v5 =	vmovc v7  }
0x320: {  	s26 =	sadd.s32 $0x2, s26;
	v20 =	vadd.s32 v0, v10;
	v7 =	vmovc v9;
	v9 =	vmov v25;
	v21 =	vmul.f32 $8.000000000e+00, v26;
	v15 =	vld [tilespmem:s21+$0x20];
	[tilespmem:v27+s16+$0x0] =	vst.idx.msk $0xffff, v23  }
0x321: {  	v23 =	vmov s28;
	v24 =	vld [tilespmem:s24+$0xFFFFFFC0]  }
0x322: {  	v23 =	vand.u32 $0x7E, v23  }
0x323: {  	v25 =	vadd.s32 v0, v23;
	_ =	sdelay $0x1  }
0x324: {  	v19 =	vmul.f32 $8.000000000e+00, v19  }
0x325: {  	[tilespmem:v17+s16+$0x0] =	vst.idx.msk $0xffff, v22;
	v62 =	vmul.f32 $8.000000000e+00, v24  }
0x326: {  	v22 =	vld [tilespmem:s22+$0xFFFFFFD0];
	[tilespmem:v20+s16+$0x0] =	vst.idx.msk $0xffff, v19  }
0x327: {  	v63 =	vadd.s32 v1, v8;
	v20 =	vld [tilespmem:s23+$0x10];
	[tilespmem:v25+s16+$0x0] =	vst.idx.msk $0xffff, v62  }
0x328: {  	v28 =	vadd.s32 v1, v9;
	v29 =	vld [tilespmem:s23+$0xFFFFFFD0]  }
0x329: {  	v30 =	vadd.s32 v1, v10  }
0x32a: {  	v26 =	vadd.s32 v1, v23;
	v18 =	vmul.f32 $8.000000000e+00, v18  }
0x32b: {  	[tilespmem:v16+s16+$0x0] =	vst.idx.msk $0xffff, v21;
	v31 =	vmul.f32 $8.000000000e+00, v22  }
0x32c: {  	v32 =	vld [tilespmem:s21+$0xFFFFFFE0];
	[tilespmem:v63+s16+$0x0] =	vst.idx.msk $0xffff, v18;
	v33 =	vmul.f32 $8.000000000e+00, v20  }
0x32d: {  	v34 =	vadd.s32 v2, v6;
	v35 =	vld [tilespmem:s22+$0x20];
	[tilespmem:v28+s16+$0x0] =	vst.idx.msk $0xffff, v31;
	v36 =	vmul.f32 $8.000000000e+00, v29  }
0x32e: {  	v11 =	vmul.f32 $8.000000000e+00, v11;
	v37 =	vadd.s32 v2, v7;
	v38 =	vld [tilespmem:s22+$0xFFFFFFE0];
	[tilespmem:v30+s16+$0x0] =	vst.idx.msk $0xffff, v33  }
0x32f: {  	v39 =	vadd.s32 v2, v8;
	v12 =	vmul.f32 $8.000000000e+00, v12;
	v40 =	vld [tilespmem:s23+$0x20];
	[tilespmem:v26+s16+$0x0] =	vst.idx.msk $0xffff, v36  }
0x330: {  	v42 =	vadd.s32 v2, v9;
	[tilespmem:v13+s16+$0x0] =	vst.idx.msk $0xffff, v11;
	v41 =	vmul.f32 $8.000000000e+00, v15;
	v43 =	vld [tilespmem:s23+$0xFFFFFFE0]  }
0x331: {  	v44 =	vld [tilespmem:s20+$0x30];
	v46 =	vadd.s32 v2, v10;
	[tilespmem:v14+s16+$0x0] =	vst.idx.msk $0xffff, v12;
	v45 =	vmul.f32 $8.000000000e+00, v32  }
0x332: {  	v49 =	vadd.s32 v2, v23;
	v47 =	vld [tilespmem:s20+$0xFFFFFFF0];
	[tilespmem:v34+s16+$0x0] =	vst.idx.msk $0xffff, v41;
	v48 =	vmul.f32 $8.000000000e+00, v35  }
0x333: {  	v4 =	vadd.s32 v3, v4;
	[tilespmem:v37+s16+$0x0] =	vst.idx.msk $0xffff, v45;
	v20 =	vld [tilespmem:s21+$0x30];
	v50 =	vmul.f32 $8.000000000e+00, v38  }
0x334: {  	v5 =	vadd.s32 v3, v5;
	v51 =	vld [tilespmem:s21+$0xFFFFFFF0];
	[tilespmem:v39+s16+$0x0] =	vst.idx.msk $0xffff, v48;
	v52 =	vmul.f32 $8.000000000e+00, v40  }
0x335: {  	v53 =	vadd.s32 v3, v6;
	v54 =	vld [tilespmem:s22+$0x30];
	[tilespmem:v42+s16+$0x0] =	vst.idx.msk $0xffff, v50;
	v55 =	vmul.f32 $8.000000000e+00, v43  }
0x336: {  	v57 =	vadd.s32 v3, v7;
	v56 =	vmul.f32 $8.000000000e+00, v44;
	v58 =	vld [tilespmem:s22+$0xFFFFFFF0];
	[tilespmem:v46+s16+$0x0] =	vst.idx.msk $0xffff, v52  }
0x337: {  	v60 =	vadd.s32 v3, v8;
	v59 =	vmul.f32 $8.000000000e+00, v47;
	v14 =	vld [tilespmem:s23+$0x30];
	[tilespmem:v49+s16+$0x0] =	vst.idx.msk $0xffff, v55  }
0x338: {  	v61 =	vadd.s32 v3, v9;
	[tilespmem:v4+s16+$0x0] =	vst.idx.msk $0xffff, v56;
	v4 =	vmul.f32 $8.000000000e+00, v20;
	v12 =	vld [tilespmem:s23+$0xFFFFFFF0]  }
0x339: {  	v62 =	vadd.s32 v3, v10;
	[tilespmem:v5+s16+$0x0] =	vst.idx.msk $0xffff, v59;
	v5 =	vmul.f32 $8.000000000e+00, v51  }
0x33a: {  	v63 =	vadd.s32 v3, v23;
	[tilespmem:v53+s16+$0x0] =	vst.idx.msk $0xffff, v4;
	v4 =	vmul.f32 $8.000000000e+00, v54  }
0x33b: {  	[tilespmem:v57+s16+$0x0] =	vst.idx.msk $0xffff, v5;
	v5 =	vmul.f32 $8.000000000e+00, v58  }
0x33c: {  	[tilespmem:v60+s16+$0x0] =	vst.idx.msk $0xffff, v4;
	v4 =	vmul.f32 $8.000000000e+00, v14  }
0x33d: {  	[tilespmem:v61+s16+$0x0] =	vst.idx.msk $0xffff, v5;
	v5 =	vmul.f32 $8.000000000e+00, v12  }
0x33e: {  	s19 =	sadd.s32 @!p1 $0x380, s19;
	[tilespmem:v62+s16+$0x0] =	vst.idx.msk $0xffff, v4  }
0x33f: {  	s19 =	sand.u32 @!p1 $0x3FFFFF80, s19;
	s20 =	simm.s32 @!p1 $0x80;
	s21 =	simm.s32 @!p1 $0xC400;
	[tilespmem:v63+s16+$0x0] =	vst.idx.msk $0xffff, v5  }
0x340: {  	[tilespmem:s21], [sflag:$0x4] =	stream.indirect.gather @!p1 [hbm4b:s5+s20], $0x40, s19, s20, $0xb8;
	[tilespmem:$0x16C00] =	vst v63  }
0x341: {  	s19 =	sadd.s32 s18, s0  }
0x342: {  	[hbm4b:s19+s3] =	stream.linear.scatter [tilespmem:s16], [sflag:$0x8], $0x80, $0x38;
	[tilespmem:$0x16C00] =	vst v63  }
0x343: {  	s23 =	simm.s32 $0x14A88;
	s22 =	sadd.s32 $0x10, s19  }
0x344: {  	[hbm4b:s22+s3] =	stream.linear.scatter [tilespmem:s23], [sflag:$0x8], $0x80, $0x38;
	[tilespmem:$0x16C00] =	vst v63  }
0x345: {  	s26 =	simm.s32 $0x14B10;
	s24 =	sadd.s32 $0x20, s19  }
0x346: {  	[hbm4b:s24+s3] =	stream.linear.scatter [tilespmem:s26], [sflag:$0x8], $0x80, $0x38;
	[tilespmem:$0x16C00] =	vst v63  }
0x347: {  	s29 =	simm.s32 $0x14B98;
	s28 =	sadd.s32 $0x30, s19  }
0x348: {  	[hbm4b:s28+s3] =	stream.linear.scatter [tilespmem:s29], [sflag:$0x8], $0x80, $0x38;
	[tilespmem:$0x16C00] =	vst v63  }
0x349: {  	s21 =	sadd.s32 $0x40, s19;
	s22 =	simm.s32 $0x14C20  }
0x34a: {  	[hbm4b:s21+s3] =	stream.linear.scatter [tilespmem:s22], [sflag:$0x8], $0x80, $0x38;
	[tilespmem:$0x16C00] =	vst v63  }
0x34b: {  	s23 =	sadd.s32 $0x50, s19;
	s24 =	simm.s32 $0x14CA8  }
0x34c: {  	[hbm4b:s23+s3] =	stream.linear.scatter [tilespmem:s24], [sflag:$0x8], $0x80, $0x38;
	[tilespmem:$0x16C00] =	vst v63  }
0x34d: {  	s26 =	sadd.s32 $0x60, s19;
	s28 =	simm.s32 $0x14D30  }
0x34e: {  	[hbm4b:s26+s3] =	stream.linear.scatter [tilespmem:s28], [sflag:$0x8], $0x80, $0x38;
	[tilespmem:$0x16C00] =	vst v63  }
0x34f: {  	s19 =	sadd.s32 $0x70, s19;
	s29 =	simm.s32 $0x14DB8  }
0x350: {  	[hbm4b:s19+s3] =	stream.linear.scatter [tilespmem:s29], [sflag:$0x8], $0x80, $0x38;
	[tilespmem:$0x16C00] =	vst v63  }
0x351: {  	s21 =	simm.s32 $0x14E40;
	s19 =	sadd.s32 s18, s1  }
0x352: {  	[hbm4b:s19+s3] =	stream.linear.scatter [tilespmem:s21], [sflag:$0x8], $0x80, $0x38;
	[tilespmem:$0x16C00] =	vst v63  }
0x353: {  	s23 =	simm.s32 $0x14EC8;
	s22 =	sadd.s32 $0x10, s19  }
0x354: {  	[hbm4b:s22+s3] =	stream.linear.scatter [tilespmem:s23], [sflag:$0x8], $0x80, $0x38;
	[tilespmem:$0x16C00] =	vst v63  }
0x355: {  	s26 =	simm.s32 $0x14F50;
	s24 =	sadd.s32 $0x20, s19  }
0x356: {  	[hbm4b:s24+s3] =	stream.linear.scatter [tilespmem:s26], [sflag:$0x8], $0x80, $0x38;
	[tilespmem:$0x16C00] =	vst v63  }
0x357: {  	s29 =	simm.s32 $0x14FD8;
	s28 =	sadd.s32 $0x30, s19  }
0x358: {  	[hbm4b:s28+s3] =	stream.linear.scatter [tilespmem:s29], [sflag:$0x8], $0x80, $0x38;
	[tilespmem:$0x16C00] =	vst v63  }
0x359: {  	s21 =	sadd.s32 $0x40, s19;
	s22 =	simm.s32 $0x15060  }
0x35a: {  	[hbm4b:s21+s3] =	stream.linear.scatter [tilespmem:s22], [sflag:$0x8], $0x80, $0x38;
	[tilespmem:$0x16C00] =	vst v63  }
0x35b: {  	s23 =	sadd.s32 $0x50, s19;
	s24 =	simm.s32 $0x150E8  }
0x35c: {  	[hbm4b:s23+s3] =	stream.linear.scatter [tilespmem:s24], [sflag:$0x8], $0x80, $0x38;
	[tilespmem:$0x16C00] =	vst v63  }
0x35d: {  	s26 =	sadd.s32 $0x60, s19;
	s28 =	simm.s32 $0x15170  }
0x35e: {  	[hbm4b:s26+s3] =	stream.linear.scatter [tilespmem:s28], [sflag:$0x8], $0x80, $0x38;
	[tilespmem:$0x16C00] =	vst v63  }
0x35f: {  	s19 =	sadd.s32 $0x70, s19;
	s29 =	simm.s32 $0x151F8  }
0x360: {  	[hbm4b:s19+s3] =	stream.linear.scatter [tilespmem:s29], [sflag:$0x8], $0x80, $0x38;
	[tilespmem:$0x16C00] =	vst v63  }
0x361: {  	s21 =	simm.s32 $0x15280;
	s19 =	sadd.s32 s18, s6  }
0x362: {  	[hbm4b:s19+s3] =	stream.linear.scatter [tilespmem:s21], [sflag:$0x8], $0x80, $0x38;
	[tilespmem:$0x16C00] =	vst v63  }
0x363: {  	s23 =	simm.s32 $0x15308;
	s22 =	sadd.s32 $0x10, s19  }
0x364: {  	[hbm4b:s22+s3] =	stream.linear.scatter [tilespmem:s23], [sflag:$0x8], $0x80, $0x38;
	[tilespmem:$0x16C00] =	vst v63  }
0x365: {  	s26 =	simm.s32 $0x15390;
	s24 =	sadd.s32 $0x20, s19  }
0x366: {  	[hbm4b:s24+s3] =	stream.linear.scatter [tilespmem:s26], [sflag:$0x8], $0x80, $0x38;
	[tilespmem:$0x16C00] =	vst v63  }
0x367: {  	s29 =	simm.s32 $0x15418;
	s28 =	sadd.s32 $0x30, s19  }
0x368: {  	[hbm4b:s28+s3] =	stream.linear.scatter [tilespmem:s29], [sflag:$0x8], $0x80, $0x38;
	[tilespmem:$0x16C00] =	vst v63  }
0x369: {  	s21 =	sadd.s32 $0x40, s19;
	s22 =	simm.s32 $0x154A0  }
0x36a: {  	[hbm4b:s21+s3] =	stream.linear.scatter [tilespmem:s22], [sflag:$0x8], $0x80, $0x38;
	[tilespmem:$0x16C00] =	vst v63  }
0x36b: {  	s23 =	sadd.s32 $0x50, s19;
	s24 =	simm.s32 $0x15528  }
0x36c: {  	[hbm4b:s23+s3] =	stream.linear.scatter [tilespmem:s24], [sflag:$0x8], $0x80, $0x38;
	[tilespmem:$0x16C00] =	vst v63  }
0x36d: {  	s26 =	sadd.s32 $0x60, s19;
	s28 =	simm.s32 $0x155B0  }
0x36e: {  	[hbm4b:s26+s3] =	stream.linear.scatter [tilespmem:s28], [sflag:$0x8], $0x80, $0x38;
	[tilespmem:$0x16C00] =	vst v63  }
0x36f: {  	s19 =	sadd.s32 $0x70, s19;
	s29 =	simm.s32 $0x15638  }
0x370: {  	[hbm4b:s19+s3] =	stream.linear.scatter [tilespmem:s29], [sflag:$0x8], $0x80, $0x38;
	[tilespmem:$0x16C00] =	vst v63  }
0x371: {  	s21 =	simm.s32 $0x156C0;
	s19 =	sadd.s32 s18, s25  }
0x372: {  	[hbm4b:s19+s3] =	stream.linear.scatter [tilespmem:s21], [sflag:$0x8], $0x80, $0x38;
	[tilespmem:$0x16C00] =	vst v63  }
0x373: {  	s23 =	simm.s32 $0x15748;
	s22 =	sadd.s32 $0x10, s19  }
0x374: {  	[hbm4b:s22+s3] =	stream.linear.scatter [tilespmem:s23], [sflag:$0x8], $0x80, $0x38;
	[tilespmem:$0x16C00] =	vst v63  }
0x375: {  	s26 =	simm.s32 $0x157D0;
	s24 =	sadd.s32 $0x20, s19  }
0x376: {  	[hbm4b:s24+s3] =	stream.linear.scatter [tilespmem:s26], [sflag:$0x8], $0x80, $0x38;
	[tilespmem:$0x16C00] =	vst v63  }
0x377: {  	s29 =	simm.s32 $0x15858;
	s28 =	sadd.s32 $0x30, s19  }
0x378: {  	[hbm4b:s28+s3] =	stream.linear.scatter [tilespmem:s29], [sflag:$0x8], $0x80, $0x38;
	[tilespmem:$0x16C00] =	vst v63  }
0x379: {  	s21 =	sadd.s32 $0x40, s19;
	s22 =	simm.s32 $0x158E0  }
0x37a: {  	[hbm4b:s21+s3] =	stream.linear.scatter [tilespmem:s22], [sflag:$0x8], $0x80, $0x38;
	[tilespmem:$0x16C00] =	vst v63  }
0x37b: {  	s23 =	sadd.s32 $0x50, s19;
	s24 =	simm.s32 $0x15968  }
0x37c: {  	[hbm4b:s23+s3] =	stream.linear.scatter [tilespmem:s24], [sflag:$0x8], $0x80, $0x38;
	[tilespmem:$0x16C00] =	vst v63  }
0x37d: {  	s26 =	sadd.s32 $0x60, s19;
	s28 =	simm.s32 $0x159F0  }
0x37e: {  	[hbm4b:s26+s3] =	stream.linear.scatter [tilespmem:s28], [sflag:$0x8], $0x80, $0x38;
	[tilespmem:$0x16C00] =	vst v63  }
0x37f: {  	s19 =	sadd.s32 $0x70, s19;
	s29 =	simm.s32 $0x15A78  }
0x380: {  	[hbm4b:s19+s3] =	stream.linear.scatter [tilespmem:s29], [sflag:$0x8], $0x80, $0x38;
	[tilespmem:$0x16C00] =	vst v63  }
0x381: {  	s21 =	simm.s32 $0x15B00;
	s19 =	sadd.s32 s18, s2  }
0x382: {  	[hbm4b:s19+s3] =	stream.linear.scatter [tilespmem:s21], [sflag:$0x8], $0x80, $0x38;
	[tilespmem:$0x16C00] =	vst v63  }
0x383: {  	s23 =	simm.s32 $0x15B88;
	s22 =	sadd.s32 $0x10, s19  }
0x384: {  	[hbm4b:s22+s3] =	stream.linear.scatter [tilespmem:s23], [sflag:$0x8], $0x80, $0x38;
	[tilespmem:$0x16C00] =	vst v63  }
0x385: {  	s26 =	simm.s32 $0x15C10;
	s24 =	sadd.s32 $0x20, s19  }
0x386: {  	[hbm4b:s24+s3] =	stream.linear.scatter [tilespmem:s26], [sflag:$0x8], $0x80, $0x38;
	[tilespmem:$0x16C00] =	vst v63  }
0x387: {  	s29 =	simm.s32 $0x15C98;
	s28 =	sadd.s32 $0x30, s19  }
0x388: {  	[hbm4b:s28+s3] =	stream.linear.scatter [tilespmem:s29], [sflag:$0x8], $0x80, $0x38;
	[tilespmem:$0x16C00] =	vst v63  }
0x389: {  	s21 =	sadd.s32 $0x40, s19;
	s22 =	simm.s32 $0x15D20  }
0x38a: {  	[hbm4b:s21+s3] =	stream.linear.scatter [tilespmem:s22], [sflag:$0x8], $0x80, $0x38;
	[tilespmem:$0x16C00] =	vst v63  }
0x38b: {  	s23 =	sadd.s32 $0x50, s19;
	s24 =	simm.s32 $0x15DA8  }
0x38c: {  	[hbm4b:s23+s3] =	stream.linear.scatter [tilespmem:s24], [sflag:$0x8], $0x80, $0x38;
	[tilespmem:$0x16C00] =	vst v63  }
0x38d: {  	s26 =	sadd.s32 $0x60, s19;
	s28 =	simm.s32 $0x15E30  }
0x38e: {  	[hbm4b:s26+s3] =	stream.linear.scatter [tilespmem:s28], [sflag:$0x8], $0x80, $0x38;
	[tilespmem:$0x16C00] =	vst v63  }
0x38f: {  	s19 =	sadd.s32 $0x70, s19;
	s29 =	simm.s32 $0x15EB8  }
0x390: {  	[hbm4b:s19+s3] =	stream.linear.scatter [tilespmem:s29], [sflag:$0x8], $0x80, $0x38;
	[tilespmem:$0x16C00] =	vst v63  }
0x391: {  	s21 =	simm.s32 $0x15F40;
	s19 =	sadd.s32 s18, s4  }
0x392: {  	[hbm4b:s19+s3] =	stream.linear.scatter [tilespmem:s21], [sflag:$0x8], $0x80, $0x38;
	[tilespmem:$0x16C00] =	vst v63  }
0x393: {  	s23 =	simm.s32 $0x15FC8;
	s22 =	sadd.s32 $0x10, s19  }
0x394: {  	[hbm4b:s22+s3] =	stream.linear.scatter [tilespmem:s23], [sflag:$0x8], $0x80, $0x38;
	[tilespmem:$0x16C00] =	vst v63  }
0x395: {  	s26 =	simm.s32 $0x16050;
	s24 =	sadd.s32 $0x20, s19  }
0x396: {  	[hbm4b:s24+s3] =	stream.linear.scatter [tilespmem:s26], [sflag:$0x8], $0x80, $0x38;
	[tilespmem:$0x16C00] =	vst v63  }
0x397: {  	s29 =	simm.s32 $0x160D8;
	s28 =	sadd.s32 $0x30, s19  }
0x398: {  	[hbm4b:s28+s3] =	stream.linear.scatter [tilespmem:s29], [sflag:$0x8], $0x80, $0x38;
	[tilespmem:$0x16C00] =	vst v63  }
0x399: {  	s21 =	sadd.s32 $0x40, s19;
	s22 =	simm.s32 $0x16160  }
0x39a: {  	[hbm4b:s21+s3] =	stream.linear.scatter [tilespmem:s22], [sflag:$0x8], $0x80, $0x38;
	[tilespmem:$0x16C00] =	vst v63  }
0x39b: {  	s23 =	sadd.s32 $0x50, s19;
	s24 =	simm.s32 $0x161E8  }
0x39c: {  	[hbm4b:s23+s3] =	stream.linear.scatter [tilespmem:s24], [sflag:$0x8], $0x80, $0x38;
	[tilespmem:$0x16C00] =	vst v63  }
0x39d: {  	s26 =	sadd.s32 $0x60, s19;
	s28 =	simm.s32 $0x16270  }
0x39e: {  	[hbm4b:s26+s3] =	stream.linear.scatter [tilespmem:s28], [sflag:$0x8], $0x80, $0x38;
	[tilespmem:$0x16C00] =	vst v63  }
0x39f: {  	s19 =	sadd.s32 $0x70, s19;
	s29 =	simm.s32 $0x162F8  }
0x3a0: {  	[hbm4b:s19+s3] =	stream.linear.scatter [tilespmem:s29], [sflag:$0x8], $0x80, $0x38;
	[tilespmem:$0x16C00] =	vst v63  }
0x3a1: {  	s21 =	simm.s32 $0x16380;
	s19 =	sadd.s32 s18, s7  }
0x3a2: {  	[hbm4b:s19+s3] =	stream.linear.scatter [tilespmem:s21], [sflag:$0x8], $0x80, $0x38;
	[tilespmem:$0x16C00] =	vst v63  }
0x3a3: {  	s23 =	simm.s32 $0x16408;
	s22 =	sadd.s32 $0x10, s19  }
0x3a4: {  	[hbm4b:s22+s3] =	stream.linear.scatter [tilespmem:s23], [sflag:$0x8], $0x80, $0x38;
	[tilespmem:$0x16C00] =	vst v63  }
0x3a5: {  	s26 =	simm.s32 $0x16490;
	s24 =	sadd.s32 $0x20, s19  }
0x3a6: {  	[hbm4b:s24+s3] =	stream.linear.scatter [tilespmem:s26], [sflag:$0x8], $0x80, $0x38;
	[tilespmem:$0x16C00] =	vst v63  }
0x3a7: {  	s29 =	simm.s32 $0x16518;
	s28 =	sadd.s32 $0x30, s19  }
0x3a8: {  	[hbm4b:s28+s3] =	stream.linear.scatter [tilespmem:s29], [sflag:$0x8], $0x80, $0x38;
	[tilespmem:$0x16C00] =	vst v63  }
0x3a9: {  	s21 =	sadd.s32 $0x40, s19;
	s22 =	simm.s32 $0x165A0  }
0x3aa: {  	[hbm4b:s21+s3] =	stream.linear.scatter [tilespmem:s22], [sflag:$0x8], $0x80, $0x38;
	[tilespmem:$0x16C00] =	vst v63  }
0x3ab: {  	s23 =	sadd.s32 $0x50, s19;
	s24 =	simm.s32 $0x16628  }
0x3ac: {  	[hbm4b:s23+s3] =	stream.linear.scatter [tilespmem:s24], [sflag:$0x8], $0x80, $0x38;
	[tilespmem:$0x16C00] =	vst v63  }
0x3ad: {  	s26 =	sadd.s32 $0x60, s19;
	s28 =	simm.s32 $0x166B0  }
0x3ae: {  	[hbm4b:s26+s3] =	stream.linear.scatter [tilespmem:s28], [sflag:$0x8], $0x80, $0x38;
	[tilespmem:$0x16C00] =	vst v63  }
0x3af: {  	s19 =	sadd.s32 $0x70, s19;
	s29 =	simm.s32 $0x16738  }
0x3b0: {  	[hbm4b:s19+s3] =	stream.linear.scatter [tilespmem:s29], [sflag:$0x8], $0x80, $0x38;
	[tilespmem:$0x16C00] =	vst v63  }
0x3b1: {  	s18 =	sadd.s32 s18, s8;
	s21 =	simm.s32 $0x167C0  }
0x3b2: {  	[hbm4b:s18+s3] =	stream.linear.scatter [tilespmem:s21], [sflag:$0x8], $0x80, $0x38;
	[tilespmem:$0x16C00] =	vst v63  }
0x3b3: {  	s22 =	sadd.s32 $0x10, s18;
	s23 =	simm.s32 $0x16848  }
0x3b4: {  	[hbm4b:s22+s3] =	stream.linear.scatter [tilespmem:s23], [sflag:$0x8], $0x80, $0x38;
	[tilespmem:$0x16C00] =	vst v63  }
0x3b5: {  	s24 =	sadd.s32 $0x20, s18;
	s26 =	simm.s32 $0x168D0  }
0x3b6: {  	[hbm4b:s24+s3] =	stream.linear.scatter [tilespmem:s26], [sflag:$0x8], $0x80, $0x38;
	[tilespmem:$0x16C00] =	vst v63  }
0x3b7: {  	s28 =	sadd.s32 $0x30, s18;
	s29 =	simm.s32 $0x16958  }
0x3b8: {  	[hbm4b:s28+s3] =	stream.linear.scatter [tilespmem:s29], [sflag:$0x8], $0x80, $0x38;
	[tilespmem:$0x16C00] =	vst v63  }
0x3b9: {  	s17 =	sadd.s32 $0x1, s17;
	s21 =	sadd.s32 $0x40, s18;
	s22 =	simm.s32 $0x169E0  }
0x3ba: {  	[hbm4b:s21+s3] =	stream.linear.scatter [tilespmem:s22], [sflag:$0x8], $0x80, $0x38;
	[tilespmem:$0x16C00] =	vst v63  }
0x3bb: {  	p0 =	sne.s32 s17, $0x32;
	s23 =	sadd.s32 $0x50, s18;
	s24 =	simm.s32 $0x16A68  }
0x3bc: {  	[hbm4b:s23+s3] =	stream.linear.scatter [tilespmem:s24], [sflag:$0x8], $0x80, $0x38;
	[tilespmem:$0x16C00] =	vst v63  }
.Ltmp4:
0x3bd: {  	_ = 	snop;
	(pc) =	sbr.rel @p0 .LBB2_2-.Ltmp4, $4  }
0x3be: {  	s26 =	sadd.s32 $0x60, s18;
	s28 =	simm.s32 $0x16AF0  }
0x3bf: {  	[hbm4b:s26+s3] =	stream.linear.scatter [tilespmem:s28], [sflag:$0x8], $0x80, $0x38;
	[tilespmem:$0x16C00] =	vst v63  }
0x3c0: {  	s18 =	sadd.s32 $0x70, s18;
	s29 =	simm.s32 $0x16B78  }
0x3c1: {  	[hbm4b:s18+s3] =	stream.linear.scatter [tilespmem:s29], [sflag:$0x8], $0x80, $0x38;
	[tilespmem:$0x16C00] =	vst v63  }
0x3c2: {  	s17 =	simm.s32 $0x5  }
0x3c3: {  	_ =	swait.ge [sflag:s17], $0x400  }
0x3c4: {  	[sflag:s17] =	ssyncset.done $0x0  }
0x3c5: {  	[sflag:s17] =	ssyncadd.s32 $0xFFFFFC00  }
0x3c6: {  	_ =	swait.ge [sflag:s17], $0x400  }
0x3c7: {  	[sflag:s17] =	ssyncset.done $0x0  }
0x3c8: {  	[sflag:s17] =	ssyncadd.s32 $0xFFFFFC00  }
0x3c9: {  	_ =	swait.ge [sflag:s17], $0x400  }
0x3ca: {  	[sflag:s17] =	ssyncset.done $0x0  }
0x3cb: {  	[sflag:s17] =	ssyncadd.s32 $0xFFFFFC00  }
0x3cc: {  	_ =	swait.ge [sflag:s17], $0x400  }
0x3cd: {  	[sflag:s17] =	ssyncset.done $0x0  }
0x3ce: {  	[sflag:s17] =	ssyncadd.s32 $0xFFFFFC00  }
0x3cf: {  	_ =	swait.ge [sflag:s17], $0x400  }
0x3d0: {  	[sflag:s17] =	ssyncset.done $0x0  }
0x3d1: {  	[sflag:s17] =	ssyncadd.s32 $0xFFFFFC00  }
0x3d2: {  	_ =	swait.ge [sflag:s17], $0x400  }
0x3d3: {  	[sflag:s17] =	ssyncset.done $0x0  }
0x3d4: {  	[sflag:s17] =	ssyncadd.s32 $0xFFFFFC00  }
0x3d5: {  	_ =	swait.ge [sflag:s17], $0x400  }
0x3d6: {  	[sflag:s17] =	ssyncset.done $0x0  }
0x3d7: {  	[sflag:s17] =	ssyncadd.s32 $0xFFFFFC00  }
0x3d8: {  	_ =	swait.ge [sflag:s17], $0x400  }
0x3d9: {  	[sflag:s17] =	ssyncset.done $0x0  }
0x3da: {  	s26 =	simm.s32 $0x6;
	[sflag:s17] =	ssyncadd.s32 $0xFFFFFC00  }
0x3db: {  	_ =	swait.ge [sflag:s26], $0x400  }
0x3dc: {  	[sflag:s26] =	ssyncset.done $0x0  }
0x3dd: {  	[sflag:s26] =	ssyncadd.s32 $0xFFFFFC00  }
0x3de: {  	_ =	swait.ge [sflag:s26], $0x400  }
0x3df: {  	[sflag:s26] =	ssyncset.done $0x0  }
0x3e0: {  	[sflag:s26] =	ssyncadd.s32 $0xFFFFFC00  }
0x3e1: {  	_ =	swait.ge [sflag:s26], $0x400  }
0x3e2: {  	[sflag:s26] =	ssyncset.done $0x0  }
0x3e3: {  	[sflag:s26] =	ssyncadd.s32 $0xFFFFFC00  }
0x3e4: {  	_ =	swait.ge [sflag:s26], $0x400  }
0x3e5: {  	[sflag:s26] =	ssyncset.done $0x0  }
0x3e6: {  	[sflag:s26] =	ssyncadd.s32 $0xFFFFFC00  }
0x3e7: {  	_ =	swait.ge [sflag:s26], $0x400  }
0x3e8: {  	[sflag:s26] =	ssyncset.done $0x0  }
0x3e9: {  	[sflag:s26] =	ssyncadd.s32 $0xFFFFFC00  }
0x3ea: {  	_ =	swait.ge [sflag:s26], $0x400  }
0x3eb: {  	[sflag:s26] =	ssyncset.done $0x0  }
0x3ec: {  	[sflag:s26] =	ssyncadd.s32 $0xFFFFFC00  }
0x3ed: {  	_ =	swait.ge [sflag:s26], $0x400  }
0x3ee: {  	[sflag:s26] =	ssyncset.done $0x0  }
0x3ef: {  	[sflag:s26] =	ssyncadd.s32 $0xFFFFFC00  }
0x3f0: {  	_ =	swait.ge [sflag:s26], $0x400  }
0x3f1: {  	[sflag:s26] =	ssyncset.done $0x0  }
0x3f2: {  	s28 =	simm.s32 $0x7;
	[sflag:s26] =	ssyncadd.s32 $0xFFFFFC00  }
0x3f3: {  	_ =	swait.ge [sflag:s28], $0x400  }
0x3f4: {  	[sflag:s28] =	ssyncset.done $0x0  }
0x3f5: {  	[sflag:s28] =	ssyncadd.s32 $0xFFFFFC00  }
0x3f6: {  	_ =	swait.ge [sflag:s28], $0x400  }
0x3f7: {  	[sflag:s28] =	ssyncset.done $0x0  }
0x3f8: {  	[sflag:s28] =	ssyncadd.s32 $0xFFFFFC00  }
0x3f9: {  	_ =	swait.ge [sflag:s28], $0x400  }
0x3fa: {  	[sflag:s28] =	ssyncset.done $0x0  }
0x3fb: {  	[sflag:s28] =	ssyncadd.s32 $0xFFFFFC00  }
0x3fc: {  	_ =	swait.ge [sflag:s28], $0x400  }
0x3fd: {  	[sflag:s28] =	ssyncset.done $0x0  }
0x3fe: {  	[sflag:s28] =	ssyncadd.s32 $0xFFFFFC00  }
0x3ff: {  	_ =	swait.ge [sflag:s28], $0x400  }
0x400: {  	[sflag:s28] =	ssyncset.done $0x0  }
0x401: {  	[sflag:s28] =	ssyncadd.s32 $0xFFFFFC00  }
0x402: {  	_ =	swait.ge [sflag:s28], $0x400  }
0x403: {  	[sflag:s28] =	ssyncset.done $0x0  }
0x404: {  	[sflag:s28] =	ssyncadd.s32 $0xFFFFFC00  }
0x405: {  	_ =	swait.ge [sflag:s28], $0x400  }
0x406: {  	[sflag:s28] =	ssyncset.done $0x0  }
0x407: {  	[sflag:s28] =	ssyncadd.s32 $0xFFFFFC00  }
0x408: {  	_ =	swait.ge [sflag:s28], $0x400  }
0x409: {  	[sflag:s28] =	ssyncset.done $0x0  }
0x40a: {  	s18 =	simm.s32 $0x8;
	[sflag:s28] =	ssyncadd.s32 $0xFFFFFC00  }
0x40b: {  	_ =	swait.ge [sflag:s18], $0x400  }
0x40c: {  	[sflag:s18] =	ssyncset.done $0x0  }
0x40d: {  	[sflag:s18] =	ssyncadd.s32 $0xFFFFFC00  }
0x40e: {  	_ =	swait.ge [sflag:s18], $0x400  }
0x40f: {  	[sflag:s18] =	ssyncset.done $0x0  }
0x410: {  	[sflag:s18] =	ssyncadd.s32 $0xFFFFFC00  }
0x411: {  	_ =	swait.ge [sflag:s18], $0x400  }
0x412: {  	[sflag:s18] =	ssyncset.done $0x0  }
0x413: {  	[sflag:s18] =	ssyncadd.s32 $0xFFFFFC00  }
0x414: {  	_ =	swait.ge [sflag:s18], $0x400  }
0x415: {  	[sflag:s18] =	ssyncset.done $0x0  }
0x416: {  	[sflag:s18] =	ssyncadd.s32 $0xFFFFFC00  }
0x417: {  	_ =	swait.ge [sflag:s18], $0x400  }
0x418: {  	[sflag:s18] =	ssyncset.done $0x0  }
0x419: {  	[sflag:s18] =	ssyncadd.s32 $0xFFFFFC00  }
0x41a: {  	_ =	swait.ge [sflag:s18], $0x400  }
0x41b: {  	[sflag:s18] =	ssyncset.done $0x0  }
0x41c: {  	[sflag:s18] =	ssyncadd.s32 $0xFFFFFC00  }
0x41d: {  	_ =	swait.ge [sflag:s18], $0x400  }
0x41e: {  	[sflag:s18] =	ssyncset.done $0x0  }
0x41f: {  	[sflag:s18] =	ssyncadd.s32 $0xFFFFFC00  }
0x420: {  	_ =	swait.ge [sflag:s18], $0x400  }
0x421: {  	s19 =	rddreg [dreg:$0x1c]  }
0x422: {  	s29 =	rddreg [dreg:$0x18];
	s19 =	sadd.s32 $0x1, s19  }
0x423: {  	p0 =	sne.s32 s19, s29  }
.Ltmp5:
0x424: {  	_ = 	snop;
	(pc) =	sbr.rel @p0 .LBB2_1-.Ltmp5, $3  }
0x425: {  	_ =	sdelay $0x1  }
0x426: {  	[sflag:s18] =	ssyncset.done $0x0  }
0x427: {  	[sflag:s18] =	ssyncadd.s32 $0xFFFFFC00  }
0x428: {  	_ =	sfence.sel $0x180000  }
0x429: {  	[bflag:$0x0] =	sbarrier.arrive $0xFFFF  }
0x42a: {  	_ =	strace $0x90000047  }
0x42b: {  	s0 =	stileid.u32;
	[bflag:$0x2] =	sbarrier.arrive $0xFFFF  }
0x42c: {  	p0 =	sne.s32 s0, $0x0;
	s0 =	rddreg [dreg:$0x3]  }
0x42d: {  	s0 =	sadd.s32 @!p0 $0x100000, s0  }
0x42e: {  	[sflag:s0] =	ssyncadd.tile.s32 @!p0 $0x1;
	_ =	shalt  }
.Lfunc_end2:
_tile_overlayer_lowered:
.L_overlay_start_2:
0x42f: {  	(tag) =	ssettag $0x2  }
0x430: {  	s0 =	rddreg [dreg:$0x0];
	s2 =	stileid.u32  }
0x431: {  	s1 =	rddreg [dreg:$0x1];
	p0 =	sne.s32 s2, $0x0  }
0x432: {  	s3 =	rddreg [dreg:$0x2];
	[bflag:$0x3] =	sbarrier.arrive $0xFFFF;
	s2 =	simm.s32 @!p0 $0x1C09  }
0x433: {  	[timem:s3], [sflag:s2] =	dma.local @!p0 [hbm:s0], s1  }
0x434: {  	s0 =	simm.s32 @!p0 $0x9  }
0x435: {  	_ =	swait.ge @!p0 [sflag:s0], s1  }
0x436: {  	s1 =	ssub.s32 @!p0 $0x0, s1;
	[sflag:s0] =	ssyncset.done @!p0 $0x0  }
0x437: {  	[sflag:s0] =	ssyncadd.s32 @!p0 s1  }
0x438: {  	[bflag:$0x3] =	sbarrier.arrive $0xFFFF  }
0x439: {  	_ =	shalt  }

</sc_bundles>
